<compile_context>
chip_gen: v7x
topology: tpu7x:2x2x1
jax: 0.10.2.dev20260603
libtpu: 0.0.44.dev20260713+nightly
codegen_flags: <defaults>
</compile_context>

<pallas_src>
import functools

import jax
import jax.numpy as jnp
from jax import lax
from jax.experimental import pallas as pl
from jax.experimental.pallas import tpu as pltpu
from jax.experimental.pallas import tpu_sc as plsc

B = 16384
D = 128
NNODES = 1_000_000
NS = 16
L = 16
RANGE = 62504
CHUNK = B // NS
SUB = 128
NSUB = CHUNK // SUB
P1C = 1024
NP1 = B // P1C
RSP = 64
NRB = 3
FTILE = 64
NFT = 3
FCAP = NFT * FTILE


def _body(nodes_hbm, values_hbm, ts_hbm, mem_out_hbm, lu_out_hbm,
          nodes_v, ts_v, win_v, j_all, lu_all, r0, r1, r2,
          src_l, dst_l,
          sem_j, sem_t, sg0, sg1, sg2, sw0, sw1, sw2,
          win_hbm):
    sid = lax.axis_index("s")
    base = sid * RANGE
    my = sid * CHUNK
    iota = lax.broadcasted_iota(jnp.int32, (L,), 0)
    nxt_idx = jnp.minimum(iota + 1, L - 1)
    notlast = iota < L - 1

    rbufs = (r0, r1, r2)
    gsems = (sg0, sg1, sg2)
    wsems = (sw0, sw1, sw2)
    gcp = [None] * NP1
    wcp = [None] * NP1
    for s in range(NRB - 1):
        gcp[s] = pltpu.async_copy(values_hbm.at[pl.ds(my + s * RSP, RSP)],
                                  rbufs[s], gsems[s])

    tcp = pltpu.async_copy(ts_hbm, ts_v, sem_t)
    pltpu.sync_copy(nodes_hbm, nodes_v)

    with jax.named_scope("p1_scan"):
        for k in range(NP1):
            koff = k * P1C

            def p1(t, acc, _koff=koff):
                n = nodes_v[pl.ds(_koff + t * L, L)]
                rel = n - base
                m = (rel >= 0) & (rel < RANGE)
                jv = _koff + t * L + iota
                plsc.store_scatter(win_v, [rel], jv, mask=m)
                r = plsc.load_gather(win_v, [rel], mask=m)
                bad = m & (r != jv)
                return acc + plsc.all_reduce_population_count(bad)

            acc = lax.fori_loop(0, P1C // L, p1, jnp.zeros((L,), jnp.int32))

            @pl.when(jnp.any(acc > 0))
            def _(_koff=koff):
                def rp(t, carry):
                    n = nodes_v[pl.ds(_koff + t * L, L)]
                    key = n * L + iota
                    skey, _ = plsc.sort_key_val(key, key)
                    n_s = skey >> 4
                    j_s = _koff + t * L + (skey & (L - 1))
                    nxt = n_s.at[nxt_idx].get(mode="promise_in_bounds")
                    loser = (n_s == nxt) & notlast
                    rel_s = n_s - base
                    m2 = ((rel_s >= 0) & (rel_s < RANGE)
                          & jnp.logical_not(loser))
                    plsc.store_scatter(win_v, [rel_s], j_s, mask=m2)
                    return carry

                lax.fori_loop(0, P1C // L, rp, 0)

            s = k
            b = s % NRB
            gcp[s].wait()
            wcp[s] = pltpu.async_copy(
                rbufs[b], mem_out_hbm.at[pl.ds(my + s * RSP, RSP)],
                wsems[b])
            nxt = s + NRB - 1
            if nxt < NP1:
                if nxt - NRB >= 0:
                    wcp[nxt - NRB].wait()
                gcp[nxt] = pltpu.async_copy(
                    values_hbm.at[pl.ds(my + nxt * RSP, RSP)],
                    rbufs[nxt % NRB], gsems[nxt % NRB])

        for s in range(NP1):
            if wcp[s] is not None and s >= NP1 - NRB:
                wcp[s].wait()

    with jax.named_scope("p1_publish"):
        pltpu.sync_copy(win_v, win_hbm.at[pl.ds(base, RANGE)])
        plsc.subcore_barrier()

    with jax.named_scope("p2_jgather"):
        jcps = [pltpu.async_copy(
                    win_hbm.at[nodes_v.at[pl.ds(my + c * SUB, SUB)]],
                    j_all.at[pl.ds(c * SUB, SUB)], sem_j)
                for c in range(NSUB)]
        for c in jcps:
            c.wait()
        tcp.wait()

    with jax.named_scope("p2_fixup"):
        j0 = j_all[pl.ds(0, L)]
        j0 = j0.at[jnp.zeros((L,), jnp.int32)].get(mode="promise_in_bounds")
        myv = my + iota * 0

        def pre(q, carry):
            for c in range(FTILE // L):
                src_l[q, pl.ds(c * L, L)] = j0
                dst_l[q, pl.ds(c * L, L)] = myv
            return carry

        lax.fori_loop(0, NFT, pre, 0)

        def fix(g, cnt):
            jv = j_all[pl.ds(g * L, L)]
            lu_all[pl.ds(g * L, L)] = plsc.load_gather(ts_v, [jv])
            expect = my + g * L + iota
            bad = jv != expect
            pos = cnt + plsc.cumsum(bad.astype(jnp.int32)) - 1
            row = pos >> 6
            col = pos & (FTILE - 1)
            mlist = bad & (pos < FCAP)
            plsc.store_scatter(src_l, [row, col], jv, mask=mlist)
            plsc.store_scatter(dst_l, [row, col], expect, mask=mlist)
            return cnt + plsc.all_reduce_population_count(bad)

        cnt = lax.fori_loop(0, CHUNK // L, fix,
                            jnp.zeros((L,), jnp.int32))
        cnt_s = jnp.max(cnt)
        ntiles = (jnp.minimum(cnt_s, FCAP) + FTILE - 1) // FTILE

        fixb = r0

        def tile(q, carry):
            pltpu.sync_copy(values_hbm.at[src_l.at[q]], fixb)
            pltpu.sync_copy(fixb, mem_out_hbm.at[dst_l.at[q]])
            return carry

        lax.fori_loop(0, ntiles, tile, 0)

        @pl.when(cnt_s > FCAP)
        def _():
            fixs = r1.at[pl.ds(0, L)]

            def slowfix(g, carry):
                jv = j_all[pl.ds(g * L, L)]
                bad2 = jv != my + g * L + iota

                @pl.when(jnp.any(bad2))
                def _():
                    pltpu.sync_copy(
                        values_hbm.at[j_all.at[pl.ds(g * L, L)]], fixs)
                    pltpu.sync_copy(
                        fixs, mem_out_hbm.at[pl.ds(my + g * L, L)])

                return carry

            lax.fori_loop(0, CHUNK // L, slowfix, 0)

        pltpu.sync_copy(lu_all, lu_out_hbm.at[pl.ds(my, CHUNK)])


_dedup_gather = functools.partial(
    pl.kernel,
    out_type=(
        jax.ShapeDtypeStruct((B, D), jnp.float32),
        jax.ShapeDtypeStruct((B,), jnp.float32),
    ),
    mesh=plsc.VectorSubcoreMesh(core_axis_name="c", subcore_axis_name="s",
                                num_cores=1),
    compiler_params=pltpu.CompilerParams(needs_layout_passes=False),
    scratch_types=[
        pltpu.VMEM((B,), jnp.int32),
        pltpu.VMEM((B,), jnp.float32),
        pltpu.VMEM((RANGE,), jnp.int32),
        pltpu.VMEM((CHUNK,), jnp.int32),
        pltpu.VMEM((CHUNK,), jnp.float32),
        pltpu.VMEM((RSP, D), jnp.float32),
        pltpu.VMEM((RSP, D), jnp.float32),
        pltpu.VMEM((RSP, D), jnp.float32),
        pltpu.VMEM((NFT, FTILE), jnp.int32),
        pltpu.VMEM((NFT, FTILE), jnp.int32),
        pltpu.SemaphoreType.DMA,
        pltpu.SemaphoreType.DMA,
        pltpu.SemaphoreType.DMA,
        pltpu.SemaphoreType.DMA,
        pltpu.SemaphoreType.DMA,
        pltpu.SemaphoreType.DMA,
        pltpu.SemaphoreType.DMA,
        pltpu.SemaphoreType.DMA,
        pltpu.HBM((NS * RANGE,), jnp.int32),
    ],
)(_body)


def kernel(memory, last_update, nodes, values, ts):
    mem_out, lu_out = _dedup_gather(nodes, values, ts)
    return mem_out, lu_out

# --- scband reference (transcript-rebuilt; emitter-appended) ---
"""Pipeline reference for scband-memory-51178830299384 (READ-ONLY COPY).

The authoritative reference and input builder live on the scoring server;
editing this copy changes nothing except your own understanding.
"""

import jax, jax.numpy as jnp
import numpy as np

NUM_NODES = 1000000
MEMORY_DIM = 128
BATCH = 16384

def setup_inputs(seed: int = 0) -> dict:
    key = jax.random.key(seed)
    k1, k2, k3 = jax.random.split(key, 3)
    nodes = jax.random.randint(k1, (BATCH,), 0, NUM_NODES, dtype=jnp.int32)
    values = jax.random.normal(k2, (BATCH, MEMORY_DIM), dtype=jnp.float32)
    ts = jax.random.uniform(k3, (BATCH,), dtype=jnp.float32)
    # learned/state buffers sized per init_kwargs (Memory.reset initializes to zeros)
    memory = jnp.zeros((NUM_NODES, MEMORY_DIM), dtype=jnp.float32)
    last_update = jnp.zeros((NUM_NODES,), dtype=jnp.float32)
    return {"memory": memory, "last_update": last_update, "nodes": nodes, "values": values, "ts": ts}

def reference(memory, last_update, nodes, values, ts):
    # set_memory_tensor: scatter-overwrite rows of the memory table
    new_mem = memory.at[nodes].set(values)
    # set_last_update: scatter-overwrite timestamps
    new_lu = last_update.at[nodes].set(ts)
    # get_memory_tensor / get_last_update for the touched nodes (gather)
    mem_out = jnp.take(new_mem, nodes, axis=0)
    lu_out = jnp.take(new_lu, nodes, axis=0)
    return mem_out, lu_out

if __name__ == "__main__":
    import jax
    _d = setup_inputs()
    print(jax.jit(kernel)(*tuple(_d.values())))

</pallas_src>

<mosaic_0001>
#map = affine_map<(d0, d1) -> (0)>
#map1 = affine_map<(d0, d1) -> (0, 0)>
module attributes {stable_mosaic.version = 14 : i64} {
  func.func @_body(%arg0: i32, %arg1: i32, %arg2: memref<16384xi32, #tpu.memory_space<hbm>>, %arg3: memref<16384x128xf32, #tpu.memory_space<hbm>>, %arg4: memref<16384xf32, #tpu.memory_space<hbm>>, %arg5: memref<16384x128xf32, #tpu.memory_space<hbm>>, %arg6: memref<16384xf32, #tpu.memory_space<hbm>>, %arg7: memref<16384xi32, #tpu.memory_space<vmem>>, %arg8: memref<16384xf32, #tpu.memory_space<vmem>>, %arg9: memref<62504xi32, #tpu.memory_space<vmem>>, %arg10: memref<1024xi32, #tpu.memory_space<vmem>>, %arg11: memref<1024xf32, #tpu.memory_space<vmem>>, %arg12: memref<64x128xf32, #tpu.memory_space<vmem>>, %arg13: memref<64x128xf32, #tpu.memory_space<vmem>>, %arg14: memref<64x128xf32, #tpu.memory_space<vmem>>, %arg15: memref<3x64xi32, #tpu.memory_space<vmem>>, %arg16: memref<3x64xi32, #tpu.memory_space<vmem>>, %arg17: memref<!tpu.dma_semaphore, #tpu.memory_space<semaphore_mem>>, %arg18: memref<!tpu.dma_semaphore, #tpu.memory_space<semaphore_mem>>, %arg19: memref<!tpu.dma_semaphore, #tpu.memory_space<semaphore_mem>>, %arg20: memref<!tpu.dma_semaphore, #tpu.memory_space<semaphore_mem>>, %arg21: memref<!tpu.dma_semaphore, #tpu.memory_space<semaphore_mem>>, %arg22: memref<!tpu.dma_semaphore, #tpu.memory_space<semaphore_mem>>, %arg23: memref<!tpu.dma_semaphore, #tpu.memory_space<semaphore_mem>>, %arg24: memref<!tpu.dma_semaphore, #tpu.memory_space<semaphore_mem>>, %arg25: memref<1000064xi32, #tpu.memory_space<hbm>>) attributes {dimension_semantics = [#tpu.dimension_semantics<core_parallel>, #tpu.dimension_semantics<subcore_parallel>], iteration_bounds = array<i64: 1, 16>, scalar_prefetch = 0 : i64, scratch_operands = 19 : i64, tpu.core_type = #tpu.core_type<sc_vector_subcore>, window_params = [{transform_indices = #map}, {transform_indices = #map1}, {transform_indices = #map}, {transform_indices = #map1}, {transform_indices = #map}]} {
    %mul3A = arith.constant 62504 : i32
    %mul3A_0 = arith.muli %arg1, %mul3A : i32
    %mul3A_1 = arith.constant 1024 : i32
    %mul3A_2 = arith.muli %arg1, %mul3A_1 : i32
    %iota3A = tpu.iota {dimensions = array<i32: 0>} : vector<16xi32>
    %add3A = arith.constant 1 : i32
    %add3A_3 = vector.broadcast %add3A : i32 to vector<16xi32>
    %add3A_4 = arith.addi %iota3A, %add3A_3 : vector<16xi32>
    %min3A = arith.constant 15 : i32
    %min3A_5 = vector.broadcast %min3A : i32 to vector<16xi32>
    %min3A_6 = arith.minsi %add3A_4, %min3A_5 : vector<16xi32>
    %lt3A = arith.constant 15 : i32
    %lt3A_7 = vector.broadcast %lt3A : i32 to vector<16xi32>
    %lt3A_8 = arith.cmpi slt, %iota3A, %lt3A_7 : vector<16xi32>
    %add3A_9 = arith.constant 0 : i32
    %add3A_10 = arith.addi %mul3A_2, %add3A_9 : i32
    %dma_start3A = arith.constant 0 : i32
    %dma_start3A_11 = tpu.memref_slice %arg3[%add3A_10, %dma_start3A] : memref<16384x128xf32, #tpu.memory_space<hbm>> -> memref<64x128xf32, #tpu.memory_space<hbm>>
    %dma_start3A_12 = arith.constant 0 : i32
    %dma_start3A_13 = tpu.memref_slice %arg3[%add3A_10, %dma_start3A_12] : memref<16384x128xf32, #tpu.memory_space<hbm>> -> memref<64x128xf32, #tpu.memory_space<hbm>>
    tpu.enqueue_dma source(%dma_start3A_13 : memref<64x128xf32, #tpu.memory_space<hbm>>) target(%arg12 : memref<64x128xf32, #tpu.memory_space<vmem>>) target_semaphore(%arg19 : memref<!tpu.dma_semaphore, #tpu.memory_space<semaphore_mem>>)
    %add3A_14 = arith.constant 64 : i32
    %add3A_15 = arith.addi %mul3A_2, %add3A_14 : i32
    %dma_start3A_16 = arith.constant 0 : i32
    %dma_start3A_17 = tpu.memref_slice %arg3[%add3A_15, %dma_start3A_16] : memref<16384x128xf32, #tpu.memory_space<hbm>> -> memref<64x128xf32, #tpu.memory_space<hbm>>
    %dma_start3A_18 = arith.constant 0 : i32
    %dma_start3A_19 = tpu.memref_slice %arg3[%add3A_15, %dma_start3A_18] : memref<16384x128xf32, #tpu.memory_space<hbm>> -> memref<64x128xf32, #tpu.memory_space<hbm>>
    tpu.enqueue_dma source(%dma_start3A_19 : memref<64x128xf32, #tpu.memory_space<hbm>>) target(%arg13 : memref<64x128xf32, #tpu.memory_space<vmem>>) target_semaphore(%arg20 : memref<!tpu.dma_semaphore, #tpu.memory_space<semaphore_mem>>)
    tpu.enqueue_dma source(%arg4 : memref<16384xf32, #tpu.memory_space<hbm>>) target(%arg8 : memref<16384xf32, #tpu.memory_space<vmem>>) target_semaphore(%arg18 : memref<!tpu.dma_semaphore, #tpu.memory_space<semaphore_mem>>)
    "tpu.region"() ({
      %run_scoped3A = tpu.sem_alloc : memref<!tpu.dma_semaphore, #tpu.memory_space<semaphore_mem>>
      tpu.enqueue_dma source(%arg2 : memref<16384xi32, #tpu.memory_space<hbm>>) target(%arg7 : memref<16384xi32, #tpu.memory_space<vmem>>) target_semaphore(%run_scoped3A : memref<!tpu.dma_semaphore, #tpu.memory_space<semaphore_mem>>)
      tpu.wait_dma2 semaphore(%run_scoped3A : memref<!tpu.dma_semaphore, #tpu.memory_space<semaphore_mem>>) src(%arg2 : memref<16384xi32, #tpu.memory_space<hbm>>) dst(%arg7 : memref<16384xi32, #tpu.memory_space<vmem>>)
      tpu.yield
    }) : () -> ()
    %broadcast_in_dim3A = arith.constant 0 : i32
    "tpu.trace_start"() <{level = 10 : i32, message = "p1_scan"}> : () -> ()
    %broadcast_in_dim3A_20 = vector.broadcast %broadcast_in_dim3A : i32 to vector<16xi32>
    %scan3A = arith.constant 0 : i32
    %scan3A_21 = arith.constant 64 : i32
    %scan3A_22 = arith.addi %scan3A, %scan3A_21 : i32
    %scan3A_23 = arith.constant 1 : i32
    %scan3A_24 = scf.for %scan3A_891 = %scan3A to %scan3A_22 step %scan3A_23 iter_args(%scan3A_892 = %broadcast_in_dim3A_20) -> (vector<16xi32>)  : i32 {
      %mul3A_893 = arith.constant 16 : i32
      %mul3A_894 = arith.muli %scan3A_891, %mul3A_893 : i32
      %add3A_895 = arith.constant 0 : i32
      %add3A_896 = arith.addi %add3A_895, %mul3A_894 : i32
      %get3A_897 = arith.index_cast %add3A_896 : i32 to index
      %get3A_898 = tpu.vector_load %arg7[%get3A_897] {strides = array<i32>} : memref<16384xi32, #tpu.memory_space<vmem>>, vector<16xi32>,
      %sub3A_899 = vector.broadcast %mul3A_0 : i32 to vector<16xi32>
      %sub3A_900 = arith.subi %get3A_898, %sub3A_899 : vector<16xi32>
      %ge3A = arith.constant 0 : i32
      %ge3A_901 = vector.broadcast %ge3A : i32 to vector<16xi32>
      %ge3A_902 = arith.cmpi sge, %sub3A_900, %ge3A_901 : vector<16xi32>
      %lt3A_903 = arith.constant 62504 : i32
      %lt3A_904 = vector.broadcast %lt3A_903 : i32 to vector<16xi32>
      %lt3A_905 = arith.cmpi slt, %sub3A_900, %lt3A_904 : vector<16xi32>
      %and3A_906 = arith.andi %ge3A_902, %lt3A_905 : vector<16xi1>
      %mul3A_907 = arith.constant 16 : i32
      %mul3A_908 = arith.muli %scan3A_891, %mul3A_907 : i32
      %add3A_909 = arith.constant 0 : i32
      %add3A_910 = arith.addi %add3A_909, %mul3A_908 : i32
      %add3A_911 = vector.broadcast %add3A_910 : i32 to vector<16xi32>
      %add3A_912 = arith.addi %add3A_911, %iota3A : vector<16xi32>
      tpu.vector_store_idx %arg9[%sub3A_900], %add3A_912 masked %and3A_906 : memref<62504xi32, #tpu.memory_space<vmem>>[vector<16xi32>], vector<16xi32>, vector<16xi1>
      %gather3A_913 = tpu.vector_load_idx %arg9[%sub3A_900] masked %and3A_906 : memref<62504xi32, #tpu.memory_space<vmem>>[vector<16xi32>], vector<16xi32>, vector<16xi1>
      %ne3A_914 = arith.cmpi ne, %gather3A_913, %add3A_912 : vector<16xi32>
      %and3A_915 = arith.andi %and3A_906, %ne3A_914 : vector<16xi1>
      %all_reduce_population_count3A = tpu.all_reduce %and3A_915 {dim = 0 : i64, kind = #tpu.reduction_kind<sum>} : vector<16xi1> -> vector<16xi32>
      %add3A_916 = arith.addi %scan3A_892, %all_reduce_population_count3A : vector<16xi32>
      scf.yield %add3A_916 : vector<16xi32>
    }
    %scan3A_25 = arith.constant 64 : i32
    %gt3A = arith.constant 0 : i32
    %gt3A_26 = vector.broadcast %gt3A : i32 to vector<16xi32>
    %gt3A_27 = arith.cmpi sgt, %scan3A_24, %gt3A_26 : vector<16xi32>
    %reduce_or3A = arith.constant 1.000000e+00 : f32
    %reduce_or3A_28 = arith.constant 0.000000e+00 : f32
    %reduce_or3A_29 = vector.broadcast %reduce_or3A : f32 to vector<16xf32>
    %reduce_or3A_30 = vector.broadcast %reduce_or3A_28 : f32 to vector<16xf32>
    %reduce_or3A_31 = arith.select %gt3A_27, %reduce_or3A_29, %reduce_or3A_30 : vector<16xi1>, vector<16xf32>
    %reduce_or3A_32 = arith.constant true
    %reduce_or3A_33 = vector.broadcast %reduce_or3A_32 : i1 to vector<16xi1>
    %reduce_or3A_34 = tpu.scan <max>, %reduce_or3A_31 masked %reduce_or3A_33 : vector<16xf32>, vector<16xi1> -> vector<16xf32>
    %reduce_or3A_35 = vector.extract %reduce_or3A_34[15] : f32 from vector<16xf32>
    %reduce_or3A_36 = arith.constant 0.000000e+00 : f32
    %reduce_or3A_37 = arith.cmpf ogt, %reduce_or3A_35, %reduce_or3A_36 : f32
    %convert_element_type3A = arith.extui %reduce_or3A_37 : i1 to i32
    %cond3A = arith.constant 0 : i32
    %cond3A_38 = arith.cmpi ne, %convert_element_type3A, %cond3A : i32
    scf.if %cond3A_38 {
      %scan3A_891 = arith.constant 0 : i32
      %scan3A_892 = arith.constant 0 : i32
      %scan3A_893 = arith.constant 64 : i32
      %scan3A_894 = arith.addi %scan3A_892, %scan3A_893 : i32
      %scan3A_895 = arith.constant 1 : i32
      scf.for %scan3A_897 = %scan3A_892 to %scan3A_894 step %scan3A_895  : i32 {
        %mul3A_898 = arith.constant 16 : i32
        %mul3A_899 = arith.muli %scan3A_897, %mul3A_898 : i32
        %add3A_900 = arith.constant 0 : i32
        %add3A_901 = arith.addi %add3A_900, %mul3A_899 : i32
        %get3A_902 = arith.index_cast %add3A_901 : i32 to index
        %get3A_903 = tpu.vector_load %arg7[%get3A_902] {strides = array<i32>} : memref<16384xi32, #tpu.memory_space<vmem>>, vector<16xi32>,
        %mul3A_904 = arith.constant 16 : i32
        %mul3A_905 = vector.broadcast %mul3A_904 : i32 to vector<16xi32>
        %mul3A_906 = arith.muli %get3A_903, %mul3A_905 : vector<16xi32>
        %add3A_907 = arith.addi %mul3A_906, %iota3A : vector<16xi32>
        %masked_sort3A = arith.constant dense<true> : vector<16xi1>
        %masked_sort3A_908 = arith.constant -2147483648 : i32
        %masked_sort3A_909 = vector.broadcast %masked_sort3A_908 : i32 to vector<16xi32>
        %masked_sort3A_910 = arith.xori %add3A_907, %masked_sort3A_909 : vector<16xi32>
        %masked_sort3A_911, %masked_sort3A_912, %masked_sort3A_913 = tpu.sort %masked_sort3A_910, %add3A_907 masked %masked_sort3A : (vector<16xi32>, vector<16xi32>, vector<16xi1>) -> (vector<16xi1>, vector<16xi32>, vector<16xi32>)
        %masked_sort3A_914 = arith.xori %masked_sort3A_912, %masked_sort3A_909 : vector<16xi32>
        %shift_right_arithmetic3A = arith.constant 4 : i32
        %shift_right_arithmetic3A_915 = vector.broadcast %shift_right_arithmetic3A : i32 to vector<16xi32>
        %shift_right_arithmetic3A_916 = arith.shrsi %masked_sort3A_914, %shift_right_arithmetic3A_915 : vector<16xi32>
        %mul3A_917 = arith.constant 16 : i32
        %mul3A_918 = arith.muli %scan3A_897, %mul3A_917 : i32
        %add3A_919 = arith.constant 0 : i32
        %add3A_920 = arith.addi %add3A_919, %mul3A_918 : i32
        %and3A_921 = arith.constant 15 : i32
        %and3A_922 = vector.broadcast %and3A_921 : i32 to vector<16xi32>
        %and3A_923 = arith.andi %masked_sort3A_914, %and3A_922 : vector<16xi32>
        %add3A_924 = vector.broadcast %add3A_920 : i32 to vector<16xi32>
        %add3A_925 = arith.addi %add3A_924, %and3A_923 : vector<16xi32>
        %lt3A_926 = arith.constant 0 : i32
        %lt3A_927 = vector.broadcast %lt3A_926 : i32 to vector<16xi32>
        %lt3A_928 = arith.cmpi slt, %min3A_6, %lt3A_927 : vector<16xi32>
        %add3A_929 = arith.constant 16 : i32
        %add3A_930 = vector.broadcast %add3A_929 : i32 to vector<16xi32>
        %add3A_931 = arith.addi %min3A_6, %add3A_930 : vector<16xi32>
        %select_n3A_932 = arith.select %lt3A_928, %add3A_931, %min3A_6 : vector<16xi1>, vector<16xi32>
        %broadcast_in_dim3A_933 = vector.shape_cast %select_n3A_932 : vector<16xi32> to vector<16x1xi32>
        %gather3A_934 = vector.shape_cast %broadcast_in_dim3A_933 : vector<16x1xi32> to vector<16xi32>
        %gather3A_935 = tpu.dynamic_gather %shift_right_arithmetic3A_916[%gather3A_934] in [0] : vector<16xi32>, vector<16xi32> -> vector<16xi32>
        %eq3A = arith.cmpi eq, %shift_right_arithmetic3A_916, %gather3A_935 : vector<16xi32>
        %and3A_936 = arith.andi %eq3A, %lt3A_8 : vector<16xi1>
        %sub3A_937 = vector.broadcast %mul3A_0 : i32 to vector<16xi32>
        %sub3A_938 = arith.subi %shift_right_arithmetic3A_916, %sub3A_937 : vector<16xi32>
        %ge3A = arith.constant 0 : i32
        %ge3A_939 = vector.broadcast %ge3A : i32 to vector<16xi32>
        %ge3A_940 = arith.cmpi sge, %sub3A_938, %ge3A_939 : vector<16xi32>
        %lt3A_941 = arith.constant 62504 : i32
        %lt3A_942 = vector.broadcast %lt3A_941 : i32 to vector<16xi32>
        %lt3A_943 = arith.cmpi slt, %sub3A_938, %lt3A_942 : vector<16xi32>
        %and3A_944 = arith.andi %ge3A_940, %lt3A_943 : vector<16xi1>
        %not3A = arith.constant dense<true> : vector<16xi1>
        %not3A_945 = arith.xori %and3A_936, %not3A : vector<16xi1>
        %and3A_946 = arith.andi %and3A_944, %not3A_945 : vector<16xi1>
        tpu.vector_store_idx %arg9[%sub3A_938], %add3A_925 masked %and3A_946 : memref<62504xi32, #tpu.memory_space<vmem>>[vector<16xi32>], vector<16xi32>, vector<16xi1>
      }
      %scan3A_896 = arith.constant 64 : i32
    } else {
    }
    %dma_wait3A = arith.constant 0 : i32
    %dma_wait3A_39 = tpu.memref_slice %arg3[%add3A_10, %dma_wait3A] : memref<16384x128xf32, #tpu.memory_space<hbm>> -> memref<64x128xf32, #tpu.memory_space<hbm>>
    %dma_wait3A_40 = arith.constant 0 : i32
    %dma_wait3A_41 = tpu.memref_slice %arg3[%add3A_10, %dma_wait3A_40] : memref<16384x128xf32, #tpu.memory_space<hbm>> -> memref<64x128xf32, #tpu.memory_space<hbm>>
    tpu.wait_dma2 semaphore(%arg19 : memref<!tpu.dma_semaphore, #tpu.memory_space<semaphore_mem>>) src(%dma_wait3A_41 : memref<64x128xf32, #tpu.memory_space<hbm>>) dst(%arg12 : memref<64x128xf32, #tpu.memory_space<vmem>>)
    %add3A_42 = arith.constant 0 : i32
    %add3A_43 = arith.addi %mul3A_2, %add3A_42 : i32
    %dma_start3A_44 = arith.constant 0 : i32
    %dma_start3A_45 = tpu.memref_slice %arg5[%add3A_43, %dma_start3A_44] : memref<16384x128xf32, #tpu.memory_space<hbm>> -> memref<64x128xf32, #tpu.memory_space<hbm>>
    %dma_start3A_46 = arith.constant 0 : i32
    %dma_start3A_47 = tpu.memref_slice %arg5[%add3A_43, %dma_start3A_46] : memref<16384x128xf32, #tpu.memory_space<hbm>> -> memref<64x128xf32, #tpu.memory_space<hbm>>
    tpu.enqueue_dma source(%arg12 : memref<64x128xf32, #tpu.memory_space<vmem>>) target(%dma_start3A_47 : memref<64x128xf32, #tpu.memory_space<hbm>>) target_semaphore(%arg22 : memref<!tpu.dma_semaphore, #tpu.memory_space<semaphore_mem>>)
    %add3A_48 = arith.constant 128 : i32
    %add3A_49 = arith.addi %mul3A_2, %add3A_48 : i32
    %dma_start3A_50 = arith.constant 0 : i32
    %dma_start3A_51 = tpu.memref_slice %arg3[%add3A_49, %dma_start3A_50] : memref<16384x128xf32, #tpu.memory_space<hbm>> -> memref<64x128xf32, #tpu.memory_space<hbm>>
    %dma_start3A_52 = arith.constant 0 : i32
    %dma_start3A_53 = tpu.memref_slice %arg3[%add3A_49, %dma_start3A_52] : memref<16384x128xf32, #tpu.memory_space<hbm>> -> memref<64x128xf32, #tpu.memory_space<hbm>>
    tpu.enqueue_dma source(%dma_start3A_53 : memref<64x128xf32, #tpu.memory_space<hbm>>) target(%arg14 : memref<64x128xf32, #tpu.memory_space<vmem>>) target_semaphore(%arg21 : memref<!tpu.dma_semaphore, #tpu.memory_space<semaphore_mem>>)
    %broadcast_in_dim3A_54 = arith.constant 0 : i32
    %broadcast_in_dim3A_55 = vector.broadcast %broadcast_in_dim3A_54 : i32 to vector<16xi32>
    %scan3A_56 = arith.constant 0 : i32
    %scan3A_57 = arith.constant 64 : i32
    %scan3A_58 = arith.addi %scan3A_56, %scan3A_57 : i32
    %scan3A_59 = arith.constant 1 : i32
    %scan3A_60 = scf.for %scan3A_891 = %scan3A_56 to %scan3A_58 step %scan3A_59 iter_args(%scan3A_892 = %broadcast_in_dim3A_55) -> (vector<16xi32>)  : i32 {
      %mul3A_893 = arith.constant 16 : i32
      %mul3A_894 = arith.muli %scan3A_891, %mul3A_893 : i32
      %add3A_895 = arith.constant 1024 : i32
      %add3A_896 = arith.addi %add3A_895, %mul3A_894 : i32
      %get3A_897 = arith.index_cast %add3A_896 : i32 to index
      %get3A_898 = tpu.vector_load %arg7[%get3A_897] {strides = array<i32>} : memref<16384xi32, #tpu.memory_space<vmem>>, vector<16xi32>,
      %sub3A_899 = vector.broadcast %mul3A_0 : i32 to vector<16xi32>
      %sub3A_900 = arith.subi %get3A_898, %sub3A_899 : vector<16xi32>
      %ge3A = arith.constant 0 : i32
      %ge3A_901 = vector.broadcast %ge3A : i32 to vector<16xi32>
      %ge3A_902 = arith.cmpi sge, %sub3A_900, %ge3A_901 : vector<16xi32>
      %lt3A_903 = arith.constant 62504 : i32
      %lt3A_904 = vector.broadcast %lt3A_903 : i32 to vector<16xi32>
      %lt3A_905 = arith.cmpi slt, %sub3A_900, %lt3A_904 : vector<16xi32>
      %and3A_906 = arith.andi %ge3A_902, %lt3A_905 : vector<16xi1>
      %mul3A_907 = arith.constant 16 : i32
      %mul3A_908 = arith.muli %scan3A_891, %mul3A_907 : i32
      %add3A_909 = arith.constant 1024 : i32
      %add3A_910 = arith.addi %add3A_909, %mul3A_908 : i32
      %add3A_911 = vector.broadcast %add3A_910 : i32 to vector<16xi32>
      %add3A_912 = arith.addi %add3A_911, %iota3A : vector<16xi32>
      tpu.vector_store_idx %arg9[%sub3A_900], %add3A_912 masked %and3A_906 : memref<62504xi32, #tpu.memory_space<vmem>>[vector<16xi32>], vector<16xi32>, vector<16xi1>
      %gather3A_913 = tpu.vector_load_idx %arg9[%sub3A_900] masked %and3A_906 : memref<62504xi32, #tpu.memory_space<vmem>>[vector<16xi32>], vector<16xi32>, vector<16xi1>
      %ne3A_914 = arith.cmpi ne, %gather3A_913, %add3A_912 : vector<16xi32>
      %and3A_915 = arith.andi %and3A_906, %ne3A_914 : vector<16xi1>
      %all_reduce_population_count3A = tpu.all_reduce %and3A_915 {dim = 0 : i64, kind = #tpu.reduction_kind<sum>} : vector<16xi1> -> vector<16xi32>
      %add3A_916 = arith.addi %scan3A_892, %all_reduce_population_count3A : vector<16xi32>
      scf.yield %add3A_916 : vector<16xi32>
    }
    %scan3A_61 = arith.constant 64 : i32
    %gt3A_62 = arith.constant 0 : i32
    %gt3A_63 = vector.broadcast %gt3A_62 : i32 to vector<16xi32>
    %gt3A_64 = arith.cmpi sgt, %scan3A_60, %gt3A_63 : vector<16xi32>
    %reduce_or3A_65 = arith.constant 1.000000e+00 : f32
    %reduce_or3A_66 = arith.constant 0.000000e+00 : f32
    %reduce_or3A_67 = vector.broadcast %reduce_or3A_65 : f32 to vector<16xf32>
    %reduce_or3A_68 = vector.broadcast %reduce_or3A_66 : f32 to vector<16xf32>
    %reduce_or3A_69 = arith.select %gt3A_64, %reduce_or3A_67, %reduce_or3A_68 : vector<16xi1>, vector<16xf32>
    %reduce_or3A_70 = arith.constant true
    %reduce_or3A_71 = vector.broadcast %reduce_or3A_70 : i1 to vector<16xi1>
    %reduce_or3A_72 = tpu.scan <max>, %reduce_or3A_69 masked %reduce_or3A_71 : vector<16xf32>, vector<16xi1> -> vector<16xf32>
    %reduce_or3A_73 = vector.extract %reduce_or3A_72[15] : f32 from vector<16xf32>
    %reduce_or3A_74 = arith.constant 0.000000e+00 : f32
    %reduce_or3A_75 = arith.cmpf ogt, %reduce_or3A_73, %reduce_or3A_74 : f32
    %convert_element_type3A_76 = arith.extui %reduce_or3A_75 : i1 to i32
    %cond3A_77 = arith.constant 0 : i32
    %cond3A_78 = arith.cmpi ne, %convert_element_type3A_76, %cond3A_77 : i32
    scf.if %cond3A_78 {
      %scan3A_891 = arith.constant 0 : i32
      %scan3A_892 = arith.constant 0 : i32
      %scan3A_893 = arith.constant 64 : i32
      %scan3A_894 = arith.addi %scan3A_892, %scan3A_893 : i32
      %scan3A_895 = arith.constant 1 : i32
      scf.for %scan3A_897 = %scan3A_892 to %scan3A_894 step %scan3A_895  : i32 {
        %mul3A_898 = arith.constant 16 : i32
        %mul3A_899 = arith.muli %scan3A_897, %mul3A_898 : i32
        %add3A_900 = arith.constant 1024 : i32
        %add3A_901 = arith.addi %add3A_900, %mul3A_899 : i32
        %get3A_902 = arith.index_cast %add3A_901 : i32 to index
        %get3A_903 = tpu.vector_load %arg7[%get3A_902] {strides = array<i32>} : memref<16384xi32, #tpu.memory_space<vmem>>, vector<16xi32>,
        %mul3A_904 = arith.constant 16 : i32
        %mul3A_905 = vector.broadcast %mul3A_904 : i32 to vector<16xi32>
        %mul3A_906 = arith.muli %get3A_903, %mul3A_905 : vector<16xi32>
        %add3A_907 = arith.addi %mul3A_906, %iota3A : vector<16xi32>
        %masked_sort3A = arith.constant dense<true> : vector<16xi1>
        %masked_sort3A_908 = arith.constant -2147483648 : i32
        %masked_sort3A_909 = vector.broadcast %masked_sort3A_908 : i32 to vector<16xi32>
        %masked_sort3A_910 = arith.xori %add3A_907, %masked_sort3A_909 : vector<16xi32>
        %masked_sort3A_911, %masked_sort3A_912, %masked_sort3A_913 = tpu.sort %masked_sort3A_910, %add3A_907 masked %masked_sort3A : (vector<16xi32>, vector<16xi32>, vector<16xi1>) -> (vector<16xi1>, vector<16xi32>, vector<16xi32>)
        %masked_sort3A_914 = arith.xori %masked_sort3A_912, %masked_sort3A_909 : vector<16xi32>
        %shift_right_arithmetic3A = arith.constant 4 : i32
        %shift_right_arithmetic3A_915 = vector.broadcast %shift_right_arithmetic3A : i32 to vector<16xi32>
        %shift_right_arithmetic3A_916 = arith.shrsi %masked_sort3A_914, %shift_right_arithmetic3A_915 : vector<16xi32>
        %mul3A_917 = arith.constant 16 : i32
        %mul3A_918 = arith.muli %scan3A_897, %mul3A_917 : i32
        %add3A_919 = arith.constant 1024 : i32
        %add3A_920 = arith.addi %add3A_919, %mul3A_918 : i32
        %and3A_921 = arith.constant 15 : i32
        %and3A_922 = vector.broadcast %and3A_921 : i32 to vector<16xi32>
        %and3A_923 = arith.andi %masked_sort3A_914, %and3A_922 : vector<16xi32>
        %add3A_924 = vector.broadcast %add3A_920 : i32 to vector<16xi32>
        %add3A_925 = arith.addi %add3A_924, %and3A_923 : vector<16xi32>
        %lt3A_926 = arith.constant 0 : i32
        %lt3A_927 = vector.broadcast %lt3A_926 : i32 to vector<16xi32>
        %lt3A_928 = arith.cmpi slt, %min3A_6, %lt3A_927 : vector<16xi32>
        %add3A_929 = arith.constant 16 : i32
        %add3A_930 = vector.broadcast %add3A_929 : i32 to vector<16xi32>
        %add3A_931 = arith.addi %min3A_6, %add3A_930 : vector<16xi32>
        %select_n3A_932 = arith.select %lt3A_928, %add3A_931, %min3A_6 : vector<16xi1>, vector<16xi32>
        %broadcast_in_dim3A_933 = vector.shape_cast %select_n3A_932 : vector<16xi32> to vector<16x1xi32>
        %gather3A_934 = vector.shape_cast %broadcast_in_dim3A_933 : vector<16x1xi32> to vector<16xi32>
        %gather3A_935 = tpu.dynamic_gather %shift_right_arithmetic3A_916[%gather3A_934] in [0] : vector<16xi32>, vector<16xi32> -> vector<16xi32>
        %eq3A = arith.cmpi eq, %shift_right_arithmetic3A_916, %gather3A_935 : vector<16xi32>
        %and3A_936 = arith.andi %eq3A, %lt3A_8 : vector<16xi1>
        %sub3A_937 = vector.broadcast %mul3A_0 : i32 to vector<16xi32>
        %sub3A_938 = arith.subi %shift_right_arithmetic3A_916, %sub3A_937 : vector<16xi32>
        %ge3A = arith.constant 0 : i32
        %ge3A_939 = vector.broadcast %ge3A : i32 to vector<16xi32>
        %ge3A_940 = arith.cmpi sge, %sub3A_938, %ge3A_939 : vector<16xi32>
        %lt3A_941 = arith.constant 62504 : i32
        %lt3A_942 = vector.broadcast %lt3A_941 : i32 to vector<16xi32>
        %lt3A_943 = arith.cmpi slt, %sub3A_938, %lt3A_942 : vector<16xi32>
        %and3A_944 = arith.andi %ge3A_940, %lt3A_943 : vector<16xi1>
        %not3A = arith.constant dense<true> : vector<16xi1>
        %not3A_945 = arith.xori %and3A_936, %not3A : vector<16xi1>
        %and3A_946 = arith.andi %and3A_944, %not3A_945 : vector<16xi1>
        tpu.vector_store_idx %arg9[%sub3A_938], %add3A_925 masked %and3A_946 : memref<62504xi32, #tpu.memory_space<vmem>>[vector<16xi32>], vector<16xi32>, vector<16xi1>
      }
      %scan3A_896 = arith.constant 64 : i32
    } else {
    }
    %dma_wait3A_79 = arith.constant 0 : i32
    %dma_wait3A_80 = tpu.memref_slice %arg3[%add3A_15, %dma_wait3A_79] : memref<16384x128xf32, #tpu.memory_space<hbm>> -> memref<64x128xf32, #tpu.memory_space<hbm>>
    %dma_wait3A_81 = arith.constant 0 : i32
    %dma_wait3A_82 = tpu.memref_slice %arg3[%add3A_15, %dma_wait3A_81] : memref<16384x128xf32, #tpu.memory_space<hbm>> -> memref<64x128xf32, #tpu.memory_space<hbm>>
    tpu.wait_dma2 semaphore(%arg20 : memref<!tpu.dma_semaphore, #tpu.memory_space<semaphore_mem>>) src(%dma_wait3A_82 : memref<64x128xf32, #tpu.memory_space<hbm>>) dst(%arg13 : memref<64x128xf32, #tpu.memory_space<vmem>>)
    %add3A_83 = arith.constant 64 : i32
    %add3A_84 = arith.addi %mul3A_2, %add3A_83 : i32
    %dma_start3A_85 = arith.constant 0 : i32
    %dma_start3A_86 = tpu.memref_slice %arg5[%add3A_84, %dma_start3A_85] : memref<16384x128xf32, #tpu.memory_space<hbm>> -> memref<64x128xf32, #tpu.memory_space<hbm>>
    %dma_start3A_87 = arith.constant 0 : i32
    %dma_start3A_88 = tpu.memref_slice %arg5[%add3A_84, %dma_start3A_87] : memref<16384x128xf32, #tpu.memory_space<hbm>> -> memref<64x128xf32, #tpu.memory_space<hbm>>
    tpu.enqueue_dma source(%arg13 : memref<64x128xf32, #tpu.memory_space<vmem>>) target(%dma_start3A_88 : memref<64x128xf32, #tpu.memory_space<hbm>>) target_semaphore(%arg23 : memref<!tpu.dma_semaphore, #tpu.memory_space<semaphore_mem>>)
    %dma_wait3A_89 = arith.constant 0 : i32
    %dma_wait3A_90 = tpu.memref_slice %arg5[%add3A_43, %dma_wait3A_89] : memref<16384x128xf32, #tpu.memory_space<hbm>> -> memref<64x128xf32, #tpu.memory_space<hbm>>
    %dma_wait3A_91 = arith.constant 0 : i32
    %dma_wait3A_92 = tpu.memref_slice %arg5[%add3A_43, %dma_wait3A_91] : memref<16384x128xf32, #tpu.memory_space<hbm>> -> memref<64x128xf32, #tpu.memory_space<hbm>>
    tpu.wait_dma2 semaphore(%arg22 : memref<!tpu.dma_semaphore, #tpu.memory_space<semaphore_mem>>) src(%arg12 : memref<64x128xf32, #tpu.memory_space<vmem>>) dst(%dma_wait3A_92 : memref<64x128xf32, #tpu.memory_space<hbm>>)
    %add3A_93 = arith.constant 192 : i32
    %add3A_94 = arith.addi %mul3A_2, %add3A_93 : i32
    %dma_start3A_95 = arith.constant 0 : i32
    %dma_start3A_96 = tpu.memref_slice %arg3[%add3A_94, %dma_start3A_95] : memref<16384x128xf32, #tpu.memory_space<hbm>> -> memref<64x128xf32, #tpu.memory_space<hbm>>
    %dma_start3A_97 = arith.constant 0 : i32
    %dma_start3A_98 = tpu.memref_slice %arg3[%add3A_94, %dma_start3A_97] : memref<16384x128xf32, #tpu.memory_space<hbm>> -> memref<64x128xf32, #tpu.memory_space<hbm>>
    tpu.enqueue_dma source(%dma_start3A_98 : memref<64x128xf32, #tpu.memory_space<hbm>>) target(%arg12 : memref<64x128xf32, #tpu.memory_space<vmem>>) target_semaphore(%arg19 : memref<!tpu.dma_semaphore, #tpu.memory_space<semaphore_mem>>)
    %broadcast_in_dim3A_99 = arith.constant 0 : i32
    %broadcast_in_dim3A_100 = vector.broadcast %broadcast_in_dim3A_99 : i32 to vector<16xi32>
    %scan3A_101 = arith.constant 0 : i32
    %scan3A_102 = arith.constant 64 : i32
    %scan3A_103 = arith.addi %scan3A_101, %scan3A_102 : i32
    %scan3A_104 = arith.constant 1 : i32
    %scan3A_105 = scf.for %scan3A_891 = %scan3A_101 to %scan3A_103 step %scan3A_104 iter_args(%scan3A_892 = %broadcast_in_dim3A_100) -> (vector<16xi32>)  : i32 {
      %mul3A_893 = arith.constant 16 : i32
      %mul3A_894 = arith.muli %scan3A_891, %mul3A_893 : i32
      %add3A_895 = arith.constant 2048 : i32
      %add3A_896 = arith.addi %add3A_895, %mul3A_894 : i32
      %get3A_897 = arith.index_cast %add3A_896 : i32 to index
      %get3A_898 = tpu.vector_load %arg7[%get3A_897] {strides = array<i32>} : memref<16384xi32, #tpu.memory_space<vmem>>, vector<16xi32>,
      %sub3A_899 = vector.broadcast %mul3A_0 : i32 to vector<16xi32>
      %sub3A_900 = arith.subi %get3A_898, %sub3A_899 : vector<16xi32>
      %ge3A = arith.constant 0 : i32
      %ge3A_901 = vector.broadcast %ge3A : i32 to vector<16xi32>
      %ge3A_902 = arith.cmpi sge, %sub3A_900, %ge3A_901 : vector<16xi32>
      %lt3A_903 = arith.constant 62504 : i32
      %lt3A_904 = vector.broadcast %lt3A_903 : i32 to vector<16xi32>
      %lt3A_905 = arith.cmpi slt, %sub3A_900, %lt3A_904 : vector<16xi32>
      %and3A_906 = arith.andi %ge3A_902, %lt3A_905 : vector<16xi1>
      %mul3A_907 = arith.constant 16 : i32
      %mul3A_908 = arith.muli %scan3A_891, %mul3A_907 : i32
      %add3A_909 = arith.constant 2048 : i32
      %add3A_910 = arith.addi %add3A_909, %mul3A_908 : i32
      %add3A_911 = vector.broadcast %add3A_910 : i32 to vector<16xi32>
      %add3A_912 = arith.addi %add3A_911, %iota3A : vector<16xi32>
      tpu.vector_store_idx %arg9[%sub3A_900], %add3A_912 masked %and3A_906 : memref<62504xi32, #tpu.memory_space<vmem>>[vector<16xi32>], vector<16xi32>, vector<16xi1>
      %gather3A_913 = tpu.vector_load_idx %arg9[%sub3A_900] masked %and3A_906 : memref<62504xi32, #tpu.memory_space<vmem>>[vector<16xi32>], vector<16xi32>, vector<16xi1>
      %ne3A_914 = arith.cmpi ne, %gather3A_913, %add3A_912 : vector<16xi32>
      %and3A_915 = arith.andi %and3A_906, %ne3A_914 : vector<16xi1>
      %all_reduce_population_count3A = tpu.all_reduce %and3A_915 {dim = 0 : i64, kind = #tpu.reduction_kind<sum>} : vector<16xi1> -> vector<16xi32>
      %add3A_916 = arith.addi %scan3A_892, %all_reduce_population_count3A : vector<16xi32>
      scf.yield %add3A_916 : vector<16xi32>
    }
    %scan3A_106 = arith.constant 64 : i32
    %gt3A_107 = arith.constant 0 : i32
    %gt3A_108 = vector.broadcast %gt3A_107 : i32 to vector<16xi32>
    %gt3A_109 = arith.cmpi sgt, %scan3A_105, %gt3A_108 : vector<16xi32>
    %reduce_or3A_110 = arith.constant 1.000000e+00 : f32
    %reduce_or3A_111 = arith.constant 0.000000e+00 : f32
    %reduce_or3A_112 = vector.broadcast %reduce_or3A_110 : f32 to vector<16xf32>
    %reduce_or3A_113 = vector.broadcast %reduce_or3A_111 : f32 to vector<16xf32>
    %reduce_or3A_114 = arith.select %gt3A_109, %reduce_or3A_112, %reduce_or3A_113 : vector<16xi1>, vector<16xf32>
    %reduce_or3A_115 = arith.constant true
    %reduce_or3A_116 = vector.broadcast %reduce_or3A_115 : i1 to vector<16xi1>
    %reduce_or3A_117 = tpu.scan <max>, %reduce_or3A_114 masked %reduce_or3A_116 : vector<16xf32>, vector<16xi1> -> vector<16xf32>
    %reduce_or3A_118 = vector.extract %reduce_or3A_117[15] : f32 from vector<16xf32>
    %reduce_or3A_119 = arith.constant 0.000000e+00 : f32
    %reduce_or3A_120 = arith.cmpf ogt, %reduce_or3A_118, %reduce_or3A_119 : f32
    %convert_element_type3A_121 = arith.extui %reduce_or3A_120 : i1 to i32
    %cond3A_122 = arith.constant 0 : i32
    %cond3A_123 = arith.cmpi ne, %convert_element_type3A_121, %cond3A_122 : i32
    scf.if %cond3A_123 {
      %scan3A_891 = arith.constant 0 : i32
      %scan3A_892 = arith.constant 0 : i32
      %scan3A_893 = arith.constant 64 : i32
      %scan3A_894 = arith.addi %scan3A_892, %scan3A_893 : i32
      %scan3A_895 = arith.constant 1 : i32
      scf.for %scan3A_897 = %scan3A_892 to %scan3A_894 step %scan3A_895  : i32 {
        %mul3A_898 = arith.constant 16 : i32
        %mul3A_899 = arith.muli %scan3A_897, %mul3A_898 : i32
        %add3A_900 = arith.constant 2048 : i32
        %add3A_901 = arith.addi %add3A_900, %mul3A_899 : i32
        %get3A_902 = arith.index_cast %add3A_901 : i32 to index
        %get3A_903 = tpu.vector_load %arg7[%get3A_902] {strides = array<i32>} : memref<16384xi32, #tpu.memory_space<vmem>>, vector<16xi32>,
        %mul3A_904 = arith.constant 16 : i32
        %mul3A_905 = vector.broadcast %mul3A_904 : i32 to vector<16xi32>
        %mul3A_906 = arith.muli %get3A_903, %mul3A_905 : vector<16xi32>
        %add3A_907 = arith.addi %mul3A_906, %iota3A : vector<16xi32>
        %masked_sort3A = arith.constant dense<true> : vector<16xi1>
        %masked_sort3A_908 = arith.constant -2147483648 : i32
        %masked_sort3A_909 = vector.broadcast %masked_sort3A_908 : i32 to vector<16xi32>
        %masked_sort3A_910 = arith.xori %add3A_907, %masked_sort3A_909 : vector<16xi32>
        %masked_sort3A_911, %masked_sort3A_912, %masked_sort3A_913 = tpu.sort %masked_sort3A_910, %add3A_907 masked %masked_sort3A : (vector<16xi32>, vector<16xi32>, vector<16xi1>) -> (vector<16xi1>, vector<16xi32>, vector<16xi32>)
        %masked_sort3A_914 = arith.xori %masked_sort3A_912, %masked_sort3A_909 : vector<16xi32>
        %shift_right_arithmetic3A = arith.constant 4 : i32
        %shift_right_arithmetic3A_915 = vector.broadcast %shift_right_arithmetic3A : i32 to vector<16xi32>
        %shift_right_arithmetic3A_916 = arith.shrsi %masked_sort3A_914, %shift_right_arithmetic3A_915 : vector<16xi32>
        %mul3A_917 = arith.constant 16 : i32
        %mul3A_918 = arith.muli %scan3A_897, %mul3A_917 : i32
        %add3A_919 = arith.constant 2048 : i32
        %add3A_920 = arith.addi %add3A_919, %mul3A_918 : i32
        %and3A_921 = arith.constant 15 : i32
        %and3A_922 = vector.broadcast %and3A_921 : i32 to vector<16xi32>
        %and3A_923 = arith.andi %masked_sort3A_914, %and3A_922 : vector<16xi32>
        %add3A_924 = vector.broadcast %add3A_920 : i32 to vector<16xi32>
        %add3A_925 = arith.addi %add3A_924, %and3A_923 : vector<16xi32>
        %lt3A_926 = arith.constant 0 : i32
        %lt3A_927 = vector.broadcast %lt3A_926 : i32 to vector<16xi32>
        %lt3A_928 = arith.cmpi slt, %min3A_6, %lt3A_927 : vector<16xi32>
        %add3A_929 = arith.constant 16 : i32
        %add3A_930 = vector.broadcast %add3A_929 : i32 to vector<16xi32>
        %add3A_931 = arith.addi %min3A_6, %add3A_930 : vector<16xi32>
        %select_n3A_932 = arith.select %lt3A_928, %add3A_931, %min3A_6 : vector<16xi1>, vector<16xi32>
        %broadcast_in_dim3A_933 = vector.shape_cast %select_n3A_932 : vector<16xi32> to vector<16x1xi32>
        %gather3A_934 = vector.shape_cast %broadcast_in_dim3A_933 : vector<16x1xi32> to vector<16xi32>
        %gather3A_935 = tpu.dynamic_gather %shift_right_arithmetic3A_916[%gather3A_934] in [0] : vector<16xi32>, vector<16xi32> -> vector<16xi32>
        %eq3A = arith.cmpi eq, %shift_right_arithmetic3A_916, %gather3A_935 : vector<16xi32>
        %and3A_936 = arith.andi %eq3A, %lt3A_8 : vector<16xi1>
        %sub3A_937 = vector.broadcast %mul3A_0 : i32 to vector<16xi32>
        %sub3A_938 = arith.subi %shift_right_arithmetic3A_916, %sub3A_937 : vector<16xi32>
        %ge3A = arith.constant 0 : i32
        %ge3A_939 = vector.broadcast %ge3A : i32 to vector<16xi32>
        %ge3A_940 = arith.cmpi sge, %sub3A_938, %ge3A_939 : vector<16xi32>
        %lt3A_941 = arith.constant 62504 : i32
        %lt3A_942 = vector.broadcast %lt3A_941 : i32 to vector<16xi32>
        %lt3A_943 = arith.cmpi slt, %sub3A_938, %lt3A_942 : vector<16xi32>
        %and3A_944 = arith.andi %ge3A_940, %lt3A_943 : vector<16xi1>
        %not3A = arith.constant dense<true> : vector<16xi1>
        %not3A_945 = arith.xori %and3A_936, %not3A : vector<16xi1>
        %and3A_946 = arith.andi %and3A_944, %not3A_945 : vector<16xi1>
        tpu.vector_store_idx %arg9[%sub3A_938], %add3A_925 masked %and3A_946 : memref<62504xi32, #tpu.memory_space<vmem>>[vector<16xi32>], vector<16xi32>, vector<16xi1>
      }
      %scan3A_896 = arith.constant 64 : i32
    } else {
    }
    %dma_wait3A_124 = arith.constant 0 : i32
    %dma_wait3A_125 = tpu.memref_slice %arg3[%add3A_49, %dma_wait3A_124] : memref<16384x128xf32, #tpu.memory_space<hbm>> -> memref<64x128xf32, #tpu.memory_space<hbm>>
    %dma_wait3A_126 = arith.constant 0 : i32
    %dma_wait3A_127 = tpu.memref_slice %arg3[%add3A_49, %dma_wait3A_126] : memref<16384x128xf32, #tpu.memory_space<hbm>> -> memref<64x128xf32, #tpu.memory_space<hbm>>
    tpu.wait_dma2 semaphore(%arg21 : memref<!tpu.dma_semaphore, #tpu.memory_space<semaphore_mem>>) src(%dma_wait3A_127 : memref<64x128xf32, #tpu.memory_space<hbm>>) dst(%arg14 : memref<64x128xf32, #tpu.memory_space<vmem>>)
    %add3A_128 = arith.constant 128 : i32
    %add3A_129 = arith.addi %mul3A_2, %add3A_128 : i32
    %dma_start3A_130 = arith.constant 0 : i32
    %dma_start3A_131 = tpu.memref_slice %arg5[%add3A_129, %dma_start3A_130] : memref<16384x128xf32, #tpu.memory_space<hbm>> -> memref<64x128xf32, #tpu.memory_space<hbm>>
    %dma_start3A_132 = arith.constant 0 : i32
    %dma_start3A_133 = tpu.memref_slice %arg5[%add3A_129, %dma_start3A_132] : memref<16384x128xf32, #tpu.memory_space<hbm>> -> memref<64x128xf32, #tpu.memory_space<hbm>>
    tpu.enqueue_dma source(%arg14 : memref<64x128xf32, #tpu.memory_space<vmem>>) target(%dma_start3A_133 : memref<64x128xf32, #tpu.memory_space<hbm>>) target_semaphore(%arg24 : memref<!tpu.dma_semaphore, #tpu.memory_space<semaphore_mem>>)
    %dma_wait3A_134 = arith.constant 0 : i32
    %dma_wait3A_135 = tpu.memref_slice %arg5[%add3A_84, %dma_wait3A_134] : memref<16384x128xf32, #tpu.memory_space<hbm>> -> memref<64x128xf32, #tpu.memory_space<hbm>>
    %dma_wait3A_136 = arith.constant 0 : i32
    %dma_wait3A_137 = tpu.memref_slice %arg5[%add3A_84, %dma_wait3A_136] : memref<16384x128xf32, #tpu.memory_space<hbm>> -> memref<64x128xf32, #tpu.memory_space<hbm>>
    tpu.wait_dma2 semaphore(%arg23 : memref<!tpu.dma_semaphore, #tpu.memory_space<semaphore_mem>>) src(%arg13 : memref<64x128xf32, #tpu.memory_space<vmem>>) dst(%dma_wait3A_137 : memref<64x128xf32, #tpu.memory_space<hbm>>)
    %add3A_138 = arith.constant 256 : i32
    %add3A_139 = arith.addi %mul3A_2, %add3A_138 : i32
    %dma_start3A_140 = arith.constant 0 : i32
    %dma_start3A_141 = tpu.memref_slice %arg3[%add3A_139, %dma_start3A_140] : memref<16384x128xf32, #tpu.memory_space<hbm>> -> memref<64x128xf32, #tpu.memory_space<hbm>>
    %dma_start3A_142 = arith.constant 0 : i32
    %dma_start3A_143 = tpu.memref_slice %arg3[%add3A_139, %dma_start3A_142] : memref<16384x128xf32, #tpu.memory_space<hbm>> -> memref<64x128xf32, #tpu.memory_space<hbm>>
    tpu.enqueue_dma source(%dma_start3A_143 : memref<64x128xf32, #tpu.memory_space<hbm>>) target(%arg13 : memref<64x128xf32, #tpu.memory_space<vmem>>) target_semaphore(%arg20 : memref<!tpu.dma_semaphore, #tpu.memory_space<semaphore_mem>>)
    %broadcast_in_dim3A_144 = arith.constant 0 : i32
    %broadcast_in_dim3A_145 = vector.broadcast %broadcast_in_dim3A_144 : i32 to vector<16xi32>
    %scan3A_146 = arith.constant 0 : i32
    %scan3A_147 = arith.constant 64 : i32
    %scan3A_148 = arith.addi %scan3A_146, %scan3A_147 : i32
    %scan3A_149 = arith.constant 1 : i32
    %scan3A_150 = scf.for %scan3A_891 = %scan3A_146 to %scan3A_148 step %scan3A_149 iter_args(%scan3A_892 = %broadcast_in_dim3A_145) -> (vector<16xi32>)  : i32 {
      %mul3A_893 = arith.constant 16 : i32
      %mul3A_894 = arith.muli %scan3A_891, %mul3A_893 : i32
      %add3A_895 = arith.constant 3072 : i32
      %add3A_896 = arith.addi %add3A_895, %mul3A_894 : i32
      %get3A_897 = arith.index_cast %add3A_896 : i32 to index
      %get3A_898 = tpu.vector_load %arg7[%get3A_897] {strides = array<i32>} : memref<16384xi32, #tpu.memory_space<vmem>>, vector<16xi32>,
      %sub3A_899 = vector.broadcast %mul3A_0 : i32 to vector<16xi32>
      %sub3A_900 = arith.subi %get3A_898, %sub3A_899 : vector<16xi32>
      %ge3A = arith.constant 0 : i32
      %ge3A_901 = vector.broadcast %ge3A : i32 to vector<16xi32>
      %ge3A_902 = arith.cmpi sge, %sub3A_900, %ge3A_901 : vector<16xi32>
      %lt3A_903 = arith.constant 62504 : i32
      %lt3A_904 = vector.broadcast %lt3A_903 : i32 to vector<16xi32>
      %lt3A_905 = arith.cmpi slt, %sub3A_900, %lt3A_904 : vector<16xi32>
      %and3A_906 = arith.andi %ge3A_902, %lt3A_905 : vector<16xi1>
      %mul3A_907 = arith.constant 16 : i32
      %mul3A_908 = arith.muli %scan3A_891, %mul3A_907 : i32
      %add3A_909 = arith.constant 3072 : i32
      %add3A_910 = arith.addi %add3A_909, %mul3A_908 : i32
      %add3A_911 = vector.broadcast %add3A_910 : i32 to vector<16xi32>
      %add3A_912 = arith.addi %add3A_911, %iota3A : vector<16xi32>
      tpu.vector_store_idx %arg9[%sub3A_900], %add3A_912 masked %and3A_906 : memref<62504xi32, #tpu.memory_space<vmem>>[vector<16xi32>], vector<16xi32>, vector<16xi1>
      %gather3A_913 = tpu.vector_load_idx %arg9[%sub3A_900] masked %and3A_906 : memref<62504xi32, #tpu.memory_space<vmem>>[vector<16xi32>], vector<16xi32>, vector<16xi1>
      %ne3A_914 = arith.cmpi ne, %gather3A_913, %add3A_912 : vector<16xi32>
      %and3A_915 = arith.andi %and3A_906, %ne3A_914 : vector<16xi1>
      %all_reduce_population_count3A = tpu.all_reduce %and3A_915 {dim = 0 : i64, kind = #tpu.reduction_kind<sum>} : vector<16xi1> -> vector<16xi32>
      %add3A_916 = arith.addi %scan3A_892, %all_reduce_population_count3A : vector<16xi32>
      scf.yield %add3A_916 : vector<16xi32>
    }
    %scan3A_151 = arith.constant 64 : i32
    %gt3A_152 = arith.constant 0 : i32
    %gt3A_153 = vector.broadcast %gt3A_152 : i32 to vector<16xi32>
    %gt3A_154 = arith.cmpi sgt, %scan3A_150, %gt3A_153 : vector<16xi32>
    %reduce_or3A_155 = arith.constant 1.000000e+00 : f32
    %reduce_or3A_156 = arith.constant 0.000000e+00 : f32
    %reduce_or3A_157 = vector.broadcast %reduce_or3A_155 : f32 to vector<16xf32>
    %reduce_or3A_158 = vector.broadcast %reduce_or3A_156 : f32 to vector<16xf32>
    %reduce_or3A_159 = arith.select %gt3A_154, %reduce_or3A_157, %reduce_or3A_158 : vector<16xi1>, vector<16xf32>
    %reduce_or3A_160 = arith.constant true
    %reduce_or3A_161 = vector.broadcast %reduce_or3A_160 : i1 to vector<16xi1>
    %reduce_or3A_162 = tpu.scan <max>, %reduce_or3A_159 masked %reduce_or3A_161 : vector<16xf32>, vector<16xi1> -> vector<16xf32>
    %reduce_or3A_163 = vector.extract %reduce_or3A_162[15] : f32 from vector<16xf32>
    %reduce_or3A_164 = arith.constant 0.000000e+00 : f32
    %reduce_or3A_165 = arith.cmpf ogt, %reduce_or3A_163, %reduce_or3A_164 : f32
    %convert_element_type3A_166 = arith.extui %reduce_or3A_165 : i1 to i32
    %cond3A_167 = arith.constant 0 : i32
    %cond3A_168 = arith.cmpi ne, %convert_element_type3A_166, %cond3A_167 : i32
    scf.if %cond3A_168 {
      %scan3A_891 = arith.constant 0 : i32
      %scan3A_892 = arith.constant 0 : i32
      %scan3A_893 = arith.constant 64 : i32
      %scan3A_894 = arith.addi %scan3A_892, %scan3A_893 : i32
      %scan3A_895 = arith.constant 1 : i32
      scf.for %scan3A_897 = %scan3A_892 to %scan3A_894 step %scan3A_895  : i32 {
        %mul3A_898 = arith.constant 16 : i32
        %mul3A_899 = arith.muli %scan3A_897, %mul3A_898 : i32
        %add3A_900 = arith.constant 3072 : i32
        %add3A_901 = arith.addi %add3A_900, %mul3A_899 : i32
        %get3A_902 = arith.index_cast %add3A_901 : i32 to index
        %get3A_903 = tpu.vector_load %arg7[%get3A_902] {strides = array<i32>} : memref<16384xi32, #tpu.memory_space<vmem>>, vector<16xi32>,
        %mul3A_904 = arith.constant 16 : i32
        %mul3A_905 = vector.broadcast %mul3A_904 : i32 to vector<16xi32>
        %mul3A_906 = arith.muli %get3A_903, %mul3A_905 : vector<16xi32>
        %add3A_907 = arith.addi %mul3A_906, %iota3A : vector<16xi32>
        %masked_sort3A = arith.constant dense<true> : vector<16xi1>
        %masked_sort3A_908 = arith.constant -2147483648 : i32
        %masked_sort3A_909 = vector.broadcast %masked_sort3A_908 : i32 to vector<16xi32>
        %masked_sort3A_910 = arith.xori %add3A_907, %masked_sort3A_909 : vector<16xi32>
        %masked_sort3A_911, %masked_sort3A_912, %masked_sort3A_913 = tpu.sort %masked_sort3A_910, %add3A_907 masked %masked_sort3A : (vector<16xi32>, vector<16xi32>, vector<16xi1>) -> (vector<16xi1>, vector<16xi32>, vector<16xi32>)
        %masked_sort3A_914 = arith.xori %masked_sort3A_912, %masked_sort3A_909 : vector<16xi32>
        %shift_right_arithmetic3A = arith.constant 4 : i32
        %shift_right_arithmetic3A_915 = vector.broadcast %shift_right_arithmetic3A : i32 to vector<16xi32>
        %shift_right_arithmetic3A_916 = arith.shrsi %masked_sort3A_914, %shift_right_arithmetic3A_915 : vector<16xi32>
        %mul3A_917 = arith.constant 16 : i32
        %mul3A_918 = arith.muli %scan3A_897, %mul3A_917 : i32
        %add3A_919 = arith.constant 3072 : i32
        %add3A_920 = arith.addi %add3A_919, %mul3A_918 : i32
        %and3A_921 = arith.constant 15 : i32
        %and3A_922 = vector.broadcast %and3A_921 : i32 to vector<16xi32>
        %and3A_923 = arith.andi %masked_sort3A_914, %and3A_922 : vector<16xi32>
        %add3A_924 = vector.broadcast %add3A_920 : i32 to vector<16xi32>
        %add3A_925 = arith.addi %add3A_924, %and3A_923 : vector<16xi32>
        %lt3A_926 = arith.constant 0 : i32
        %lt3A_927 = vector.broadcast %lt3A_926 : i32 to vector<16xi32>
        %lt3A_928 = arith.cmpi slt, %min3A_6, %lt3A_927 : vector<16xi32>
        %add3A_929 = arith.constant 16 : i32
        %add3A_930 = vector.broadcast %add3A_929 : i32 to vector<16xi32>
        %add3A_931 = arith.addi %min3A_6, %add3A_930 : vector<16xi32>
        %select_n3A_932 = arith.select %lt3A_928, %add3A_931, %min3A_6 : vector<16xi1>, vector<16xi32>
        %broadcast_in_dim3A_933 = vector.shape_cast %select_n3A_932 : vector<16xi32> to vector<16x1xi32>
        %gather3A_934 = vector.shape_cast %broadcast_in_dim3A_933 : vector<16x1xi32> to vector<16xi32>
        %gather3A_935 = tpu.dynamic_gather %shift_right_arithmetic3A_916[%gather3A_934] in [0] : vector<16xi32>, vector<16xi32> -> vector<16xi32>
        %eq3A = arith.cmpi eq, %shift_right_arithmetic3A_916, %gather3A_935 : vector<16xi32>
        %and3A_936 = arith.andi %eq3A, %lt3A_8 : vector<16xi1>
        %sub3A_937 = vector.broadcast %mul3A_0 : i32 to vector<16xi32>
        %sub3A_938 = arith.subi %shift_right_arithmetic3A_916, %sub3A_937 : vector<16xi32>
        %ge3A = arith.constant 0 : i32
        %ge3A_939 = vector.broadcast %ge3A : i32 to vector<16xi32>
        %ge3A_940 = arith.cmpi sge, %sub3A_938, %ge3A_939 : vector<16xi32>
        %lt3A_941 = arith.constant 62504 : i32
        %lt3A_942 = vector.broadcast %lt3A_941 : i32 to vector<16xi32>
        %lt3A_943 = arith.cmpi slt, %sub3A_938, %lt3A_942 : vector<16xi32>
        %and3A_944 = arith.andi %ge3A_940, %lt3A_943 : vector<16xi1>
        %not3A = arith.constant dense<true> : vector<16xi1>
        %not3A_945 = arith.xori %and3A_936, %not3A : vector<16xi1>
        %and3A_946 = arith.andi %and3A_944, %not3A_945 : vector<16xi1>
        tpu.vector_store_idx %arg9[%sub3A_938], %add3A_925 masked %and3A_946 : memref<62504xi32, #tpu.memory_space<vmem>>[vector<16xi32>], vector<16xi32>, vector<16xi1>
      }
      %scan3A_896 = arith.constant 64 : i32
    } else {
    }
    %dma_wait3A_169 = arith.constant 0 : i32
    %dma_wait3A_170 = tpu.memref_slice %arg3[%add3A_94, %dma_wait3A_169] : memref<16384x128xf32, #tpu.memory_space<hbm>> -> memref<64x128xf32, #tpu.memory_space<hbm>>
    %dma_wait3A_171 = arith.constant 0 : i32
    %dma_wait3A_172 = tpu.memref_slice %arg3[%add3A_94, %dma_wait3A_171] : memref<16384x128xf32, #tpu.memory_space<hbm>> -> memref<64x128xf32, #tpu.memory_space<hbm>>
    tpu.wait_dma2 semaphore(%arg19 : memref<!tpu.dma_semaphore, #tpu.memory_space<semaphore_mem>>) src(%dma_wait3A_172 : memref<64x128xf32, #tpu.memory_space<hbm>>) dst(%arg12 : memref<64x128xf32, #tpu.memory_space<vmem>>)
    %add3A_173 = arith.constant 192 : i32
    %add3A_174 = arith.addi %mul3A_2, %add3A_173 : i32
    %dma_start3A_175 = arith.constant 0 : i32
    %dma_start3A_176 = tpu.memref_slice %arg5[%add3A_174, %dma_start3A_175] : memref<16384x128xf32, #tpu.memory_space<hbm>> -> memref<64x128xf32, #tpu.memory_space<hbm>>
    %dma_start3A_177 = arith.constant 0 : i32
    %dma_start3A_178 = tpu.memref_slice %arg5[%add3A_174, %dma_start3A_177] : memref<16384x128xf32, #tpu.memory_space<hbm>> -> memref<64x128xf32, #tpu.memory_space<hbm>>
    tpu.enqueue_dma source(%arg12 : memref<64x128xf32, #tpu.memory_space<vmem>>) target(%dma_start3A_178 : memref<64x128xf32, #tpu.memory_space<hbm>>) target_semaphore(%arg22 : memref<!tpu.dma_semaphore, #tpu.memory_space<semaphore_mem>>)
    %dma_wait3A_179 = arith.constant 0 : i32
    %dma_wait3A_180 = tpu.memref_slice %arg5[%add3A_129, %dma_wait3A_179] : memref<16384x128xf32, #tpu.memory_space<hbm>> -> memref<64x128xf32, #tpu.memory_space<hbm>>
    %dma_wait3A_181 = arith.constant 0 : i32
    %dma_wait3A_182 = tpu.memref_slice %arg5[%add3A_129, %dma_wait3A_181] : memref<16384x128xf32, #tpu.memory_space<hbm>> -> memref<64x128xf32, #tpu.memory_space<hbm>>
    tpu.wait_dma2 semaphore(%arg24 : memref<!tpu.dma_semaphore, #tpu.memory_space<semaphore_mem>>) src(%arg14 : memref<64x128xf32, #tpu.memory_space<vmem>>) dst(%dma_wait3A_182 : memref<64x128xf32, #tpu.memory_space<hbm>>)
    %add3A_183 = arith.constant 320 : i32
    %add3A_184 = arith.addi %mul3A_2, %add3A_183 : i32
    %dma_start3A_185 = arith.constant 0 : i32
    %dma_start3A_186 = tpu.memref_slice %arg3[%add3A_184, %dma_start3A_185] : memref<16384x128xf32, #tpu.memory_space<hbm>> -> memref<64x128xf32, #tpu.memory_space<hbm>>
    %dma_start3A_187 = arith.constant 0 : i32
    %dma_start3A_188 = tpu.memref_slice %arg3[%add3A_184, %dma_start3A_187] : memref<16384x128xf32, #tpu.memory_space<hbm>> -> memref<64x128xf32, #tpu.memory_space<hbm>>
    tpu.enqueue_dma source(%dma_start3A_188 : memref<64x128xf32, #tpu.memory_space<hbm>>) target(%arg14 : memref<64x128xf32, #tpu.memory_space<vmem>>) target_semaphore(%arg21 : memref<!tpu.dma_semaphore, #tpu.memory_space<semaphore_mem>>)
    %broadcast_in_dim3A_189 = arith.constant 0 : i32
    %broadcast_in_dim3A_190 = vector.broadcast %broadcast_in_dim3A_189 : i32 to vector<16xi32>
    %scan3A_191 = arith.constant 0 : i32
    %scan3A_192 = arith.constant 64 : i32
    %scan3A_193 = arith.addi %scan3A_191, %scan3A_192 : i32
    %scan3A_194 = arith.constant 1 : i32
    %scan3A_195 = scf.for %scan3A_891 = %scan3A_191 to %scan3A_193 step %scan3A_194 iter_args(%scan3A_892 = %broadcast_in_dim3A_190) -> (vector<16xi32>)  : i32 {
      %mul3A_893 = arith.constant 16 : i32
      %mul3A_894 = arith.muli %scan3A_891, %mul3A_893 : i32
      %add3A_895 = arith.constant 4096 : i32
      %add3A_896 = arith.addi %add3A_895, %mul3A_894 : i32
      %get3A_897 = arith.index_cast %add3A_896 : i32 to index
      %get3A_898 = tpu.vector_load %arg7[%get3A_897] {strides = array<i32>} : memref<16384xi32, #tpu.memory_space<vmem>>, vector<16xi32>,
      %sub3A_899 = vector.broadcast %mul3A_0 : i32 to vector<16xi32>
      %sub3A_900 = arith.subi %get3A_898, %sub3A_899 : vector<16xi32>
      %ge3A = arith.constant 0 : i32
      %ge3A_901 = vector.broadcast %ge3A : i32 to vector<16xi32>
      %ge3A_902 = arith.cmpi sge, %sub3A_900, %ge3A_901 : vector<16xi32>
      %lt3A_903 = arith.constant 62504 : i32
      %lt3A_904 = vector.broadcast %lt3A_903 : i32 to vector<16xi32>
      %lt3A_905 = arith.cmpi slt, %sub3A_900, %lt3A_904 : vector<16xi32>
      %and3A_906 = arith.andi %ge3A_902, %lt3A_905 : vector<16xi1>
      %mul3A_907 = arith.constant 16 : i32
      %mul3A_908 = arith.muli %scan3A_891, %mul3A_907 : i32
      %add3A_909 = arith.constant 4096 : i32
      %add3A_910 = arith.addi %add3A_909, %mul3A_908 : i32
      %add3A_911 = vector.broadcast %add3A_910 : i32 to vector<16xi32>
      %add3A_912 = arith.addi %add3A_911, %iota3A : vector<16xi32>
      tpu.vector_store_idx %arg9[%sub3A_900], %add3A_912 masked %and3A_906 : memref<62504xi32, #tpu.memory_space<vmem>>[vector<16xi32>], vector<16xi32>, vector<16xi1>
      %gather3A_913 = tpu.vector_load_idx %arg9[%sub3A_900] masked %and3A_906 : memref<62504xi32, #tpu.memory_space<vmem>>[vector<16xi32>], vector<16xi32>, vector<16xi1>
      %ne3A_914 = arith.cmpi ne, %gather3A_913, %add3A_912 : vector<16xi32>
      %and3A_915 = arith.andi %and3A_906, %ne3A_914 : vector<16xi1>
      %all_reduce_population_count3A = tpu.all_reduce %and3A_915 {dim = 0 : i64, kind = #tpu.reduction_kind<sum>} : vector<16xi1> -> vector<16xi32>
      %add3A_916 = arith.addi %scan3A_892, %all_reduce_population_count3A : vector<16xi32>
      scf.yield %add3A_916 : vector<16xi32>
    }
    %scan3A_196 = arith.constant 64 : i32
    %gt3A_197 = arith.constant 0 : i32
    %gt3A_198 = vector.broadcast %gt3A_197 : i32 to vector<16xi32>
    %gt3A_199 = arith.cmpi sgt, %scan3A_195, %gt3A_198 : vector<16xi32>
    %reduce_or3A_200 = arith.constant 1.000000e+00 : f32
    %reduce_or3A_201 = arith.constant 0.000000e+00 : f32
    %reduce_or3A_202 = vector.broadcast %reduce_or3A_200 : f32 to vector<16xf32>
    %reduce_or3A_203 = vector.broadcast %reduce_or3A_201 : f32 to vector<16xf32>
    %reduce_or3A_204 = arith.select %gt3A_199, %reduce_or3A_202, %reduce_or3A_203 : vector<16xi1>, vector<16xf32>
    %reduce_or3A_205 = arith.constant true
    %reduce_or3A_206 = vector.broadcast %reduce_or3A_205 : i1 to vector<16xi1>
    %reduce_or3A_207 = tpu.scan <max>, %reduce_or3A_204 masked %reduce_or3A_206 : vector<16xf32>, vector<16xi1> -> vector<16xf32>
    %reduce_or3A_208 = vector.extract %reduce_or3A_207[15] : f32 from vector<16xf32>
    %reduce_or3A_209 = arith.constant 0.000000e+00 : f32
    %reduce_or3A_210 = arith.cmpf ogt, %reduce_or3A_208, %reduce_or3A_209 : f32
    %convert_element_type3A_211 = arith.extui %reduce_or3A_210 : i1 to i32
    %cond3A_212 = arith.constant 0 : i32
    %cond3A_213 = arith.cmpi ne, %convert_element_type3A_211, %cond3A_212 : i32
    scf.if %cond3A_213 {
      %scan3A_891 = arith.constant 0 : i32
      %scan3A_892 = arith.constant 0 : i32
      %scan3A_893 = arith.constant 64 : i32
      %scan3A_894 = arith.addi %scan3A_892, %scan3A_893 : i32
      %scan3A_895 = arith.constant 1 : i32
      scf.for %scan3A_897 = %scan3A_892 to %scan3A_894 step %scan3A_895  : i32 {
        %mul3A_898 = arith.constant 16 : i32
        %mul3A_899 = arith.muli %scan3A_897, %mul3A_898 : i32
        %add3A_900 = arith.constant 4096 : i32
        %add3A_901 = arith.addi %add3A_900, %mul3A_899 : i32
        %get3A_902 = arith.index_cast %add3A_901 : i32 to index
        %get3A_903 = tpu.vector_load %arg7[%get3A_902] {strides = array<i32>} : memref<16384xi32, #tpu.memory_space<vmem>>, vector<16xi32>,
        %mul3A_904 = arith.constant 16 : i32
        %mul3A_905 = vector.broadcast %mul3A_904 : i32 to vector<16xi32>
        %mul3A_906 = arith.muli %get3A_903, %mul3A_905 : vector<16xi32>
        %add3A_907 = arith.addi %mul3A_906, %iota3A : vector<16xi32>
        %masked_sort3A = arith.constant dense<true> : vector<16xi1>
        %masked_sort3A_908 = arith.constant -2147483648 : i32
        %masked_sort3A_909 = vector.broadcast %masked_sort3A_908 : i32 to vector<16xi32>
        %masked_sort3A_910 = arith.xori %add3A_907, %masked_sort3A_909 : vector<16xi32>
        %masked_sort3A_911, %masked_sort3A_912, %masked_sort3A_913 = tpu.sort %masked_sort3A_910, %add3A_907 masked %masked_sort3A : (vector<16xi32>, vector<16xi32>, vector<16xi1>) -> (vector<16xi1>, vector<16xi32>, vector<16xi32>)
        %masked_sort3A_914 = arith.xori %masked_sort3A_912, %masked_sort3A_909 : vector<16xi32>
        %shift_right_arithmetic3A = arith.constant 4 : i32
        %shift_right_arithmetic3A_915 = vector.broadcast %shift_right_arithmetic3A : i32 to vector<16xi32>
        %shift_right_arithmetic3A_916 = arith.shrsi %masked_sort3A_914, %shift_right_arithmetic3A_915 : vector<16xi32>
        %mul3A_917 = arith.constant 16 : i32
        %mul3A_918 = arith.muli %scan3A_897, %mul3A_917 : i32
        %add3A_919 = arith.constant 4096 : i32
        %add3A_920 = arith.addi %add3A_919, %mul3A_918 : i32
        %and3A_921 = arith.constant 15 : i32
        %and3A_922 = vector.broadcast %and3A_921 : i32 to vector<16xi32>
        %and3A_923 = arith.andi %masked_sort3A_914, %and3A_922 : vector<16xi32>
        %add3A_924 = vector.broadcast %add3A_920 : i32 to vector<16xi32>
        %add3A_925 = arith.addi %add3A_924, %and3A_923 : vector<16xi32>
        %lt3A_926 = arith.constant 0 : i32
        %lt3A_927 = vector.broadcast %lt3A_926 : i32 to vector<16xi32>
        %lt3A_928 = arith.cmpi slt, %min3A_6, %lt3A_927 : vector<16xi32>
        %add3A_929 = arith.constant 16 : i32
        %add3A_930 = vector.broadcast %add3A_929 : i32 to vector<16xi32>
        %add3A_931 = arith.addi %min3A_6, %add3A_930 : vector<16xi32>
        %select_n3A_932 = arith.select %lt3A_928, %add3A_931, %min3A_6 : vector<16xi1>, vector<16xi32>
        %broadcast_in_dim3A_933 = vector.shape_cast %select_n3A_932 : vector<16xi32> to vector<16x1xi32>
        %gather3A_934 = vector.shape_cast %broadcast_in_dim3A_933 : vector<16x1xi32> to vector<16xi32>
        %gather3A_935 = tpu.dynamic_gather %shift_right_arithmetic3A_916[%gather3A_934] in [0] : vector<16xi32>, vector<16xi32> -> vector<16xi32>
        %eq3A = arith.cmpi eq, %shift_right_arithmetic3A_916, %gather3A_935 : vector<16xi32>
        %and3A_936 = arith.andi %eq3A, %lt3A_8 : vector<16xi1>
        %sub3A_937 = vector.broadcast %mul3A_0 : i32 to vector<16xi32>
        %sub3A_938 = arith.subi %shift_right_arithmetic3A_916, %sub3A_937 : vector<16xi32>
        %ge3A = arith.constant 0 : i32
        %ge3A_939 = vector.broadcast %ge3A : i32 to vector<16xi32>
        %ge3A_940 = arith.cmpi sge, %sub3A_938, %ge3A_939 : vector<16xi32>
        %lt3A_941 = arith.constant 62504 : i32
        %lt3A_942 = vector.broadcast %lt3A_941 : i32 to vector<16xi32>
        %lt3A_943 = arith.cmpi slt, %sub3A_938, %lt3A_942 : vector<16xi32>
        %and3A_944 = arith.andi %ge3A_940, %lt3A_943 : vector<16xi1>
        %not3A = arith.constant dense<true> : vector<16xi1>
        %not3A_945 = arith.xori %and3A_936, %not3A : vector<16xi1>
        %and3A_946 = arith.andi %and3A_944, %not3A_945 : vector<16xi1>
        tpu.vector_store_idx %arg9[%sub3A_938], %add3A_925 masked %and3A_946 : memref<62504xi32, #tpu.memory_space<vmem>>[vector<16xi32>], vector<16xi32>, vector<16xi1>
      }
      %scan3A_896 = arith.constant 64 : i32
    } else {
    }
    %dma_wait3A_214 = arith.constant 0 : i32
    %dma_wait3A_215 = tpu.memref_slice %arg3[%add3A_139, %dma_wait3A_214] : memref<16384x128xf32, #tpu.memory_space<hbm>> -> memref<64x128xf32, #tpu.memory_space<hbm>>
    %dma_wait3A_216 = arith.constant 0 : i32
    %dma_wait3A_217 = tpu.memref_slice %arg3[%add3A_139, %dma_wait3A_216] : memref<16384x128xf32, #tpu.memory_space<hbm>> -> memref<64x128xf32, #tpu.memory_space<hbm>>
    tpu.wait_dma2 semaphore(%arg20 : memref<!tpu.dma_semaphore, #tpu.memory_space<semaphore_mem>>) src(%dma_wait3A_217 : memref<64x128xf32, #tpu.memory_space<hbm>>) dst(%arg13 : memref<64x128xf32, #tpu.memory_space<vmem>>)
    %add3A_218 = arith.constant 256 : i32
    %add3A_219 = arith.addi %mul3A_2, %add3A_218 : i32
    %dma_start3A_220 = arith.constant 0 : i32
    %dma_start3A_221 = tpu.memref_slice %arg5[%add3A_219, %dma_start3A_220] : memref<16384x128xf32, #tpu.memory_space<hbm>> -> memref<64x128xf32, #tpu.memory_space<hbm>>
    %dma_start3A_222 = arith.constant 0 : i32
    %dma_start3A_223 = tpu.memref_slice %arg5[%add3A_219, %dma_start3A_222] : memref<16384x128xf32, #tpu.memory_space<hbm>> -> memref<64x128xf32, #tpu.memory_space<hbm>>
    tpu.enqueue_dma source(%arg13 : memref<64x128xf32, #tpu.memory_space<vmem>>) target(%dma_start3A_223 : memref<64x128xf32, #tpu.memory_space<hbm>>) target_semaphore(%arg23 : memref<!tpu.dma_semaphore, #tpu.memory_space<semaphore_mem>>)
    %dma_wait3A_224 = arith.constant 0 : i32
    %dma_wait3A_225 = tpu.memref_slice %arg5[%add3A_174, %dma_wait3A_224] : memref<16384x128xf32, #tpu.memory_space<hbm>> -> memref<64x128xf32, #tpu.memory_space<hbm>>
    %dma_wait3A_226 = arith.constant 0 : i32
    %dma_wait3A_227 = tpu.memref_slice %arg5[%add3A_174, %dma_wait3A_226] : memref<16384x128xf32, #tpu.memory_space<hbm>> -> memref<64x128xf32, #tpu.memory_space<hbm>>
    tpu.wait_dma2 semaphore(%arg22 : memref<!tpu.dma_semaphore, #tpu.memory_space<semaphore_mem>>) src(%arg12 : memref<64x128xf32, #tpu.memory_space<vmem>>) dst(%dma_wait3A_227 : memref<64x128xf32, #tpu.memory_space<hbm>>)
    %add3A_228 = arith.constant 384 : i32
    %add3A_229 = arith.addi %mul3A_2, %add3A_228 : i32
    %dma_start3A_230 = arith.constant 0 : i32
    %dma_start3A_231 = tpu.memref_slice %arg3[%add3A_229, %dma_start3A_230] : memref<16384x128xf32, #tpu.memory_space<hbm>> -> memref<64x128xf32, #tpu.memory_space<hbm>>
    %dma_start3A_232 = arith.constant 0 : i32
    %dma_start3A_233 = tpu.memref_slice %arg3[%add3A_229, %dma_start3A_232] : memref<16384x128xf32, #tpu.memory_space<hbm>> -> memref<64x128xf32, #tpu.memory_space<hbm>>
    tpu.enqueue_dma source(%dma_start3A_233 : memref<64x128xf32, #tpu.memory_space<hbm>>) target(%arg12 : memref<64x128xf32, #tpu.memory_space<vmem>>) target_semaphore(%arg19 : memref<!tpu.dma_semaphore, #tpu.memory_space<semaphore_mem>>)
    %broadcast_in_dim3A_234 = arith.constant 0 : i32
    %broadcast_in_dim3A_235 = vector.broadcast %broadcast_in_dim3A_234 : i32 to vector<16xi32>
    %scan3A_236 = arith.constant 0 : i32
    %scan3A_237 = arith.constant 64 : i32
    %scan3A_238 = arith.addi %scan3A_236, %scan3A_237 : i32
    %scan3A_239 = arith.constant 1 : i32
    %scan3A_240 = scf.for %scan3A_891 = %scan3A_236 to %scan3A_238 step %scan3A_239 iter_args(%scan3A_892 = %broadcast_in_dim3A_235) -> (vector<16xi32>)  : i32 {
      %mul3A_893 = arith.constant 16 : i32
      %mul3A_894 = arith.muli %scan3A_891, %mul3A_893 : i32
      %add3A_895 = arith.constant 5120 : i32
      %add3A_896 = arith.addi %add3A_895, %mul3A_894 : i32
      %get3A_897 = arith.index_cast %add3A_896 : i32 to index
      %get3A_898 = tpu.vector_load %arg7[%get3A_897] {strides = array<i32>} : memref<16384xi32, #tpu.memory_space<vmem>>, vector<16xi32>,
      %sub3A_899 = vector.broadcast %mul3A_0 : i32 to vector<16xi32>
      %sub3A_900 = arith.subi %get3A_898, %sub3A_899 : vector<16xi32>
      %ge3A = arith.constant 0 : i32
      %ge3A_901 = vector.broadcast %ge3A : i32 to vector<16xi32>
      %ge3A_902 = arith.cmpi sge, %sub3A_900, %ge3A_901 : vector<16xi32>
      %lt3A_903 = arith.constant 62504 : i32
      %lt3A_904 = vector.broadcast %lt3A_903 : i32 to vector<16xi32>
      %lt3A_905 = arith.cmpi slt, %sub3A_900, %lt3A_904 : vector<16xi32>
      %and3A_906 = arith.andi %ge3A_902, %lt3A_905 : vector<16xi1>
      %mul3A_907 = arith.constant 16 : i32
      %mul3A_908 = arith.muli %scan3A_891, %mul3A_907 : i32
      %add3A_909 = arith.constant 5120 : i32
      %add3A_910 = arith.addi %add3A_909, %mul3A_908 : i32
      %add3A_911 = vector.broadcast %add3A_910 : i32 to vector<16xi32>
      %add3A_912 = arith.addi %add3A_911, %iota3A : vector<16xi32>
      tpu.vector_store_idx %arg9[%sub3A_900], %add3A_912 masked %and3A_906 : memref<62504xi32, #tpu.memory_space<vmem>>[vector<16xi32>], vector<16xi32>, vector<16xi1>
      %gather3A_913 = tpu.vector_load_idx %arg9[%sub3A_900] masked %and3A_906 : memref<62504xi32, #tpu.memory_space<vmem>>[vector<16xi32>], vector<16xi32>, vector<16xi1>
      %ne3A_914 = arith.cmpi ne, %gather3A_913, %add3A_912 : vector<16xi32>
      %and3A_915 = arith.andi %and3A_906, %ne3A_914 : vector<16xi1>
      %all_reduce_population_count3A = tpu.all_reduce %and3A_915 {dim = 0 : i64, kind = #tpu.reduction_kind<sum>} : vector<16xi1> -> vector<16xi32>
      %add3A_916 = arith.addi %scan3A_892, %all_reduce_population_count3A : vector<16xi32>
      scf.yield %add3A_916 : vector<16xi32>
    }
    %scan3A_241 = arith.constant 64 : i32
    %gt3A_242 = arith.constant 0 : i32
    %gt3A_243 = vector.broadcast %gt3A_242 : i32 to vector<16xi32>
    %gt3A_244 = arith.cmpi sgt, %scan3A_240, %gt3A_243 : vector<16xi32>
    %reduce_or3A_245 = arith.constant 1.000000e+00 : f32
    %reduce_or3A_246 = arith.constant 0.000000e+00 : f32
    %reduce_or3A_247 = vector.broadcast %reduce_or3A_245 : f32 to vector<16xf32>
    %reduce_or3A_248 = vector.broadcast %reduce_or3A_246 : f32 to vector<16xf32>
    %reduce_or3A_249 = arith.select %gt3A_244, %reduce_or3A_247, %reduce_or3A_248 : vector<16xi1>, vector<16xf32>
    %reduce_or3A_250 = arith.constant true
    %reduce_or3A_251 = vector.broadcast %reduce_or3A_250 : i1 to vector<16xi1>
    %reduce_or3A_252 = tpu.scan <max>, %reduce_or3A_249 masked %reduce_or3A_251 : vector<16xf32>, vector<16xi1> -> vector<16xf32>
    %reduce_or3A_253 = vector.extract %reduce_or3A_252[15] : f32 from vector<16xf32>
    %reduce_or3A_254 = arith.constant 0.000000e+00 : f32
    %reduce_or3A_255 = arith.cmpf ogt, %reduce_or3A_253, %reduce_or3A_254 : f32
    %convert_element_type3A_256 = arith.extui %reduce_or3A_255 : i1 to i32
    %cond3A_257 = arith.constant 0 : i32
    %cond3A_258 = arith.cmpi ne, %convert_element_type3A_256, %cond3A_257 : i32
    scf.if %cond3A_258 {
      %scan3A_891 = arith.constant 0 : i32
      %scan3A_892 = arith.constant 0 : i32
      %scan3A_893 = arith.constant 64 : i32
      %scan3A_894 = arith.addi %scan3A_892, %scan3A_893 : i32
      %scan3A_895 = arith.constant 1 : i32
      scf.for %scan3A_897 = %scan3A_892 to %scan3A_894 step %scan3A_895  : i32 {
        %mul3A_898 = arith.constant 16 : i32
        %mul3A_899 = arith.muli %scan3A_897, %mul3A_898 : i32
        %add3A_900 = arith.constant 5120 : i32
        %add3A_901 = arith.addi %add3A_900, %mul3A_899 : i32
        %get3A_902 = arith.index_cast %add3A_901 : i32 to index
        %get3A_903 = tpu.vector_load %arg7[%get3A_902] {strides = array<i32>} : memref<16384xi32, #tpu.memory_space<vmem>>, vector<16xi32>,
        %mul3A_904 = arith.constant 16 : i32
        %mul3A_905 = vector.broadcast %mul3A_904 : i32 to vector<16xi32>
        %mul3A_906 = arith.muli %get3A_903, %mul3A_905 : vector<16xi32>
        %add3A_907 = arith.addi %mul3A_906, %iota3A : vector<16xi32>
        %masked_sort3A = arith.constant dense<true> : vector<16xi1>
        %masked_sort3A_908 = arith.constant -2147483648 : i32
        %masked_sort3A_909 = vector.broadcast %masked_sort3A_908 : i32 to vector<16xi32>
        %masked_sort3A_910 = arith.xori %add3A_907, %masked_sort3A_909 : vector<16xi32>
        %masked_sort3A_911, %masked_sort3A_912, %masked_sort3A_913 = tpu.sort %masked_sort3A_910, %add3A_907 masked %masked_sort3A : (vector<16xi32>, vector<16xi32>, vector<16xi1>) -> (vector<16xi1>, vector<16xi32>, vector<16xi32>)
        %masked_sort3A_914 = arith.xori %masked_sort3A_912, %masked_sort3A_909 : vector<16xi32>
        %shift_right_arithmetic3A = arith.constant 4 : i32
        %shift_right_arithmetic3A_915 = vector.broadcast %shift_right_arithmetic3A : i32 to vector<16xi32>
        %shift_right_arithmetic3A_916 = arith.shrsi %masked_sort3A_914, %shift_right_arithmetic3A_915 : vector<16xi32>
        %mul3A_917 = arith.constant 16 : i32
        %mul3A_918 = arith.muli %scan3A_897, %mul3A_917 : i32
        %add3A_919 = arith.constant 5120 : i32
        %add3A_920 = arith.addi %add3A_919, %mul3A_918 : i32
        %and3A_921 = arith.constant 15 : i32
        %and3A_922 = vector.broadcast %and3A_921 : i32 to vector<16xi32>
        %and3A_923 = arith.andi %masked_sort3A_914, %and3A_922 : vector<16xi32>
        %add3A_924 = vector.broadcast %add3A_920 : i32 to vector<16xi32>
        %add3A_925 = arith.addi %add3A_924, %and3A_923 : vector<16xi32>
        %lt3A_926 = arith.constant 0 : i32
        %lt3A_927 = vector.broadcast %lt3A_926 : i32 to vector<16xi32>
        %lt3A_928 = arith.cmpi slt, %min3A_6, %lt3A_927 : vector<16xi32>
        %add3A_929 = arith.constant 16 : i32
        %add3A_930 = vector.broadcast %add3A_929 : i32 to vector<16xi32>
        %add3A_931 = arith.addi %min3A_6, %add3A_930 : vector<16xi32>
        %select_n3A_932 = arith.select %lt3A_928, %add3A_931, %min3A_6 : vector<16xi1>, vector<16xi32>
        %broadcast_in_dim3A_933 = vector.shape_cast %select_n3A_932 : vector<16xi32> to vector<16x1xi32>
        %gather3A_934 = vector.shape_cast %broadcast_in_dim3A_933 : vector<16x1xi32> to vector<16xi32>
        %gather3A_935 = tpu.dynamic_gather %shift_right_arithmetic3A_916[%gather3A_934] in [0] : vector<16xi32>, vector<16xi32> -> vector<16xi32>
        %eq3A = arith.cmpi eq, %shift_right_arithmetic3A_916, %gather3A_935 : vector<16xi32>
        %and3A_936 = arith.andi %eq3A, %lt3A_8 : vector<16xi1>
        %sub3A_937 = vector.broadcast %mul3A_0 : i32 to vector<16xi32>
        %sub3A_938 = arith.subi %shift_right_arithmetic3A_916, %sub3A_937 : vector<16xi32>
        %ge3A = arith.constant 0 : i32
        %ge3A_939 = vector.broadcast %ge3A : i32 to vector<16xi32>
        %ge3A_940 = arith.cmpi sge, %sub3A_938, %ge3A_939 : vector<16xi32>
        %lt3A_941 = arith.constant 62504 : i32
        %lt3A_942 = vector.broadcast %lt3A_941 : i32 to vector<16xi32>
        %lt3A_943 = arith.cmpi slt, %sub3A_938, %lt3A_942 : vector<16xi32>
        %and3A_944 = arith.andi %ge3A_940, %lt3A_943 : vector<16xi1>
        %not3A = arith.constant dense<true> : vector<16xi1>
        %not3A_945 = arith.xori %and3A_936, %not3A : vector<16xi1>
        %and3A_946 = arith.andi %and3A_944, %not3A_945 : vector<16xi1>
        tpu.vector_store_idx %arg9[%sub3A_938], %add3A_925 masked %and3A_946 : memref<62504xi32, #tpu.memory_space<vmem>>[vector<16xi32>], vector<16xi32>, vector<16xi1>
      }
      %scan3A_896 = arith.constant 64 : i32
    } else {
    }
    %dma_wait3A_259 = arith.constant 0 : i32
    %dma_wait3A_260 = tpu.memref_slice %arg3[%add3A_184, %dma_wait3A_259] : memref<16384x128xf32, #tpu.memory_space<hbm>> -> memref<64x128xf32, #tpu.memory_space<hbm>>
    %dma_wait3A_261 = arith.constant 0 : i32
    %dma_wait3A_262 = tpu.memref_slice %arg3[%add3A_184, %dma_wait3A_261] : memref<16384x128xf32, #tpu.memory_space<hbm>> -> memref<64x128xf32, #tpu.memory_space<hbm>>
    tpu.wait_dma2 semaphore(%arg21 : memref<!tpu.dma_semaphore, #tpu.memory_space<semaphore_mem>>) src(%dma_wait3A_262 : memref<64x128xf32, #tpu.memory_space<hbm>>) dst(%arg14 : memref<64x128xf32, #tpu.memory_space<vmem>>)
    %add3A_263 = arith.constant 320 : i32
    %add3A_264 = arith.addi %mul3A_2, %add3A_263 : i32
    %dma_start3A_265 = arith.constant 0 : i32
    %dma_start3A_266 = tpu.memref_slice %arg5[%add3A_264, %dma_start3A_265] : memref<16384x128xf32, #tpu.memory_space<hbm>> -> memref<64x128xf32, #tpu.memory_space<hbm>>
    %dma_start3A_267 = arith.constant 0 : i32
    %dma_start3A_268 = tpu.memref_slice %arg5[%add3A_264, %dma_start3A_267] : memref<16384x128xf32, #tpu.memory_space<hbm>> -> memref<64x128xf32, #tpu.memory_space<hbm>>
    tpu.enqueue_dma source(%arg14 : memref<64x128xf32, #tpu.memory_space<vmem>>) target(%dma_start3A_268 : memref<64x128xf32, #tpu.memory_space<hbm>>) target_semaphore(%arg24 : memref<!tpu.dma_semaphore, #tpu.memory_space<semaphore_mem>>)
    %dma_wait3A_269 = arith.constant 0 : i32
    %dma_wait3A_270 = tpu.memref_slice %arg5[%add3A_219, %dma_wait3A_269] : memref<16384x128xf32, #tpu.memory_space<hbm>> -> memref<64x128xf32, #tpu.memory_space<hbm>>
    %dma_wait3A_271 = arith.constant 0 : i32
    %dma_wait3A_272 = tpu.memref_slice %arg5[%add3A_219, %dma_wait3A_271] : memref<16384x128xf32, #tpu.memory_space<hbm>> -> memref<64x128xf32, #tpu.memory_space<hbm>>
    tpu.wait_dma2 semaphore(%arg23 : memref<!tpu.dma_semaphore, #tpu.memory_space<semaphore_mem>>) src(%arg13 : memref<64x128xf32, #tpu.memory_space<vmem>>) dst(%dma_wait3A_272 : memref<64x128xf32, #tpu.memory_space<hbm>>)
    %add3A_273 = arith.constant 448 : i32
    %add3A_274 = arith.addi %mul3A_2, %add3A_273 : i32
    %dma_start3A_275 = arith.constant 0 : i32
    %dma_start3A_276 = tpu.memref_slice %arg3[%add3A_274, %dma_start3A_275] : memref<16384x128xf32, #tpu.memory_space<hbm>> -> memref<64x128xf32, #tpu.memory_space<hbm>>
    %dma_start3A_277 = arith.constant 0 : i32
    %dma_start3A_278 = tpu.memref_slice %arg3[%add3A_274, %dma_start3A_277] : memref<16384x128xf32, #tpu.memory_space<hbm>> -> memref<64x128xf32, #tpu.memory_space<hbm>>
    tpu.enqueue_dma source(%dma_start3A_278 : memref<64x128xf32, #tpu.memory_space<hbm>>) target(%arg13 : memref<64x128xf32, #tpu.memory_space<vmem>>) target_semaphore(%arg20 : memref<!tpu.dma_semaphore, #tpu.memory_space<semaphore_mem>>)
    %broadcast_in_dim3A_279 = arith.constant 0 : i32
    %broadcast_in_dim3A_280 = vector.broadcast %broadcast_in_dim3A_279 : i32 to vector<16xi32>
    %scan3A_281 = arith.constant 0 : i32
    %scan3A_282 = arith.constant 64 : i32
    %scan3A_283 = arith.addi %scan3A_281, %scan3A_282 : i32
    %scan3A_284 = arith.constant 1 : i32
    %scan3A_285 = scf.for %scan3A_891 = %scan3A_281 to %scan3A_283 step %scan3A_284 iter_args(%scan3A_892 = %broadcast_in_dim3A_280) -> (vector<16xi32>)  : i32 {
      %mul3A_893 = arith.constant 16 : i32
      %mul3A_894 = arith.muli %scan3A_891, %mul3A_893 : i32
      %add3A_895 = arith.constant 6144 : i32
      %add3A_896 = arith.addi %add3A_895, %mul3A_894 : i32
      %get3A_897 = arith.index_cast %add3A_896 : i32 to index
      %get3A_898 = tpu.vector_load %arg7[%get3A_897] {strides = array<i32>} : memref<16384xi32, #tpu.memory_space<vmem>>, vector<16xi32>,
      %sub3A_899 = vector.broadcast %mul3A_0 : i32 to vector<16xi32>
      %sub3A_900 = arith.subi %get3A_898, %sub3A_899 : vector<16xi32>
      %ge3A = arith.constant 0 : i32
      %ge3A_901 = vector.broadcast %ge3A : i32 to vector<16xi32>
      %ge3A_902 = arith.cmpi sge, %sub3A_900, %ge3A_901 : vector<16xi32>
      %lt3A_903 = arith.constant 62504 : i32
      %lt3A_904 = vector.broadcast %lt3A_903 : i32 to vector<16xi32>
      %lt3A_905 = arith.cmpi slt, %sub3A_900, %lt3A_904 : vector<16xi32>
      %and3A_906 = arith.andi %ge3A_902, %lt3A_905 : vector<16xi1>
      %mul3A_907 = arith.constant 16 : i32
      %mul3A_908 = arith.muli %scan3A_891, %mul3A_907 : i32
      %add3A_909 = arith.constant 6144 : i32
      %add3A_910 = arith.addi %add3A_909, %mul3A_908 : i32
      %add3A_911 = vector.broadcast %add3A_910 : i32 to vector<16xi32>
      %add3A_912 = arith.addi %add3A_911, %iota3A : vector<16xi32>
      tpu.vector_store_idx %arg9[%sub3A_900], %add3A_912 masked %and3A_906 : memref<62504xi32, #tpu.memory_space<vmem>>[vector<16xi32>], vector<16xi32>, vector<16xi1>
      %gather3A_913 = tpu.vector_load_idx %arg9[%sub3A_900] masked %and3A_906 : memref<62504xi32, #tpu.memory_space<vmem>>[vector<16xi32>], vector<16xi32>, vector<16xi1>
      %ne3A_914 = arith.cmpi ne, %gather3A_913, %add3A_912 : vector<16xi32>
      %and3A_915 = arith.andi %and3A_906, %ne3A_914 : vector<16xi1>
      %all_reduce_population_count3A = tpu.all_reduce %and3A_915 {dim = 0 : i64, kind = #tpu.reduction_kind<sum>} : vector<16xi1> -> vector<16xi32>
      %add3A_916 = arith.addi %scan3A_892, %all_reduce_population_count3A : vector<16xi32>
      scf.yield %add3A_916 : vector<16xi32>
    }
    %scan3A_286 = arith.constant 64 : i32
    %gt3A_287 = arith.constant 0 : i32
    %gt3A_288 = vector.broadcast %gt3A_287 : i32 to vector<16xi32>
    %gt3A_289 = arith.cmpi sgt, %scan3A_285, %gt3A_288 : vector<16xi32>
    %reduce_or3A_290 = arith.constant 1.000000e+00 : f32
    %reduce_or3A_291 = arith.constant 0.000000e+00 : f32
    %reduce_or3A_292 = vector.broadcast %reduce_or3A_290 : f32 to vector<16xf32>
    %reduce_or3A_293 = vector.broadcast %reduce_or3A_291 : f32 to vector<16xf32>
    %reduce_or3A_294 = arith.select %gt3A_289, %reduce_or3A_292, %reduce_or3A_293 : vector<16xi1>, vector<16xf32>
    %reduce_or3A_295 = arith.constant true
    %reduce_or3A_296 = vector.broadcast %reduce_or3A_295 : i1 to vector<16xi1>
    %reduce_or3A_297 = tpu.scan <max>, %reduce_or3A_294 masked %reduce_or3A_296 : vector<16xf32>, vector<16xi1> -> vector<16xf32>
    %reduce_or3A_298 = vector.extract %reduce_or3A_297[15] : f32 from vector<16xf32>
    %reduce_or3A_299 = arith.constant 0.000000e+00 : f32
    %reduce_or3A_300 = arith.cmpf ogt, %reduce_or3A_298, %reduce_or3A_299 : f32
    %convert_element_type3A_301 = arith.extui %reduce_or3A_300 : i1 to i32
    %cond3A_302 = arith.constant 0 : i32
    %cond3A_303 = arith.cmpi ne, %convert_element_type3A_301, %cond3A_302 : i32
    scf.if %cond3A_303 {
      %scan3A_891 = arith.constant 0 : i32
      %scan3A_892 = arith.constant 0 : i32
      %scan3A_893 = arith.constant 64 : i32
      %scan3A_894 = arith.addi %scan3A_892, %scan3A_893 : i32
      %scan3A_895 = arith.constant 1 : i32
      scf.for %scan3A_897 = %scan3A_892 to %scan3A_894 step %scan3A_895  : i32 {
        %mul3A_898 = arith.constant 16 : i32
        %mul3A_899 = arith.muli %scan3A_897, %mul3A_898 : i32
        %add3A_900 = arith.constant 6144 : i32
        %add3A_901 = arith.addi %add3A_900, %mul3A_899 : i32
        %get3A_902 = arith.index_cast %add3A_901 : i32 to index
        %get3A_903 = tpu.vector_load %arg7[%get3A_902] {strides = array<i32>} : memref<16384xi32, #tpu.memory_space<vmem>>, vector<16xi32>,
        %mul3A_904 = arith.constant 16 : i32
        %mul3A_905 = vector.broadcast %mul3A_904 : i32 to vector<16xi32>
        %mul3A_906 = arith.muli %get3A_903, %mul3A_905 : vector<16xi32>
        %add3A_907 = arith.addi %mul3A_906, %iota3A : vector<16xi32>
        %masked_sort3A = arith.constant dense<true> : vector<16xi1>
        %masked_sort3A_908 = arith.constant -2147483648 : i32
        %masked_sort3A_909 = vector.broadcast %masked_sort3A_908 : i32 to vector<16xi32>
        %masked_sort3A_910 = arith.xori %add3A_907, %masked_sort3A_909 : vector<16xi32>
        %masked_sort3A_911, %masked_sort3A_912, %masked_sort3A_913 = tpu.sort %masked_sort3A_910, %add3A_907 masked %masked_sort3A : (vector<16xi32>, vector<16xi32>, vector<16xi1>) -> (vector<16xi1>, vector<16xi32>, vector<16xi32>)
        %masked_sort3A_914 = arith.xori %masked_sort3A_912, %masked_sort3A_909 : vector<16xi32>
        %shift_right_arithmetic3A = arith.constant 4 : i32
        %shift_right_arithmetic3A_915 = vector.broadcast %shift_right_arithmetic3A : i32 to vector<16xi32>
        %shift_right_arithmetic3A_916 = arith.shrsi %masked_sort3A_914, %shift_right_arithmetic3A_915 : vector<16xi32>
        %mul3A_917 = arith.constant 16 : i32
        %mul3A_918 = arith.muli %scan3A_897, %mul3A_917 : i32
        %add3A_919 = arith.constant 6144 : i32
        %add3A_920 = arith.addi %add3A_919, %mul3A_918 : i32
        %and3A_921 = arith.constant 15 : i32
        %and3A_922 = vector.broadcast %and3A_921 : i32 to vector<16xi32>
        %and3A_923 = arith.andi %masked_sort3A_914, %and3A_922 : vector<16xi32>
        %add3A_924 = vector.broadcast %add3A_920 : i32 to vector<16xi32>
        %add3A_925 = arith.addi %add3A_924, %and3A_923 : vector<16xi32>
        %lt3A_926 = arith.constant 0 : i32
        %lt3A_927 = vector.broadcast %lt3A_926 : i32 to vector<16xi32>
        %lt3A_928 = arith.cmpi slt, %min3A_6, %lt3A_927 : vector<16xi32>
        %add3A_929 = arith.constant 16 : i32
        %add3A_930 = vector.broadcast %add3A_929 : i32 to vector<16xi32>
        %add3A_931 = arith.addi %min3A_6, %add3A_930 : vector<16xi32>
        %select_n3A_932 = arith.select %lt3A_928, %add3A_931, %min3A_6 : vector<16xi1>, vector<16xi32>
        %broadcast_in_dim3A_933 = vector.shape_cast %select_n3A_932 : vector<16xi32> to vector<16x1xi32>
        %gather3A_934 = vector.shape_cast %broadcast_in_dim3A_933 : vector<16x1xi32> to vector<16xi32>
        %gather3A_935 = tpu.dynamic_gather %shift_right_arithmetic3A_916[%gather3A_934] in [0] : vector<16xi32>, vector<16xi32> -> vector<16xi32>
        %eq3A = arith.cmpi eq, %shift_right_arithmetic3A_916, %gather3A_935 : vector<16xi32>
        %and3A_936 = arith.andi %eq3A, %lt3A_8 : vector<16xi1>
        %sub3A_937 = vector.broadcast %mul3A_0 : i32 to vector<16xi32>
        %sub3A_938 = arith.subi %shift_right_arithmetic3A_916, %sub3A_937 : vector<16xi32>
        %ge3A = arith.constant 0 : i32
        %ge3A_939 = vector.broadcast %ge3A : i32 to vector<16xi32>
        %ge3A_940 = arith.cmpi sge, %sub3A_938, %ge3A_939 : vector<16xi32>
        %lt3A_941 = arith.constant 62504 : i32
        %lt3A_942 = vector.broadcast %lt3A_941 : i32 to vector<16xi32>
        %lt3A_943 = arith.cmpi slt, %sub3A_938, %lt3A_942 : vector<16xi32>
        %and3A_944 = arith.andi %ge3A_940, %lt3A_943 : vector<16xi1>
        %not3A = arith.constant dense<true> : vector<16xi1>
        %not3A_945 = arith.xori %and3A_936, %not3A : vector<16xi1>
        %and3A_946 = arith.andi %and3A_944, %not3A_945 : vector<16xi1>
        tpu.vector_store_idx %arg9[%sub3A_938], %add3A_925 masked %and3A_946 : memref<62504xi32, #tpu.memory_space<vmem>>[vector<16xi32>], vector<16xi32>, vector<16xi1>
      }
      %scan3A_896 = arith.constant 64 : i32
    } else {
    }
    %dma_wait3A_304 = arith.constant 0 : i32
    %dma_wait3A_305 = tpu.memref_slice %arg3[%add3A_229, %dma_wait3A_304] : memref<16384x128xf32, #tpu.memory_space<hbm>> -> memref<64x128xf32, #tpu.memory_space<hbm>>
    %dma_wait3A_306 = arith.constant 0 : i32
    %dma_wait3A_307 = tpu.memref_slice %arg3[%add3A_229, %dma_wait3A_306] : memref<16384x128xf32, #tpu.memory_space<hbm>> -> memref<64x128xf32, #tpu.memory_space<hbm>>
    tpu.wait_dma2 semaphore(%arg19 : memref<!tpu.dma_semaphore, #tpu.memory_space<semaphore_mem>>) src(%dma_wait3A_307 : memref<64x128xf32, #tpu.memory_space<hbm>>) dst(%arg12 : memref<64x128xf32, #tpu.memory_space<vmem>>)
    %add3A_308 = arith.constant 384 : i32
    %add3A_309 = arith.addi %mul3A_2, %add3A_308 : i32
    %dma_start3A_310 = arith.constant 0 : i32
    %dma_start3A_311 = tpu.memref_slice %arg5[%add3A_309, %dma_start3A_310] : memref<16384x128xf32, #tpu.memory_space<hbm>> -> memref<64x128xf32, #tpu.memory_space<hbm>>
    %dma_start3A_312 = arith.constant 0 : i32
    %dma_start3A_313 = tpu.memref_slice %arg5[%add3A_309, %dma_start3A_312] : memref<16384x128xf32, #tpu.memory_space<hbm>> -> memref<64x128xf32, #tpu.memory_space<hbm>>
    tpu.enqueue_dma source(%arg12 : memref<64x128xf32, #tpu.memory_space<vmem>>) target(%dma_start3A_313 : memref<64x128xf32, #tpu.memory_space<hbm>>) target_semaphore(%arg22 : memref<!tpu.dma_semaphore, #tpu.memory_space<semaphore_mem>>)
    %dma_wait3A_314 = arith.constant 0 : i32
    %dma_wait3A_315 = tpu.memref_slice %arg5[%add3A_264, %dma_wait3A_314] : memref<16384x128xf32, #tpu.memory_space<hbm>> -> memref<64x128xf32, #tpu.memory_space<hbm>>
    %dma_wait3A_316 = arith.constant 0 : i32
    %dma_wait3A_317 = tpu.memref_slice %arg5[%add3A_264, %dma_wait3A_316] : memref<16384x128xf32, #tpu.memory_space<hbm>> -> memref<64x128xf32, #tpu.memory_space<hbm>>
    tpu.wait_dma2 semaphore(%arg24 : memref<!tpu.dma_semaphore, #tpu.memory_space<semaphore_mem>>) src(%arg14 : memref<64x128xf32, #tpu.memory_space<vmem>>) dst(%dma_wait3A_317 : memref<64x128xf32, #tpu.memory_space<hbm>>)
    %add3A_318 = arith.constant 512 : i32
    %add3A_319 = arith.addi %mul3A_2, %add3A_318 : i32
    %dma_start3A_320 = arith.constant 0 : i32
    %dma_start3A_321 = tpu.memref_slice %arg3[%add3A_319, %dma_start3A_320] : memref<16384x128xf32, #tpu.memory_space<hbm>> -> memref<64x128xf32, #tpu.memory_space<hbm>>
    %dma_start3A_322 = arith.constant 0 : i32
    %dma_start3A_323 = tpu.memref_slice %arg3[%add3A_319, %dma_start3A_322] : memref<16384x128xf32, #tpu.memory_space<hbm>> -> memref<64x128xf32, #tpu.memory_space<hbm>>
    tpu.enqueue_dma source(%dma_start3A_323 : memref<64x128xf32, #tpu.memory_space<hbm>>) target(%arg14 : memref<64x128xf32, #tpu.memory_space<vmem>>) target_semaphore(%arg21 : memref<!tpu.dma_semaphore, #tpu.memory_space<semaphore_mem>>)
    %broadcast_in_dim3A_324 = arith.constant 0 : i32
    %broadcast_in_dim3A_325 = vector.broadcast %broadcast_in_dim3A_324 : i32 to vector<16xi32>
    %scan3A_326 = arith.constant 0 : i32
    %scan3A_327 = arith.constant 64 : i32
    %scan3A_328 = arith.addi %scan3A_326, %scan3A_327 : i32
    %scan3A_329 = arith.constant 1 : i32
    %scan3A_330 = scf.for %scan3A_891 = %scan3A_326 to %scan3A_328 step %scan3A_329 iter_args(%scan3A_892 = %broadcast_in_dim3A_325) -> (vector<16xi32>)  : i32 {
      %mul3A_893 = arith.constant 16 : i32
      %mul3A_894 = arith.muli %scan3A_891, %mul3A_893 : i32
      %add3A_895 = arith.constant 7168 : i32
      %add3A_896 = arith.addi %add3A_895, %mul3A_894 : i32
      %get3A_897 = arith.index_cast %add3A_896 : i32 to index
      %get3A_898 = tpu.vector_load %arg7[%get3A_897] {strides = array<i32>} : memref<16384xi32, #tpu.memory_space<vmem>>, vector<16xi32>,
      %sub3A_899 = vector.broadcast %mul3A_0 : i32 to vector<16xi32>
      %sub3A_900 = arith.subi %get3A_898, %sub3A_899 : vector<16xi32>
      %ge3A = arith.constant 0 : i32
      %ge3A_901 = vector.broadcast %ge3A : i32 to vector<16xi32>
      %ge3A_902 = arith.cmpi sge, %sub3A_900, %ge3A_901 : vector<16xi32>
      %lt3A_903 = arith.constant 62504 : i32
      %lt3A_904 = vector.broadcast %lt3A_903 : i32 to vector<16xi32>
      %lt3A_905 = arith.cmpi slt, %sub3A_900, %lt3A_904 : vector<16xi32>
      %and3A_906 = arith.andi %ge3A_902, %lt3A_905 : vector<16xi1>
      %mul3A_907 = arith.constant 16 : i32
      %mul3A_908 = arith.muli %scan3A_891, %mul3A_907 : i32
      %add3A_909 = arith.constant 7168 : i32
      %add3A_910 = arith.addi %add3A_909, %mul3A_908 : i32
      %add3A_911 = vector.broadcast %add3A_910 : i32 to vector<16xi32>
      %add3A_912 = arith.addi %add3A_911, %iota3A : vector<16xi32>
      tpu.vector_store_idx %arg9[%sub3A_900], %add3A_912 masked %and3A_906 : memref<62504xi32, #tpu.memory_space<vmem>>[vector<16xi32>], vector<16xi32>, vector<16xi1>
      %gather3A_913 = tpu.vector_load_idx %arg9[%sub3A_900] masked %and3A_906 : memref<62504xi32, #tpu.memory_space<vmem>>[vector<16xi32>], vector<16xi32>, vector<16xi1>
      %ne3A_914 = arith.cmpi ne, %gather3A_913, %add3A_912 : vector<16xi32>
      %and3A_915 = arith.andi %and3A_906, %ne3A_914 : vector<16xi1>
      %all_reduce_population_count3A = tpu.all_reduce %and3A_915 {dim = 0 : i64, kind = #tpu.reduction_kind<sum>} : vector<16xi1> -> vector<16xi32>
      %add3A_916 = arith.addi %scan3A_892, %all_reduce_population_count3A : vector<16xi32>
      scf.yield %add3A_916 : vector<16xi32>
    }
    %scan3A_331 = arith.constant 64 : i32
    %gt3A_332 = arith.constant 0 : i32
    %gt3A_333 = vector.broadcast %gt3A_332 : i32 to vector<16xi32>
    %gt3A_334 = arith.cmpi sgt, %scan3A_330, %gt3A_333 : vector<16xi32>
    %reduce_or3A_335 = arith.constant 1.000000e+00 : f32
    %reduce_or3A_336 = arith.constant 0.000000e+00 : f32
    %reduce_or3A_337 = vector.broadcast %reduce_or3A_335 : f32 to vector<16xf32>
    %reduce_or3A_338 = vector.broadcast %reduce_or3A_336 : f32 to vector<16xf32>
    %reduce_or3A_339 = arith.select %gt3A_334, %reduce_or3A_337, %reduce_or3A_338 : vector<16xi1>, vector<16xf32>
    %reduce_or3A_340 = arith.constant true
    %reduce_or3A_341 = vector.broadcast %reduce_or3A_340 : i1 to vector<16xi1>
    %reduce_or3A_342 = tpu.scan <max>, %reduce_or3A_339 masked %reduce_or3A_341 : vector<16xf32>, vector<16xi1> -> vector<16xf32>
    %reduce_or3A_343 = vector.extract %reduce_or3A_342[15] : f32 from vector<16xf32>
    %reduce_or3A_344 = arith.constant 0.000000e+00 : f32
    %reduce_or3A_345 = arith.cmpf ogt, %reduce_or3A_343, %reduce_or3A_344 : f32
    %convert_element_type3A_346 = arith.extui %reduce_or3A_345 : i1 to i32
    %cond3A_347 = arith.constant 0 : i32
    %cond3A_348 = arith.cmpi ne, %convert_element_type3A_346, %cond3A_347 : i32
    scf.if %cond3A_348 {
      %scan3A_891 = arith.constant 0 : i32
      %scan3A_892 = arith.constant 0 : i32
      %scan3A_893 = arith.constant 64 : i32
      %scan3A_894 = arith.addi %scan3A_892, %scan3A_893 : i32
      %scan3A_895 = arith.constant 1 : i32
      scf.for %scan3A_897 = %scan3A_892 to %scan3A_894 step %scan3A_895  : i32 {
        %mul3A_898 = arith.constant 16 : i32
        %mul3A_899 = arith.muli %scan3A_897, %mul3A_898 : i32
        %add3A_900 = arith.constant 7168 : i32
        %add3A_901 = arith.addi %add3A_900, %mul3A_899 : i32
        %get3A_902 = arith.index_cast %add3A_901 : i32 to index
        %get3A_903 = tpu.vector_load %arg7[%get3A_902] {strides = array<i32>} : memref<16384xi32, #tpu.memory_space<vmem>>, vector<16xi32>,
        %mul3A_904 = arith.constant 16 : i32
        %mul3A_905 = vector.broadcast %mul3A_904 : i32 to vector<16xi32>
        %mul3A_906 = arith.muli %get3A_903, %mul3A_905 : vector<16xi32>
        %add3A_907 = arith.addi %mul3A_906, %iota3A : vector<16xi32>
        %masked_sort3A = arith.constant dense<true> : vector<16xi1>
        %masked_sort3A_908 = arith.constant -2147483648 : i32
        %masked_sort3A_909 = vector.broadcast %masked_sort3A_908 : i32 to vector<16xi32>
        %masked_sort3A_910 = arith.xori %add3A_907, %masked_sort3A_909 : vector<16xi32>
        %masked_sort3A_911, %masked_sort3A_912, %masked_sort3A_913 = tpu.sort %masked_sort3A_910, %add3A_907 masked %masked_sort3A : (vector<16xi32>, vector<16xi32>, vector<16xi1>) -> (vector<16xi1>, vector<16xi32>, vector<16xi32>)
        %masked_sort3A_914 = arith.xori %masked_sort3A_912, %masked_sort3A_909 : vector<16xi32>
        %shift_right_arithmetic3A = arith.constant 4 : i32
        %shift_right_arithmetic3A_915 = vector.broadcast %shift_right_arithmetic3A : i32 to vector<16xi32>
        %shift_right_arithmetic3A_916 = arith.shrsi %masked_sort3A_914, %shift_right_arithmetic3A_915 : vector<16xi32>
        %mul3A_917 = arith.constant 16 : i32
        %mul3A_918 = arith.muli %scan3A_897, %mul3A_917 : i32
        %add3A_919 = arith.constant 7168 : i32
        %add3A_920 = arith.addi %add3A_919, %mul3A_918 : i32
        %and3A_921 = arith.constant 15 : i32
        %and3A_922 = vector.broadcast %and3A_921 : i32 to vector<16xi32>
        %and3A_923 = arith.andi %masked_sort3A_914, %and3A_922 : vector<16xi32>
        %add3A_924 = vector.broadcast %add3A_920 : i32 to vector<16xi32>
        %add3A_925 = arith.addi %add3A_924, %and3A_923 : vector<16xi32>
        %lt3A_926 = arith.constant 0 : i32
        %lt3A_927 = vector.broadcast %lt3A_926 : i32 to vector<16xi32>
        %lt3A_928 = arith.cmpi slt, %min3A_6, %lt3A_927 : vector<16xi32>
        %add3A_929 = arith.constant 16 : i32
        %add3A_930 = vector.broadcast %add3A_929 : i32 to vector<16xi32>
        %add3A_931 = arith.addi %min3A_6, %add3A_930 : vector<16xi32>
        %select_n3A_932 = arith.select %lt3A_928, %add3A_931, %min3A_6 : vector<16xi1>, vector<16xi32>
        %broadcast_in_dim3A_933 = vector.shape_cast %select_n3A_932 : vector<16xi32> to vector<16x1xi32>
        %gather3A_934 = vector.shape_cast %broadcast_in_dim3A_933 : vector<16x1xi32> to vector<16xi32>
        %gather3A_935 = tpu.dynamic_gather %shift_right_arithmetic3A_916[%gather3A_934] in [0] : vector<16xi32>, vector<16xi32> -> vector<16xi32>
        %eq3A = arith.cmpi eq, %shift_right_arithmetic3A_916, %gather3A_935 : vector<16xi32>
        %and3A_936 = arith.andi %eq3A, %lt3A_8 : vector<16xi1>
        %sub3A_937 = vector.broadcast %mul3A_0 : i32 to vector<16xi32>
        %sub3A_938 = arith.subi %shift_right_arithmetic3A_916, %sub3A_937 : vector<16xi32>
        %ge3A = arith.constant 0 : i32
        %ge3A_939 = vector.broadcast %ge3A : i32 to vector<16xi32>
        %ge3A_940 = arith.cmpi sge, %sub3A_938, %ge3A_939 : vector<16xi32>
        %lt3A_941 = arith.constant 62504 : i32
        %lt3A_942 = vector.broadcast %lt3A_941 : i32 to vector<16xi32>
        %lt3A_943 = arith.cmpi slt, %sub3A_938, %lt3A_942 : vector<16xi32>
        %and3A_944 = arith.andi %ge3A_940, %lt3A_943 : vector<16xi1>
        %not3A = arith.constant dense<true> : vector<16xi1>
        %not3A_945 = arith.xori %and3A_936, %not3A : vector<16xi1>
        %and3A_946 = arith.andi %and3A_944, %not3A_945 : vector<16xi1>
        tpu.vector_store_idx %arg9[%sub3A_938], %add3A_925 masked %and3A_946 : memref<62504xi32, #tpu.memory_space<vmem>>[vector<16xi32>], vector<16xi32>, vector<16xi1>
      }
      %scan3A_896 = arith.constant 64 : i32
    } else {
    }
    %dma_wait3A_349 = arith.constant 0 : i32
    %dma_wait3A_350 = tpu.memref_slice %arg3[%add3A_274, %dma_wait3A_349] : memref<16384x128xf32, #tpu.memory_space<hbm>> -> memref<64x128xf32, #tpu.memory_space<hbm>>
    %dma_wait3A_351 = arith.constant 0 : i32
    %dma_wait3A_352 = tpu.memref_slice %arg3[%add3A_274, %dma_wait3A_351] : memref<16384x128xf32, #tpu.memory_space<hbm>> -> memref<64x128xf32, #tpu.memory_space<hbm>>
    tpu.wait_dma2 semaphore(%arg20 : memref<!tpu.dma_semaphore, #tpu.memory_space<semaphore_mem>>) src(%dma_wait3A_352 : memref<64x128xf32, #tpu.memory_space<hbm>>) dst(%arg13 : memref<64x128xf32, #tpu.memory_space<vmem>>)
    %add3A_353 = arith.constant 448 : i32
    %add3A_354 = arith.addi %mul3A_2, %add3A_353 : i32
    %dma_start3A_355 = arith.constant 0 : i32
    %dma_start3A_356 = tpu.memref_slice %arg5[%add3A_354, %dma_start3A_355] : memref<16384x128xf32, #tpu.memory_space<hbm>> -> memref<64x128xf32, #tpu.memory_space<hbm>>
    %dma_start3A_357 = arith.constant 0 : i32
    %dma_start3A_358 = tpu.memref_slice %arg5[%add3A_354, %dma_start3A_357] : memref<16384x128xf32, #tpu.memory_space<hbm>> -> memref<64x128xf32, #tpu.memory_space<hbm>>
    tpu.enqueue_dma source(%arg13 : memref<64x128xf32, #tpu.memory_space<vmem>>) target(%dma_start3A_358 : memref<64x128xf32, #tpu.memory_space<hbm>>) target_semaphore(%arg23 : memref<!tpu.dma_semaphore, #tpu.memory_space<semaphore_mem>>)
    %dma_wait3A_359 = arith.constant 0 : i32
    %dma_wait3A_360 = tpu.memref_slice %arg5[%add3A_309, %dma_wait3A_359] : memref<16384x128xf32, #tpu.memory_space<hbm>> -> memref<64x128xf32, #tpu.memory_space<hbm>>
    %dma_wait3A_361 = arith.constant 0 : i32
    %dma_wait3A_362 = tpu.memref_slice %arg5[%add3A_309, %dma_wait3A_361] : memref<16384x128xf32, #tpu.memory_space<hbm>> -> memref<64x128xf32, #tpu.memory_space<hbm>>
    tpu.wait_dma2 semaphore(%arg22 : memref<!tpu.dma_semaphore, #tpu.memory_space<semaphore_mem>>) src(%arg12 : memref<64x128xf32, #tpu.memory_space<vmem>>) dst(%dma_wait3A_362 : memref<64x128xf32, #tpu.memory_space<hbm>>)
    %add3A_363 = arith.constant 576 : i32
    %add3A_364 = arith.addi %mul3A_2, %add3A_363 : i32
    %dma_start3A_365 = arith.constant 0 : i32
    %dma_start3A_366 = tpu.memref_slice %arg3[%add3A_364, %dma_start3A_365] : memref<16384x128xf32, #tpu.memory_space<hbm>> -> memref<64x128xf32, #tpu.memory_space<hbm>>
    %dma_start3A_367 = arith.constant 0 : i32
    %dma_start3A_368 = tpu.memref_slice %arg3[%add3A_364, %dma_start3A_367] : memref<16384x128xf32, #tpu.memory_space<hbm>> -> memref<64x128xf32, #tpu.memory_space<hbm>>
    tpu.enqueue_dma source(%dma_start3A_368 : memref<64x128xf32, #tpu.memory_space<hbm>>) target(%arg12 : memref<64x128xf32, #tpu.memory_space<vmem>>) target_semaphore(%arg19 : memref<!tpu.dma_semaphore, #tpu.memory_space<semaphore_mem>>)
    %broadcast_in_dim3A_369 = arith.constant 0 : i32
    %broadcast_in_dim3A_370 = vector.broadcast %broadcast_in_dim3A_369 : i32 to vector<16xi32>
    %scan3A_371 = arith.constant 0 : i32
    %scan3A_372 = arith.constant 64 : i32
    %scan3A_373 = arith.addi %scan3A_371, %scan3A_372 : i32
    %scan3A_374 = arith.constant 1 : i32
    %scan3A_375 = scf.for %scan3A_891 = %scan3A_371 to %scan3A_373 step %scan3A_374 iter_args(%scan3A_892 = %broadcast_in_dim3A_370) -> (vector<16xi32>)  : i32 {
      %mul3A_893 = arith.constant 16 : i32
      %mul3A_894 = arith.muli %scan3A_891, %mul3A_893 : i32
      %add3A_895 = arith.constant 8192 : i32
      %add3A_896 = arith.addi %add3A_895, %mul3A_894 : i32
      %get3A_897 = arith.index_cast %add3A_896 : i32 to index
      %get3A_898 = tpu.vector_load %arg7[%get3A_897] {strides = array<i32>} : memref<16384xi32, #tpu.memory_space<vmem>>, vector<16xi32>,
      %sub3A_899 = vector.broadcast %mul3A_0 : i32 to vector<16xi32>
      %sub3A_900 = arith.subi %get3A_898, %sub3A_899 : vector<16xi32>
      %ge3A = arith.constant 0 : i32
      %ge3A_901 = vector.broadcast %ge3A : i32 to vector<16xi32>
      %ge3A_902 = arith.cmpi sge, %sub3A_900, %ge3A_901 : vector<16xi32>
      %lt3A_903 = arith.constant 62504 : i32
      %lt3A_904 = vector.broadcast %lt3A_903 : i32 to vector<16xi32>
      %lt3A_905 = arith.cmpi slt, %sub3A_900, %lt3A_904 : vector<16xi32>
      %and3A_906 = arith.andi %ge3A_902, %lt3A_905 : vector<16xi1>
      %mul3A_907 = arith.constant 16 : i32
      %mul3A_908 = arith.muli %scan3A_891, %mul3A_907 : i32
      %add3A_909 = arith.constant 8192 : i32
      %add3A_910 = arith.addi %add3A_909, %mul3A_908 : i32
      %add3A_911 = vector.broadcast %add3A_910 : i32 to vector<16xi32>
      %add3A_912 = arith.addi %add3A_911, %iota3A : vector<16xi32>
      tpu.vector_store_idx %arg9[%sub3A_900], %add3A_912 masked %and3A_906 : memref<62504xi32, #tpu.memory_space<vmem>>[vector<16xi32>], vector<16xi32>, vector<16xi1>
      %gather3A_913 = tpu.vector_load_idx %arg9[%sub3A_900] masked %and3A_906 : memref<62504xi32, #tpu.memory_space<vmem>>[vector<16xi32>], vector<16xi32>, vector<16xi1>
      %ne3A_914 = arith.cmpi ne, %gather3A_913, %add3A_912 : vector<16xi32>
      %and3A_915 = arith.andi %and3A_906, %ne3A_914 : vector<16xi1>
      %all_reduce_population_count3A = tpu.all_reduce %and3A_915 {dim = 0 : i64, kind = #tpu.reduction_kind<sum>} : vector<16xi1> -> vector<16xi32>
      %add3A_916 = arith.addi %scan3A_892, %all_reduce_population_count3A : vector<16xi32>
      scf.yield %add3A_916 : vector<16xi32>
    }
    %scan3A_376 = arith.constant 64 : i32
    %gt3A_377 = arith.constant 0 : i32
    %gt3A_378 = vector.broadcast %gt3A_377 : i32 to vector<16xi32>
    %gt3A_379 = arith.cmpi sgt, %scan3A_375, %gt3A_378 : vector<16xi32>
    %reduce_or3A_380 = arith.constant 1.000000e+00 : f32
    %reduce_or3A_381 = arith.constant 0.000000e+00 : f32
    %reduce_or3A_382 = vector.broadcast %reduce_or3A_380 : f32 to vector<16xf32>
    %reduce_or3A_383 = vector.broadcast %reduce_or3A_381 : f32 to vector<16xf32>
    %reduce_or3A_384 = arith.select %gt3A_379, %reduce_or3A_382, %reduce_or3A_383 : vector<16xi1>, vector<16xf32>
    %reduce_or3A_385 = arith.constant true
    %reduce_or3A_386 = vector.broadcast %reduce_or3A_385 : i1 to vector<16xi1>
    %reduce_or3A_387 = tpu.scan <max>, %reduce_or3A_384 masked %reduce_or3A_386 : vector<16xf32>, vector<16xi1> -> vector<16xf32>
    %reduce_or3A_388 = vector.extract %reduce_or3A_387[15] : f32 from vector<16xf32>
    %reduce_or3A_389 = arith.constant 0.000000e+00 : f32
    %reduce_or3A_390 = arith.cmpf ogt, %reduce_or3A_388, %reduce_or3A_389 : f32
    %convert_element_type3A_391 = arith.extui %reduce_or3A_390 : i1 to i32
    %cond3A_392 = arith.constant 0 : i32
    %cond3A_393 = arith.cmpi ne, %convert_element_type3A_391, %cond3A_392 : i32
    scf.if %cond3A_393 {
      %scan3A_891 = arith.constant 0 : i32
      %scan3A_892 = arith.constant 0 : i32
      %scan3A_893 = arith.constant 64 : i32
      %scan3A_894 = arith.addi %scan3A_892, %scan3A_893 : i32
      %scan3A_895 = arith.constant 1 : i32
      scf.for %scan3A_897 = %scan3A_892 to %scan3A_894 step %scan3A_895  : i32 {
        %mul3A_898 = arith.constant 16 : i32
        %mul3A_899 = arith.muli %scan3A_897, %mul3A_898 : i32
        %add3A_900 = arith.constant 8192 : i32
        %add3A_901 = arith.addi %add3A_900, %mul3A_899 : i32
        %get3A_902 = arith.index_cast %add3A_901 : i32 to index
        %get3A_903 = tpu.vector_load %arg7[%get3A_902] {strides = array<i32>} : memref<16384xi32, #tpu.memory_space<vmem>>, vector<16xi32>,
        %mul3A_904 = arith.constant 16 : i32
        %mul3A_905 = vector.broadcast %mul3A_904 : i32 to vector<16xi32>
        %mul3A_906 = arith.muli %get3A_903, %mul3A_905 : vector<16xi32>
        %add3A_907 = arith.addi %mul3A_906, %iota3A : vector<16xi32>
        %masked_sort3A = arith.constant dense<true> : vector<16xi1>
        %masked_sort3A_908 = arith.constant -2147483648 : i32
        %masked_sort3A_909 = vector.broadcast %masked_sort3A_908 : i32 to vector<16xi32>
        %masked_sort3A_910 = arith.xori %add3A_907, %masked_sort3A_909 : vector<16xi32>
        %masked_sort3A_911, %masked_sort3A_912, %masked_sort3A_913 = tpu.sort %masked_sort3A_910, %add3A_907 masked %masked_sort3A : (vector<16xi32>, vector<16xi32>, vector<16xi1>) -> (vector<16xi1>, vector<16xi32>, vector<16xi32>)
        %masked_sort3A_914 = arith.xori %masked_sort3A_912, %masked_sort3A_909 : vector<16xi32>
        %shift_right_arithmetic3A = arith.constant 4 : i32
        %shift_right_arithmetic3A_915 = vector.broadcast %shift_right_arithmetic3A : i32 to vector<16xi32>
        %shift_right_arithmetic3A_916 = arith.shrsi %masked_sort3A_914, %shift_right_arithmetic3A_915 : vector<16xi32>
        %mul3A_917 = arith.constant 16 : i32
        %mul3A_918 = arith.muli %scan3A_897, %mul3A_917 : i32
        %add3A_919 = arith.constant 8192 : i32
        %add3A_920 = arith.addi %add3A_919, %mul3A_918 : i32
        %and3A_921 = arith.constant 15 : i32
        %and3A_922 = vector.broadcast %and3A_921 : i32 to vector<16xi32>
        %and3A_923 = arith.andi %masked_sort3A_914, %and3A_922 : vector<16xi32>
        %add3A_924 = vector.broadcast %add3A_920 : i32 to vector<16xi32>
        %add3A_925 = arith.addi %add3A_924, %and3A_923 : vector<16xi32>
        %lt3A_926 = arith.constant 0 : i32
        %lt3A_927 = vector.broadcast %lt3A_926 : i32 to vector<16xi32>
        %lt3A_928 = arith.cmpi slt, %min3A_6, %lt3A_927 : vector<16xi32>
        %add3A_929 = arith.constant 16 : i32
        %add3A_930 = vector.broadcast %add3A_929 : i32 to vector<16xi32>
        %add3A_931 = arith.addi %min3A_6, %add3A_930 : vector<16xi32>
        %select_n3A_932 = arith.select %lt3A_928, %add3A_931, %min3A_6 : vector<16xi1>, vector<16xi32>
        %broadcast_in_dim3A_933 = vector.shape_cast %select_n3A_932 : vector<16xi32> to vector<16x1xi32>
        %gather3A_934 = vector.shape_cast %broadcast_in_dim3A_933 : vector<16x1xi32> to vector<16xi32>
        %gather3A_935 = tpu.dynamic_gather %shift_right_arithmetic3A_916[%gather3A_934] in [0] : vector<16xi32>, vector<16xi32> -> vector<16xi32>
        %eq3A = arith.cmpi eq, %shift_right_arithmetic3A_916, %gather3A_935 : vector<16xi32>
        %and3A_936 = arith.andi %eq3A, %lt3A_8 : vector<16xi1>
        %sub3A_937 = vector.broadcast %mul3A_0 : i32 to vector<16xi32>
        %sub3A_938 = arith.subi %shift_right_arithmetic3A_916, %sub3A_937 : vector<16xi32>
        %ge3A = arith.constant 0 : i32
        %ge3A_939 = vector.broadcast %ge3A : i32 to vector<16xi32>
        %ge3A_940 = arith.cmpi sge, %sub3A_938, %ge3A_939 : vector<16xi32>
        %lt3A_941 = arith.constant 62504 : i32
        %lt3A_942 = vector.broadcast %lt3A_941 : i32 to vector<16xi32>
        %lt3A_943 = arith.cmpi slt, %sub3A_938, %lt3A_942 : vector<16xi32>
        %and3A_944 = arith.andi %ge3A_940, %lt3A_943 : vector<16xi1>
        %not3A = arith.constant dense<true> : vector<16xi1>
        %not3A_945 = arith.xori %and3A_936, %not3A : vector<16xi1>
        %and3A_946 = arith.andi %and3A_944, %not3A_945 : vector<16xi1>
        tpu.vector_store_idx %arg9[%sub3A_938], %add3A_925 masked %and3A_946 : memref<62504xi32, #tpu.memory_space<vmem>>[vector<16xi32>], vector<16xi32>, vector<16xi1>
      }
      %scan3A_896 = arith.constant 64 : i32
    } else {
    }
    %dma_wait3A_394 = arith.constant 0 : i32
    %dma_wait3A_395 = tpu.memref_slice %arg3[%add3A_319, %dma_wait3A_394] : memref<16384x128xf32, #tpu.memory_space<hbm>> -> memref<64x128xf32, #tpu.memory_space<hbm>>
    %dma_wait3A_396 = arith.constant 0 : i32
    %dma_wait3A_397 = tpu.memref_slice %arg3[%add3A_319, %dma_wait3A_396] : memref<16384x128xf32, #tpu.memory_space<hbm>> -> memref<64x128xf32, #tpu.memory_space<hbm>>
    tpu.wait_dma2 semaphore(%arg21 : memref<!tpu.dma_semaphore, #tpu.memory_space<semaphore_mem>>) src(%dma_wait3A_397 : memref<64x128xf32, #tpu.memory_space<hbm>>) dst(%arg14 : memref<64x128xf32, #tpu.memory_space<vmem>>)
    %add3A_398 = arith.constant 512 : i32
    %add3A_399 = arith.addi %mul3A_2, %add3A_398 : i32
    %dma_start3A_400 = arith.constant 0 : i32
    %dma_start3A_401 = tpu.memref_slice %arg5[%add3A_399, %dma_start3A_400] : memref<16384x128xf32, #tpu.memory_space<hbm>> -> memref<64x128xf32, #tpu.memory_space<hbm>>
    %dma_start3A_402 = arith.constant 0 : i32
    %dma_start3A_403 = tpu.memref_slice %arg5[%add3A_399, %dma_start3A_402] : memref<16384x128xf32, #tpu.memory_space<hbm>> -> memref<64x128xf32, #tpu.memory_space<hbm>>
    tpu.enqueue_dma source(%arg14 : memref<64x128xf32, #tpu.memory_space<vmem>>) target(%dma_start3A_403 : memref<64x128xf32, #tpu.memory_space<hbm>>) target_semaphore(%arg24 : memref<!tpu.dma_semaphore, #tpu.memory_space<semaphore_mem>>)
    %dma_wait3A_404 = arith.constant 0 : i32
    %dma_wait3A_405 = tpu.memref_slice %arg5[%add3A_354, %dma_wait3A_404] : memref<16384x128xf32, #tpu.memory_space<hbm>> -> memref<64x128xf32, #tpu.memory_space<hbm>>
    %dma_wait3A_406 = arith.constant 0 : i32
    %dma_wait3A_407 = tpu.memref_slice %arg5[%add3A_354, %dma_wait3A_406] : memref<16384x128xf32, #tpu.memory_space<hbm>> -> memref<64x128xf32, #tpu.memory_space<hbm>>
    tpu.wait_dma2 semaphore(%arg23 : memref<!tpu.dma_semaphore, #tpu.memory_space<semaphore_mem>>) src(%arg13 : memref<64x128xf32, #tpu.memory_space<vmem>>) dst(%dma_wait3A_407 : memref<64x128xf32, #tpu.memory_space<hbm>>)
    %add3A_408 = arith.constant 640 : i32
    %add3A_409 = arith.addi %mul3A_2, %add3A_408 : i32
    %dma_start3A_410 = arith.constant 0 : i32
    %dma_start3A_411 = tpu.memref_slice %arg3[%add3A_409, %dma_start3A_410] : memref<16384x128xf32, #tpu.memory_space<hbm>> -> memref<64x128xf32, #tpu.memory_space<hbm>>
    %dma_start3A_412 = arith.constant 0 : i32
    %dma_start3A_413 = tpu.memref_slice %arg3[%add3A_409, %dma_start3A_412] : memref<16384x128xf32, #tpu.memory_space<hbm>> -> memref<64x128xf32, #tpu.memory_space<hbm>>
    tpu.enqueue_dma source(%dma_start3A_413 : memref<64x128xf32, #tpu.memory_space<hbm>>) target(%arg13 : memref<64x128xf32, #tpu.memory_space<vmem>>) target_semaphore(%arg20 : memref<!tpu.dma_semaphore, #tpu.memory_space<semaphore_mem>>)
    %broadcast_in_dim3A_414 = arith.constant 0 : i32
    %broadcast_in_dim3A_415 = vector.broadcast %broadcast_in_dim3A_414 : i32 to vector<16xi32>
    %scan3A_416 = arith.constant 0 : i32
    %scan3A_417 = arith.constant 64 : i32
    %scan3A_418 = arith.addi %scan3A_416, %scan3A_417 : i32
    %scan3A_419 = arith.constant 1 : i32
    %scan3A_420 = scf.for %scan3A_891 = %scan3A_416 to %scan3A_418 step %scan3A_419 iter_args(%scan3A_892 = %broadcast_in_dim3A_415) -> (vector<16xi32>)  : i32 {
      %mul3A_893 = arith.constant 16 : i32
      %mul3A_894 = arith.muli %scan3A_891, %mul3A_893 : i32
      %add3A_895 = arith.constant 9216 : i32
      %add3A_896 = arith.addi %add3A_895, %mul3A_894 : i32
      %get3A_897 = arith.index_cast %add3A_896 : i32 to index
      %get3A_898 = tpu.vector_load %arg7[%get3A_897] {strides = array<i32>} : memref<16384xi32, #tpu.memory_space<vmem>>, vector<16xi32>,
      %sub3A_899 = vector.broadcast %mul3A_0 : i32 to vector<16xi32>
      %sub3A_900 = arith.subi %get3A_898, %sub3A_899 : vector<16xi32>
      %ge3A = arith.constant 0 : i32
      %ge3A_901 = vector.broadcast %ge3A : i32 to vector<16xi32>
      %ge3A_902 = arith.cmpi sge, %sub3A_900, %ge3A_901 : vector<16xi32>
      %lt3A_903 = arith.constant 62504 : i32
      %lt3A_904 = vector.broadcast %lt3A_903 : i32 to vector<16xi32>
      %lt3A_905 = arith.cmpi slt, %sub3A_900, %lt3A_904 : vector<16xi32>
      %and3A_906 = arith.andi %ge3A_902, %lt3A_905 : vector<16xi1>
      %mul3A_907 = arith.constant 16 : i32
      %mul3A_908 = arith.muli %scan3A_891, %mul3A_907 : i32
      %add3A_909 = arith.constant 9216 : i32
      %add3A_910 = arith.addi %add3A_909, %mul3A_908 : i32
      %add3A_911 = vector.broadcast %add3A_910 : i32 to vector<16xi32>
      %add3A_912 = arith.addi %add3A_911, %iota3A : vector<16xi32>
      tpu.vector_store_idx %arg9[%sub3A_900], %add3A_912 masked %and3A_906 : memref<62504xi32, #tpu.memory_space<vmem>>[vector<16xi32>], vector<16xi32>, vector<16xi1>
      %gather3A_913 = tpu.vector_load_idx %arg9[%sub3A_900] masked %and3A_906 : memref<62504xi32, #tpu.memory_space<vmem>>[vector<16xi32>], vector<16xi32>, vector<16xi1>
      %ne3A_914 = arith.cmpi ne, %gather3A_913, %add3A_912 : vector<16xi32>
      %and3A_915 = arith.andi %and3A_906, %ne3A_914 : vector<16xi1>
      %all_reduce_population_count3A = tpu.all_reduce %and3A_915 {dim = 0 : i64, kind = #tpu.reduction_kind<sum>} : vector<16xi1> -> vector<16xi32>
      %add3A_916 = arith.addi %scan3A_892, %all_reduce_population_count3A : vector<16xi32>
      scf.yield %add3A_916 : vector<16xi32>
    }
    %scan3A_421 = arith.constant 64 : i32
    %gt3A_422 = arith.constant 0 : i32
    %gt3A_423 = vector.broadcast %gt3A_422 : i32 to vector<16xi32>
    %gt3A_424 = arith.cmpi sgt, %scan3A_420, %gt3A_423 : vector<16xi32>
    %reduce_or3A_425 = arith.constant 1.000000e+00 : f32
    %reduce_or3A_426 = arith.constant 0.000000e+00 : f32
    %reduce_or3A_427 = vector.broadcast %reduce_or3A_425 : f32 to vector<16xf32>
    %reduce_or3A_428 = vector.broadcast %reduce_or3A_426 : f32 to vector<16xf32>
    %reduce_or3A_429 = arith.select %gt3A_424, %reduce_or3A_427, %reduce_or3A_428 : vector<16xi1>, vector<16xf32>
    %reduce_or3A_430 = arith.constant true
    %reduce_or3A_431 = vector.broadcast %reduce_or3A_430 : i1 to vector<16xi1>
    %reduce_or3A_432 = tpu.scan <max>, %reduce_or3A_429 masked %reduce_or3A_431 : vector<16xf32>, vector<16xi1> -> vector<16xf32>
    %reduce_or3A_433 = vector.extract %reduce_or3A_432[15] : f32 from vector<16xf32>
    %reduce_or3A_434 = arith.constant 0.000000e+00 : f32
    %reduce_or3A_435 = arith.cmpf ogt, %reduce_or3A_433, %reduce_or3A_434 : f32
    %convert_element_type3A_436 = arith.extui %reduce_or3A_435 : i1 to i32
    %cond3A_437 = arith.constant 0 : i32
    %cond3A_438 = arith.cmpi ne, %convert_element_type3A_436, %cond3A_437 : i32
    scf.if %cond3A_438 {
      %scan3A_891 = arith.constant 0 : i32
      %scan3A_892 = arith.constant 0 : i32
      %scan3A_893 = arith.constant 64 : i32
      %scan3A_894 = arith.addi %scan3A_892, %scan3A_893 : i32
      %scan3A_895 = arith.constant 1 : i32
      scf.for %scan3A_897 = %scan3A_892 to %scan3A_894 step %scan3A_895  : i32 {
        %mul3A_898 = arith.constant 16 : i32
        %mul3A_899 = arith.muli %scan3A_897, %mul3A_898 : i32
        %add3A_900 = arith.constant 9216 : i32
        %add3A_901 = arith.addi %add3A_900, %mul3A_899 : i32
        %get3A_902 = arith.index_cast %add3A_901 : i32 to index
        %get3A_903 = tpu.vector_load %arg7[%get3A_902] {strides = array<i32>} : memref<16384xi32, #tpu.memory_space<vmem>>, vector<16xi32>,
        %mul3A_904 = arith.constant 16 : i32
        %mul3A_905 = vector.broadcast %mul3A_904 : i32 to vector<16xi32>
        %mul3A_906 = arith.muli %get3A_903, %mul3A_905 : vector<16xi32>
        %add3A_907 = arith.addi %mul3A_906, %iota3A : vector<16xi32>
        %masked_sort3A = arith.constant dense<true> : vector<16xi1>
        %masked_sort3A_908 = arith.constant -2147483648 : i32
        %masked_sort3A_909 = vector.broadcast %masked_sort3A_908 : i32 to vector<16xi32>
        %masked_sort3A_910 = arith.xori %add3A_907, %masked_sort3A_909 : vector<16xi32>
        %masked_sort3A_911, %masked_sort3A_912, %masked_sort3A_913 = tpu.sort %masked_sort3A_910, %add3A_907 masked %masked_sort3A : (vector<16xi32>, vector<16xi32>, vector<16xi1>) -> (vector<16xi1>, vector<16xi32>, vector<16xi32>)
        %masked_sort3A_914 = arith.xori %masked_sort3A_912, %masked_sort3A_909 : vector<16xi32>
        %shift_right_arithmetic3A = arith.constant 4 : i32
        %shift_right_arithmetic3A_915 = vector.broadcast %shift_right_arithmetic3A : i32 to vector<16xi32>
        %shift_right_arithmetic3A_916 = arith.shrsi %masked_sort3A_914, %shift_right_arithmetic3A_915 : vector<16xi32>
        %mul3A_917 = arith.constant 16 : i32
        %mul3A_918 = arith.muli %scan3A_897, %mul3A_917 : i32
        %add3A_919 = arith.constant 9216 : i32
        %add3A_920 = arith.addi %add3A_919, %mul3A_918 : i32
        %and3A_921 = arith.constant 15 : i32
        %and3A_922 = vector.broadcast %and3A_921 : i32 to vector<16xi32>
        %and3A_923 = arith.andi %masked_sort3A_914, %and3A_922 : vector<16xi32>
        %add3A_924 = vector.broadcast %add3A_920 : i32 to vector<16xi32>
        %add3A_925 = arith.addi %add3A_924, %and3A_923 : vector<16xi32>
        %lt3A_926 = arith.constant 0 : i32
        %lt3A_927 = vector.broadcast %lt3A_926 : i32 to vector<16xi32>
        %lt3A_928 = arith.cmpi slt, %min3A_6, %lt3A_927 : vector<16xi32>
        %add3A_929 = arith.constant 16 : i32
        %add3A_930 = vector.broadcast %add3A_929 : i32 to vector<16xi32>
        %add3A_931 = arith.addi %min3A_6, %add3A_930 : vector<16xi32>
        %select_n3A_932 = arith.select %lt3A_928, %add3A_931, %min3A_6 : vector<16xi1>, vector<16xi32>
        %broadcast_in_dim3A_933 = vector.shape_cast %select_n3A_932 : vector<16xi32> to vector<16x1xi32>
        %gather3A_934 = vector.shape_cast %broadcast_in_dim3A_933 : vector<16x1xi32> to vector<16xi32>
        %gather3A_935 = tpu.dynamic_gather %shift_right_arithmetic3A_916[%gather3A_934] in [0] : vector<16xi32>, vector<16xi32> -> vector<16xi32>
        %eq3A = arith.cmpi eq, %shift_right_arithmetic3A_916, %gather3A_935 : vector<16xi32>
        %and3A_936 = arith.andi %eq3A, %lt3A_8 : vector<16xi1>
        %sub3A_937 = vector.broadcast %mul3A_0 : i32 to vector<16xi32>
        %sub3A_938 = arith.subi %shift_right_arithmetic3A_916, %sub3A_937 : vector<16xi32>
        %ge3A = arith.constant 0 : i32
        %ge3A_939 = vector.broadcast %ge3A : i32 to vector<16xi32>
        %ge3A_940 = arith.cmpi sge, %sub3A_938, %ge3A_939 : vector<16xi32>
        %lt3A_941 = arith.constant 62504 : i32
        %lt3A_942 = vector.broadcast %lt3A_941 : i32 to vector<16xi32>
        %lt3A_943 = arith.cmpi slt, %sub3A_938, %lt3A_942 : vector<16xi32>
        %and3A_944 = arith.andi %ge3A_940, %lt3A_943 : vector<16xi1>
        %not3A = arith.constant dense<true> : vector<16xi1>
        %not3A_945 = arith.xori %and3A_936, %not3A : vector<16xi1>
        %and3A_946 = arith.andi %and3A_944, %not3A_945 : vector<16xi1>
        tpu.vector_store_idx %arg9[%sub3A_938], %add3A_925 masked %and3A_946 : memref<62504xi32, #tpu.memory_space<vmem>>[vector<16xi32>], vector<16xi32>, vector<16xi1>
      }
      %scan3A_896 = arith.constant 64 : i32
    } else {
    }
    %dma_wait3A_439 = arith.constant 0 : i32
    %dma_wait3A_440 = tpu.memref_slice %arg3[%add3A_364, %dma_wait3A_439] : memref<16384x128xf32, #tpu.memory_space<hbm>> -> memref<64x128xf32, #tpu.memory_space<hbm>>
    %dma_wait3A_441 = arith.constant 0 : i32
    %dma_wait3A_442 = tpu.memref_slice %arg3[%add3A_364, %dma_wait3A_441] : memref<16384x128xf32, #tpu.memory_space<hbm>> -> memref<64x128xf32, #tpu.memory_space<hbm>>
    tpu.wait_dma2 semaphore(%arg19 : memref<!tpu.dma_semaphore, #tpu.memory_space<semaphore_mem>>) src(%dma_wait3A_442 : memref<64x128xf32, #tpu.memory_space<hbm>>) dst(%arg12 : memref<64x128xf32, #tpu.memory_space<vmem>>)
    %add3A_443 = arith.constant 576 : i32
    %add3A_444 = arith.addi %mul3A_2, %add3A_443 : i32
    %dma_start3A_445 = arith.constant 0 : i32
    %dma_start3A_446 = tpu.memref_slice %arg5[%add3A_444, %dma_start3A_445] : memref<16384x128xf32, #tpu.memory_space<hbm>> -> memref<64x128xf32, #tpu.memory_space<hbm>>
    %dma_start3A_447 = arith.constant 0 : i32
    %dma_start3A_448 = tpu.memref_slice %arg5[%add3A_444, %dma_start3A_447] : memref<16384x128xf32, #tpu.memory_space<hbm>> -> memref<64x128xf32, #tpu.memory_space<hbm>>
    tpu.enqueue_dma source(%arg12 : memref<64x128xf32, #tpu.memory_space<vmem>>) target(%dma_start3A_448 : memref<64x128xf32, #tpu.memory_space<hbm>>) target_semaphore(%arg22 : memref<!tpu.dma_semaphore, #tpu.memory_space<semaphore_mem>>)
    %dma_wait3A_449 = arith.constant 0 : i32
    %dma_wait3A_450 = tpu.memref_slice %arg5[%add3A_399, %dma_wait3A_449] : memref<16384x128xf32, #tpu.memory_space<hbm>> -> memref<64x128xf32, #tpu.memory_space<hbm>>
    %dma_wait3A_451 = arith.constant 0 : i32
    %dma_wait3A_452 = tpu.memref_slice %arg5[%add3A_399, %dma_wait3A_451] : memref<16384x128xf32, #tpu.memory_space<hbm>> -> memref<64x128xf32, #tpu.memory_space<hbm>>
    tpu.wait_dma2 semaphore(%arg24 : memref<!tpu.dma_semaphore, #tpu.memory_space<semaphore_mem>>) src(%arg14 : memref<64x128xf32, #tpu.memory_space<vmem>>) dst(%dma_wait3A_452 : memref<64x128xf32, #tpu.memory_space<hbm>>)
    %add3A_453 = arith.constant 704 : i32
    %add3A_454 = arith.addi %mul3A_2, %add3A_453 : i32
    %dma_start3A_455 = arith.constant 0 : i32
    %dma_start3A_456 = tpu.memref_slice %arg3[%add3A_454, %dma_start3A_455] : memref<16384x128xf32, #tpu.memory_space<hbm>> -> memref<64x128xf32, #tpu.memory_space<hbm>>
    %dma_start3A_457 = arith.constant 0 : i32
    %dma_start3A_458 = tpu.memref_slice %arg3[%add3A_454, %dma_start3A_457] : memref<16384x128xf32, #tpu.memory_space<hbm>> -> memref<64x128xf32, #tpu.memory_space<hbm>>
    tpu.enqueue_dma source(%dma_start3A_458 : memref<64x128xf32, #tpu.memory_space<hbm>>) target(%arg14 : memref<64x128xf32, #tpu.memory_space<vmem>>) target_semaphore(%arg21 : memref<!tpu.dma_semaphore, #tpu.memory_space<semaphore_mem>>)
    %broadcast_in_dim3A_459 = arith.constant 0 : i32
    %broadcast_in_dim3A_460 = vector.broadcast %broadcast_in_dim3A_459 : i32 to vector<16xi32>
    %scan3A_461 = arith.constant 0 : i32
    %scan3A_462 = arith.constant 64 : i32
    %scan3A_463 = arith.addi %scan3A_461, %scan3A_462 : i32
    %scan3A_464 = arith.constant 1 : i32
    %scan3A_465 = scf.for %scan3A_891 = %scan3A_461 to %scan3A_463 step %scan3A_464 iter_args(%scan3A_892 = %broadcast_in_dim3A_460) -> (vector<16xi32>)  : i32 {
      %mul3A_893 = arith.constant 16 : i32
      %mul3A_894 = arith.muli %scan3A_891, %mul3A_893 : i32
      %add3A_895 = arith.constant 10240 : i32
      %add3A_896 = arith.addi %add3A_895, %mul3A_894 : i32
      %get3A_897 = arith.index_cast %add3A_896 : i32 to index
      %get3A_898 = tpu.vector_load %arg7[%get3A_897] {strides = array<i32>} : memref<16384xi32, #tpu.memory_space<vmem>>, vector<16xi32>,
      %sub3A_899 = vector.broadcast %mul3A_0 : i32 to vector<16xi32>
      %sub3A_900 = arith.subi %get3A_898, %sub3A_899 : vector<16xi32>
      %ge3A = arith.constant 0 : i32
      %ge3A_901 = vector.broadcast %ge3A : i32 to vector<16xi32>
      %ge3A_902 = arith.cmpi sge, %sub3A_900, %ge3A_901 : vector<16xi32>
      %lt3A_903 = arith.constant 62504 : i32
      %lt3A_904 = vector.broadcast %lt3A_903 : i32 to vector<16xi32>
      %lt3A_905 = arith.cmpi slt, %sub3A_900, %lt3A_904 : vector<16xi32>
      %and3A_906 = arith.andi %ge3A_902, %lt3A_905 : vector<16xi1>
      %mul3A_907 = arith.constant 16 : i32
      %mul3A_908 = arith.muli %scan3A_891, %mul3A_907 : i32
      %add3A_909 = arith.constant 10240 : i32
      %add3A_910 = arith.addi %add3A_909, %mul3A_908 : i32
      %add3A_911 = vector.broadcast %add3A_910 : i32 to vector<16xi32>
      %add3A_912 = arith.addi %add3A_911, %iota3A : vector<16xi32>
      tpu.vector_store_idx %arg9[%sub3A_900], %add3A_912 masked %and3A_906 : memref<62504xi32, #tpu.memory_space<vmem>>[vector<16xi32>], vector<16xi32>, vector<16xi1>
      %gather3A_913 = tpu.vector_load_idx %arg9[%sub3A_900] masked %and3A_906 : memref<62504xi32, #tpu.memory_space<vmem>>[vector<16xi32>], vector<16xi32>, vector<16xi1>
      %ne3A_914 = arith.cmpi ne, %gather3A_913, %add3A_912 : vector<16xi32>
      %and3A_915 = arith.andi %and3A_906, %ne3A_914 : vector<16xi1>
      %all_reduce_population_count3A = tpu.all_reduce %and3A_915 {dim = 0 : i64, kind = #tpu.reduction_kind<sum>} : vector<16xi1> -> vector<16xi32>
      %add3A_916 = arith.addi %scan3A_892, %all_reduce_population_count3A : vector<16xi32>
      scf.yield %add3A_916 : vector<16xi32>
    }
    %scan3A_466 = arith.constant 64 : i32
    %gt3A_467 = arith.constant 0 : i32
    %gt3A_468 = vector.broadcast %gt3A_467 : i32 to vector<16xi32>
    %gt3A_469 = arith.cmpi sgt, %scan3A_465, %gt3A_468 : vector<16xi32>
    %reduce_or3A_470 = arith.constant 1.000000e+00 : f32
    %reduce_or3A_471 = arith.constant 0.000000e+00 : f32
    %reduce_or3A_472 = vector.broadcast %reduce_or3A_470 : f32 to vector<16xf32>
    %reduce_or3A_473 = vector.broadcast %reduce_or3A_471 : f32 to vector<16xf32>
    %reduce_or3A_474 = arith.select %gt3A_469, %reduce_or3A_472, %reduce_or3A_473 : vector<16xi1>, vector<16xf32>
    %reduce_or3A_475 = arith.constant true
    %reduce_or3A_476 = vector.broadcast %reduce_or3A_475 : i1 to vector<16xi1>
    %reduce_or3A_477 = tpu.scan <max>, %reduce_or3A_474 masked %reduce_or3A_476 : vector<16xf32>, vector<16xi1> -> vector<16xf32>
    %reduce_or3A_478 = vector.extract %reduce_or3A_477[15] : f32 from vector<16xf32>
    %reduce_or3A_479 = arith.constant 0.000000e+00 : f32
    %reduce_or3A_480 = arith.cmpf ogt, %reduce_or3A_478, %reduce_or3A_479 : f32
    %convert_element_type3A_481 = arith.extui %reduce_or3A_480 : i1 to i32
    %cond3A_482 = arith.constant 0 : i32
    %cond3A_483 = arith.cmpi ne, %convert_element_type3A_481, %cond3A_482 : i32
    scf.if %cond3A_483 {
      %scan3A_891 = arith.constant 0 : i32
      %scan3A_892 = arith.constant 0 : i32
      %scan3A_893 = arith.constant 64 : i32
      %scan3A_894 = arith.addi %scan3A_892, %scan3A_893 : i32
      %scan3A_895 = arith.constant 1 : i32
      scf.for %scan3A_897 = %scan3A_892 to %scan3A_894 step %scan3A_895  : i32 {
        %mul3A_898 = arith.constant 16 : i32
        %mul3A_899 = arith.muli %scan3A_897, %mul3A_898 : i32
        %add3A_900 = arith.constant 10240 : i32
        %add3A_901 = arith.addi %add3A_900, %mul3A_899 : i32
        %get3A_902 = arith.index_cast %add3A_901 : i32 to index
        %get3A_903 = tpu.vector_load %arg7[%get3A_902] {strides = array<i32>} : memref<16384xi32, #tpu.memory_space<vmem>>, vector<16xi32>,
        %mul3A_904 = arith.constant 16 : i32
        %mul3A_905 = vector.broadcast %mul3A_904 : i32 to vector<16xi32>
        %mul3A_906 = arith.muli %get3A_903, %mul3A_905 : vector<16xi32>
        %add3A_907 = arith.addi %mul3A_906, %iota3A : vector<16xi32>
        %masked_sort3A = arith.constant dense<true> : vector<16xi1>
        %masked_sort3A_908 = arith.constant -2147483648 : i32
        %masked_sort3A_909 = vector.broadcast %masked_sort3A_908 : i32 to vector<16xi32>
        %masked_sort3A_910 = arith.xori %add3A_907, %masked_sort3A_909 : vector<16xi32>
        %masked_sort3A_911, %masked_sort3A_912, %masked_sort3A_913 = tpu.sort %masked_sort3A_910, %add3A_907 masked %masked_sort3A : (vector<16xi32>, vector<16xi32>, vector<16xi1>) -> (vector<16xi1>, vector<16xi32>, vector<16xi32>)
        %masked_sort3A_914 = arith.xori %masked_sort3A_912, %masked_sort3A_909 : vector<16xi32>
        %shift_right_arithmetic3A = arith.constant 4 : i32
        %shift_right_arithmetic3A_915 = vector.broadcast %shift_right_arithmetic3A : i32 to vector<16xi32>
        %shift_right_arithmetic3A_916 = arith.shrsi %masked_sort3A_914, %shift_right_arithmetic3A_915 : vector<16xi32>
        %mul3A_917 = arith.constant 16 : i32
        %mul3A_918 = arith.muli %scan3A_897, %mul3A_917 : i32
        %add3A_919 = arith.constant 10240 : i32
        %add3A_920 = arith.addi %add3A_919, %mul3A_918 : i32
        %and3A_921 = arith.constant 15 : i32
        %and3A_922 = vector.broadcast %and3A_921 : i32 to vector<16xi32>
        %and3A_923 = arith.andi %masked_sort3A_914, %and3A_922 : vector<16xi32>
        %add3A_924 = vector.broadcast %add3A_920 : i32 to vector<16xi32>
        %add3A_925 = arith.addi %add3A_924, %and3A_923 : vector<16xi32>
        %lt3A_926 = arith.constant 0 : i32
        %lt3A_927 = vector.broadcast %lt3A_926 : i32 to vector<16xi32>
        %lt3A_928 = arith.cmpi slt, %min3A_6, %lt3A_927 : vector<16xi32>
        %add3A_929 = arith.constant 16 : i32
        %add3A_930 = vector.broadcast %add3A_929 : i32 to vector<16xi32>
        %add3A_931 = arith.addi %min3A_6, %add3A_930 : vector<16xi32>
        %select_n3A_932 = arith.select %lt3A_928, %add3A_931, %min3A_6 : vector<16xi1>, vector<16xi32>
        %broadcast_in_dim3A_933 = vector.shape_cast %select_n3A_932 : vector<16xi32> to vector<16x1xi32>
        %gather3A_934 = vector.shape_cast %broadcast_in_dim3A_933 : vector<16x1xi32> to vector<16xi32>
        %gather3A_935 = tpu.dynamic_gather %shift_right_arithmetic3A_916[%gather3A_934] in [0] : vector<16xi32>, vector<16xi32> -> vector<16xi32>
        %eq3A = arith.cmpi eq, %shift_right_arithmetic3A_916, %gather3A_935 : vector<16xi32>
        %and3A_936 = arith.andi %eq3A, %lt3A_8 : vector<16xi1>
        %sub3A_937 = vector.broadcast %mul3A_0 : i32 to vector<16xi32>
        %sub3A_938 = arith.subi %shift_right_arithmetic3A_916, %sub3A_937 : vector<16xi32>
        %ge3A = arith.constant 0 : i32
        %ge3A_939 = vector.broadcast %ge3A : i32 to vector<16xi32>
        %ge3A_940 = arith.cmpi sge, %sub3A_938, %ge3A_939 : vector<16xi32>
        %lt3A_941 = arith.constant 62504 : i32
        %lt3A_942 = vector.broadcast %lt3A_941 : i32 to vector<16xi32>
        %lt3A_943 = arith.cmpi slt, %sub3A_938, %lt3A_942 : vector<16xi32>
        %and3A_944 = arith.andi %ge3A_940, %lt3A_943 : vector<16xi1>
        %not3A = arith.constant dense<true> : vector<16xi1>
        %not3A_945 = arith.xori %and3A_936, %not3A : vector<16xi1>
        %and3A_946 = arith.andi %and3A_944, %not3A_945 : vector<16xi1>
        tpu.vector_store_idx %arg9[%sub3A_938], %add3A_925 masked %and3A_946 : memref<62504xi32, #tpu.memory_space<vmem>>[vector<16xi32>], vector<16xi32>, vector<16xi1>
      }
      %scan3A_896 = arith.constant 64 : i32
    } else {
    }
    %dma_wait3A_484 = arith.constant 0 : i32
    %dma_wait3A_485 = tpu.memref_slice %arg3[%add3A_409, %dma_wait3A_484] : memref<16384x128xf32, #tpu.memory_space<hbm>> -> memref<64x128xf32, #tpu.memory_space<hbm>>
    %dma_wait3A_486 = arith.constant 0 : i32
    %dma_wait3A_487 = tpu.memref_slice %arg3[%add3A_409, %dma_wait3A_486] : memref<16384x128xf32, #tpu.memory_space<hbm>> -> memref<64x128xf32, #tpu.memory_space<hbm>>
    tpu.wait_dma2 semaphore(%arg20 : memref<!tpu.dma_semaphore, #tpu.memory_space<semaphore_mem>>) src(%dma_wait3A_487 : memref<64x128xf32, #tpu.memory_space<hbm>>) dst(%arg13 : memref<64x128xf32, #tpu.memory_space<vmem>>)
    %add3A_488 = arith.constant 640 : i32
    %add3A_489 = arith.addi %mul3A_2, %add3A_488 : i32
    %dma_start3A_490 = arith.constant 0 : i32
    %dma_start3A_491 = tpu.memref_slice %arg5[%add3A_489, %dma_start3A_490] : memref<16384x128xf32, #tpu.memory_space<hbm>> -> memref<64x128xf32, #tpu.memory_space<hbm>>
    %dma_start3A_492 = arith.constant 0 : i32
    %dma_start3A_493 = tpu.memref_slice %arg5[%add3A_489, %dma_start3A_492] : memref<16384x128xf32, #tpu.memory_space<hbm>> -> memref<64x128xf32, #tpu.memory_space<hbm>>
    tpu.enqueue_dma source(%arg13 : memref<64x128xf32, #tpu.memory_space<vmem>>) target(%dma_start3A_493 : memref<64x128xf32, #tpu.memory_space<hbm>>) target_semaphore(%arg23 : memref<!tpu.dma_semaphore, #tpu.memory_space<semaphore_mem>>)
    %dma_wait3A_494 = arith.constant 0 : i32
    %dma_wait3A_495 = tpu.memref_slice %arg5[%add3A_444, %dma_wait3A_494] : memref<16384x128xf32, #tpu.memory_space<hbm>> -> memref<64x128xf32, #tpu.memory_space<hbm>>
    %dma_wait3A_496 = arith.constant 0 : i32
    %dma_wait3A_497 = tpu.memref_slice %arg5[%add3A_444, %dma_wait3A_496] : memref<16384x128xf32, #tpu.memory_space<hbm>> -> memref<64x128xf32, #tpu.memory_space<hbm>>
    tpu.wait_dma2 semaphore(%arg22 : memref<!tpu.dma_semaphore, #tpu.memory_space<semaphore_mem>>) src(%arg12 : memref<64x128xf32, #tpu.memory_space<vmem>>) dst(%dma_wait3A_497 : memref<64x128xf32, #tpu.memory_space<hbm>>)
    %add3A_498 = arith.constant 768 : i32
    %add3A_499 = arith.addi %mul3A_2, %add3A_498 : i32
    %dma_start3A_500 = arith.constant 0 : i32
    %dma_start3A_501 = tpu.memref_slice %arg3[%add3A_499, %dma_start3A_500] : memref<16384x128xf32, #tpu.memory_space<hbm>> -> memref<64x128xf32, #tpu.memory_space<hbm>>
    %dma_start3A_502 = arith.constant 0 : i32
    %dma_start3A_503 = tpu.memref_slice %arg3[%add3A_499, %dma_start3A_502] : memref<16384x128xf32, #tpu.memory_space<hbm>> -> memref<64x128xf32, #tpu.memory_space<hbm>>
    tpu.enqueue_dma source(%dma_start3A_503 : memref<64x128xf32, #tpu.memory_space<hbm>>) target(%arg12 : memref<64x128xf32, #tpu.memory_space<vmem>>) target_semaphore(%arg19 : memref<!tpu.dma_semaphore, #tpu.memory_space<semaphore_mem>>)
    %broadcast_in_dim3A_504 = arith.constant 0 : i32
    %broadcast_in_dim3A_505 = vector.broadcast %broadcast_in_dim3A_504 : i32 to vector<16xi32>
    %scan3A_506 = arith.constant 0 : i32
    %scan3A_507 = arith.constant 64 : i32
    %scan3A_508 = arith.addi %scan3A_506, %scan3A_507 : i32
    %scan3A_509 = arith.constant 1 : i32
    %scan3A_510 = scf.for %scan3A_891 = %scan3A_506 to %scan3A_508 step %scan3A_509 iter_args(%scan3A_892 = %broadcast_in_dim3A_505) -> (vector<16xi32>)  : i32 {
      %mul3A_893 = arith.constant 16 : i32
      %mul3A_894 = arith.muli %scan3A_891, %mul3A_893 : i32
      %add3A_895 = arith.constant 11264 : i32
      %add3A_896 = arith.addi %add3A_895, %mul3A_894 : i32
      %get3A_897 = arith.index_cast %add3A_896 : i32 to index
      %get3A_898 = tpu.vector_load %arg7[%get3A_897] {strides = array<i32>} : memref<16384xi32, #tpu.memory_space<vmem>>, vector<16xi32>,
      %sub3A_899 = vector.broadcast %mul3A_0 : i32 to vector<16xi32>
      %sub3A_900 = arith.subi %get3A_898, %sub3A_899 : vector<16xi32>
      %ge3A = arith.constant 0 : i32
      %ge3A_901 = vector.broadcast %ge3A : i32 to vector<16xi32>
      %ge3A_902 = arith.cmpi sge, %sub3A_900, %ge3A_901 : vector<16xi32>
      %lt3A_903 = arith.constant 62504 : i32
      %lt3A_904 = vector.broadcast %lt3A_903 : i32 to vector<16xi32>
      %lt3A_905 = arith.cmpi slt, %sub3A_900, %lt3A_904 : vector<16xi32>
      %and3A_906 = arith.andi %ge3A_902, %lt3A_905 : vector<16xi1>
      %mul3A_907 = arith.constant 16 : i32
      %mul3A_908 = arith.muli %scan3A_891, %mul3A_907 : i32
      %add3A_909 = arith.constant 11264 : i32
      %add3A_910 = arith.addi %add3A_909, %mul3A_908 : i32
      %add3A_911 = vector.broadcast %add3A_910 : i32 to vector<16xi32>
      %add3A_912 = arith.addi %add3A_911, %iota3A : vector<16xi32>
      tpu.vector_store_idx %arg9[%sub3A_900], %add3A_912 masked %and3A_906 : memref<62504xi32, #tpu.memory_space<vmem>>[vector<16xi32>], vector<16xi32>, vector<16xi1>
      %gather3A_913 = tpu.vector_load_idx %arg9[%sub3A_900] masked %and3A_906 : memref<62504xi32, #tpu.memory_space<vmem>>[vector<16xi32>], vector<16xi32>, vector<16xi1>
      %ne3A_914 = arith.cmpi ne, %gather3A_913, %add3A_912 : vector<16xi32>
      %and3A_915 = arith.andi %and3A_906, %ne3A_914 : vector<16xi1>
      %all_reduce_population_count3A = tpu.all_reduce %and3A_915 {dim = 0 : i64, kind = #tpu.reduction_kind<sum>} : vector<16xi1> -> vector<16xi32>
      %add3A_916 = arith.addi %scan3A_892, %all_reduce_population_count3A : vector<16xi32>
      scf.yield %add3A_916 : vector<16xi32>
    }
    %scan3A_511 = arith.constant 64 : i32
    %gt3A_512 = arith.constant 0 : i32
    %gt3A_513 = vector.broadcast %gt3A_512 : i32 to vector<16xi32>
    %gt3A_514 = arith.cmpi sgt, %scan3A_510, %gt3A_513 : vector<16xi32>
    %reduce_or3A_515 = arith.constant 1.000000e+00 : f32
    %reduce_or3A_516 = arith.constant 0.000000e+00 : f32
    %reduce_or3A_517 = vector.broadcast %reduce_or3A_515 : f32 to vector<16xf32>
    %reduce_or3A_518 = vector.broadcast %reduce_or3A_516 : f32 to vector<16xf32>
    %reduce_or3A_519 = arith.select %gt3A_514, %reduce_or3A_517, %reduce_or3A_518 : vector<16xi1>, vector<16xf32>
    %reduce_or3A_520 = arith.constant true
    %reduce_or3A_521 = vector.broadcast %reduce_or3A_520 : i1 to vector<16xi1>
    %reduce_or3A_522 = tpu.scan <max>, %reduce_or3A_519 masked %reduce_or3A_521 : vector<16xf32>, vector<16xi1> -> vector<16xf32>
    %reduce_or3A_523 = vector.extract %reduce_or3A_522[15] : f32 from vector<16xf32>
    %reduce_or3A_524 = arith.constant 0.000000e+00 : f32
    %reduce_or3A_525 = arith.cmpf ogt, %reduce_or3A_523, %reduce_or3A_524 : f32
    %convert_element_type3A_526 = arith.extui %reduce_or3A_525 : i1 to i32
    %cond3A_527 = arith.constant 0 : i32
    %cond3A_528 = arith.cmpi ne, %convert_element_type3A_526, %cond3A_527 : i32
    scf.if %cond3A_528 {
      %scan3A_891 = arith.constant 0 : i32
      %scan3A_892 = arith.constant 0 : i32
      %scan3A_893 = arith.constant 64 : i32
      %scan3A_894 = arith.addi %scan3A_892, %scan3A_893 : i32
      %scan3A_895 = arith.constant 1 : i32
      scf.for %scan3A_897 = %scan3A_892 to %scan3A_894 step %scan3A_895  : i32 {
        %mul3A_898 = arith.constant 16 : i32
        %mul3A_899 = arith.muli %scan3A_897, %mul3A_898 : i32
        %add3A_900 = arith.constant 11264 : i32
        %add3A_901 = arith.addi %add3A_900, %mul3A_899 : i32
        %get3A_902 = arith.index_cast %add3A_901 : i32 to index
        %get3A_903 = tpu.vector_load %arg7[%get3A_902] {strides = array<i32>} : memref<16384xi32, #tpu.memory_space<vmem>>, vector<16xi32>,
        %mul3A_904 = arith.constant 16 : i32
        %mul3A_905 = vector.broadcast %mul3A_904 : i32 to vector<16xi32>
        %mul3A_906 = arith.muli %get3A_903, %mul3A_905 : vector<16xi32>
        %add3A_907 = arith.addi %mul3A_906, %iota3A : vector<16xi32>
        %masked_sort3A = arith.constant dense<true> : vector<16xi1>
        %masked_sort3A_908 = arith.constant -2147483648 : i32
        %masked_sort3A_909 = vector.broadcast %masked_sort3A_908 : i32 to vector<16xi32>
        %masked_sort3A_910 = arith.xori %add3A_907, %masked_sort3A_909 : vector<16xi32>
        %masked_sort3A_911, %masked_sort3A_912, %masked_sort3A_913 = tpu.sort %masked_sort3A_910, %add3A_907 masked %masked_sort3A : (vector<16xi32>, vector<16xi32>, vector<16xi1>) -> (vector<16xi1>, vector<16xi32>, vector<16xi32>)
        %masked_sort3A_914 = arith.xori %masked_sort3A_912, %masked_sort3A_909 : vector<16xi32>
        %shift_right_arithmetic3A = arith.constant 4 : i32
        %shift_right_arithmetic3A_915 = vector.broadcast %shift_right_arithmetic3A : i32 to vector<16xi32>
        %shift_right_arithmetic3A_916 = arith.shrsi %masked_sort3A_914, %shift_right_arithmetic3A_915 : vector<16xi32>
        %mul3A_917 = arith.constant 16 : i32
        %mul3A_918 = arith.muli %scan3A_897, %mul3A_917 : i32
        %add3A_919 = arith.constant 11264 : i32
        %add3A_920 = arith.addi %add3A_919, %mul3A_918 : i32
        %and3A_921 = arith.constant 15 : i32
        %and3A_922 = vector.broadcast %and3A_921 : i32 to vector<16xi32>
        %and3A_923 = arith.andi %masked_sort3A_914, %and3A_922 : vector<16xi32>
        %add3A_924 = vector.broadcast %add3A_920 : i32 to vector<16xi32>
        %add3A_925 = arith.addi %add3A_924, %and3A_923 : vector<16xi32>
        %lt3A_926 = arith.constant 0 : i32
        %lt3A_927 = vector.broadcast %lt3A_926 : i32 to vector<16xi32>
        %lt3A_928 = arith.cmpi slt, %min3A_6, %lt3A_927 : vector<16xi32>
        %add3A_929 = arith.constant 16 : i32
        %add3A_930 = vector.broadcast %add3A_929 : i32 to vector<16xi32>
        %add3A_931 = arith.addi %min3A_6, %add3A_930 : vector<16xi32>
        %select_n3A_932 = arith.select %lt3A_928, %add3A_931, %min3A_6 : vector<16xi1>, vector<16xi32>
        %broadcast_in_dim3A_933 = vector.shape_cast %select_n3A_932 : vector<16xi32> to vector<16x1xi32>
        %gather3A_934 = vector.shape_cast %broadcast_in_dim3A_933 : vector<16x1xi32> to vector<16xi32>
        %gather3A_935 = tpu.dynamic_gather %shift_right_arithmetic3A_916[%gather3A_934] in [0] : vector<16xi32>, vector<16xi32> -> vector<16xi32>
        %eq3A = arith.cmpi eq, %shift_right_arithmetic3A_916, %gather3A_935 : vector<16xi32>
        %and3A_936 = arith.andi %eq3A, %lt3A_8 : vector<16xi1>
        %sub3A_937 = vector.broadcast %mul3A_0 : i32 to vector<16xi32>
        %sub3A_938 = arith.subi %shift_right_arithmetic3A_916, %sub3A_937 : vector<16xi32>
        %ge3A = arith.constant 0 : i32
        %ge3A_939 = vector.broadcast %ge3A : i32 to vector<16xi32>
        %ge3A_940 = arith.cmpi sge, %sub3A_938, %ge3A_939 : vector<16xi32>
        %lt3A_941 = arith.constant 62504 : i32
        %lt3A_942 = vector.broadcast %lt3A_941 : i32 to vector<16xi32>
        %lt3A_943 = arith.cmpi slt, %sub3A_938, %lt3A_942 : vector<16xi32>
        %and3A_944 = arith.andi %ge3A_940, %lt3A_943 : vector<16xi1>
        %not3A = arith.constant dense<true> : vector<16xi1>
        %not3A_945 = arith.xori %and3A_936, %not3A : vector<16xi1>
        %and3A_946 = arith.andi %and3A_944, %not3A_945 : vector<16xi1>
        tpu.vector_store_idx %arg9[%sub3A_938], %add3A_925 masked %and3A_946 : memref<62504xi32, #tpu.memory_space<vmem>>[vector<16xi32>], vector<16xi32>, vector<16xi1>
      }
      %scan3A_896 = arith.constant 64 : i32
    } else {
    }
    %dma_wait3A_529 = arith.constant 0 : i32
    %dma_wait3A_530 = tpu.memref_slice %arg3[%add3A_454, %dma_wait3A_529] : memref<16384x128xf32, #tpu.memory_space<hbm>> -> memref<64x128xf32, #tpu.memory_space<hbm>>
    %dma_wait3A_531 = arith.constant 0 : i32
    %dma_wait3A_532 = tpu.memref_slice %arg3[%add3A_454, %dma_wait3A_531] : memref<16384x128xf32, #tpu.memory_space<hbm>> -> memref<64x128xf32, #tpu.memory_space<hbm>>
    tpu.wait_dma2 semaphore(%arg21 : memref<!tpu.dma_semaphore, #tpu.memory_space<semaphore_mem>>) src(%dma_wait3A_532 : memref<64x128xf32, #tpu.memory_space<hbm>>) dst(%arg14 : memref<64x128xf32, #tpu.memory_space<vmem>>)
    %add3A_533 = arith.constant 704 : i32
    %add3A_534 = arith.addi %mul3A_2, %add3A_533 : i32
    %dma_start3A_535 = arith.constant 0 : i32
    %dma_start3A_536 = tpu.memref_slice %arg5[%add3A_534, %dma_start3A_535] : memref<16384x128xf32, #tpu.memory_space<hbm>> -> memref<64x128xf32, #tpu.memory_space<hbm>>
    %dma_start3A_537 = arith.constant 0 : i32
    %dma_start3A_538 = tpu.memref_slice %arg5[%add3A_534, %dma_start3A_537] : memref<16384x128xf32, #tpu.memory_space<hbm>> -> memref<64x128xf32, #tpu.memory_space<hbm>>
    tpu.enqueue_dma source(%arg14 : memref<64x128xf32, #tpu.memory_space<vmem>>) target(%dma_start3A_538 : memref<64x128xf32, #tpu.memory_space<hbm>>) target_semaphore(%arg24 : memref<!tpu.dma_semaphore, #tpu.memory_space<semaphore_mem>>)
    %dma_wait3A_539 = arith.constant 0 : i32
    %dma_wait3A_540 = tpu.memref_slice %arg5[%add3A_489, %dma_wait3A_539] : memref<16384x128xf32, #tpu.memory_space<hbm>> -> memref<64x128xf32, #tpu.memory_space<hbm>>
    %dma_wait3A_541 = arith.constant 0 : i32
    %dma_wait3A_542 = tpu.memref_slice %arg5[%add3A_489, %dma_wait3A_541] : memref<16384x128xf32, #tpu.memory_space<hbm>> -> memref<64x128xf32, #tpu.memory_space<hbm>>
    tpu.wait_dma2 semaphore(%arg23 : memref<!tpu.dma_semaphore, #tpu.memory_space<semaphore_mem>>) src(%arg13 : memref<64x128xf32, #tpu.memory_space<vmem>>) dst(%dma_wait3A_542 : memref<64x128xf32, #tpu.memory_space<hbm>>)
    %add3A_543 = arith.constant 832 : i32
    %add3A_544 = arith.addi %mul3A_2, %add3A_543 : i32
    %dma_start3A_545 = arith.constant 0 : i32
    %dma_start3A_546 = tpu.memref_slice %arg3[%add3A_544, %dma_start3A_545] : memref<16384x128xf32, #tpu.memory_space<hbm>> -> memref<64x128xf32, #tpu.memory_space<hbm>>
    %dma_start3A_547 = arith.constant 0 : i32
    %dma_start3A_548 = tpu.memref_slice %arg3[%add3A_544, %dma_start3A_547] : memref<16384x128xf32, #tpu.memory_space<hbm>> -> memref<64x128xf32, #tpu.memory_space<hbm>>
    tpu.enqueue_dma source(%dma_start3A_548 : memref<64x128xf32, #tpu.memory_space<hbm>>) target(%arg13 : memref<64x128xf32, #tpu.memory_space<vmem>>) target_semaphore(%arg20 : memref<!tpu.dma_semaphore, #tpu.memory_space<semaphore_mem>>)
    %broadcast_in_dim3A_549 = arith.constant 0 : i32
    %broadcast_in_dim3A_550 = vector.broadcast %broadcast_in_dim3A_549 : i32 to vector<16xi32>
    %scan3A_551 = arith.constant 0 : i32
    %scan3A_552 = arith.constant 64 : i32
    %scan3A_553 = arith.addi %scan3A_551, %scan3A_552 : i32
    %scan3A_554 = arith.constant 1 : i32
    %scan3A_555 = scf.for %scan3A_891 = %scan3A_551 to %scan3A_553 step %scan3A_554 iter_args(%scan3A_892 = %broadcast_in_dim3A_550) -> (vector<16xi32>)  : i32 {
      %mul3A_893 = arith.constant 16 : i32
      %mul3A_894 = arith.muli %scan3A_891, %mul3A_893 : i32
      %add3A_895 = arith.constant 12288 : i32
      %add3A_896 = arith.addi %add3A_895, %mul3A_894 : i32
      %get3A_897 = arith.index_cast %add3A_896 : i32 to index
      %get3A_898 = tpu.vector_load %arg7[%get3A_897] {strides = array<i32>} : memref<16384xi32, #tpu.memory_space<vmem>>, vector<16xi32>,
      %sub3A_899 = vector.broadcast %mul3A_0 : i32 to vector<16xi32>
      %sub3A_900 = arith.subi %get3A_898, %sub3A_899 : vector<16xi32>
      %ge3A = arith.constant 0 : i32
      %ge3A_901 = vector.broadcast %ge3A : i32 to vector<16xi32>
      %ge3A_902 = arith.cmpi sge, %sub3A_900, %ge3A_901 : vector<16xi32>
      %lt3A_903 = arith.constant 62504 : i32
      %lt3A_904 = vector.broadcast %lt3A_903 : i32 to vector<16xi32>
      %lt3A_905 = arith.cmpi slt, %sub3A_900, %lt3A_904 : vector<16xi32>
      %and3A_906 = arith.andi %ge3A_902, %lt3A_905 : vector<16xi1>
      %mul3A_907 = arith.constant 16 : i32
      %mul3A_908 = arith.muli %scan3A_891, %mul3A_907 : i32
      %add3A_909 = arith.constant 12288 : i32
      %add3A_910 = arith.addi %add3A_909, %mul3A_908 : i32
      %add3A_911 = vector.broadcast %add3A_910 : i32 to vector<16xi32>
      %add3A_912 = arith.addi %add3A_911, %iota3A : vector<16xi32>
      tpu.vector_store_idx %arg9[%sub3A_900], %add3A_912 masked %and3A_906 : memref<62504xi32, #tpu.memory_space<vmem>>[vector<16xi32>], vector<16xi32>, vector<16xi1>
      %gather3A_913 = tpu.vector_load_idx %arg9[%sub3A_900] masked %and3A_906 : memref<62504xi32, #tpu.memory_space<vmem>>[vector<16xi32>], vector<16xi32>, vector<16xi1>
      %ne3A_914 = arith.cmpi ne, %gather3A_913, %add3A_912 : vector<16xi32>
      %and3A_915 = arith.andi %and3A_906, %ne3A_914 : vector<16xi1>
      %all_reduce_population_count3A = tpu.all_reduce %and3A_915 {dim = 0 : i64, kind = #tpu.reduction_kind<sum>} : vector<16xi1> -> vector<16xi32>
      %add3A_916 = arith.addi %scan3A_892, %all_reduce_population_count3A : vector<16xi32>
      scf.yield %add3A_916 : vector<16xi32>
    }
    %scan3A_556 = arith.constant 64 : i32
    %gt3A_557 = arith.constant 0 : i32
    %gt3A_558 = vector.broadcast %gt3A_557 : i32 to vector<16xi32>
    %gt3A_559 = arith.cmpi sgt, %scan3A_555, %gt3A_558 : vector<16xi32>
    %reduce_or3A_560 = arith.constant 1.000000e+00 : f32
    %reduce_or3A_561 = arith.constant 0.000000e+00 : f32
    %reduce_or3A_562 = vector.broadcast %reduce_or3A_560 : f32 to vector<16xf32>
    %reduce_or3A_563 = vector.broadcast %reduce_or3A_561 : f32 to vector<16xf32>
    %reduce_or3A_564 = arith.select %gt3A_559, %reduce_or3A_562, %reduce_or3A_563 : vector<16xi1>, vector<16xf32>
    %reduce_or3A_565 = arith.constant true
    %reduce_or3A_566 = vector.broadcast %reduce_or3A_565 : i1 to vector<16xi1>
    %reduce_or3A_567 = tpu.scan <max>, %reduce_or3A_564 masked %reduce_or3A_566 : vector<16xf32>, vector<16xi1> -> vector<16xf32>
    %reduce_or3A_568 = vector.extract %reduce_or3A_567[15] : f32 from vector<16xf32>
    %reduce_or3A_569 = arith.constant 0.000000e+00 : f32
    %reduce_or3A_570 = arith.cmpf ogt, %reduce_or3A_568, %reduce_or3A_569 : f32
    %convert_element_type3A_571 = arith.extui %reduce_or3A_570 : i1 to i32
    %cond3A_572 = arith.constant 0 : i32
    %cond3A_573 = arith.cmpi ne, %convert_element_type3A_571, %cond3A_572 : i32
    scf.if %cond3A_573 {
      %scan3A_891 = arith.constant 0 : i32
      %scan3A_892 = arith.constant 0 : i32
      %scan3A_893 = arith.constant 64 : i32
      %scan3A_894 = arith.addi %scan3A_892, %scan3A_893 : i32
      %scan3A_895 = arith.constant 1 : i32
      scf.for %scan3A_897 = %scan3A_892 to %scan3A_894 step %scan3A_895  : i32 {
        %mul3A_898 = arith.constant 16 : i32
        %mul3A_899 = arith.muli %scan3A_897, %mul3A_898 : i32
        %add3A_900 = arith.constant 12288 : i32
        %add3A_901 = arith.addi %add3A_900, %mul3A_899 : i32
        %get3A_902 = arith.index_cast %add3A_901 : i32 to index
        %get3A_903 = tpu.vector_load %arg7[%get3A_902] {strides = array<i32>} : memref<16384xi32, #tpu.memory_space<vmem>>, vector<16xi32>,
        %mul3A_904 = arith.constant 16 : i32
        %mul3A_905 = vector.broadcast %mul3A_904 : i32 to vector<16xi32>
        %mul3A_906 = arith.muli %get3A_903, %mul3A_905 : vector<16xi32>
        %add3A_907 = arith.addi %mul3A_906, %iota3A : vector<16xi32>
        %masked_sort3A = arith.constant dense<true> : vector<16xi1>
        %masked_sort3A_908 = arith.constant -2147483648 : i32
        %masked_sort3A_909 = vector.broadcast %masked_sort3A_908 : i32 to vector<16xi32>
        %masked_sort3A_910 = arith.xori %add3A_907, %masked_sort3A_909 : vector<16xi32>
        %masked_sort3A_911, %masked_sort3A_912, %masked_sort3A_913 = tpu.sort %masked_sort3A_910, %add3A_907 masked %masked_sort3A : (vector<16xi32>, vector<16xi32>, vector<16xi1>) -> (vector<16xi1>, vector<16xi32>, vector<16xi32>)
        %masked_sort3A_914 = arith.xori %masked_sort3A_912, %masked_sort3A_909 : vector<16xi32>
        %shift_right_arithmetic3A = arith.constant 4 : i32
        %shift_right_arithmetic3A_915 = vector.broadcast %shift_right_arithmetic3A : i32 to vector<16xi32>
        %shift_right_arithmetic3A_916 = arith.shrsi %masked_sort3A_914, %shift_right_arithmetic3A_915 : vector<16xi32>
        %mul3A_917 = arith.constant 16 : i32
        %mul3A_918 = arith.muli %scan3A_897, %mul3A_917 : i32
        %add3A_919 = arith.constant 12288 : i32
        %add3A_920 = arith.addi %add3A_919, %mul3A_918 : i32
        %and3A_921 = arith.constant 15 : i32
        %and3A_922 = vector.broadcast %and3A_921 : i32 to vector<16xi32>
        %and3A_923 = arith.andi %masked_sort3A_914, %and3A_922 : vector<16xi32>
        %add3A_924 = vector.broadcast %add3A_920 : i32 to vector<16xi32>
        %add3A_925 = arith.addi %add3A_924, %and3A_923 : vector<16xi32>
        %lt3A_926 = arith.constant 0 : i32
        %lt3A_927 = vector.broadcast %lt3A_926 : i32 to vector<16xi32>
        %lt3A_928 = arith.cmpi slt, %min3A_6, %lt3A_927 : vector<16xi32>
        %add3A_929 = arith.constant 16 : i32
        %add3A_930 = vector.broadcast %add3A_929 : i32 to vector<16xi32>
        %add3A_931 = arith.addi %min3A_6, %add3A_930 : vector<16xi32>
        %select_n3A_932 = arith.select %lt3A_928, %add3A_931, %min3A_6 : vector<16xi1>, vector<16xi32>
        %broadcast_in_dim3A_933 = vector.shape_cast %select_n3A_932 : vector<16xi32> to vector<16x1xi32>
        %gather3A_934 = vector.shape_cast %broadcast_in_dim3A_933 : vector<16x1xi32> to vector<16xi32>
        %gather3A_935 = tpu.dynamic_gather %shift_right_arithmetic3A_916[%gather3A_934] in [0] : vector<16xi32>, vector<16xi32> -> vector<16xi32>
        %eq3A = arith.cmpi eq, %shift_right_arithmetic3A_916, %gather3A_935 : vector<16xi32>
        %and3A_936 = arith.andi %eq3A, %lt3A_8 : vector<16xi1>
        %sub3A_937 = vector.broadcast %mul3A_0 : i32 to vector<16xi32>
        %sub3A_938 = arith.subi %shift_right_arithmetic3A_916, %sub3A_937 : vector<16xi32>
        %ge3A = arith.constant 0 : i32
        %ge3A_939 = vector.broadcast %ge3A : i32 to vector<16xi32>
        %ge3A_940 = arith.cmpi sge, %sub3A_938, %ge3A_939 : vector<16xi32>
        %lt3A_941 = arith.constant 62504 : i32
        %lt3A_942 = vector.broadcast %lt3A_941 : i32 to vector<16xi32>
        %lt3A_943 = arith.cmpi slt, %sub3A_938, %lt3A_942 : vector<16xi32>
        %and3A_944 = arith.andi %ge3A_940, %lt3A_943 : vector<16xi1>
        %not3A = arith.constant dense<true> : vector<16xi1>
        %not3A_945 = arith.xori %and3A_936, %not3A : vector<16xi1>
        %and3A_946 = arith.andi %and3A_944, %not3A_945 : vector<16xi1>
        tpu.vector_store_idx %arg9[%sub3A_938], %add3A_925 masked %and3A_946 : memref<62504xi32, #tpu.memory_space<vmem>>[vector<16xi32>], vector<16xi32>, vector<16xi1>
      }
      %scan3A_896 = arith.constant 64 : i32
    } else {
    }
    %dma_wait3A_574 = arith.constant 0 : i32
    %dma_wait3A_575 = tpu.memref_slice %arg3[%add3A_499, %dma_wait3A_574] : memref<16384x128xf32, #tpu.memory_space<hbm>> -> memref<64x128xf32, #tpu.memory_space<hbm>>
    %dma_wait3A_576 = arith.constant 0 : i32
    %dma_wait3A_577 = tpu.memref_slice %arg3[%add3A_499, %dma_wait3A_576] : memref<16384x128xf32, #tpu.memory_space<hbm>> -> memref<64x128xf32, #tpu.memory_space<hbm>>
    tpu.wait_dma2 semaphore(%arg19 : memref<!tpu.dma_semaphore, #tpu.memory_space<semaphore_mem>>) src(%dma_wait3A_577 : memref<64x128xf32, #tpu.memory_space<hbm>>) dst(%arg12 : memref<64x128xf32, #tpu.memory_space<vmem>>)
    %add3A_578 = arith.constant 768 : i32
    %add3A_579 = arith.addi %mul3A_2, %add3A_578 : i32
    %dma_start3A_580 = arith.constant 0 : i32
    %dma_start3A_581 = tpu.memref_slice %arg5[%add3A_579, %dma_start3A_580] : memref<16384x128xf32, #tpu.memory_space<hbm>> -> memref<64x128xf32, #tpu.memory_space<hbm>>
    %dma_start3A_582 = arith.constant 0 : i32
    %dma_start3A_583 = tpu.memref_slice %arg5[%add3A_579, %dma_start3A_582] : memref<16384x128xf32, #tpu.memory_space<hbm>> -> memref<64x128xf32, #tpu.memory_space<hbm>>
    tpu.enqueue_dma source(%arg12 : memref<64x128xf32, #tpu.memory_space<vmem>>) target(%dma_start3A_583 : memref<64x128xf32, #tpu.memory_space<hbm>>) target_semaphore(%arg22 : memref<!tpu.dma_semaphore, #tpu.memory_space<semaphore_mem>>)
    %dma_wait3A_584 = arith.constant 0 : i32
    %dma_wait3A_585 = tpu.memref_slice %arg5[%add3A_534, %dma_wait3A_584] : memref<16384x128xf32, #tpu.memory_space<hbm>> -> memref<64x128xf32, #tpu.memory_space<hbm>>
    %dma_wait3A_586 = arith.constant 0 : i32
    %dma_wait3A_587 = tpu.memref_slice %arg5[%add3A_534, %dma_wait3A_586] : memref<16384x128xf32, #tpu.memory_space<hbm>> -> memref<64x128xf32, #tpu.memory_space<hbm>>
    tpu.wait_dma2 semaphore(%arg24 : memref<!tpu.dma_semaphore, #tpu.memory_space<semaphore_mem>>) src(%arg14 : memref<64x128xf32, #tpu.memory_space<vmem>>) dst(%dma_wait3A_587 : memref<64x128xf32, #tpu.memory_space<hbm>>)
    %add3A_588 = arith.constant 896 : i32
    %add3A_589 = arith.addi %mul3A_2, %add3A_588 : i32
    %dma_start3A_590 = arith.constant 0 : i32
    %dma_start3A_591 = tpu.memref_slice %arg3[%add3A_589, %dma_start3A_590] : memref<16384x128xf32, #tpu.memory_space<hbm>> -> memref<64x128xf32, #tpu.memory_space<hbm>>
    %dma_start3A_592 = arith.constant 0 : i32
    %dma_start3A_593 = tpu.memref_slice %arg3[%add3A_589, %dma_start3A_592] : memref<16384x128xf32, #tpu.memory_space<hbm>> -> memref<64x128xf32, #tpu.memory_space<hbm>>
    tpu.enqueue_dma source(%dma_start3A_593 : memref<64x128xf32, #tpu.memory_space<hbm>>) target(%arg14 : memref<64x128xf32, #tpu.memory_space<vmem>>) target_semaphore(%arg21 : memref<!tpu.dma_semaphore, #tpu.memory_space<semaphore_mem>>)
    %broadcast_in_dim3A_594 = arith.constant 0 : i32
    %broadcast_in_dim3A_595 = vector.broadcast %broadcast_in_dim3A_594 : i32 to vector<16xi32>
    %scan3A_596 = arith.constant 0 : i32
    %scan3A_597 = arith.constant 64 : i32
    %scan3A_598 = arith.addi %scan3A_596, %scan3A_597 : i32
    %scan3A_599 = arith.constant 1 : i32
    %scan3A_600 = scf.for %scan3A_891 = %scan3A_596 to %scan3A_598 step %scan3A_599 iter_args(%scan3A_892 = %broadcast_in_dim3A_595) -> (vector<16xi32>)  : i32 {
      %mul3A_893 = arith.constant 16 : i32
      %mul3A_894 = arith.muli %scan3A_891, %mul3A_893 : i32
      %add3A_895 = arith.constant 13312 : i32
      %add3A_896 = arith.addi %add3A_895, %mul3A_894 : i32
      %get3A_897 = arith.index_cast %add3A_896 : i32 to index
      %get3A_898 = tpu.vector_load %arg7[%get3A_897] {strides = array<i32>} : memref<16384xi32, #tpu.memory_space<vmem>>, vector<16xi32>,
      %sub3A_899 = vector.broadcast %mul3A_0 : i32 to vector<16xi32>
      %sub3A_900 = arith.subi %get3A_898, %sub3A_899 : vector<16xi32>
      %ge3A = arith.constant 0 : i32
      %ge3A_901 = vector.broadcast %ge3A : i32 to vector<16xi32>
      %ge3A_902 = arith.cmpi sge, %sub3A_900, %ge3A_901 : vector<16xi32>
      %lt3A_903 = arith.constant 62504 : i32
      %lt3A_904 = vector.broadcast %lt3A_903 : i32 to vector<16xi32>
      %lt3A_905 = arith.cmpi slt, %sub3A_900, %lt3A_904 : vector<16xi32>
      %and3A_906 = arith.andi %ge3A_902, %lt3A_905 : vector<16xi1>
      %mul3A_907 = arith.constant 16 : i32
      %mul3A_908 = arith.muli %scan3A_891, %mul3A_907 : i32
      %add3A_909 = arith.constant 13312 : i32
      %add3A_910 = arith.addi %add3A_909, %mul3A_908 : i32
      %add3A_911 = vector.broadcast %add3A_910 : i32 to vector<16xi32>
      %add3A_912 = arith.addi %add3A_911, %iota3A : vector<16xi32>
      tpu.vector_store_idx %arg9[%sub3A_900], %add3A_912 masked %and3A_906 : memref<62504xi32, #tpu.memory_space<vmem>>[vector<16xi32>], vector<16xi32>, vector<16xi1>
      %gather3A_913 = tpu.vector_load_idx %arg9[%sub3A_900] masked %and3A_906 : memref<62504xi32, #tpu.memory_space<vmem>>[vector<16xi32>], vector<16xi32>, vector<16xi1>
      %ne3A_914 = arith.cmpi ne, %gather3A_913, %add3A_912 : vector<16xi32>
      %and3A_915 = arith.andi %and3A_906, %ne3A_914 : vector<16xi1>
      %all_reduce_population_count3A = tpu.all_reduce %and3A_915 {dim = 0 : i64, kind = #tpu.reduction_kind<sum>} : vector<16xi1> -> vector<16xi32>
      %add3A_916 = arith.addi %scan3A_892, %all_reduce_population_count3A : vector<16xi32>
      scf.yield %add3A_916 : vector<16xi32>
    }
    %scan3A_601 = arith.constant 64 : i32
    %gt3A_602 = arith.constant 0 : i32
    %gt3A_603 = vector.broadcast %gt3A_602 : i32 to vector<16xi32>
    %gt3A_604 = arith.cmpi sgt, %scan3A_600, %gt3A_603 : vector<16xi32>
    %reduce_or3A_605 = arith.constant 1.000000e+00 : f32
    %reduce_or3A_606 = arith.constant 0.000000e+00 : f32
    %reduce_or3A_607 = vector.broadcast %reduce_or3A_605 : f32 to vector<16xf32>
    %reduce_or3A_608 = vector.broadcast %reduce_or3A_606 : f32 to vector<16xf32>
    %reduce_or3A_609 = arith.select %gt3A_604, %reduce_or3A_607, %reduce_or3A_608 : vector<16xi1>, vector<16xf32>
    %reduce_or3A_610 = arith.constant true
    %reduce_or3A_611 = vector.broadcast %reduce_or3A_610 : i1 to vector<16xi1>
    %reduce_or3A_612 = tpu.scan <max>, %reduce_or3A_609 masked %reduce_or3A_611 : vector<16xf32>, vector<16xi1> -> vector<16xf32>
    %reduce_or3A_613 = vector.extract %reduce_or3A_612[15] : f32 from vector<16xf32>
    %reduce_or3A_614 = arith.constant 0.000000e+00 : f32
    %reduce_or3A_615 = arith.cmpf ogt, %reduce_or3A_613, %reduce_or3A_614 : f32
    %convert_element_type3A_616 = arith.extui %reduce_or3A_615 : i1 to i32
    %cond3A_617 = arith.constant 0 : i32
    %cond3A_618 = arith.cmpi ne, %convert_element_type3A_616, %cond3A_617 : i32
    scf.if %cond3A_618 {
      %scan3A_891 = arith.constant 0 : i32
      %scan3A_892 = arith.constant 0 : i32
      %scan3A_893 = arith.constant 64 : i32
      %scan3A_894 = arith.addi %scan3A_892, %scan3A_893 : i32
      %scan3A_895 = arith.constant 1 : i32
      scf.for %scan3A_897 = %scan3A_892 to %scan3A_894 step %scan3A_895  : i32 {
        %mul3A_898 = arith.constant 16 : i32
        %mul3A_899 = arith.muli %scan3A_897, %mul3A_898 : i32
        %add3A_900 = arith.constant 13312 : i32
        %add3A_901 = arith.addi %add3A_900, %mul3A_899 : i32
        %get3A_902 = arith.index_cast %add3A_901 : i32 to index
        %get3A_903 = tpu.vector_load %arg7[%get3A_902] {strides = array<i32>} : memref<16384xi32, #tpu.memory_space<vmem>>, vector<16xi32>,
        %mul3A_904 = arith.constant 16 : i32
        %mul3A_905 = vector.broadcast %mul3A_904 : i32 to vector<16xi32>
        %mul3A_906 = arith.muli %get3A_903, %mul3A_905 : vector<16xi32>
        %add3A_907 = arith.addi %mul3A_906, %iota3A : vector<16xi32>
        %masked_sort3A = arith.constant dense<true> : vector<16xi1>
        %masked_sort3A_908 = arith.constant -2147483648 : i32
        %masked_sort3A_909 = vector.broadcast %masked_sort3A_908 : i32 to vector<16xi32>
        %masked_sort3A_910 = arith.xori %add3A_907, %masked_sort3A_909 : vector<16xi32>
        %masked_sort3A_911, %masked_sort3A_912, %masked_sort3A_913 = tpu.sort %masked_sort3A_910, %add3A_907 masked %masked_sort3A : (vector<16xi32>, vector<16xi32>, vector<16xi1>) -> (vector<16xi1>, vector<16xi32>, vector<16xi32>)
        %masked_sort3A_914 = arith.xori %masked_sort3A_912, %masked_sort3A_909 : vector<16xi32>
        %shift_right_arithmetic3A = arith.constant 4 : i32
        %shift_right_arithmetic3A_915 = vector.broadcast %shift_right_arithmetic3A : i32 to vector<16xi32>
        %shift_right_arithmetic3A_916 = arith.shrsi %masked_sort3A_914, %shift_right_arithmetic3A_915 : vector<16xi32>
        %mul3A_917 = arith.constant 16 : i32
        %mul3A_918 = arith.muli %scan3A_897, %mul3A_917 : i32
        %add3A_919 = arith.constant 13312 : i32
        %add3A_920 = arith.addi %add3A_919, %mul3A_918 : i32
        %and3A_921 = arith.constant 15 : i32
        %and3A_922 = vector.broadcast %and3A_921 : i32 to vector<16xi32>
        %and3A_923 = arith.andi %masked_sort3A_914, %and3A_922 : vector<16xi32>
        %add3A_924 = vector.broadcast %add3A_920 : i32 to vector<16xi32>
        %add3A_925 = arith.addi %add3A_924, %and3A_923 : vector<16xi32>
        %lt3A_926 = arith.constant 0 : i32
        %lt3A_927 = vector.broadcast %lt3A_926 : i32 to vector<16xi32>
        %lt3A_928 = arith.cmpi slt, %min3A_6, %lt3A_927 : vector<16xi32>
        %add3A_929 = arith.constant 16 : i32
        %add3A_930 = vector.broadcast %add3A_929 : i32 to vector<16xi32>
        %add3A_931 = arith.addi %min3A_6, %add3A_930 : vector<16xi32>
        %select_n3A_932 = arith.select %lt3A_928, %add3A_931, %min3A_6 : vector<16xi1>, vector<16xi32>
        %broadcast_in_dim3A_933 = vector.shape_cast %select_n3A_932 : vector<16xi32> to vector<16x1xi32>
        %gather3A_934 = vector.shape_cast %broadcast_in_dim3A_933 : vector<16x1xi32> to vector<16xi32>
        %gather3A_935 = tpu.dynamic_gather %shift_right_arithmetic3A_916[%gather3A_934] in [0] : vector<16xi32>, vector<16xi32> -> vector<16xi32>
        %eq3A = arith.cmpi eq, %shift_right_arithmetic3A_916, %gather3A_935 : vector<16xi32>
        %and3A_936 = arith.andi %eq3A, %lt3A_8 : vector<16xi1>
        %sub3A_937 = vector.broadcast %mul3A_0 : i32 to vector<16xi32>
        %sub3A_938 = arith.subi %shift_right_arithmetic3A_916, %sub3A_937 : vector<16xi32>
        %ge3A = arith.constant 0 : i32
        %ge3A_939 = vector.broadcast %ge3A : i32 to vector<16xi32>
        %ge3A_940 = arith.cmpi sge, %sub3A_938, %ge3A_939 : vector<16xi32>
        %lt3A_941 = arith.constant 62504 : i32
        %lt3A_942 = vector.broadcast %lt3A_941 : i32 to vector<16xi32>
        %lt3A_943 = arith.cmpi slt, %sub3A_938, %lt3A_942 : vector<16xi32>
        %and3A_944 = arith.andi %ge3A_940, %lt3A_943 : vector<16xi1>
        %not3A = arith.constant dense<true> : vector<16xi1>
        %not3A_945 = arith.xori %and3A_936, %not3A : vector<16xi1>
        %and3A_946 = arith.andi %and3A_944, %not3A_945 : vector<16xi1>
        tpu.vector_store_idx %arg9[%sub3A_938], %add3A_925 masked %and3A_946 : memref<62504xi32, #tpu.memory_space<vmem>>[vector<16xi32>], vector<16xi32>, vector<16xi1>
      }
      %scan3A_896 = arith.constant 64 : i32
    } else {
    }
    %dma_wait3A_619 = arith.constant 0 : i32
    %dma_wait3A_620 = tpu.memref_slice %arg3[%add3A_544, %dma_wait3A_619] : memref<16384x128xf32, #tpu.memory_space<hbm>> -> memref<64x128xf32, #tpu.memory_space<hbm>>
    %dma_wait3A_621 = arith.constant 0 : i32
    %dma_wait3A_622 = tpu.memref_slice %arg3[%add3A_544, %dma_wait3A_621] : memref<16384x128xf32, #tpu.memory_space<hbm>> -> memref<64x128xf32, #tpu.memory_space<hbm>>
    tpu.wait_dma2 semaphore(%arg20 : memref<!tpu.dma_semaphore, #tpu.memory_space<semaphore_mem>>) src(%dma_wait3A_622 : memref<64x128xf32, #tpu.memory_space<hbm>>) dst(%arg13 : memref<64x128xf32, #tpu.memory_space<vmem>>)
    %add3A_623 = arith.constant 832 : i32
    %add3A_624 = arith.addi %mul3A_2, %add3A_623 : i32
    %dma_start3A_625 = arith.constant 0 : i32
    %dma_start3A_626 = tpu.memref_slice %arg5[%add3A_624, %dma_start3A_625] : memref<16384x128xf32, #tpu.memory_space<hbm>> -> memref<64x128xf32, #tpu.memory_space<hbm>>
    %dma_start3A_627 = arith.constant 0 : i32
    %dma_start3A_628 = tpu.memref_slice %arg5[%add3A_624, %dma_start3A_627] : memref<16384x128xf32, #tpu.memory_space<hbm>> -> memref<64x128xf32, #tpu.memory_space<hbm>>
    tpu.enqueue_dma source(%arg13 : memref<64x128xf32, #tpu.memory_space<vmem>>) target(%dma_start3A_628 : memref<64x128xf32, #tpu.memory_space<hbm>>) target_semaphore(%arg23 : memref<!tpu.dma_semaphore, #tpu.memory_space<semaphore_mem>>)
    %dma_wait3A_629 = arith.constant 0 : i32
    %dma_wait3A_630 = tpu.memref_slice %arg5[%add3A_579, %dma_wait3A_629] : memref<16384x128xf32, #tpu.memory_space<hbm>> -> memref<64x128xf32, #tpu.memory_space<hbm>>
    %dma_wait3A_631 = arith.constant 0 : i32
    %dma_wait3A_632 = tpu.memref_slice %arg5[%add3A_579, %dma_wait3A_631] : memref<16384x128xf32, #tpu.memory_space<hbm>> -> memref<64x128xf32, #tpu.memory_space<hbm>>
    tpu.wait_dma2 semaphore(%arg22 : memref<!tpu.dma_semaphore, #tpu.memory_space<semaphore_mem>>) src(%arg12 : memref<64x128xf32, #tpu.memory_space<vmem>>) dst(%dma_wait3A_632 : memref<64x128xf32, #tpu.memory_space<hbm>>)
    %add3A_633 = arith.constant 960 : i32
    %add3A_634 = arith.addi %mul3A_2, %add3A_633 : i32
    %dma_start3A_635 = arith.constant 0 : i32
    %dma_start3A_636 = tpu.memref_slice %arg3[%add3A_634, %dma_start3A_635] : memref<16384x128xf32, #tpu.memory_space<hbm>> -> memref<64x128xf32, #tpu.memory_space<hbm>>
    %dma_start3A_637 = arith.constant 0 : i32
    %dma_start3A_638 = tpu.memref_slice %arg3[%add3A_634, %dma_start3A_637] : memref<16384x128xf32, #tpu.memory_space<hbm>> -> memref<64x128xf32, #tpu.memory_space<hbm>>
    tpu.enqueue_dma source(%dma_start3A_638 : memref<64x128xf32, #tpu.memory_space<hbm>>) target(%arg12 : memref<64x128xf32, #tpu.memory_space<vmem>>) target_semaphore(%arg19 : memref<!tpu.dma_semaphore, #tpu.memory_space<semaphore_mem>>)
    %broadcast_in_dim3A_639 = arith.constant 0 : i32
    %broadcast_in_dim3A_640 = vector.broadcast %broadcast_in_dim3A_639 : i32 to vector<16xi32>
    %scan3A_641 = arith.constant 0 : i32
    %scan3A_642 = arith.constant 64 : i32
    %scan3A_643 = arith.addi %scan3A_641, %scan3A_642 : i32
    %scan3A_644 = arith.constant 1 : i32
    %scan3A_645 = scf.for %scan3A_891 = %scan3A_641 to %scan3A_643 step %scan3A_644 iter_args(%scan3A_892 = %broadcast_in_dim3A_640) -> (vector<16xi32>)  : i32 {
      %mul3A_893 = arith.constant 16 : i32
      %mul3A_894 = arith.muli %scan3A_891, %mul3A_893 : i32
      %add3A_895 = arith.constant 14336 : i32
      %add3A_896 = arith.addi %add3A_895, %mul3A_894 : i32
      %get3A_897 = arith.index_cast %add3A_896 : i32 to index
      %get3A_898 = tpu.vector_load %arg7[%get3A_897] {strides = array<i32>} : memref<16384xi32, #tpu.memory_space<vmem>>, vector<16xi32>,
      %sub3A_899 = vector.broadcast %mul3A_0 : i32 to vector<16xi32>
      %sub3A_900 = arith.subi %get3A_898, %sub3A_899 : vector<16xi32>
      %ge3A = arith.constant 0 : i32
      %ge3A_901 = vector.broadcast %ge3A : i32 to vector<16xi32>
      %ge3A_902 = arith.cmpi sge, %sub3A_900, %ge3A_901 : vector<16xi32>
      %lt3A_903 = arith.constant 62504 : i32
      %lt3A_904 = vector.broadcast %lt3A_903 : i32 to vector<16xi32>
      %lt3A_905 = arith.cmpi slt, %sub3A_900, %lt3A_904 : vector<16xi32>
      %and3A_906 = arith.andi %ge3A_902, %lt3A_905 : vector<16xi1>
      %mul3A_907 = arith.constant 16 : i32
      %mul3A_908 = arith.muli %scan3A_891, %mul3A_907 : i32
      %add3A_909 = arith.constant 14336 : i32
      %add3A_910 = arith.addi %add3A_909, %mul3A_908 : i32
      %add3A_911 = vector.broadcast %add3A_910 : i32 to vector<16xi32>
      %add3A_912 = arith.addi %add3A_911, %iota3A : vector<16xi32>
      tpu.vector_store_idx %arg9[%sub3A_900], %add3A_912 masked %and3A_906 : memref<62504xi32, #tpu.memory_space<vmem>>[vector<16xi32>], vector<16xi32>, vector<16xi1>
      %gather3A_913 = tpu.vector_load_idx %arg9[%sub3A_900] masked %and3A_906 : memref<62504xi32, #tpu.memory_space<vmem>>[vector<16xi32>], vector<16xi32>, vector<16xi1>
      %ne3A_914 = arith.cmpi ne, %gather3A_913, %add3A_912 : vector<16xi32>
      %and3A_915 = arith.andi %and3A_906, %ne3A_914 : vector<16xi1>
      %all_reduce_population_count3A = tpu.all_reduce %and3A_915 {dim = 0 : i64, kind = #tpu.reduction_kind<sum>} : vector<16xi1> -> vector<16xi32>
      %add3A_916 = arith.addi %scan3A_892, %all_reduce_population_count3A : vector<16xi32>
      scf.yield %add3A_916 : vector<16xi32>
    }
    %scan3A_646 = arith.constant 64 : i32
    %gt3A_647 = arith.constant 0 : i32
    %gt3A_648 = vector.broadcast %gt3A_647 : i32 to vector<16xi32>
    %gt3A_649 = arith.cmpi sgt, %scan3A_645, %gt3A_648 : vector<16xi32>
    %reduce_or3A_650 = arith.constant 1.000000e+00 : f32
    %reduce_or3A_651 = arith.constant 0.000000e+00 : f32
    %reduce_or3A_652 = vector.broadcast %reduce_or3A_650 : f32 to vector<16xf32>
    %reduce_or3A_653 = vector.broadcast %reduce_or3A_651 : f32 to vector<16xf32>
    %reduce_or3A_654 = arith.select %gt3A_649, %reduce_or3A_652, %reduce_or3A_653 : vector<16xi1>, vector<16xf32>
    %reduce_or3A_655 = arith.constant true
    %reduce_or3A_656 = vector.broadcast %reduce_or3A_655 : i1 to vector<16xi1>
    %reduce_or3A_657 = tpu.scan <max>, %reduce_or3A_654 masked %reduce_or3A_656 : vector<16xf32>, vector<16xi1> -> vector<16xf32>
    %reduce_or3A_658 = vector.extract %reduce_or3A_657[15] : f32 from vector<16xf32>
    %reduce_or3A_659 = arith.constant 0.000000e+00 : f32
    %reduce_or3A_660 = arith.cmpf ogt, %reduce_or3A_658, %reduce_or3A_659 : f32
    %convert_element_type3A_661 = arith.extui %reduce_or3A_660 : i1 to i32
    %cond3A_662 = arith.constant 0 : i32
    %cond3A_663 = arith.cmpi ne, %convert_element_type3A_661, %cond3A_662 : i32
    scf.if %cond3A_663 {
      %scan3A_891 = arith.constant 0 : i32
      %scan3A_892 = arith.constant 0 : i32
      %scan3A_893 = arith.constant 64 : i32
      %scan3A_894 = arith.addi %scan3A_892, %scan3A_893 : i32
      %scan3A_895 = arith.constant 1 : i32
      scf.for %scan3A_897 = %scan3A_892 to %scan3A_894 step %scan3A_895  : i32 {
        %mul3A_898 = arith.constant 16 : i32
        %mul3A_899 = arith.muli %scan3A_897, %mul3A_898 : i32
        %add3A_900 = arith.constant 14336 : i32
        %add3A_901 = arith.addi %add3A_900, %mul3A_899 : i32
        %get3A_902 = arith.index_cast %add3A_901 : i32 to index
        %get3A_903 = tpu.vector_load %arg7[%get3A_902] {strides = array<i32>} : memref<16384xi32, #tpu.memory_space<vmem>>, vector<16xi32>,
        %mul3A_904 = arith.constant 16 : i32
        %mul3A_905 = vector.broadcast %mul3A_904 : i32 to vector<16xi32>
        %mul3A_906 = arith.muli %get3A_903, %mul3A_905 : vector<16xi32>
        %add3A_907 = arith.addi %mul3A_906, %iota3A : vector<16xi32>
        %masked_sort3A = arith.constant dense<true> : vector<16xi1>
        %masked_sort3A_908 = arith.constant -2147483648 : i32
        %masked_sort3A_909 = vector.broadcast %masked_sort3A_908 : i32 to vector<16xi32>
        %masked_sort3A_910 = arith.xori %add3A_907, %masked_sort3A_909 : vector<16xi32>
        %masked_sort3A_911, %masked_sort3A_912, %masked_sort3A_913 = tpu.sort %masked_sort3A_910, %add3A_907 masked %masked_sort3A : (vector<16xi32>, vector<16xi32>, vector<16xi1>) -> (vector<16xi1>, vector<16xi32>, vector<16xi32>)
        %masked_sort3A_914 = arith.xori %masked_sort3A_912, %masked_sort3A_909 : vector<16xi32>
        %shift_right_arithmetic3A = arith.constant 4 : i32
        %shift_right_arithmetic3A_915 = vector.broadcast %shift_right_arithmetic3A : i32 to vector<16xi32>
        %shift_right_arithmetic3A_916 = arith.shrsi %masked_sort3A_914, %shift_right_arithmetic3A_915 : vector<16xi32>
        %mul3A_917 = arith.constant 16 : i32
        %mul3A_918 = arith.muli %scan3A_897, %mul3A_917 : i32
        %add3A_919 = arith.constant 14336 : i32
        %add3A_920 = arith.addi %add3A_919, %mul3A_918 : i32
        %and3A_921 = arith.constant 15 : i32
        %and3A_922 = vector.broadcast %and3A_921 : i32 to vector<16xi32>
        %and3A_923 = arith.andi %masked_sort3A_914, %and3A_922 : vector<16xi32>
        %add3A_924 = vector.broadcast %add3A_920 : i32 to vector<16xi32>
        %add3A_925 = arith.addi %add3A_924, %and3A_923 : vector<16xi32>
        %lt3A_926 = arith.constant 0 : i32
        %lt3A_927 = vector.broadcast %lt3A_926 : i32 to vector<16xi32>
        %lt3A_928 = arith.cmpi slt, %min3A_6, %lt3A_927 : vector<16xi32>
        %add3A_929 = arith.constant 16 : i32
        %add3A_930 = vector.broadcast %add3A_929 : i32 to vector<16xi32>
        %add3A_931 = arith.addi %min3A_6, %add3A_930 : vector<16xi32>
        %select_n3A_932 = arith.select %lt3A_928, %add3A_931, %min3A_6 : vector<16xi1>, vector<16xi32>
        %broadcast_in_dim3A_933 = vector.shape_cast %select_n3A_932 : vector<16xi32> to vector<16x1xi32>
        %gather3A_934 = vector.shape_cast %broadcast_in_dim3A_933 : vector<16x1xi32> to vector<16xi32>
        %gather3A_935 = tpu.dynamic_gather %shift_right_arithmetic3A_916[%gather3A_934] in [0] : vector<16xi32>, vector<16xi32> -> vector<16xi32>
        %eq3A = arith.cmpi eq, %shift_right_arithmetic3A_916, %gather3A_935 : vector<16xi32>
        %and3A_936 = arith.andi %eq3A, %lt3A_8 : vector<16xi1>
        %sub3A_937 = vector.broadcast %mul3A_0 : i32 to vector<16xi32>
        %sub3A_938 = arith.subi %shift_right_arithmetic3A_916, %sub3A_937 : vector<16xi32>
        %ge3A = arith.constant 0 : i32
        %ge3A_939 = vector.broadcast %ge3A : i32 to vector<16xi32>
        %ge3A_940 = arith.cmpi sge, %sub3A_938, %ge3A_939 : vector<16xi32>
        %lt3A_941 = arith.constant 62504 : i32
        %lt3A_942 = vector.broadcast %lt3A_941 : i32 to vector<16xi32>
        %lt3A_943 = arith.cmpi slt, %sub3A_938, %lt3A_942 : vector<16xi32>
        %and3A_944 = arith.andi %ge3A_940, %lt3A_943 : vector<16xi1>
        %not3A = arith.constant dense<true> : vector<16xi1>
        %not3A_945 = arith.xori %and3A_936, %not3A : vector<16xi1>
        %and3A_946 = arith.andi %and3A_944, %not3A_945 : vector<16xi1>
        tpu.vector_store_idx %arg9[%sub3A_938], %add3A_925 masked %and3A_946 : memref<62504xi32, #tpu.memory_space<vmem>>[vector<16xi32>], vector<16xi32>, vector<16xi1>
      }
      %scan3A_896 = arith.constant 64 : i32
    } else {
    }
    %dma_wait3A_664 = arith.constant 0 : i32
    %dma_wait3A_665 = tpu.memref_slice %arg3[%add3A_589, %dma_wait3A_664] : memref<16384x128xf32, #tpu.memory_space<hbm>> -> memref<64x128xf32, #tpu.memory_space<hbm>>
    %dma_wait3A_666 = arith.constant 0 : i32
    %dma_wait3A_667 = tpu.memref_slice %arg3[%add3A_589, %dma_wait3A_666] : memref<16384x128xf32, #tpu.memory_space<hbm>> -> memref<64x128xf32, #tpu.memory_space<hbm>>
    tpu.wait_dma2 semaphore(%arg21 : memref<!tpu.dma_semaphore, #tpu.memory_space<semaphore_mem>>) src(%dma_wait3A_667 : memref<64x128xf32, #tpu.memory_space<hbm>>) dst(%arg14 : memref<64x128xf32, #tpu.memory_space<vmem>>)
    %add3A_668 = arith.constant 896 : i32
    %add3A_669 = arith.addi %mul3A_2, %add3A_668 : i32
    %dma_start3A_670 = arith.constant 0 : i32
    %dma_start3A_671 = tpu.memref_slice %arg5[%add3A_669, %dma_start3A_670] : memref<16384x128xf32, #tpu.memory_space<hbm>> -> memref<64x128xf32, #tpu.memory_space<hbm>>
    %dma_start3A_672 = arith.constant 0 : i32
    %dma_start3A_673 = tpu.memref_slice %arg5[%add3A_669, %dma_start3A_672] : memref<16384x128xf32, #tpu.memory_space<hbm>> -> memref<64x128xf32, #tpu.memory_space<hbm>>
    tpu.enqueue_dma source(%arg14 : memref<64x128xf32, #tpu.memory_space<vmem>>) target(%dma_start3A_673 : memref<64x128xf32, #tpu.memory_space<hbm>>) target_semaphore(%arg24 : memref<!tpu.dma_semaphore, #tpu.memory_space<semaphore_mem>>)
    %broadcast_in_dim3A_674 = arith.constant 0 : i32
    %broadcast_in_dim3A_675 = vector.broadcast %broadcast_in_dim3A_674 : i32 to vector<16xi32>
    %scan3A_676 = arith.constant 0 : i32
    %scan3A_677 = arith.constant 64 : i32
    %scan3A_678 = arith.addi %scan3A_676, %scan3A_677 : i32
    %scan3A_679 = arith.constant 1 : i32
    %scan3A_680 = scf.for %scan3A_891 = %scan3A_676 to %scan3A_678 step %scan3A_679 iter_args(%scan3A_892 = %broadcast_in_dim3A_675) -> (vector<16xi32>)  : i32 {
      %mul3A_893 = arith.constant 16 : i32
      %mul3A_894 = arith.muli %scan3A_891, %mul3A_893 : i32
      %add3A_895 = arith.constant 15360 : i32
      %add3A_896 = arith.addi %add3A_895, %mul3A_894 : i32
      %get3A_897 = arith.index_cast %add3A_896 : i32 to index
      %get3A_898 = tpu.vector_load %arg7[%get3A_897] {strides = array<i32>} : memref<16384xi32, #tpu.memory_space<vmem>>, vector<16xi32>,
      %sub3A_899 = vector.broadcast %mul3A_0 : i32 to vector<16xi32>
      %sub3A_900 = arith.subi %get3A_898, %sub3A_899 : vector<16xi32>
      %ge3A = arith.constant 0 : i32
      %ge3A_901 = vector.broadcast %ge3A : i32 to vector<16xi32>
      %ge3A_902 = arith.cmpi sge, %sub3A_900, %ge3A_901 : vector<16xi32>
      %lt3A_903 = arith.constant 62504 : i32
      %lt3A_904 = vector.broadcast %lt3A_903 : i32 to vector<16xi32>
      %lt3A_905 = arith.cmpi slt, %sub3A_900, %lt3A_904 : vector<16xi32>
      %and3A_906 = arith.andi %ge3A_902, %lt3A_905 : vector<16xi1>
      %mul3A_907 = arith.constant 16 : i32
      %mul3A_908 = arith.muli %scan3A_891, %mul3A_907 : i32
      %add3A_909 = arith.constant 15360 : i32
      %add3A_910 = arith.addi %add3A_909, %mul3A_908 : i32
      %add3A_911 = vector.broadcast %add3A_910 : i32 to vector<16xi32>
      %add3A_912 = arith.addi %add3A_911, %iota3A : vector<16xi32>
      tpu.vector_store_idx %arg9[%sub3A_900], %add3A_912 masked %and3A_906 : memref<62504xi32, #tpu.memory_space<vmem>>[vector<16xi32>], vector<16xi32>, vector<16xi1>
      %gather3A_913 = tpu.vector_load_idx %arg9[%sub3A_900] masked %and3A_906 : memref<62504xi32, #tpu.memory_space<vmem>>[vector<16xi32>], vector<16xi32>, vector<16xi1>
      %ne3A_914 = arith.cmpi ne, %gather3A_913, %add3A_912 : vector<16xi32>
      %and3A_915 = arith.andi %and3A_906, %ne3A_914 : vector<16xi1>
      %all_reduce_population_count3A = tpu.all_reduce %and3A_915 {dim = 0 : i64, kind = #tpu.reduction_kind<sum>} : vector<16xi1> -> vector<16xi32>
      %add3A_916 = arith.addi %scan3A_892, %all_reduce_population_count3A : vector<16xi32>
      scf.yield %add3A_916 : vector<16xi32>
    }
    %scan3A_681 = arith.constant 64 : i32
    %gt3A_682 = arith.constant 0 : i32
    %gt3A_683 = vector.broadcast %gt3A_682 : i32 to vector<16xi32>
    %gt3A_684 = arith.cmpi sgt, %scan3A_680, %gt3A_683 : vector<16xi32>
    %reduce_or3A_685 = arith.constant 1.000000e+00 : f32
    %reduce_or3A_686 = arith.constant 0.000000e+00 : f32
    %reduce_or3A_687 = vector.broadcast %reduce_or3A_685 : f32 to vector<16xf32>
    %reduce_or3A_688 = vector.broadcast %reduce_or3A_686 : f32 to vector<16xf32>
    %reduce_or3A_689 = arith.select %gt3A_684, %reduce_or3A_687, %reduce_or3A_688 : vector<16xi1>, vector<16xf32>
    %reduce_or3A_690 = arith.constant true
    %reduce_or3A_691 = vector.broadcast %reduce_or3A_690 : i1 to vector<16xi1>
    %reduce_or3A_692 = tpu.scan <max>, %reduce_or3A_689 masked %reduce_or3A_691 : vector<16xf32>, vector<16xi1> -> vector<16xf32>
    %reduce_or3A_693 = vector.extract %reduce_or3A_692[15] : f32 from vector<16xf32>
    %reduce_or3A_694 = arith.constant 0.000000e+00 : f32
    %reduce_or3A_695 = arith.cmpf ogt, %reduce_or3A_693, %reduce_or3A_694 : f32
    %convert_element_type3A_696 = arith.extui %reduce_or3A_695 : i1 to i32
    %cond3A_697 = arith.constant 0 : i32
    %cond3A_698 = arith.cmpi ne, %convert_element_type3A_696, %cond3A_697 : i32
    scf.if %cond3A_698 {
      %scan3A_891 = arith.constant 0 : i32
      %scan3A_892 = arith.constant 0 : i32
      %scan3A_893 = arith.constant 64 : i32
      %scan3A_894 = arith.addi %scan3A_892, %scan3A_893 : i32
      %scan3A_895 = arith.constant 1 : i32
      scf.for %scan3A_897 = %scan3A_892 to %scan3A_894 step %scan3A_895  : i32 {
        %mul3A_898 = arith.constant 16 : i32
        %mul3A_899 = arith.muli %scan3A_897, %mul3A_898 : i32
        %add3A_900 = arith.constant 15360 : i32
        %add3A_901 = arith.addi %add3A_900, %mul3A_899 : i32
        %get3A_902 = arith.index_cast %add3A_901 : i32 to index
        %get3A_903 = tpu.vector_load %arg7[%get3A_902] {strides = array<i32>} : memref<16384xi32, #tpu.memory_space<vmem>>, vector<16xi32>,
        %mul3A_904 = arith.constant 16 : i32
        %mul3A_905 = vector.broadcast %mul3A_904 : i32 to vector<16xi32>
        %mul3A_906 = arith.muli %get3A_903, %mul3A_905 : vector<16xi32>
        %add3A_907 = arith.addi %mul3A_906, %iota3A : vector<16xi32>
        %masked_sort3A = arith.constant dense<true> : vector<16xi1>
        %masked_sort3A_908 = arith.constant -2147483648 : i32
        %masked_sort3A_909 = vector.broadcast %masked_sort3A_908 : i32 to vector<16xi32>
        %masked_sort3A_910 = arith.xori %add3A_907, %masked_sort3A_909 : vector<16xi32>
        %masked_sort3A_911, %masked_sort3A_912, %masked_sort3A_913 = tpu.sort %masked_sort3A_910, %add3A_907 masked %masked_sort3A : (vector<16xi32>, vector<16xi32>, vector<16xi1>) -> (vector<16xi1>, vector<16xi32>, vector<16xi32>)
        %masked_sort3A_914 = arith.xori %masked_sort3A_912, %masked_sort3A_909 : vector<16xi32>
        %shift_right_arithmetic3A = arith.constant 4 : i32
        %shift_right_arithmetic3A_915 = vector.broadcast %shift_right_arithmetic3A : i32 to vector<16xi32>
        %shift_right_arithmetic3A_916 = arith.shrsi %masked_sort3A_914, %shift_right_arithmetic3A_915 : vector<16xi32>
        %mul3A_917 = arith.constant 16 : i32
        %mul3A_918 = arith.muli %scan3A_897, %mul3A_917 : i32
        %add3A_919 = arith.constant 15360 : i32
        %add3A_920 = arith.addi %add3A_919, %mul3A_918 : i32
        %and3A_921 = arith.constant 15 : i32
        %and3A_922 = vector.broadcast %and3A_921 : i32 to vector<16xi32>
        %and3A_923 = arith.andi %masked_sort3A_914, %and3A_922 : vector<16xi32>
        %add3A_924 = vector.broadcast %add3A_920 : i32 to vector<16xi32>
        %add3A_925 = arith.addi %add3A_924, %and3A_923 : vector<16xi32>
        %lt3A_926 = arith.constant 0 : i32
        %lt3A_927 = vector.broadcast %lt3A_926 : i32 to vector<16xi32>
        %lt3A_928 = arith.cmpi slt, %min3A_6, %lt3A_927 : vector<16xi32>
        %add3A_929 = arith.constant 16 : i32
        %add3A_930 = vector.broadcast %add3A_929 : i32 to vector<16xi32>
        %add3A_931 = arith.addi %min3A_6, %add3A_930 : vector<16xi32>
        %select_n3A_932 = arith.select %lt3A_928, %add3A_931, %min3A_6 : vector<16xi1>, vector<16xi32>
        %broadcast_in_dim3A_933 = vector.shape_cast %select_n3A_932 : vector<16xi32> to vector<16x1xi32>
        %gather3A_934 = vector.shape_cast %broadcast_in_dim3A_933 : vector<16x1xi32> to vector<16xi32>
        %gather3A_935 = tpu.dynamic_gather %shift_right_arithmetic3A_916[%gather3A_934] in [0] : vector<16xi32>, vector<16xi32> -> vector<16xi32>
        %eq3A = arith.cmpi eq, %shift_right_arithmetic3A_916, %gather3A_935 : vector<16xi32>
        %and3A_936 = arith.andi %eq3A, %lt3A_8 : vector<16xi1>
        %sub3A_937 = vector.broadcast %mul3A_0 : i32 to vector<16xi32>
        %sub3A_938 = arith.subi %shift_right_arithmetic3A_916, %sub3A_937 : vector<16xi32>
        %ge3A = arith.constant 0 : i32
        %ge3A_939 = vector.broadcast %ge3A : i32 to vector<16xi32>
        %ge3A_940 = arith.cmpi sge, %sub3A_938, %ge3A_939 : vector<16xi32>
        %lt3A_941 = arith.constant 62504 : i32
        %lt3A_942 = vector.broadcast %lt3A_941 : i32 to vector<16xi32>
        %lt3A_943 = arith.cmpi slt, %sub3A_938, %lt3A_942 : vector<16xi32>
        %and3A_944 = arith.andi %ge3A_940, %lt3A_943 : vector<16xi1>
        %not3A = arith.constant dense<true> : vector<16xi1>
        %not3A_945 = arith.xori %and3A_936, %not3A : vector<16xi1>
        %and3A_946 = arith.andi %and3A_944, %not3A_945 : vector<16xi1>
        tpu.vector_store_idx %arg9[%sub3A_938], %add3A_925 masked %and3A_946 : memref<62504xi32, #tpu.memory_space<vmem>>[vector<16xi32>], vector<16xi32>, vector<16xi1>
      }
      %scan3A_896 = arith.constant 64 : i32
    } else {
    }
    %dma_wait3A_699 = arith.constant 0 : i32
    %dma_wait3A_700 = tpu.memref_slice %arg3[%add3A_634, %dma_wait3A_699] : memref<16384x128xf32, #tpu.memory_space<hbm>> -> memref<64x128xf32, #tpu.memory_space<hbm>>
    %dma_wait3A_701 = arith.constant 0 : i32
    %dma_wait3A_702 = tpu.memref_slice %arg3[%add3A_634, %dma_wait3A_701] : memref<16384x128xf32, #tpu.memory_space<hbm>> -> memref<64x128xf32, #tpu.memory_space<hbm>>
    tpu.wait_dma2 semaphore(%arg19 : memref<!tpu.dma_semaphore, #tpu.memory_space<semaphore_mem>>) src(%dma_wait3A_702 : memref<64x128xf32, #tpu.memory_space<hbm>>) dst(%arg12 : memref<64x128xf32, #tpu.memory_space<vmem>>)
    %add3A_703 = arith.constant 960 : i32
    %add3A_704 = arith.addi %mul3A_2, %add3A_703 : i32
    %dma_start3A_705 = arith.constant 0 : i32
    %dma_start3A_706 = tpu.memref_slice %arg5[%add3A_704, %dma_start3A_705] : memref<16384x128xf32, #tpu.memory_space<hbm>> -> memref<64x128xf32, #tpu.memory_space<hbm>>
    %dma_start3A_707 = arith.constant 0 : i32
    %dma_start3A_708 = tpu.memref_slice %arg5[%add3A_704, %dma_start3A_707] : memref<16384x128xf32, #tpu.memory_space<hbm>> -> memref<64x128xf32, #tpu.memory_space<hbm>>
    tpu.enqueue_dma source(%arg12 : memref<64x128xf32, #tpu.memory_space<vmem>>) target(%dma_start3A_708 : memref<64x128xf32, #tpu.memory_space<hbm>>) target_semaphore(%arg22 : memref<!tpu.dma_semaphore, #tpu.memory_space<semaphore_mem>>)
    %dma_wait3A_709 = arith.constant 0 : i32
    %dma_wait3A_710 = tpu.memref_slice %arg5[%add3A_624, %dma_wait3A_709] : memref<16384x128xf32, #tpu.memory_space<hbm>> -> memref<64x128xf32, #tpu.memory_space<hbm>>
    %dma_wait3A_711 = arith.constant 0 : i32
    %dma_wait3A_712 = tpu.memref_slice %arg5[%add3A_624, %dma_wait3A_711] : memref<16384x128xf32, #tpu.memory_space<hbm>> -> memref<64x128xf32, #tpu.memory_space<hbm>>
    tpu.wait_dma2 semaphore(%arg23 : memref<!tpu.dma_semaphore, #tpu.memory_space<semaphore_mem>>) src(%arg13 : memref<64x128xf32, #tpu.memory_space<vmem>>) dst(%dma_wait3A_712 : memref<64x128xf32, #tpu.memory_space<hbm>>)
    %dma_wait3A_713 = arith.constant 0 : i32
    %dma_wait3A_714 = tpu.memref_slice %arg5[%add3A_669, %dma_wait3A_713] : memref<16384x128xf32, #tpu.memory_space<hbm>> -> memref<64x128xf32, #tpu.memory_space<hbm>>
    %dma_wait3A_715 = arith.constant 0 : i32
    %dma_wait3A_716 = tpu.memref_slice %arg5[%add3A_669, %dma_wait3A_715] : memref<16384x128xf32, #tpu.memory_space<hbm>> -> memref<64x128xf32, #tpu.memory_space<hbm>>
    tpu.wait_dma2 semaphore(%arg24 : memref<!tpu.dma_semaphore, #tpu.memory_space<semaphore_mem>>) src(%arg14 : memref<64x128xf32, #tpu.memory_space<vmem>>) dst(%dma_wait3A_716 : memref<64x128xf32, #tpu.memory_space<hbm>>)
    %dma_wait3A_717 = arith.constant 0 : i32
    %dma_wait3A_718 = tpu.memref_slice %arg5[%add3A_704, %dma_wait3A_717] : memref<16384x128xf32, #tpu.memory_space<hbm>> -> memref<64x128xf32, #tpu.memory_space<hbm>>
    %dma_wait3A_719 = arith.constant 0 : i32
    %dma_wait3A_720 = tpu.memref_slice %arg5[%add3A_704, %dma_wait3A_719] : memref<16384x128xf32, #tpu.memory_space<hbm>> -> memref<64x128xf32, #tpu.memory_space<hbm>>
    tpu.wait_dma2 semaphore(%arg22 : memref<!tpu.dma_semaphore, #tpu.memory_space<semaphore_mem>>) src(%arg12 : memref<64x128xf32, #tpu.memory_space<vmem>>) dst(%dma_wait3A_720 : memref<64x128xf32, #tpu.memory_space<hbm>>)
    "tpu.trace_stop"() : () -> ()
    "tpu.trace_start"() <{level = 10 : i32, message = "p1_publish"}> : () -> ()
    "tpu.region"() ({
      %run_scoped3A = tpu.sem_alloc : memref<!tpu.dma_semaphore, #tpu.memory_space<semaphore_mem>>
      %dma_start3A_891 = tpu.memref_slice %arg25[%mul3A_0] : memref<1000064xi32, #tpu.memory_space<hbm>> -> memref<62504xi32, #tpu.memory_space<hbm>>
      %dma_start3A_892 = tpu.memref_slice %arg25[%mul3A_0] : memref<1000064xi32, #tpu.memory_space<hbm>> -> memref<62504xi32, #tpu.memory_space<hbm>>
      tpu.enqueue_dma source(%arg9 : memref<62504xi32, #tpu.memory_space<vmem>>) target(%dma_start3A_892 : memref<62504xi32, #tpu.memory_space<hbm>>) target_semaphore(%run_scoped3A : memref<!tpu.dma_semaphore, #tpu.memory_space<semaphore_mem>>)
      %dma_wait3A_893 = tpu.memref_slice %arg25[%mul3A_0] : memref<1000064xi32, #tpu.memory_space<hbm>> -> memref<62504xi32, #tpu.memory_space<hbm>>
      %dma_wait3A_894 = tpu.memref_slice %arg25[%mul3A_0] : memref<1000064xi32, #tpu.memory_space<hbm>> -> memref<62504xi32, #tpu.memory_space<hbm>>
      tpu.wait_dma2 semaphore(%run_scoped3A : memref<!tpu.dma_semaphore, #tpu.memory_space<semaphore_mem>>) src(%arg9 : memref<62504xi32, #tpu.memory_space<vmem>>) dst(%dma_wait3A_894 : memref<62504xi32, #tpu.memory_space<hbm>>)
      tpu.yield
    }) : () -> ()
    %barrier3A = arith.constant 0 : index
    tpu.barrier barrier_id(%barrier3A)
    "tpu.trace_stop"() : () -> ()
    "tpu.trace_start"() <{level = 10 : i32, message = "p2_jgather"}> : () -> ()
    %add3A_721 = arith.constant 0 : i32
    %add3A_722 = arith.addi %mul3A_2, %add3A_721 : i32
    %dma_start3A_723 = arith.constant 0 : i32
    %dma_start3A_724 = tpu.memref_slice %arg10[%dma_start3A_723] : memref<1024xi32, #tpu.memory_space<vmem>> -> memref<128xi32, #tpu.memory_space<vmem>>
    %dma_start3A_725 = tpu.memref_slice %arg7[%add3A_722] : memref<16384xi32, #tpu.memory_space<vmem>> -> memref<128xi32, #tpu.memory_space<vmem>>
    %dma_start3A_726 = arith.constant 0 : i32
    %dma_start3A_727 = tpu.memref_slice %arg25[%dma_start3A_726] : memref<1000064xi32, #tpu.memory_space<hbm>> -> memref<1000064xi32, #tpu.memory_space<hbm>>
    tpu.enqueue_indirect_dma source(%dma_start3A_727 : memref<1000064xi32, #tpu.memory_space<hbm>>) target(%dma_start3A_724 : memref<128xi32, #tpu.memory_space<vmem>>) offsets(%dma_start3A_725 : memref<128xi32, #tpu.memory_space<vmem>>) semaphore(%arg17 : memref<!tpu.dma_semaphore, #tpu.memory_space<semaphore_mem>>)
    %add3A_728 = arith.constant 128 : i32
    %add3A_729 = arith.addi %mul3A_2, %add3A_728 : i32
    %dma_start3A_730 = arith.constant 128 : i32
    %dma_start3A_731 = tpu.memref_slice %arg10[%dma_start3A_730] : memref<1024xi32, #tpu.memory_space<vmem>> -> memref<128xi32, #tpu.memory_space<vmem>>
    %dma_start3A_732 = tpu.memref_slice %arg7[%add3A_729] : memref<16384xi32, #tpu.memory_space<vmem>> -> memref<128xi32, #tpu.memory_space<vmem>>
    %dma_start3A_733 = arith.constant 0 : i32
    %dma_start3A_734 = tpu.memref_slice %arg25[%dma_start3A_733] : memref<1000064xi32, #tpu.memory_space<hbm>> -> memref<1000064xi32, #tpu.memory_space<hbm>>
    tpu.enqueue_indirect_dma source(%dma_start3A_734 : memref<1000064xi32, #tpu.memory_space<hbm>>) target(%dma_start3A_731 : memref<128xi32, #tpu.memory_space<vmem>>) offsets(%dma_start3A_732 : memref<128xi32, #tpu.memory_space<vmem>>) semaphore(%arg17 : memref<!tpu.dma_semaphore, #tpu.memory_space<semaphore_mem>>)
    %add3A_735 = arith.constant 256 : i32
    %add3A_736 = arith.addi %mul3A_2, %add3A_735 : i32
    %dma_start3A_737 = arith.constant 256 : i32
    %dma_start3A_738 = tpu.memref_slice %arg10[%dma_start3A_737] : memref<1024xi32, #tpu.memory_space<vmem>> -> memref<128xi32, #tpu.memory_space<vmem>>
    %dma_start3A_739 = tpu.memref_slice %arg7[%add3A_736] : memref<16384xi32, #tpu.memory_space<vmem>> -> memref<128xi32, #tpu.memory_space<vmem>>
    %dma_start3A_740 = arith.constant 0 : i32
    %dma_start3A_741 = tpu.memref_slice %arg25[%dma_start3A_740] : memref<1000064xi32, #tpu.memory_space<hbm>> -> memref<1000064xi32, #tpu.memory_space<hbm>>
    tpu.enqueue_indirect_dma source(%dma_start3A_741 : memref<1000064xi32, #tpu.memory_space<hbm>>) target(%dma_start3A_738 : memref<128xi32, #tpu.memory_space<vmem>>) offsets(%dma_start3A_739 : memref<128xi32, #tpu.memory_space<vmem>>) semaphore(%arg17 : memref<!tpu.dma_semaphore, #tpu.memory_space<semaphore_mem>>)
    %add3A_742 = arith.constant 384 : i32
    %add3A_743 = arith.addi %mul3A_2, %add3A_742 : i32
    %dma_start3A_744 = arith.constant 384 : i32
    %dma_start3A_745 = tpu.memref_slice %arg10[%dma_start3A_744] : memref<1024xi32, #tpu.memory_space<vmem>> -> memref<128xi32, #tpu.memory_space<vmem>>
    %dma_start3A_746 = tpu.memref_slice %arg7[%add3A_743] : memref<16384xi32, #tpu.memory_space<vmem>> -> memref<128xi32, #tpu.memory_space<vmem>>
    %dma_start3A_747 = arith.constant 0 : i32
    %dma_start3A_748 = tpu.memref_slice %arg25[%dma_start3A_747] : memref<1000064xi32, #tpu.memory_space<hbm>> -> memref<1000064xi32, #tpu.memory_space<hbm>>
    tpu.enqueue_indirect_dma source(%dma_start3A_748 : memref<1000064xi32, #tpu.memory_space<hbm>>) target(%dma_start3A_745 : memref<128xi32, #tpu.memory_space<vmem>>) offsets(%dma_start3A_746 : memref<128xi32, #tpu.memory_space<vmem>>) semaphore(%arg17 : memref<!tpu.dma_semaphore, #tpu.memory_space<semaphore_mem>>)
    %add3A_749 = arith.constant 512 : i32
    %add3A_750 = arith.addi %mul3A_2, %add3A_749 : i32
    %dma_start3A_751 = arith.constant 512 : i32
    %dma_start3A_752 = tpu.memref_slice %arg10[%dma_start3A_751] : memref<1024xi32, #tpu.memory_space<vmem>> -> memref<128xi32, #tpu.memory_space<vmem>>
    %dma_start3A_753 = tpu.memref_slice %arg7[%add3A_750] : memref<16384xi32, #tpu.memory_space<vmem>> -> memref<128xi32, #tpu.memory_space<vmem>>
    %dma_start3A_754 = arith.constant 0 : i32
    %dma_start3A_755 = tpu.memref_slice %arg25[%dma_start3A_754] : memref<1000064xi32, #tpu.memory_space<hbm>> -> memref<1000064xi32, #tpu.memory_space<hbm>>
    tpu.enqueue_indirect_dma source(%dma_start3A_755 : memref<1000064xi32, #tpu.memory_space<hbm>>) target(%dma_start3A_752 : memref<128xi32, #tpu.memory_space<vmem>>) offsets(%dma_start3A_753 : memref<128xi32, #tpu.memory_space<vmem>>) semaphore(%arg17 : memref<!tpu.dma_semaphore, #tpu.memory_space<semaphore_mem>>)
    %add3A_756 = arith.constant 640 : i32
    %add3A_757 = arith.addi %mul3A_2, %add3A_756 : i32
    %dma_start3A_758 = arith.constant 640 : i32
    %dma_start3A_759 = tpu.memref_slice %arg10[%dma_start3A_758] : memref<1024xi32, #tpu.memory_space<vmem>> -> memref<128xi32, #tpu.memory_space<vmem>>
    %dma_start3A_760 = tpu.memref_slice %arg7[%add3A_757] : memref<16384xi32, #tpu.memory_space<vmem>> -> memref<128xi32, #tpu.memory_space<vmem>>
    %dma_start3A_761 = arith.constant 0 : i32
    %dma_start3A_762 = tpu.memref_slice %arg25[%dma_start3A_761] : memref<1000064xi32, #tpu.memory_space<hbm>> -> memref<1000064xi32, #tpu.memory_space<hbm>>
    tpu.enqueue_indirect_dma source(%dma_start3A_762 : memref<1000064xi32, #tpu.memory_space<hbm>>) target(%dma_start3A_759 : memref<128xi32, #tpu.memory_space<vmem>>) offsets(%dma_start3A_760 : memref<128xi32, #tpu.memory_space<vmem>>) semaphore(%arg17 : memref<!tpu.dma_semaphore, #tpu.memory_space<semaphore_mem>>)
    %add3A_763 = arith.constant 768 : i32
    %add3A_764 = arith.addi %mul3A_2, %add3A_763 : i32
    %dma_start3A_765 = arith.constant 768 : i32
    %dma_start3A_766 = tpu.memref_slice %arg10[%dma_start3A_765] : memref<1024xi32, #tpu.memory_space<vmem>> -> memref<128xi32, #tpu.memory_space<vmem>>
    %dma_start3A_767 = tpu.memref_slice %arg7[%add3A_764] : memref<16384xi32, #tpu.memory_space<vmem>> -> memref<128xi32, #tpu.memory_space<vmem>>
    %dma_start3A_768 = arith.constant 0 : i32
    %dma_start3A_769 = tpu.memref_slice %arg25[%dma_start3A_768] : memref<1000064xi32, #tpu.memory_space<hbm>> -> memref<1000064xi32, #tpu.memory_space<hbm>>
    tpu.enqueue_indirect_dma source(%dma_start3A_769 : memref<1000064xi32, #tpu.memory_space<hbm>>) target(%dma_start3A_766 : memref<128xi32, #tpu.memory_space<vmem>>) offsets(%dma_start3A_767 : memref<128xi32, #tpu.memory_space<vmem>>) semaphore(%arg17 : memref<!tpu.dma_semaphore, #tpu.memory_space<semaphore_mem>>)
    %add3A_770 = arith.constant 896 : i32
    %add3A_771 = arith.addi %mul3A_2, %add3A_770 : i32
    %dma_start3A_772 = arith.constant 896 : i32
    %dma_start3A_773 = tpu.memref_slice %arg10[%dma_start3A_772] : memref<1024xi32, #tpu.memory_space<vmem>> -> memref<128xi32, #tpu.memory_space<vmem>>
    %dma_start3A_774 = tpu.memref_slice %arg7[%add3A_771] : memref<16384xi32, #tpu.memory_space<vmem>> -> memref<128xi32, #tpu.memory_space<vmem>>
    %dma_start3A_775 = arith.constant 0 : i32
    %dma_start3A_776 = tpu.memref_slice %arg25[%dma_start3A_775] : memref<1000064xi32, #tpu.memory_space<hbm>> -> memref<1000064xi32, #tpu.memory_space<hbm>>
    tpu.enqueue_indirect_dma source(%dma_start3A_776 : memref<1000064xi32, #tpu.memory_space<hbm>>) target(%dma_start3A_773 : memref<128xi32, #tpu.memory_space<vmem>>) offsets(%dma_start3A_774 : memref<128xi32, #tpu.memory_space<vmem>>) semaphore(%arg17 : memref<!tpu.dma_semaphore, #tpu.memory_space<semaphore_mem>>)
    %dma_wait3A_777 = arith.constant 0 : i32
    %dma_wait3A_778 = tpu.memref_slice %arg10[%dma_wait3A_777] : memref<1024xi32, #tpu.memory_space<vmem>> -> memref<128xi32, #tpu.memory_space<vmem>>
    %dma_wait3A_779 = tpu.memref_slice %arg7[%add3A_722] : memref<16384xi32, #tpu.memory_space<vmem>> -> memref<128xi32, #tpu.memory_space<vmem>>
    %dma_wait3A_780 = arith.constant 0 : i32
    %dma_wait3A_781 = tpu.memref_slice %arg25[%dma_wait3A_780] : memref<1000064xi32, #tpu.memory_space<hbm>> -> memref<1000064xi32, #tpu.memory_space<hbm>>
    tpu.wait_indirect_dma semaphore(%arg17 : memref<!tpu.dma_semaphore, #tpu.memory_space<semaphore_mem>>) src(%dma_wait3A_781 : memref<1000064xi32, #tpu.memory_space<hbm>>) dst(%dma_wait3A_778 : memref<128xi32, #tpu.memory_space<vmem>>)
    %dma_wait3A_782 = arith.constant 128 : i32
    %dma_wait3A_783 = tpu.memref_slice %arg10[%dma_wait3A_782] : memref<1024xi32, #tpu.memory_space<vmem>> -> memref<128xi32, #tpu.memory_space<vmem>>
    %dma_wait3A_784 = tpu.memref_slice %arg7[%add3A_729] : memref<16384xi32, #tpu.memory_space<vmem>> -> memref<128xi32, #tpu.memory_space<vmem>>
    %dma_wait3A_785 = arith.constant 0 : i32
    %dma_wait3A_786 = tpu.memref_slice %arg25[%dma_wait3A_785] : memref<1000064xi32, #tpu.memory_space<hbm>> -> memref<1000064xi32, #tpu.memory_space<hbm>>
    tpu.wait_indirect_dma semaphore(%arg17 : memref<!tpu.dma_semaphore, #tpu.memory_space<semaphore_mem>>) src(%dma_wait3A_786 : memref<1000064xi32, #tpu.memory_space<hbm>>) dst(%dma_wait3A_783 : memref<128xi32, #tpu.memory_space<vmem>>)
    %dma_wait3A_787 = arith.constant 256 : i32
    %dma_wait3A_788 = tpu.memref_slice %arg10[%dma_wait3A_787] : memref<1024xi32, #tpu.memory_space<vmem>> -> memref<128xi32, #tpu.memory_space<vmem>>
    %dma_wait3A_789 = tpu.memref_slice %arg7[%add3A_736] : memref<16384xi32, #tpu.memory_space<vmem>> -> memref<128xi32, #tpu.memory_space<vmem>>
    %dma_wait3A_790 = arith.constant 0 : i32
    %dma_wait3A_791 = tpu.memref_slice %arg25[%dma_wait3A_790] : memref<1000064xi32, #tpu.memory_space<hbm>> -> memref<1000064xi32, #tpu.memory_space<hbm>>
    tpu.wait_indirect_dma semaphore(%arg17 : memref<!tpu.dma_semaphore, #tpu.memory_space<semaphore_mem>>) src(%dma_wait3A_791 : memref<1000064xi32, #tpu.memory_space<hbm>>) dst(%dma_wait3A_788 : memref<128xi32, #tpu.memory_space<vmem>>)
    %dma_wait3A_792 = arith.constant 384 : i32
    %dma_wait3A_793 = tpu.memref_slice %arg10[%dma_wait3A_792] : memref<1024xi32, #tpu.memory_space<vmem>> -> memref<128xi32, #tpu.memory_space<vmem>>
    %dma_wait3A_794 = tpu.memref_slice %arg7[%add3A_743] : memref<16384xi32, #tpu.memory_space<vmem>> -> memref<128xi32, #tpu.memory_space<vmem>>
    %dma_wait3A_795 = arith.constant 0 : i32
    %dma_wait3A_796 = tpu.memref_slice %arg25[%dma_wait3A_795] : memref<1000064xi32, #tpu.memory_space<hbm>> -> memref<1000064xi32, #tpu.memory_space<hbm>>
    tpu.wait_indirect_dma semaphore(%arg17 : memref<!tpu.dma_semaphore, #tpu.memory_space<semaphore_mem>>) src(%dma_wait3A_796 : memref<1000064xi32, #tpu.memory_space<hbm>>) dst(%dma_wait3A_793 : memref<128xi32, #tpu.memory_space<vmem>>)
    %dma_wait3A_797 = arith.constant 512 : i32
    %dma_wait3A_798 = tpu.memref_slice %arg10[%dma_wait3A_797] : memref<1024xi32, #tpu.memory_space<vmem>> -> memref<128xi32, #tpu.memory_space<vmem>>
    %dma_wait3A_799 = tpu.memref_slice %arg7[%add3A_750] : memref<16384xi32, #tpu.memory_space<vmem>> -> memref<128xi32, #tpu.memory_space<vmem>>
    %dma_wait3A_800 = arith.constant 0 : i32
    %dma_wait3A_801 = tpu.memref_slice %arg25[%dma_wait3A_800] : memref<1000064xi32, #tpu.memory_space<hbm>> -> memref<1000064xi32, #tpu.memory_space<hbm>>
    tpu.wait_indirect_dma semaphore(%arg17 : memref<!tpu.dma_semaphore, #tpu.memory_space<semaphore_mem>>) src(%dma_wait3A_801 : memref<1000064xi32, #tpu.memory_space<hbm>>) dst(%dma_wait3A_798 : memref<128xi32, #tpu.memory_space<vmem>>)
    %dma_wait3A_802 = arith.constant 640 : i32
    %dma_wait3A_803 = tpu.memref_slice %arg10[%dma_wait3A_802] : memref<1024xi32, #tpu.memory_space<vmem>> -> memref<128xi32, #tpu.memory_space<vmem>>
    %dma_wait3A_804 = tpu.memref_slice %arg7[%add3A_757] : memref<16384xi32, #tpu.memory_space<vmem>> -> memref<128xi32, #tpu.memory_space<vmem>>
    %dma_wait3A_805 = arith.constant 0 : i32
    %dma_wait3A_806 = tpu.memref_slice %arg25[%dma_wait3A_805] : memref<1000064xi32, #tpu.memory_space<hbm>> -> memref<1000064xi32, #tpu.memory_space<hbm>>
    tpu.wait_indirect_dma semaphore(%arg17 : memref<!tpu.dma_semaphore, #tpu.memory_space<semaphore_mem>>) src(%dma_wait3A_806 : memref<1000064xi32, #tpu.memory_space<hbm>>) dst(%dma_wait3A_803 : memref<128xi32, #tpu.memory_space<vmem>>)
    %dma_wait3A_807 = arith.constant 768 : i32
    %dma_wait3A_808 = tpu.memref_slice %arg10[%dma_wait3A_807] : memref<1024xi32, #tpu.memory_space<vmem>> -> memref<128xi32, #tpu.memory_space<vmem>>
    %dma_wait3A_809 = tpu.memref_slice %arg7[%add3A_764] : memref<16384xi32, #tpu.memory_space<vmem>> -> memref<128xi32, #tpu.memory_space<vmem>>
    %dma_wait3A_810 = arith.constant 0 : i32
    %dma_wait3A_811 = tpu.memref_slice %arg25[%dma_wait3A_810] : memref<1000064xi32, #tpu.memory_space<hbm>> -> memref<1000064xi32, #tpu.memory_space<hbm>>
    tpu.wait_indirect_dma semaphore(%arg17 : memref<!tpu.dma_semaphore, #tpu.memory_space<semaphore_mem>>) src(%dma_wait3A_811 : memref<1000064xi32, #tpu.memory_space<hbm>>) dst(%dma_wait3A_808 : memref<128xi32, #tpu.memory_space<vmem>>)
    %dma_wait3A_812 = arith.constant 896 : i32
    %dma_wait3A_813 = tpu.memref_slice %arg10[%dma_wait3A_812] : memref<1024xi32, #tpu.memory_space<vmem>> -> memref<128xi32, #tpu.memory_space<vmem>>
    %dma_wait3A_814 = tpu.memref_slice %arg7[%add3A_771] : memref<16384xi32, #tpu.memory_space<vmem>> -> memref<128xi32, #tpu.memory_space<vmem>>
    %dma_wait3A_815 = arith.constant 0 : i32
    %dma_wait3A_816 = tpu.memref_slice %arg25[%dma_wait3A_815] : memref<1000064xi32, #tpu.memory_space<hbm>> -> memref<1000064xi32, #tpu.memory_space<hbm>>
    tpu.wait_indirect_dma semaphore(%arg17 : memref<!tpu.dma_semaphore, #tpu.memory_space<semaphore_mem>>) src(%dma_wait3A_816 : memref<1000064xi32, #tpu.memory_space<hbm>>) dst(%dma_wait3A_813 : memref<128xi32, #tpu.memory_space<vmem>>)
    tpu.wait_dma2 semaphore(%arg18 : memref<!tpu.dma_semaphore, #tpu.memory_space<semaphore_mem>>) src(%arg4 : memref<16384xf32, #tpu.memory_space<hbm>>) dst(%arg8 : memref<16384xf32, #tpu.memory_space<vmem>>)
    "tpu.trace_stop"() : () -> ()
    "tpu.trace_start"() <{level = 10 : i32, message = "p2_fixup"}> : () -> ()
    %get3A = arith.constant 0 : index
    %get3A_817 = tpu.vector_load %arg10[%get3A] {strides = array<i32>} : memref<1024xi32, #tpu.memory_space<vmem>>, vector<16xi32>,
    %broadcast_in_dim3A_818 = arith.constant 0 : i32
    %broadcast_in_dim3A_819 = vector.broadcast %broadcast_in_dim3A_818 : i32 to vector<16xi32>
    %lt3A_820 = arith.constant 0 : i32
    %lt3A_821 = vector.broadcast %lt3A_820 : i32 to vector<16xi32>
    %lt3A_822 = arith.cmpi slt, %broadcast_in_dim3A_819, %lt3A_821 : vector<16xi32>
    %add3A_823 = arith.constant 16 : i32
    %add3A_824 = vector.broadcast %add3A_823 : i32 to vector<16xi32>
    %add3A_825 = arith.addi %broadcast_in_dim3A_819, %add3A_824 : vector<16xi32>
    %select_n3A = arith.select %lt3A_822, %add3A_825, %broadcast_in_dim3A_819 : vector<16xi1>, vector<16xi32>
    %broadcast_in_dim3A_826 = vector.shape_cast %select_n3A : vector<16xi32> to vector<16x1xi32>
    %gather3A = vector.shape_cast %broadcast_in_dim3A_826 : vector<16x1xi32> to vector<16xi32>
    %gather3A_827 = tpu.dynamic_gather %get3A_817[%gather3A] in [0] : vector<16xi32>, vector<16xi32> -> vector<16xi32>
    %mul3A_828 = arith.constant 0 : i32
    %mul3A_829 = vector.broadcast %mul3A_828 : i32 to vector<16xi32>
    %mul3A_830 = arith.muli %iota3A, %mul3A_829 : vector<16xi32>
    %add3A_831 = vector.broadcast %mul3A_2 : i32 to vector<16xi32>
    %add3A_832 = arith.addi %add3A_831, %mul3A_830 : vector<16xi32>
    %scan3A_833 = arith.constant 0 : i32
    %scan3A_834 = arith.constant 0 : i32
    %scan3A_835 = arith.constant 3 : i32
    %scan3A_836 = arith.addi %scan3A_834, %scan3A_835 : i32
    %scan3A_837 = arith.constant 1 : i32
    scf.for %scan3A_891 = %scan3A_834 to %scan3A_836 step %scan3A_837  : i32 {
      %swap3A = arith.index_cast %scan3A_891 : i32 to index
      %swap3A_892 = arith.constant 0 : index
      %swap3A_893 = tpu.vector_load %arg15[%swap3A, %swap3A_892] {strides = array<i32>} : memref<3x64xi32, #tpu.memory_space<vmem>>, vector<16xi32>,
      tpu.vector_store %arg15[%swap3A, %swap3A_892], %gather3A_827 {strides = array<i32>} : memref<3x64xi32, #tpu.memory_space<vmem>>, vector<16xi32>,
      %swap3A_894 = arith.index_cast %scan3A_891 : i32 to index
      %swap3A_895 = arith.constant 0 : index
      %swap3A_896 = tpu.vector_load %arg16[%swap3A_894, %swap3A_895] {strides = array<i32>} : memref<3x64xi32, #tpu.memory_space<vmem>>, vector<16xi32>,
      tpu.vector_store %arg16[%swap3A_894, %swap3A_895], %add3A_832 {strides = array<i32>} : memref<3x64xi32, #tpu.memory_space<vmem>>, vector<16xi32>,
      %swap3A_897 = arith.index_cast %scan3A_891 : i32 to index
      %swap3A_898 = arith.constant 16 : index
      %swap3A_899 = tpu.vector_load %arg15[%swap3A_897, %swap3A_898] {strides = array<i32>} : memref<3x64xi32, #tpu.memory_space<vmem>>, vector<16xi32>,
      tpu.vector_store %arg15[%swap3A_897, %swap3A_898], %gather3A_827 {strides = array<i32>} : memref<3x64xi32, #tpu.memory_space<vmem>>, vector<16xi32>,
      %swap3A_900 = arith.index_cast %scan3A_891 : i32 to index
      %swap3A_901 = arith.constant 16 : index
      %swap3A_902 = tpu.vector_load %arg16[%swap3A_900, %swap3A_901] {strides = array<i32>} : memref<3x64xi32, #tpu.memory_space<vmem>>, vector<16xi32>,
      tpu.vector_store %arg16[%swap3A_900, %swap3A_901], %add3A_832 {strides = array<i32>} : memref<3x64xi32, #tpu.memory_space<vmem>>, vector<16xi32>,
      %swap3A_903 = arith.index_cast %scan3A_891 : i32 to index
      %swap3A_904 = arith.constant 32 : index
      %swap3A_905 = tpu.vector_load %arg15[%swap3A_903, %swap3A_904] {strides = array<i32>} : memref<3x64xi32, #tpu.memory_space<vmem>>, vector<16xi32>,
      tpu.vector_store %arg15[%swap3A_903, %swap3A_904], %gather3A_827 {strides = array<i32>} : memref<3x64xi32, #tpu.memory_space<vmem>>, vector<16xi32>,
      %swap3A_906 = arith.index_cast %scan3A_891 : i32 to index
      %swap3A_907 = arith.constant 32 : index
      %swap3A_908 = tpu.vector_load %arg16[%swap3A_906, %swap3A_907] {strides = array<i32>} : memref<3x64xi32, #tpu.memory_space<vmem>>, vector<16xi32>,
      tpu.vector_store %arg16[%swap3A_906, %swap3A_907], %add3A_832 {strides = array<i32>} : memref<3x64xi32, #tpu.memory_space<vmem>>, vector<16xi32>,
      %swap3A_909 = arith.index_cast %scan3A_891 : i32 to index
      %swap3A_910 = arith.constant 48 : index
      %swap3A_911 = tpu.vector_load %arg15[%swap3A_909, %swap3A_910] {strides = array<i32>} : memref<3x64xi32, #tpu.memory_space<vmem>>, vector<16xi32>,
      tpu.vector_store %arg15[%swap3A_909, %swap3A_910], %gather3A_827 {strides = array<i32>} : memref<3x64xi32, #tpu.memory_space<vmem>>, vector<16xi32>,
      %swap3A_912 = arith.index_cast %scan3A_891 : i32 to index
      %swap3A_913 = arith.constant 48 : index
      %swap3A_914 = tpu.vector_load %arg16[%swap3A_912, %swap3A_913] {strides = array<i32>} : memref<3x64xi32, #tpu.memory_space<vmem>>, vector<16xi32>,
      tpu.vector_store %arg16[%swap3A_912, %swap3A_913], %add3A_832 {strides = array<i32>} : memref<3x64xi32, #tpu.memory_space<vmem>>, vector<16xi32>,
    }
    %scan3A_838 = arith.constant 3 : i32
    %broadcast_in_dim3A_839 = arith.constant 0 : i32
    %broadcast_in_dim3A_840 = vector.broadcast %broadcast_in_dim3A_839 : i32 to vector<16xi32>
    %scan3A_841 = arith.constant 0 : i32
    %scan3A_842 = arith.constant 64 : i32
    %scan3A_843 = arith.addi %scan3A_841, %scan3A_842 : i32
    %scan3A_844 = arith.constant 1 : i32
    %scan3A_845 = scf.for %scan3A_891 = %scan3A_841 to %scan3A_843 step %scan3A_844 iter_args(%scan3A_892 = %broadcast_in_dim3A_840) -> (vector<16xi32>)  : i32 {
      %mul3A_893 = arith.constant 16 : i32
      %mul3A_894 = arith.muli %scan3A_891, %mul3A_893 : i32
      %get3A_895 = arith.index_cast %mul3A_894 : i32 to index
      %get3A_896 = tpu.vector_load %arg10[%get3A_895] {strides = array<i32>} : memref<1024xi32, #tpu.memory_space<vmem>>, vector<16xi32>,
      %gather3A_897 = tpu.vector_load_idx %arg8[%get3A_896] : memref<16384xf32, #tpu.memory_space<vmem>>[vector<16xi32>], vector<16xf32>,
      %mul3A_898 = arith.constant 16 : i32
      %mul3A_899 = arith.muli %scan3A_891, %mul3A_898 : i32
      %swap3A = arith.index_cast %mul3A_899 : i32 to index
      %swap3A_900 = tpu.vector_load %arg11[%swap3A] {strides = array<i32>} : memref<1024xf32, #tpu.memory_space<vmem>>, vector<16xf32>,
      tpu.vector_store %arg11[%swap3A], %gather3A_897 {strides = array<i32>} : memref<1024xf32, #tpu.memory_space<vmem>>, vector<16xf32>,
      %mul3A_901 = arith.constant 16 : i32
      %mul3A_902 = arith.muli %scan3A_891, %mul3A_901 : i32
      %add3A_903 = arith.addi %mul3A_2, %mul3A_902 : i32
      %add3A_904 = vector.broadcast %add3A_903 : i32 to vector<16xi32>
      %add3A_905 = arith.addi %add3A_904, %iota3A : vector<16xi32>
      %ne3A_906 = arith.cmpi ne, %get3A_896, %add3A_905 : vector<16xi32>
      %convert_element_type3A_907 = arith.extui %ne3A_906 : vector<16xi1> to vector<16xi32>
      %broadcast_in_dim3A_908 = arith.constant true
      %broadcast_in_dim3A_909 = vector.broadcast %broadcast_in_dim3A_908 : i1 to vector<16xi1>
      %masked_cumsum3A = tpu.scan <sum>, %convert_element_type3A_907 masked %broadcast_in_dim3A_909 : vector<16xi32>, vector<16xi1> -> vector<16xi32>
      %add3A_910 = arith.addi %scan3A_892, %masked_cumsum3A : vector<16xi32>
      %sub3A_911 = arith.constant 1 : i32
      %sub3A_912 = vector.broadcast %sub3A_911 : i32 to vector<16xi32>
      %sub3A_913 = arith.subi %add3A_910, %sub3A_912 : vector<16xi32>
      %shift_right_arithmetic3A = arith.constant 6 : i32
      %shift_right_arithmetic3A_914 = vector.broadcast %shift_right_arithmetic3A : i32 to vector<16xi32>
      %shift_right_arithmetic3A_915 = arith.shrsi %sub3A_913, %shift_right_arithmetic3A_914 : vector<16xi32>
      %and3A_916 = arith.constant 63 : i32
      %and3A_917 = vector.broadcast %and3A_916 : i32 to vector<16xi32>
      %and3A_918 = arith.andi %sub3A_913, %and3A_917 : vector<16xi32>
      %lt3A_919 = arith.constant 192 : i32
      %lt3A_920 = vector.broadcast %lt3A_919 : i32 to vector<16xi32>
      %lt3A_921 = arith.cmpi slt, %sub3A_913, %lt3A_920 : vector<16xi32>
      %and3A_922 = arith.andi %ne3A_906, %lt3A_921 : vector<16xi1>
      tpu.vector_store_idx %arg15[%shift_right_arithmetic3A_915, %and3A_918], %get3A_896 masked %and3A_922 : memref<3x64xi32, #tpu.memory_space<vmem>>[vector<16xi32>, vector<16xi32>], vector<16xi32>, vector<16xi1>
      tpu.vector_store_idx %arg16[%shift_right_arithmetic3A_915, %and3A_918], %add3A_905 masked %and3A_922 : memref<3x64xi32, #tpu.memory_space<vmem>>[vector<16xi32>, vector<16xi32>], vector<16xi32>, vector<16xi1>
      %all_reduce_population_count3A = tpu.all_reduce %ne3A_906 {dim = 0 : i64, kind = #tpu.reduction_kind<sum>} : vector<16xi1> -> vector<16xi32>
      %add3A_923 = arith.addi %scan3A_892, %all_reduce_population_count3A : vector<16xi32>
      scf.yield %add3A_923 : vector<16xi32>
    }
    %scan3A_846 = arith.constant 64 : i32
    %reduce_max3A = arith.constant true
    %reduce_max3A_847 = vector.broadcast %reduce_max3A : i1 to vector<16xi1>
    %reduce_max3A_848 = arith.constant -2147483648 : i32
    %reduce_max3A_849 = vector.broadcast %reduce_max3A_848 : i32 to vector<16xi32>
    %reduce_max3A_850 = arith.xori %scan3A_845, %reduce_max3A_849 : vector<16xi32>
    %reduce_max3A_851 = tpu.scan <max>, %reduce_max3A_850 masked %reduce_max3A_847 : vector<16xi32>, vector<16xi1> -> vector<16xi32>
    %reduce_max3A_852 = arith.xori %reduce_max3A_851, %reduce_max3A_849 : vector<16xi32>
    %reduce_max3A_853 = vector.extract %reduce_max3A_852[15] : i32 from vector<16xi32>
    %min3A_854 = arith.constant 192 : i32
    %min3A_855 = arith.minsi %reduce_max3A_853, %min3A_854 : i32
    %add3A_856 = arith.constant 64 : i32
    %add3A_857 = arith.addi %min3A_855, %add3A_856 : i32
    %sub3A = arith.constant 1 : i32
    %sub3A_858 = arith.subi %add3A_857, %sub3A : i32
    %jit3A = arith.constant 64 : i32
    %div3A = arith.divsi %sub3A_858, %jit3A : i32
    %sign3A = arith.constant 0 : i32
    %sign3A_859 = arith.cmpi sgt, %sub3A_858, %sign3A : i32
    %sign3A_860 = arith.extui %sign3A_859 : i1 to i32
    %sign3A_861 = arith.constant 0 : i32
    %sign3A_862 = arith.cmpi slt, %sub3A_858, %sign3A_861 : i32
    %sign3A_863 = arith.extui %sign3A_862 : i1 to i32
    %sign3A_864 = arith.subi %sign3A_860, %sign3A_863 : i32
    %sign3A_865 = arith.constant 0 : i32
    %sign3A_866 = arith.cmpi sgt, %jit3A, %sign3A_865 : i32
    %sign3A_867 = arith.extui %sign3A_866 : i1 to i32
    %sign3A_868 = arith.constant 0 : i32
    %sign3A_869 = arith.cmpi slt, %jit3A, %sign3A_868 : i32
    %sign3A_870 = arith.extui %sign3A_869 : i1 to i32
    %sign3A_871 = arith.subi %sign3A_867, %sign3A_870 : i32
    %ne3A = arith.cmpi ne, %sign3A_864, %sign3A_871 : i32
    %rem3A = arith.remsi %sub3A_858, %jit3A : i32
    %ne3A_872 = arith.constant 0 : i32
    %ne3A_873 = arith.cmpi ne, %rem3A, %ne3A_872 : i32
    %and3A = arith.andi %ne3A, %ne3A_873 : i1
    %sub3A_874 = arith.constant 1 : i32
    %sub3A_875 = arith.subi %div3A, %sub3A_874 : i32
    %select_n3A_876 = arith.select %and3A, %sub3A_875, %div3A : i32
    %while3A = arith.constant 0 : i32
    %while3A_877 = arith.constant 0 : i32
    %while3A_878 = arith.subi %select_n3A_876, %while3A_877 : i32
    %while3A_879 = arith.addi %while3A_877, %while3A_878 : i32
    %while3A_880 = arith.constant 1 : i32
    %while3A_881 = arith.divsi %while3A_878, %while3A_880 : i32
    %while3A_882 = arith.muli %while3A_881, %while3A_880 : i32
    %while3A_883 = arith.addi %while3A_877, %while3A_882 : i32
    %while3A_884 = arith.constant 1 : i32
    scf.for %while3A_891 = %while3A_877 to %while3A_883 step %while3A_884  : i32 {
      "tpu.region"() ({
        %run_scoped3A = tpu.sem_alloc : memref<!tpu.dma_semaphore, #tpu.memory_space<semaphore_mem>>
        %dma_start3A_892 = arith.constant 0 : i32
        %dma_start3A_893 = tpu.memref_slice %arg15[%while3A_891, %dma_start3A_892] : memref<3x64xi32, #tpu.memory_space<vmem>> -> memref<1x64xi32, #tpu.memory_space<vmem>>
        %dma_start3A_894 = tpu.memref_squeeze %dma_start3A_893 : memref<1x64xi32, #tpu.memory_space<vmem>> -> memref<64xi32, #tpu.memory_space<vmem>>
        %dma_start3A_895 = arith.constant 0 : i32
        %dma_start3A_896 = arith.constant 0 : i32
        %dma_start3A_897 = tpu.memref_slice %arg3[%dma_start3A_895, %dma_start3A_896] : memref<16384x128xf32, #tpu.memory_space<hbm>> -> memref<16384x128xf32, #tpu.memory_space<hbm>>
        tpu.enqueue_indirect_dma source(%dma_start3A_897 : memref<16384x128xf32, #tpu.memory_space<hbm>>) target(%arg12 : memref<64x128xf32, #tpu.memory_space<vmem>>) offsets(%dma_start3A_894 : memref<64xi32, #tpu.memory_space<vmem>>) semaphore(%run_scoped3A : memref<!tpu.dma_semaphore, #tpu.memory_space<semaphore_mem>>)
        %dma_wait3A_898 = arith.constant 0 : i32
        %dma_wait3A_899 = tpu.memref_slice %arg15[%while3A_891, %dma_wait3A_898] : memref<3x64xi32, #tpu.memory_space<vmem>> -> memref<1x64xi32, #tpu.memory_space<vmem>>
        %dma_wait3A_900 = tpu.memref_squeeze %dma_wait3A_899 : memref<1x64xi32, #tpu.memory_space<vmem>> -> memref<64xi32, #tpu.memory_space<vmem>>
        %dma_wait3A_901 = arith.constant 0 : i32
        %dma_wait3A_902 = arith.constant 0 : i32
        %dma_wait3A_903 = tpu.memref_slice %arg3[%dma_wait3A_901, %dma_wait3A_902] : memref<16384x128xf32, #tpu.memory_space<hbm>> -> memref<16384x128xf32, #tpu.memory_space<hbm>>
        tpu.wait_indirect_dma semaphore(%run_scoped3A : memref<!tpu.dma_semaphore, #tpu.memory_space<semaphore_mem>>) src(%dma_wait3A_903 : memref<16384x128xf32, #tpu.memory_space<hbm>>) dst(%arg12 : memref<64x128xf32, #tpu.memory_space<vmem>>)
        tpu.yield
      }) : () -> ()
      "tpu.region"() ({
        %run_scoped3A = tpu.sem_alloc : memref<!tpu.dma_semaphore, #tpu.memory_space<semaphore_mem>>
        %dma_start3A_892 = arith.constant 0 : i32
        %dma_start3A_893 = tpu.memref_slice %arg16[%while3A_891, %dma_start3A_892] : memref<3x64xi32, #tpu.memory_space<vmem>> -> memref<1x64xi32, #tpu.memory_space<vmem>>
        %dma_start3A_894 = tpu.memref_squeeze %dma_start3A_893 : memref<1x64xi32, #tpu.memory_space<vmem>> -> memref<64xi32, #tpu.memory_space<vmem>>
        %dma_start3A_895 = arith.constant 0 : i32
        %dma_start3A_896 = arith.constant 0 : i32
        %dma_start3A_897 = tpu.memref_slice %arg5[%dma_start3A_895, %dma_start3A_896] : memref<16384x128xf32, #tpu.memory_space<hbm>> -> memref<16384x128xf32, #tpu.memory_space<hbm>>
        tpu.enqueue_indirect_dma source(%arg12 : memref<64x128xf32, #tpu.memory_space<vmem>>) target(%dma_start3A_897 : memref<16384x128xf32, #tpu.memory_space<hbm>>) offsets(%dma_start3A_894 : memref<64xi32, #tpu.memory_space<vmem>>) semaphore(%run_scoped3A : memref<!tpu.dma_semaphore, #tpu.memory_space<semaphore_mem>>)
        %dma_wait3A_898 = arith.constant 0 : i32
        %dma_wait3A_899 = tpu.memref_slice %arg16[%while3A_891, %dma_wait3A_898] : memref<3x64xi32, #tpu.memory_space<vmem>> -> memref<1x64xi32, #tpu.memory_space<vmem>>
        %dma_wait3A_900 = tpu.memref_squeeze %dma_wait3A_899 : memref<1x64xi32, #tpu.memory_space<vmem>> -> memref<64xi32, #tpu.memory_space<vmem>>
        %dma_wait3A_901 = arith.constant 0 : i32
        %dma_wait3A_902 = arith.constant 0 : i32
        %dma_wait3A_903 = tpu.memref_slice %arg5[%dma_wait3A_901, %dma_wait3A_902] : memref<16384x128xf32, #tpu.memory_space<hbm>> -> memref<16384x128xf32, #tpu.memory_space<hbm>>
        tpu.wait_indirect_dma semaphore(%run_scoped3A : memref<!tpu.dma_semaphore, #tpu.memory_space<semaphore_mem>>) src(%arg12 : memref<64x128xf32, #tpu.memory_space<vmem>>) dst(%dma_wait3A_903 : memref<16384x128xf32, #tpu.memory_space<hbm>>)
        tpu.yield
      }) : () -> ()
    }
    %while3A_885 = arith.constant 1 : i32
    scf.for %while3A_891 = %while3A_883 to %while3A_879 step %while3A_885  : i32 {
      "tpu.region"() ({
        %run_scoped3A = tpu.sem_alloc : memref<!tpu.dma_semaphore, #tpu.memory_space<semaphore_mem>>
        %dma_start3A_892 = arith.constant 0 : i32
        %dma_start3A_893 = tpu.memref_slice %arg15[%while3A_891, %dma_start3A_892] : memref<3x64xi32, #tpu.memory_space<vmem>> -> memref<1x64xi32, #tpu.memory_space<vmem>>
        %dma_start3A_894 = tpu.memref_squeeze %dma_start3A_893 : memref<1x64xi32, #tpu.memory_space<vmem>> -> memref<64xi32, #tpu.memory_space<vmem>>
        %dma_start3A_895 = arith.constant 0 : i32
        %dma_start3A_896 = arith.constant 0 : i32
        %dma_start3A_897 = tpu.memref_slice %arg3[%dma_start3A_895, %dma_start3A_896] : memref<16384x128xf32, #tpu.memory_space<hbm>> -> memref<16384x128xf32, #tpu.memory_space<hbm>>
        tpu.enqueue_indirect_dma source(%dma_start3A_897 : memref<16384x128xf32, #tpu.memory_space<hbm>>) target(%arg12 : memref<64x128xf32, #tpu.memory_space<vmem>>) offsets(%dma_start3A_894 : memref<64xi32, #tpu.memory_space<vmem>>) semaphore(%run_scoped3A : memref<!tpu.dma_semaphore, #tpu.memory_space<semaphore_mem>>)
        %dma_wait3A_898 = arith.constant 0 : i32
        %dma_wait3A_899 = tpu.memref_slice %arg15[%while3A_891, %dma_wait3A_898] : memref<3x64xi32, #tpu.memory_space<vmem>> -> memref<1x64xi32, #tpu.memory_space<vmem>>
        %dma_wait3A_900 = tpu.memref_squeeze %dma_wait3A_899 : memref<1x64xi32, #tpu.memory_space<vmem>> -> memref<64xi32, #tpu.memory_space<vmem>>
        %dma_wait3A_901 = arith.constant 0 : i32
        %dma_wait3A_902 = arith.constant 0 : i32
        %dma_wait3A_903 = tpu.memref_slice %arg3[%dma_wait3A_901, %dma_wait3A_902] : memref<16384x128xf32, #tpu.memory_space<hbm>> -> memref<16384x128xf32, #tpu.memory_space<hbm>>
        tpu.wait_indirect_dma semaphore(%run_scoped3A : memref<!tpu.dma_semaphore, #tpu.memory_space<semaphore_mem>>) src(%dma_wait3A_903 : memref<16384x128xf32, #tpu.memory_space<hbm>>) dst(%arg12 : memref<64x128xf32, #tpu.memory_space<vmem>>)
        tpu.yield
      }) : () -> ()
      "tpu.region"() ({
        %run_scoped3A = tpu.sem_alloc : memref<!tpu.dma_semaphore, #tpu.memory_space<semaphore_mem>>
        %dma_start3A_892 = arith.constant 0 : i32
        %dma_start3A_893 = tpu.memref_slice %arg16[%while3A_891, %dma_start3A_892] : memref<3x64xi32, #tpu.memory_space<vmem>> -> memref<1x64xi32, #tpu.memory_space<vmem>>
        %dma_start3A_894 = tpu.memref_squeeze %dma_start3A_893 : memref<1x64xi32, #tpu.memory_space<vmem>> -> memref<64xi32, #tpu.memory_space<vmem>>
        %dma_start3A_895 = arith.constant 0 : i32
        %dma_start3A_896 = arith.constant 0 : i32
        %dma_start3A_897 = tpu.memref_slice %arg5[%dma_start3A_895, %dma_start3A_896] : memref<16384x128xf32, #tpu.memory_space<hbm>> -> memref<16384x128xf32, #tpu.memory_space<hbm>>
        tpu.enqueue_indirect_dma source(%arg12 : memref<64x128xf32, #tpu.memory_space<vmem>>) target(%dma_start3A_897 : memref<16384x128xf32, #tpu.memory_space<hbm>>) offsets(%dma_start3A_894 : memref<64xi32, #tpu.memory_space<vmem>>) semaphore(%run_scoped3A : memref<!tpu.dma_semaphore, #tpu.memory_space<semaphore_mem>>)
        %dma_wait3A_898 = arith.constant 0 : i32
        %dma_wait3A_899 = tpu.memref_slice %arg16[%while3A_891, %dma_wait3A_898] : memref<3x64xi32, #tpu.memory_space<vmem>> -> memref<1x64xi32, #tpu.memory_space<vmem>>
        %dma_wait3A_900 = tpu.memref_squeeze %dma_wait3A_899 : memref<1x64xi32, #tpu.memory_space<vmem>> -> memref<64xi32, #tpu.memory_space<vmem>>
        %dma_wait3A_901 = arith.constant 0 : i32
        %dma_wait3A_902 = arith.constant 0 : i32
        %dma_wait3A_903 = tpu.memref_slice %arg5[%dma_wait3A_901, %dma_wait3A_902] : memref<16384x128xf32, #tpu.memory_space<hbm>> -> memref<16384x128xf32, #tpu.memory_space<hbm>>
        tpu.wait_indirect_dma semaphore(%run_scoped3A : memref<!tpu.dma_semaphore, #tpu.memory_space<semaphore_mem>>) src(%arg12 : memref<64x128xf32, #tpu.memory_space<vmem>>) dst(%dma_wait3A_903 : memref<16384x128xf32, #tpu.memory_space<hbm>>)
        tpu.yield
      }) : () -> ()
    }
    %gt3A_886 = arith.constant 192 : i32
    %gt3A_887 = arith.cmpi sgt, %reduce_max3A_853, %gt3A_886 : i32
    %convert_element_type3A_888 = arith.extui %gt3A_887 : i1 to i32
    %cond3A_889 = arith.constant 0 : i32
    %cond3A_890 = arith.cmpi ne, %convert_element_type3A_888, %cond3A_889 : i32
    scf.if %cond3A_890 {
      %scan3A_891 = arith.constant 0 : i32
      %scan3A_892 = arith.constant 0 : i32
      %scan3A_893 = arith.constant 64 : i32
      %scan3A_894 = arith.addi %scan3A_892, %scan3A_893 : i32
      %scan3A_895 = arith.constant 1 : i32
      scf.for %scan3A_897 = %scan3A_892 to %scan3A_894 step %scan3A_895  : i32 {
        %mul3A_898 = arith.constant 16 : i32
        %mul3A_899 = arith.muli %scan3A_897, %mul3A_898 : i32
        %get3A_900 = arith.index_cast %mul3A_899 : i32 to index
        %get3A_901 = tpu.vector_load %arg10[%get3A_900] {strides = array<i32>} : memref<1024xi32, #tpu.memory_space<vmem>>, vector<16xi32>,
        %mul3A_902 = arith.constant 16 : i32
        %mul3A_903 = arith.muli %scan3A_897, %mul3A_902 : i32
        %add3A_904 = arith.addi %mul3A_2, %mul3A_903 : i32
        %add3A_905 = vector.broadcast %add3A_904 : i32 to vector<16xi32>
        %add3A_906 = arith.addi %add3A_905, %iota3A : vector<16xi32>
        %ne3A_907 = arith.cmpi ne, %get3A_901, %add3A_906 : vector<16xi32>
        %reduce_or3A_908 = arith.constant 1.000000e+00 : f32
        %reduce_or3A_909 = arith.constant 0.000000e+00 : f32
        %reduce_or3A_910 = vector.broadcast %reduce_or3A_908 : f32 to vector<16xf32>
        %reduce_or3A_911 = vector.broadcast %reduce_or3A_909 : f32 to vector<16xf32>
        %reduce_or3A_912 = arith.select %ne3A_907, %reduce_or3A_910, %reduce_or3A_911 : vector<16xi1>, vector<16xf32>
        %reduce_or3A_913 = arith.constant true
        %reduce_or3A_914 = vector.broadcast %reduce_or3A_913 : i1 to vector<16xi1>
        %reduce_or3A_915 = tpu.scan <max>, %reduce_or3A_912 masked %reduce_or3A_914 : vector<16xf32>, vector<16xi1> -> vector<16xf32>
        %reduce_or3A_916 = vector.extract %reduce_or3A_915[15] : f32 from vector<16xf32>
        %reduce_or3A_917 = arith.constant 0.000000e+00 : f32
        %reduce_or3A_918 = arith.cmpf ogt, %reduce_or3A_916, %reduce_or3A_917 : f32
        %convert_element_type3A_919 = arith.extui %reduce_or3A_918 : i1 to i32
        %cond3A_920 = arith.constant 0 : i32
        %cond3A_921 = arith.cmpi ne, %convert_element_type3A_919, %cond3A_920 : i32
        scf.if %cond3A_921 {
          %mul3A_922 = arith.constant 16 : i32
          %mul3A_923 = arith.muli %scan3A_897, %mul3A_922 : i32
          "tpu.region"() ({
            %run_scoped3A = tpu.sem_alloc : memref<!tpu.dma_semaphore, #tpu.memory_space<semaphore_mem>>
            %dma_start3A_927 = arith.constant 0 : i32
            %dma_start3A_928 = arith.constant 0 : i32
            %dma_start3A_929 = tpu.memref_slice %arg13[%dma_start3A_927, %dma_start3A_928] : memref<64x128xf32, #tpu.memory_space<vmem>> -> memref<16x128xf32, #tpu.memory_space<vmem>>
            %dma_start3A_930 = tpu.memref_slice %arg10[%mul3A_923] : memref<1024xi32, #tpu.memory_space<vmem>> -> memref<16xi32, #tpu.memory_space<vmem>>
            %dma_start3A_931 = arith.constant 0 : i32
            %dma_start3A_932 = arith.constant 0 : i32
            %dma_start3A_933 = tpu.memref_slice %arg3[%dma_start3A_931, %dma_start3A_932] : memref<16384x128xf32, #tpu.memory_space<hbm>> -> memref<16384x128xf32, #tpu.memory_space<hbm>>
            tpu.enqueue_indirect_dma source(%dma_start3A_933 : memref<16384x128xf32, #tpu.memory_space<hbm>>) target(%dma_start3A_929 : memref<16x128xf32, #tpu.memory_space<vmem>>) offsets(%dma_start3A_930 : memref<16xi32, #tpu.memory_space<vmem>>) semaphore(%run_scoped3A : memref<!tpu.dma_semaphore, #tpu.memory_space<semaphore_mem>>)
            %dma_wait3A_934 = arith.constant 0 : i32
            %dma_wait3A_935 = arith.constant 0 : i32
            %dma_wait3A_936 = tpu.memref_slice %arg13[%dma_wait3A_934, %dma_wait3A_935] : memref<64x128xf32, #tpu.memory_space<vmem>> -> memref<16x128xf32, #tpu.memory_space<vmem>>
            %dma_wait3A_937 = tpu.memref_slice %arg10[%mul3A_923] : memref<1024xi32, #tpu.memory_space<vmem>> -> memref<16xi32, #tpu.memory_space<vmem>>
            %dma_wait3A_938 = arith.constant 0 : i32
            %dma_wait3A_939 = arith.constant 0 : i32
            %dma_wait3A_940 = tpu.memref_slice %arg3[%dma_wait3A_938, %dma_wait3A_939] : memref<16384x128xf32, #tpu.memory_space<hbm>> -> memref<16384x128xf32, #tpu.memory_space<hbm>>
            tpu.wait_indirect_dma semaphore(%run_scoped3A : memref<!tpu.dma_semaphore, #tpu.memory_space<semaphore_mem>>) src(%dma_wait3A_940 : memref<16384x128xf32, #tpu.memory_space<hbm>>) dst(%dma_wait3A_936 : memref<16x128xf32, #tpu.memory_space<vmem>>)
            tpu.yield
          }) : () -> ()
          %mul3A_924 = arith.constant 16 : i32
          %mul3A_925 = arith.muli %scan3A_897, %mul3A_924 : i32
          %add3A_926 = arith.addi %mul3A_2, %mul3A_925 : i32
          "tpu.region"() ({
            %run_scoped3A = tpu.sem_alloc : memref<!tpu.dma_semaphore, #tpu.memory_space<semaphore_mem>>
            %dma_start3A_927 = arith.constant 0 : i32
            %dma_start3A_928 = arith.constant 0 : i32
            %dma_start3A_929 = tpu.memref_slice %arg13[%dma_start3A_927, %dma_start3A_928] : memref<64x128xf32, #tpu.memory_space<vmem>> -> memref<16x128xf32, #tpu.memory_space<vmem>>
            %dma_start3A_930 = arith.constant 0 : i32
            %dma_start3A_931 = tpu.memref_slice %arg5[%add3A_926, %dma_start3A_930] : memref<16384x128xf32, #tpu.memory_space<hbm>> -> memref<16x128xf32, #tpu.memory_space<hbm>>
            %dma_start3A_932 = arith.constant 0 : i32
            %dma_start3A_933 = tpu.memref_slice %arg5[%add3A_926, %dma_start3A_932] : memref<16384x128xf32, #tpu.memory_space<hbm>> -> memref<16x128xf32, #tpu.memory_space<hbm>>
            %dma_start3A_934 = arith.constant 0 : i32
            %dma_start3A_935 = arith.constant 0 : i32
            %dma_start3A_936 = tpu.memref_slice %arg13[%dma_start3A_934, %dma_start3A_935] : memref<64x128xf32, #tpu.memory_space<vmem>> -> memref<16x128xf32, #tpu.memory_space<vmem>>
            tpu.enqueue_dma source(%dma_start3A_936 : memref<16x128xf32, #tpu.memory_space<vmem>>) target(%dma_start3A_933 : memref<16x128xf32, #tpu.memory_space<hbm>>) target_semaphore(%run_scoped3A : memref<!tpu.dma_semaphore, #tpu.memory_space<semaphore_mem>>)
            %dma_wait3A_937 = arith.constant 0 : i32
            %dma_wait3A_938 = arith.constant 0 : i32
            %dma_wait3A_939 = tpu.memref_slice %arg13[%dma_wait3A_937, %dma_wait3A_938] : memref<64x128xf32, #tpu.memory_space<vmem>> -> memref<16x128xf32, #tpu.memory_space<vmem>>
            %dma_wait3A_940 = arith.constant 0 : i32
            %dma_wait3A_941 = tpu.memref_slice %arg5[%add3A_926, %dma_wait3A_940] : memref<16384x128xf32, #tpu.memory_space<hbm>> -> memref<16x128xf32, #tpu.memory_space<hbm>>
            %dma_wait3A_942 = arith.constant 0 : i32
            %dma_wait3A_943 = tpu.memref_slice %arg5[%add3A_926, %dma_wait3A_942] : memref<16384x128xf32, #tpu.memory_space<hbm>> -> memref<16x128xf32, #tpu.memory_space<hbm>>
            %dma_wait3A_944 = arith.constant 0 : i32
            %dma_wait3A_945 = arith.constant 0 : i32
            %dma_wait3A_946 = tpu.memref_slice %arg13[%dma_wait3A_944, %dma_wait3A_945] : memref<64x128xf32, #tpu.memory_space<vmem>> -> memref<16x128xf32, #tpu.memory_space<vmem>>
            tpu.wait_dma2 semaphore(%run_scoped3A : memref<!tpu.dma_semaphore, #tpu.memory_space<semaphore_mem>>) src(%dma_wait3A_946 : memref<16x128xf32, #tpu.memory_space<vmem>>) dst(%dma_wait3A_943 : memref<16x128xf32, #tpu.memory_space<hbm>>)
            tpu.yield
          }) : () -> ()
        } else {
        }
      }
      %scan3A_896 = arith.constant 64 : i32
    } else {
    }
    "tpu.region"() ({
      %run_scoped3A = tpu.sem_alloc : memref<!tpu.dma_semaphore, #tpu.memory_space<semaphore_mem>>
      %dma_start3A_891 = tpu.memref_slice %arg6[%mul3A_2] : memref<16384xf32, #tpu.memory_space<hbm>> -> memref<1024xf32, #tpu.memory_space<hbm>>
      %dma_start3A_892 = tpu.memref_slice %arg6[%mul3A_2] : memref<16384xf32, #tpu.memory_space<hbm>> -> memref<1024xf32, #tpu.memory_space<hbm>>
      tpu.enqueue_dma source(%arg11 : memref<1024xf32, #tpu.memory_space<vmem>>) target(%dma_start3A_892 : memref<1024xf32, #tpu.memory_space<hbm>>) target_semaphore(%run_scoped3A : memref<!tpu.dma_semaphore, #tpu.memory_space<semaphore_mem>>)
      %dma_wait3A_893 = tpu.memref_slice %arg6[%mul3A_2] : memref<16384xf32, #tpu.memory_space<hbm>> -> memref<1024xf32, #tpu.memory_space<hbm>>
      %dma_wait3A_894 = tpu.memref_slice %arg6[%mul3A_2] : memref<16384xf32, #tpu.memory_space<hbm>> -> memref<1024xf32, #tpu.memory_space<hbm>>
      tpu.wait_dma2 semaphore(%run_scoped3A : memref<!tpu.dma_semaphore, #tpu.memory_space<semaphore_mem>>) src(%arg11 : memref<1024xf32, #tpu.memory_space<vmem>>) dst(%dma_wait3A_894 : memref<1024xf32, #tpu.memory_space<hbm>>)
      tpu.yield
    }) : () -> ()
    "tpu.trace_stop"() : () -> ()
    return
  }
}

</mosaic_0001>

<sc_bundles>
// kernel: kernel.3.cloned.1.call-start
scs
__scs_entry_jumppad:
0x0: {  	(pc) =	sbr.rel $0x88, $3  }
0x1: {  	(tag) =	ssettag $0x0;
	lr =	simm.s32 $0x1  }
0x2: {  	[smem:$0x3F9E] =	sst lr;
	_ =	strace $0xD0000000  }
0x3: {  	_ = 	snop  }
0x4: {  	_ = 	snop  }
0x5: {  	_ = 	snop  }
0x6: {  	_ = 	snop  }
0x7: {  	_ = 	snop  }
__scs_overlays_trampoline_lowered:
0x8: {  	[smem:$0x3FAD] =	sst s0  }
0x9: {  	[smem:$0x3FAE] =	sst s1  }
0xa: {  	[smem:$0x3FAF] =	sst s2  }
0xb: {  	[smem:$0x3FB0] =	sst s3  }
0xc: {  	[smem:$0x3FB1] =	sst s4  }
0xd: {  	[smem:$0x3FB2] =	sst s5  }
0xe: {  	[smem:$0x3FB3] =	sst s6  }
0xf: {  	[smem:$0x3FB4] =	sst s7  }
0x10: {  	[smem:$0x3FB5] =	sst s8  }
0x11: {  	[smem:$0x3FB6] =	sst s9;
	s0 =	simm.s32 @!p0 $0x0  }
0x12: {  	s1 =	sld [smem:$0x3F9C];
	s0 =	simm.s32 @p0 $0x1  }
0x13: {  	[smem:$0x3FB7] =	sst s0;
	s0 =	simm.s32 @!p1 $0x0  }
0x14: {  	s2 =	sld [smem:$0x3F9B];
	s0 =	simm.s32 @p1 $0x1  }
0x15: {  	[smem:$0x3FB8] =	sst s0;
	s0 =	simm.s32 @!p2 $0x0  }
0x16: {  	s3 =	sld [smem:$0x3FDB];
	s0 =	simm.s32 @p2 $0x1  }
0x17: {  	s4 =	simm.s32 $0x1BF5;
	[smem:$0x3FBA] =	sst s0  }
0x18: {  	s0 =	sld [smem:$0x3F9D];
	_ =	swait.ge [sflag:s4], $0x0  }
0x19: {  	s7 =	sld [smem:$0x3F9E]  }
0x1a: {  	s8 =	sadd.s32 $0xFFFFE003, lr  }
0x1b: {  	s9 =	sadd.s32 $0xFFFFFEF7, lr;
	s5 =	simm.s32 $0xFFFFFFFF;
	p2 =	slt.u32 s8, $0xFFFFF086  }
0x1c: {  	p1 =	slt.u32 s9, $0xF7A;
	s5 =	simm.s32 @!p2 $0x0  }
0x1d: {  	s5 =	simm.s32 @p1 $0x1;
	p0 =	seq.s32 s7, s2  }
0x1e: {  	s7 =	smul.u32 @!p0 $0xF7A, s2;
	p2 =	seq.s32 @!p0 s5, $0x0  }
0x1f: {  	s9 =	smul.u32 $0xF7A, s1;
	s8 =	simm.s32 @!p0 $0x1BF5;
	p2 =	por !p2, p0  }
0x20: {  	[sflag:s8] =	ssyncset.s32 @!p0 $0xFFFFF086;
	s6 =	sadd.s32 @!p0 s3, s7;
	s7 =	simm.s32 @!p0 $0x108  }
0x21: {  	s3 =	sadd.s32 s3, s9;
	s6 =	sadd.s32 @!p0 $0x88, s6;
	s7 =	simm.s32 @p2 $0x1082  }
0x22: {  	[simem:s7], [sflag:s8] =	dma.local @!p0 [hbm:s6], $0xF7A  }
0x23: {  	s9 =	sor.u32 $0xD0000000, s2;
	s6 =	simm.s32 $0x108;
	_ =	swait.ge @!p0 [sflag:s8], $0x0  }
0x24: {  	s3 =	sadd.s32 $0x88, s3;
	s6 =	simm.s32 @!p1 $0x1082;
	[sflag:s4] =	ssyncset.s32 $0xFFFFF086  }
0x25: {  	[simem:s6], [sflag:s4] =	dma.local [hbm:s3], $0xF7A  }
0x26: {  	[smem:$0x3F9E] =	sst s1;
	(tag) =	ssettag s2;
	_ =	strace s9  }
0x27: {  	s1 =	sld [smem:$0x3FAE]  }
0x28: {  	s2 =	sld [smem:$0x3FAF]  }
0x29: {  	s4 =	sld [smem:$0x3FB1]  }
0x2a: {  	p0 =	seq.s32 s5, $0x0;
	s5 =	sld [smem:$0x3FB2]  }
0x2b: {  	s6 =	sld [smem:$0x3FB3]  }
0x2c: {  	s7 =	sld [smem:$0x3FB4]  }
0x2d: {  	s3 =	simm.s32 $0x108;
	s8 =	sld [smem:$0x3FB5]  }
0x2e: {  	s3 =	simm.s32 @!p0 $0x1082;
	s9 =	sld [smem:$0x3FB6]  }
0x2f: {  	lr =	sadd.s32 s0, s3;
	s0 =	sld [smem:$0x3FAD]  }
0x30: {  	s3 =	sld [smem:$0x3FB0]  }
0x31: {  	[smem:$0x3FB9] =	sst s10  }
0x32: {  	s10 =	sld [smem:$0x3FB7];
	_ =	sdelay $0x3  }
0x33: {  	p0 =	seq.s32 s10, $0x1;
	s10 =	sld [smem:$0x3FB9];
	_ =	sdelay $0x3  }
0x34: {  	[smem:$0x3FB9] =	sst s10  }
0x35: {  	s10 =	sld [smem:$0x3FB8];
	_ =	sdelay $0x3  }
0x36: {  	p1 =	seq.s32 s10, $0x1;
	s10 =	sld [smem:$0x3FB9];
	_ =	sdelay $0x3  }
0x37: {  	[smem:$0x3FB9] =	sst s10  }
0x38: {  	s10 =	sld [smem:$0x3FBA]  }
0x39: {  	_ = 	snop;
	(pc) =	sbr.ind lr, $3  }
0x3a: {  	_ = 	snop  }
0x3b: {  	_ = 	snop  }
0x3c: {  	p2 =	seq.s32 s10, $0x1;
	s10 =	sld [smem:$0x3FB9]  }
0x3d: {  	_ =	shalt  }
0x3e: {  	_ =	shalt  }
0x3f: {  	_ =	shalt  }
0x40: {  	_ =	shalt  }
0x41: {  	_ =	shalt  }
0x42: {  	_ =	shalt  }
0x43: {  	_ =	shalt  }
0x44: {  	_ =	shalt  }
0x45: {  	_ =	shalt  }
0x46: {  	_ =	shalt  }
0x47: {  	_ =	shalt  }
0x48: {  	_ =	shalt  }
0x49: {  	_ =	shalt  }
0x4a: {  	_ =	shalt  }
0x4b: {  	_ =	shalt  }
0x4c: {  	_ =	shalt  }
0x4d: {  	_ =	shalt  }
0x4e: {  	_ =	shalt  }
0x4f: {  	_ =	shalt  }
0x50: {  	_ =	shalt  }
0x51: {  	_ =	shalt  }
0x52: {  	_ =	shalt  }
0x53: {  	_ =	shalt  }
0x54: {  	_ =	shalt  }
0x55: {  	_ =	shalt  }
0x56: {  	_ =	shalt  }
0x57: {  	_ =	shalt  }
0x58: {  	_ =	shalt  }
0x59: {  	_ =	shalt  }
0x5a: {  	_ =	shalt  }
0x5b: {  	_ =	shalt  }
0x5c: {  	_ =	shalt  }
0x5d: {  	_ =	shalt  }
0x5e: {  	_ =	shalt  }
0x5f: {  	_ =	shalt  }
0x60: {  	_ =	shalt  }
0x61: {  	_ =	shalt  }
0x62: {  	_ =	shalt  }
0x63: {  	_ =	shalt  }
0x64: {  	_ =	shalt  }
0x65: {  	_ =	shalt  }
0x66: {  	_ =	shalt  }
0x67: {  	_ =	shalt  }
0x68: {  	_ =	shalt  }
0x69: {  	_ =	shalt  }
0x6a: {  	_ =	shalt  }
0x6b: {  	_ =	shalt  }
0x6c: {  	_ =	shalt  }
0x6d: {  	_ =	shalt  }
0x6e: {  	_ =	shalt  }
0x6f: {  	_ =	shalt  }
0x70: {  	_ =	shalt  }
0x71: {  	_ =	shalt  }
0x72: {  	_ =	shalt  }
0x73: {  	_ =	shalt  }
0x74: {  	_ =	shalt  }
0x75: {  	_ =	shalt  }
0x76: {  	_ =	shalt  }
0x77: {  	_ =	shalt  }
0x78: {  	_ =	shalt  }
0x79: {  	_ =	shalt  }
0x7a: {  	_ =	shalt  }
0x7b: {  	_ =	shalt  }
0x7c: {  	_ =	shalt  }
0x7d: {  	_ =	shalt  }
0x7e: {  	_ =	shalt  }
0x7f: {  	_ =	shalt  }
0x80: {  	_ =	shalt  }
0x81: {  	_ =	shalt  }
0x82: {  	_ =	shalt  }
0x83: {  	_ =	shalt  }
0x84: {  	_ =	shalt  }
0x85: {  	_ =	shalt  }
0x86: {  	_ =	shalt  }
0x87: {  	_ =	shalt  }
.Lfunc_end0:
.L_simem_size_0:
called_computation_lowered:
.L_overlay_start_0:
0x88: {  	s0 =	sld [smem:$0x3FD9]  }
0x89: {  	s1 =	sld [smem:$0x3FFE];
	_ =	sdelay $0x3  }
0x8a: {  	s0 =	sadd.s32 s1, s0  }
0x8b: {  	[smem:$0x3FC5] =	sst s0  }
0x8c: {  	_ = 	snop  }
0x8d: {  	s14 =	sld [smem:$0x3FD0]  }
0x8e: {  	s2 =	sld [smem:$0x3FC9]  }
0x8f: {  	s3 =	sld [smem:$0x3FC8]  }
0x90: {  	s5 =	simm.s32 $0xA;
	s6 =	simm.s32 $0x10;
	s4 =	sld [smem:$0x3FC7]  }
0x91: {  	[smem:s6], [sflag:s5] =	dma.local [hbm:s14], $0x1  }
0x92: {  	_ =	swait.eq [sflag:s5], $0x1  }
0x93: {  	[sflag:s5] =	ssyncset.done $0x0  }
0x94: {  	s15 =	sld [smem:$0x10];
	[sflag:s5] =	ssyncadd.s32 $0xFFFFFFFF  }
0x95: {  	s16 =	sld [smem:$0x11];
	(tm) =	ssettm $0x1  }
0x96: {  	s17 =	sld [smem:$0x3FFB];
	_ =	sdelay $0x3  }
0x97: {  	_ =	strace s17  }
0x98: {  	s6 =	sld [smem:$0x3FFC];
	_ =	sdelay $0x3  }
0x99: {  	_ =	strace s6  }
0x9a: {  	s6 =	sld [smem:$0x3FFD];
	_ =	sdelay $0x3  }
0x9b: {  	_ =	strace s6  }
0x9c: {  	_ =	strace $0x8FFFFFFF  }
0x9d: {  	s18 =	sld [smem:$0x3FDB];
	_ =	sdelay $0x1  }
0x9e: {  	s7 =	simm.s32 $_scs_section_size  }
0x9f: {  	s8 =	simm.s32 $_size__tile_overlayer_lowered;
	s9 =	simm.s32 $_tile_overlayer_lowered  }
0xa0: {  	s21 =	simm.s32 $0x1BFF;
	s20 =	sshll.u32 s9, $0x1;
	s6 =	sadd.s32 s7, s18  }
0xa1: {  	s10 =	simm.s32 $0x0;
	s19 =	sshll.u32 s8, $0x1;
	s8 =	sadd.s32 s20, s6  }
0xa2: {  	[timem:s10], [sflag:s21] =	dma.local [hbm:s8], s19  }
0xa3: {  	_ =	swait.ge [sflag:s21], s19  }
0xa4: {  	s7 =	ssub.s32 $0x0, s19;
	[sflag:s21] =	ssyncset.done $0x0  }
0xa5: {  	[sflag:s21] =	ssyncadd.s32 s7;
	_ =	sdelay $0x1  }
0xa6: {  	s22 =	simm.s32 $0x1B8B  }
0xa7: {  	_ =	swait.ge [sflag:s22], $0x1  }
0xa8: {  	[sflag:s22] =	ssyncset.done $0x0  }
0xa9: {  	s23 =	simm.s32 $0x1B8E;
	[sflag:s22] =	ssyncadd.s32 $0xFFFFFFFF  }
0xaa: {  	s24 =	simm.s32 $execute0_lowered;
	[smem:$0x3FD2] =	sst s23  }
0xab: {  	s7 =	sshll.u32 s24, $0x1;
	_ =	strace $0x80000046;
	[dreg:$0x1] =	wrdreg $0xFFFFFFFF  }
0xac: {  	s25 =	simm.s32 $_size_execute0_lowered;
	s6 =	sadd.s32 s6, s7;
	[dreg:$0x0] =	wrdreg $0x0  }
0xad: {  	s7 =	sshll.u32 s25, $0x1;
	[dreg:$0x2] =	wrdreg s6  }
0xae: {  	[dreg:$0x3] =	wrdreg s7  }
0xaf: {  	[dreg:$0x4] =	wrdreg $0xC0  }
0xb0: {  	_ =	task [dreg:s10], $0x5FFFF  }
0xb1: {  	[dreg:$0x1] =	wrdreg $0xFFFFFFFF  }
0xb2: {  	[dreg:$0x0] =	wrdreg $0x60  }
0xb3: {  	[dreg:$0x2] =	wrdreg s2  }
0xb4: {  	[dreg:$0x3] =	wrdreg s3  }
0xb5: {  	[dreg:$0x4] =	wrdreg s4  }
0xb6: {  	[dreg:$0x5] =	wrdreg s15  }
0xb7: {  	s0 =	sadd.s32 $0x400, s0;
	[dreg:$0x6] =	wrdreg s16  }
0xb8: {  	[dreg:$0x7] =	wrdreg s0  }
0xb9: {  	[dreg:$0x8] =	wrdreg $0x9  }
0xba: {  	_ =	task.clear_ibuf [dreg:s10], $0x9FFFF;
	_ =	strace $0x90000046  }
0xbb: {  	s26 =	simm.s32 $0x9;
	_ =	strace $0x8000004C  }
0xbc: {  	_ =	swait.ge [sflag:s26], $0x1  }
0xbd: {  	[sflag:s26] =	ssyncadd.s32 $0xFFFFFFFF  }
0xbe: {  	_ =	strace $0x9000004C  }
0xbf: {  	_ =	sfence  }
0xc0: {  	s28 =	sld [smem:$0x0];
	_ =	sdelay $0x1  }
0xc1: {  	s29 =	srdreg.scid  }
0xc2: {  	s30 =	sshll.u32 s29, $0xD;
	s31 =	sshrl.u32 s29, $0x2  }
0xc3: {  	s1 =	sand.u32 $0x1, s29;
	s2 =	sand.u32 $0x4000, s30;
	s0 =	sadd.s32 s31, s28  }
0xc4: {  	s1 =	sor.u32 s2, s1;
	s0 =	sshll.u32 s0, $0x11  }
0xc5: {  	s0 =	sor.u32 s0, s1  }
0xc6: {  	s0 =	sadd.s32 $0x8F2B, s0  }
0xc7: {  	[sflag:s0] =	ssyncadd.remote.s32 $0x1  }
0xc8: {  	_ =	sfence.sel $0xFFFF  }
0xc9: {  	[dreg:$0x0] =	wrdreg $0xFFFFFFFF;
	(pc) =	sbr.abs _section_cstart, $3  }
0xca: {  	[dreg:$0x1] =	wrdreg $0xFFFFFFFF  }
0xcb: {  	_ =	task.clear_ibuf [dreg:s10], $0x2FFFF;
	_ =	strace $0x9FFFFFFF  }
0xcc: {  	(tm) =	ssettm $0x7FFFFFFF  }
0xcd: {  	_ =	shalt  }
tec
execute0_lowered:
.L_overlay_start_1:
0x0: {  	(tag) =	ssettag $0x1  }
0x1: {  	s1 =	rddreg [dreg:$0x0]  }
0x2: {  	s2 =	rddreg [dreg:$0x1]  }
0x3: {  	s5 =	rddreg [dreg:$0x2]  }
0x4: {  	s3 =	rddreg [dreg:$0x3]  }
0x5: {  	s23 =	rddreg [dreg:$0x4];
	s6 =	simm.s32 $0x0;
	s7 =	stileid.u32  }
0x6: {  	s9 =	simm.s32 $0x17C80;
	[smem:$0x7FF] =	sst s6;
	s4 =	sshll.u32 s7, $0xE  }
0x7: {  	_ =	strace $0x80000047;
	s8 =	sadd.s32 s2, s4;
	s0 =	sor.u32 $0x400, s4  }
0x8: {  	[tilespmem:s9], [sflag:$0x3] =	stream.linear.gather [hbm4b:s8+s6], $0x2000, $0x38;
	[tilespmem:$0x1E080] =	vst v63  }
0x9: {  	s29 =	simm.s32 $0x19C80;
	s28 =	sadd.s32 s2, s0  }
0xa: {  	[tilespmem:s29], [sflag:$0x4] =	stream.linear.gather [hbm4b:s28+s6], $0x2000, $0x38;
	[tilespmem:$0x1E080] =	vst v63  }
0xb: {  	s30 =	simm.s32 $0x4000  }
0xc: {  	[tilespmem:s30], [sflag:$0x2] =	stream.linear.gather [hbm4b:s5+s6], $0x4000, $0x38;
	[tilespmem:$0x1E080] =	vst v63  }
0xd: {  	s31 =	simm.s32 $0x9  }
0xe: {  	[tilespmem:s6], [sflag:$0x9] =	stream.linear.gather [hbm4b:s1+s6], $0x4000, $0x38;
	[tilespmem:$0x1E080] =	vst v63  }
0xf: {  	_ =	swait.ge [sflag:s31], $0x4000  }
0x10: {  	[sflag:s31] =	ssyncset.done $0x0  }
0x11: {  	[sflag:s31] =	ssyncadd.s32 $0xFFFFC000  }
0x12: {  	_ =	strace $0x80000048  }
0x13: {  	v1 =	vld [tilespmem:s6+$0x0];
	_ =	sdelay $0x1  }
0x14: {  	s9 =	smul.u32 $0xF428, s7;
	_ =	sdelay $0x1  }
0x15: {  	v0 =	vmov s9  }
0x16: {  	v3 =	vsub.s32 v1, v0  }
0x17: {  	vm0 =	vlt.u32 v3, $0xF428;
	_ =	sdelay $0x3  }
0x18: {  	v2 =	vlaneseq.u32  }
0x19: {  	v4 =	vor.u32 s6, v2;
	s1 =	simm.s32 $0x8000  }
0x1a: {  	[tilespmem:v3+s1+$0x0] =	vst.idx.msk vm0, v4;
	vm0 =	vmmov vm0;
	_ =	sdelay $0x3  }
0x1b: {  	s5 =	simm.s32 $0x10  }
0x1c: {  	s8 =	simm.s32 $0x10;
	s6 =	simm.s32 $0x20;
	v1 =	vimm.s32 $0x0;
	v5 =	vld [tilespmem:s5+$0x0]  }
.LBB2_1:
0x1d: {  	p0 =	sne.s32 s6, $0x3F0;
	v6 =	vld.idx.msk [tilespmem:v3+s1+$0x0], vm0;
	_ =	sdelay $0x3  }
0x1e: {  	v3 =	vsub.s32 v5, v0  }
0x1f: {  	vm1 =	vlt.u32 v3, $0xF428  }
0x20: {  	vm2 =	vne.s32 v6, v4  }
0x21: {  	vm2 =	vmand vm0, vm2;
	vm0 =	vmmov vm1  }
.Ltmp0:
0x22: {  	v5 =	vmpcnt.ones.xlane vm2;
	(pc) =	sbr.rel @p0 .LBB2_1-.Ltmp0, $4  }
0x23: {  	_ = 	snop  }
0x24: {  	v4 =	vor.u32 s5, v2;
	s5 =	smov.u32 s6;
	v1 =	vadd.s32 v1, v5  }
0x25: {  	s8 =	sadd.s32 $0x10, s8;
	[tilespmem:v3+s1+$0x0] =	vst.idx.msk vm1, v4  }
0x26: {  	s6 =	sadd.s32 $0x10, s6;
	v5 =	vld [tilespmem:s8+$0x0]  }
0x27: {  	_ =	sdelay $0x3  }
0x28: {  	v5 =	vsub.s32 v5, v0  }
0x29: {  	vm1 =	vlt.u32 v5, $0xF428;
	_ =	sdelay $0x4  }
0x2a: {  	v2 =	vor.u32 s5, v2  }
0x2b: {  	v3 =	vld.idx.msk [tilespmem:v3+s1+$0x0], vm0;
	[tilespmem:v5+s1+$0x0] =	vst.idx.msk vm1, v2  }
0x2c: {  	v5 =	vld.idx.msk [tilespmem:v5+s1+$0x0], vm1;
	_ =	sdelay $0x3  }
0x2d: {  	vm11 =	vne.s32 v3, v4  }
0x2e: {  	vm2 =	vmmov vm1;
	vm12 =	vmand vm0, vm11;
	vm13 =	vne.s32 v5, v2  }
0x2f: {  	v2 =	vmpcnt.ones.xlane vm12;
	vm14 =	vmand vm2, vm13  }
0x30: {  	v3 =	vmpcnt.ones.xlane vm14  }
0x31: {  	v1 =	vadd.s32 v1, v2  }
0x32: {  	v1 =	vadd.s32 v1, v3  }
0x33: {  	vm15 =	vgt.s32 v1, $0x0;
	v1 =	vimm.f32 $0.0e+00  }
0x34: {  	v1 =	vsel vm15, $0x3F800000, v1  }
0x35: {  	(xrf0) =	vmax.scan.msk.f32 $0xffff, v1;
	_ =	sdelay $0x5  }
0x36: {  	v1, _, _ =	vpop (xrf0)  }
0x37: {  	(v2sf) =	vpush v1, $0xF;
	_ =	sdelay $0x9  }
0x38: {  	s5 =	sshll.u32 s7, $0xA;
	s10 =	sadd.s32 s3, s4  }
0x39: {  	s17 =	sor.u32 $0xC00, s4;
	s16 =	sor.u32 $0x1400, s4;
	s29 =	sor.u32 $0x1C00, s4  }
0x3a: {  	s26 =	sor.u32 $0x2400, s4;
	s12 =	sor.u32 $0x2C00, s4;
	s30 =	sshll.u32 s7, $0x7  }
0x3b: {  	s19 =	sor.u32 $0x80, s5;
	s6 =	sor.u32 $0x100, s5;
	s20 =	sor.u32 $0x180, s5  }
0x3c: {  	s11 =	sor.u32 $0x200, s5;
	s21 =	sor.u32 $0x280, s5;
	[dreg:$0x8] =	wrdreg s19  }
0x3d: {  	s13 =	sor.u32 $0x300, s5;
	[dreg:$0x9] =	wrdreg s6;
	s22 =	spop (v2sf)  }
0x3e: {  	s31 =	sor.u32 $0x380, s5;
	[dreg:$0xa] =	wrdreg s20;
	p0 =	sgt.f32 s22, $0.0e+00  }
.Ltmp1:
0x3f: {  	s15 =	sshll.u32 s6, $0x4;
	[dreg:$0xb] =	wrdreg s11;
	(pc) =	sbr.rel @!p0 .LBB2_6-.Ltmp1, $4  }
0x40: {  	s6 =	sshll.u32 s20, $0x4;
	s24 =	sshll.u32 s11, $0x4;
	[dreg:$0xc] =	wrdreg s21  }
0x41: {  	s25 =	sshll.u32 s21, $0x4;
	[dreg:$0xd] =	wrdreg s13;
	s28 =	sshll.u32 s13, $0x4  }
0x42: {  	s13 =	sor.u32 $0x3400, s4;
	[dreg:$0xe] =	wrdreg s31;
	s1 =	sshll.u32 s19, $0x4  }
0x43: {  	s14 =	sshll.u32 s31, $0x4;
	s11 =	sor.u32 $0x3C00, s4;
	s8 =	sadd.s32 s2, s1  }
0x44: {  	v1 =	vimm.s32 $0xFFEDCBA9;
	v2 =	vimm.s32 $0x87654321  }
0x45: {  	v1 =	vunpack.c.l.s4.s8 v1;
	v2 =	vunpack.c.l.s4.s8 v2;
	_ =	sdelay $0x1  }
0x46: {  	v1 =	vunpack.c.0.s8.s32 v1;
	v3 =	vunpack.c.0.s8.s32 v2  }
0x47: {  	s18 =	simm.s32 $0x0  }
0x48: {  	vm0 =	vcmask $0x3F3C;
	s19 =	simm.s32 $0x8000;
	s20 =	simm.s32 $0x10;
	s21 =	simm.s32 $0x0;
	v2 =	vlaneseq.u32;
	v1 =	vcombine.low v3, v1;
	v3 =	vld [tilespmem:s18+$0x0]  }
.LBB2_4:
0x49: {  	p0 =	sne.s32 s20, $0x3F0;
	_ =	sdelay $0x3  }
0x4a: {  	v3 =	vshll.u32 v3, $0x4  }
0x4b: {  	v3 =	vor.u32 v2, v3  }
0x4c: {  	v4 =	vxor.u32 $0x80000000, v3  }
0x4d: {  	(xrf1) =	vsort.ascd.msk.u32 $0xffff, v4, v3;
	_ =	sdelay $0xd  }
0x4e: {  	v3, _, _ =	vpop (xrf1)  }
0x4f: {  	v4 =	vshra.s32 v3, $0x4  }
0x50: {  	v4 =	vxor.u32 $0xF8000000, v4  }
0x51: {  	v5 =	vperm.xlane v4, v1;
	_ =	sdelay $0x1  }
0x52: {  	v6 =	vsub.s32 v4, v0;
	vm1 =	vne.s32 v4, v5  }
0x53: {  	vm2 =	vlt.u32 v6, $0xF428;
	vm1 =	vmor vm1, vm0  }
0x54: {  	vm1 =	vmand vm2, vm1;
	_ =	sdelay $0x2  }
.Ltmp2:
0x55: {  	(pc) =	sbr.rel @p0 .LBB2_4-.Ltmp2, $4  }
0x56: {  	v3 =	vand.u32 $0xF, v3  }
0x57: {  	v3 =	vor.u32 s18, v3;
	s18 =	smov.u32 s20  }
0x58: {  	s21 =	sadd.s32 $0x10, s21;
	[tilespmem:v6+s19+$0x0] =	vst.idx.msk vm1, v3  }
0x59: {  	s20 =	sadd.s32 $0x10, s20;
	v3 =	vld [tilespmem:s21+$0x0]  }
0x5a: {  	_ =	sdelay $0x3  }
0x5b: {  	v3 =	vshll.u32 v3, $0x4  }
0x5c: {  	v2 =	vor.u32 v2, v3  }
0x5d: {  	v3 =	vxor.u32 $0x80000000, v2  }
0x5e: {  	(xrf1) =	vsort.ascd.msk.u32 $0xffff, v3, v2;
	_ =	sdelay $0xd  }
0x5f: {  	v2, _, _ =	vpop (xrf1)  }
0x60: {  	v3 =	vshra.s32 v2, $0x4  }
0x61: {  	v3 =	vxor.u32 $0xF8000000, v3  }
0x62: {  	v1 =	vperm.xlane v3, v1;
	_ =	sdelay $0x1  }
0x63: {  	v4 =	vsub.s32 v3, v0;
	vm1 =	vne.s32 v3, v1  }
0x64: {  	vm2 =	vlt.u32 v4, $0xF428;
	vm0 =	vmor vm1, vm0  }
0x65: {  	vm0 =	vmand vm2, vm0;
	_ =	sdelay $0x3  }
0x66: {  	v1 =	vand.u32 $0xF, v2  }
0x67: {  	v1 =	vor.u32 s18, v1  }
0x68: {  	[tilespmem:v4+s19+$0x0] =	vst.idx.msk vm0, v1  }
.LBB2_6:
0x69: {  	s18 =	simm.s32 $0x3  }
0x6a: {  	_ =	swait.ge [sflag:s18], $0x2000  }
0x6b: {  	[sflag:s18] =	ssyncset.done $0x0  }
0x6c: {  	s22 =	simm.s32 $0x0;
	s19 =	simm.s32 $0x17C80;
	[sflag:s18] =	ssyncadd.s32 $0xFFFFE000  }
0x6d: {  	[hbm4b:s10+s22] =	stream.linear.scatter [tilespmem:s19], [sflag:$0x6], $0x2000, $0x200038;
	[tilespmem:$0x1E080] =	vst v63  }
0x6e: {  	s19 =	simm.s32 $0x400  }
0x6f: {  	s7 =	simm.s32 $0x1BC80;
	s20 =	sand.u32 $0x70, s22;
	s10 =	sand.u32 $0x780, s19  }
0x70: {  	[tilespmem:s7], [sflag:$0x5] =	stream.linear.gather [hbm4b:s8+s22], $0x2000, $0x200038;
	[tilespmem:$0x1E080] =	vst v63  }
0x71: {  	s8 =	sor.u32 s20, s10  }
0x72: {  	v1 =	vld [tilespmem:s8+$0x0];
	_ =	sdelay $0x4  }
0x73: {  	v1 =	vsub.s32 v1, v0  }
0x74: {  	vm1 =	vlt.u32 v1, $0xF428;
	_ =	sdelay $0x1  }
0x75: {  	s21 =	simm.s32 $0x10;
	s31 =	simm.s32 $0x8000;
	s23 =	sadd.s32 s23, s30  }
0x76: {  	s30 =	sadd.s32 s3, s24;
	[dreg:$0x7] =	wrdreg s23;
	s23 =	sadd.s32 s2, s26  }
0x77: {  	v2 =	vlaneseq.u32;
	s18 =	sand.u32 $0x70, s21;
	s10 =	sadd.s32 s3, s0;
	s0 =	simm.s32 $0x410  }
0x78: {  	s21 =	sadd.s32 s3, s17;
	v3 =	vor.u32 s19, v2;
	s19 =	sadd.s32 s3, s15;
	s7 =	sand.u32 $0x780, s0  }
0x79: {  	s22 =	sadd.s32 s3, s1;
	s1 =	sadd.s32 s2, s15;
	s7 =	sor.u32 s18, s7;
	[tilespmem:v1+s31+$0x0] =	vst.idx.msk vm1, v3  }
0x7a: {  	s15 =	sadd.s32 s3, s6;
	s18 =	sadd.s32 s2, s6;
	s6 =	sadd.s32 s2, s24;
	v4 =	vld [tilespmem:s7+$0x0]  }
0x7b: {  	s24 =	sadd.s32 s3, s26;
	s26 =	sadd.s32 s2, s25;
	s25 =	sadd.s32 s3, s25  }
0x7c: {  	[dreg:$0x16] =	wrdreg s25;
	s25 =	sadd.s32 s2, s12;
	s12 =	sadd.s32 s3, s12;
	v1 =	vld.idx.msk [tilespmem:v1+s31+$0x0], vm1  }
0x7d: {  	s20 =	sadd.s32 s2, s16;
	[dreg:$0x15] =	wrdreg s12;
	s7 =	sadd.s32 s3, s28  }
0x7e: {  	s8 =	sadd.s32 s2, s17;
	[dreg:$0x13] =	wrdreg s7;
	s7 =	sadd.s32 s2, s13  }
0x7f: {  	s17 =	sadd.s32 s3, s16;
	s13 =	sadd.s32 s3, s13;
	[dreg:$0x14] =	wrdreg s7;
	v4 =	vsub.s32 v4, v0  }
0x80: {  	s16 =	sadd.s32 s2, s29;
	vm0 =	vmmov vm1;
	[dreg:$0x11] =	wrdreg s13;
	s13 =	sadd.s32 s2, s14;
	vm1 =	vlt.u32 v4, $0xF428  }
0x81: {  	s29 =	sadd.s32 s3, s29;
	[dreg:$0x12] =	wrdreg s13;
	s13 =	sadd.s32 s3, s14;
	vm2 =	vne.s32 v1, v3  }
0x82: {  	s12 =	sadd.s32 s2, s28;
	s14 =	sadd.s32 s2, s11;
	[dreg:$0xf] =	wrdreg s13;
	vm2 =	vmand vm0, vm2;
	vm0 =	vmmov vm1  }
0x83: {  	s28 =	sshrl.u32 s9, $0x3;
	s9 =	simm.s32 $0x30;
	[dreg:$0x10] =	wrdreg s14;
	v5 =	vmpcnt.ones.xlane vm2  }
0x84: {  	s14 =	sadd.s32 s3, s11;
	s11 =	simm.s32 $0x20;
	s13 =	simm.s32 $0x420;
	v1 =	vmov s5;
	v3 =	vimm.s32 $0x0  }
.LBB2_7:
0x85: {  	p0 =	sne.s32 s9, $0x3F0;
	s7 =	sand.u32 $0x780, s13;
	s11 =	sand.u32 $0x70, s11;
	v6 =	vor.u32 s0, v2;
	v3 =	vadd.s32 v3, v5  }
0x86: {  	s0 =	smov.u32 s13;
	s7 =	sor.u32 s11, s7;
	[tilespmem:v4+s31+$0x0] =	vst.idx.msk vm1, v6;
	s11 =	smov.u32 s9  }
0x87: {  	v5 =	vld [tilespmem:s7+$0x0]  }
0x88: {  	v7 =	vld.idx.msk [tilespmem:v4+s31+$0x0], vm0;
	_ =	sdelay $0x3  }
0x89: {  	v4 =	vsub.s32 v5, v0  }
.Ltmp3:
0x8a: {  	vm1 =	vlt.u32 v4, $0xF428;
	(pc) =	sbr.rel @p0 .LBB2_7-.Ltmp3, $4  }
0x8b: {  	vm2 =	vne.s32 v7, v6  }
0x8c: {  	vm2 =	vmand vm0, vm2;
	vm0 =	vmmov vm1  }
0x8d: {  	v5 =	vmpcnt.ones.xlane vm2  }
0x8e: {  	s9 =	sadd.s32 $0x10, s9;
	s13 =	sadd.s32 $0x400, s11  }
0x8f: {  	_ =	sdelay $0x3  }
0x90: {  	s7 =	sand.u32 $0x780, s13;
	s9 =	sand.u32 $0x70, s11;
	v6 =	vor.u32 s0, v2  }
0x91: {  	s11 =	sor.u32 s9, s7;
	[tilespmem:v4+s31+$0x0] =	vst.idx.msk vm1, v6  }
0x92: {  	v7 =	vld [tilespmem:s11+$0x0];
	_ =	sdelay $0x4  }
0x93: {  	v7 =	vsub.s32 v7, v0  }
0x94: {  	vm10 =	vlt.u32 v7, $0xF428;
	_ =	sdelay $0x4  }
0x95: {  	v2 =	vor.u32 s13, v2  }
0x96: {  	v4 =	vld.idx.msk [tilespmem:v4+s31+$0x0], vm0;
	[tilespmem:v7+s31+$0x0] =	vst.idx.msk vm10, v2  }
0x97: {  	v7 =	vld.idx.msk [tilespmem:v7+s31+$0x0], vm10;
	_ =	sdelay $0x3  }
0x98: {  	vm11 =	vne.s32 v4, v6  }
0x99: {  	vm12 =	vmand vm0, vm11;
	vm2 =	vmmov vm10;
	vm13 =	vne.s32 v7, v2  }
0x9a: {  	v2 =	vmpcnt.ones.xlane vm12;
	vm14 =	vmand vm2, vm13  }
0x9b: {  	v3 =	vadd.s32 v3, v5;
	v63 =	vmpcnt.ones.xlane vm14  }
0x9c: {  	v2 =	vadd.s32 v3, v2  }
0x9d: {  	v2 =	vadd.s32 v2, v63  }
0x9e: {  	vm15 =	vgt.s32 v2, $0x0;
	v2 =	vimm.f32 $0.0e+00  }
0x9f: {  	v2 =	vsel vm15, $0x3F800000, v2  }
0xa0: {  	(xrf0) =	vmax.scan.msk.f32 $0xffff, v2;
	_ =	sdelay $0x5  }
0xa1: {  	v2, _, _ =	vpop (xrf0)  }
0xa2: {  	(v2sf) =	vpush v2, $0xF;
	_ =	sdelay $0xe  }
0xa3: {  	s31 =	spop (v2sf)  }
0xa4: {  	p0 =	sgt.f32 s31, $0.0e+00  }
.Ltmp4:
0xa5: {  	_ = 	snop;
	(pc) =	sbr.rel @!p0 .LBB2_12-.Ltmp4, $1  }
0xa6: {  	_ =	sdelay $0x3  }
0xa7: {  	s0 =	simm.s32 $0x0;
	s9 =	simm.s32 $0x400  }
0xa8: {  	s7 =	sand.u32 $0x780, s9;
	s0 =	sand.u32 $0x70, s0  }
0xa9: {  	s0 =	sor.u32 s0, s7  }
0xaa: {  	v3 =	vld [tilespmem:s0+$0x0];
	_ =	sdelay $0x4  }
0xab: {  	v2 =	vlaneseq.u32;
	v3 =	vshll.u32 v3, $0x4  }
0xac: {  	v3 =	vor.u32 v2, v3  }
0xad: {  	v4 =	vxor.u32 $0x80000000, v3  }
0xae: {  	(xrf1) =	vsort.ascd.msk.u32 $0xffff, v4, v3;
	_ =	sdelay $0x9  }
0xaf: {  	v3 =	vimm.s32 $0xFFEDCBA9;
	v4 =	vimm.s32 $0x87654321  }
0xb0: {  	v3 =	vunpack.c.l.s4.s8 v3;
	v4 =	vunpack.c.l.s4.s8 v4;
	_ =	sdelay $0x1  }
0xb1: {  	v3 =	vunpack.c.0.s8.s32 v3;
	v4 =	vunpack.c.0.s8.s32 v4  }
0xb2: {  	v5, _, _ =	vpop (xrf1)  }
0xb3: {  	v3 =	vcombine.low v4, v3;
	v4 =	vshra.s32 v5, $0x4  }
0xb4: {  	v6 =	vxor.u32 $0xF8000000, v4  }
0xb5: {  	v7 =	vperm.xlane v6, v3;
	_ =	sdelay $0x1  }
0xb6: {  	vm0 =	vcmask $0x3F3C;
	v4 =	vsub.s32 v6, v0;
	vm1 =	vne.s32 v6, v7  }
0xb7: {  	vm2 =	vlt.u32 v4, $0xF428;
	vm1 =	vmor vm1, vm0  }
0xb8: {  	vm1 =	vmand vm2, vm1;
	_ =	sdelay $0x2  }
0xb9: {  	s31 =	smov.u32 s14;
	s11 =	simm.s32 $0x8000  }
0xba: {  	s13 =	simm.s32 $0x10;
	s14 =	simm.s32 $0x410;
	s0 =	simm.s32 $0x20;
	v5 =	vand.u32 $0xF, v5  }
.LBB2_10:
0xbb: {  	p0 =	sne.s32 s0, $0x3F0;
	s7 =	sand.u32 $0x780, s14;
	s13 =	sand.u32 $0x70, s13;
	v5 =	vor.u32 s9, v5  }
0xbc: {  	s9 =	smov.u32 s14;
	s7 =	sor.u32 s13, s7;
	[tilespmem:v4+s11+$0x0] =	vst.idx.msk vm1, v5;
	s13 =	smov.u32 s0  }
0xbd: {  	v4 =	vld [tilespmem:s7+$0x0];
	_ =	sdelay $0x4  }
0xbe: {  	v4 =	vshll.u32 v4, $0x4  }
0xbf: {  	v4 =	vor.u32 v2, v4  }
0xc0: {  	v5 =	vxor.u32 $0x80000000, v4  }
0xc1: {  	(xrf1) =	vsort.ascd.msk.u32 $0xffff, v5, v4;
	_ =	sdelay $0xd  }
0xc2: {  	v5, _, _ =	vpop (xrf1)  }
0xc3: {  	v4 =	vshra.s32 v5, $0x4  }
0xc4: {  	v6 =	vxor.u32 $0xF8000000, v4  }
0xc5: {  	v7 =	vperm.xlane v6, v3;
	_ =	sdelay $0x1  }
0xc6: {  	v4 =	vsub.s32 v6, v0;
	vm1 =	vne.s32 v6, v7  }
0xc7: {  	vm2 =	vlt.u32 v4, $0xF428;
	vm1 =	vmor vm1, vm0  }
.Ltmp5:
0xc8: {  	vm1 =	vmand vm2, vm1;
	(pc) =	sbr.rel @p0 .LBB2_10-.Ltmp5, $2  }
0xc9: {  	_ =	sdelay $0x2  }
0xca: {  	s0 =	sadd.s32 $0x10, s0;
	s14 =	sadd.s32 $0x400, s13;
	v5 =	vand.u32 $0xF, v5  }
0xcb: {  	_ =	sdelay $0x3  }
0xcc: {  	s0 =	sand.u32 $0x780, s14;
	s7 =	sand.u32 $0x70, s13;
	v5 =	vor.u32 s9, v5  }
0xcd: {  	s0 =	sor.u32 s7, s0;
	[tilespmem:v4+s11+$0x0] =	vst.idx.msk vm1, v5  }
0xce: {  	v4 =	vld [tilespmem:s0+$0x0];
	_ =	sdelay $0x4  }
0xcf: {  	v4 =	vshll.u32 v4, $0x4  }
0xd0: {  	v2 =	vor.u32 v2, v4  }
0xd1: {  	v4 =	vxor.u32 $0x80000000, v2  }
0xd2: {  	(xrf1) =	vsort.ascd.msk.u32 $0xffff, v4, v2;
	_ =	sdelay $0xd  }
0xd3: {  	v2, _, _ =	vpop (xrf1)  }
0xd4: {  	v62 =	vshra.s32 v2, $0x4  }
0xd5: {  	v4 =	vxor.u32 $0xF8000000, v62  }
0xd6: {  	v3 =	vperm.xlane v4, v3;
	_ =	sdelay $0x1  }
0xd7: {  	v63 =	vsub.s32 v4, v0;
	vm15 =	vne.s32 v4, v3  }
0xd8: {  	vm2 =	vlt.u32 v63, $0xF428;
	vm0 =	vmor vm15, vm0  }
0xd9: {  	vm0 =	vmand vm2, vm0;
	_ =	sdelay $0x3  }
0xda: {  	v2 =	vand.u32 $0xF, v2  }
0xdb: {  	v2 =	vor.u32 s14, v2  }
0xdc: {  	s14 =	smov.u32 s31;
	[tilespmem:v63+s11+$0x0] =	vst.idx.msk vm0, v2  }
.LBB2_12:
0xdd: {  	s0 =	simm.s32 $0x4  }
0xde: {  	_ =	swait.ge [sflag:s0], $0x2000  }
0xdf: {  	s13 =	simm.s32 $0x0;
	[sflag:s0] =	ssyncset.done $0x0  }
0xe0: {  	s7 =	simm.s32 $0x19C80;
	s31 =	simm.s32 $0x6;
	[sflag:s0] =	ssyncadd.s32 $0xFFFFE000  }
0xe1: {  	[hbm4b:s10+s13] =	stream.linear.scatter [tilespmem:s7], [sflag:$0x7], $0x2000, $0x200038;
	[tilespmem:$0x1E080] =	vst v63  }
0xe2: {  	s10 =	simm.s32 $0x800;
	_ =	swait.ge [sflag:s31], $0x2000  }
0xe3: {  	s0 =	sand.u32 $0x70, s13;
	s11 =	sand.u32 $0xB80, s10;
	[sflag:s31] =	ssyncset.done $0x0  }
0xe4: {  	s9 =	simm.s32 $0x17C80;
	s0 =	sor.u32 s0, s11;
	[sflag:s31] =	ssyncadd.s32 $0xFFFFE000  }
0xe5: {  	[tilespmem:s9], [sflag:$0x3] =	stream.linear.gather [hbm4b:s8+s13], $0x2000, $0x200038;
	[tilespmem:$0x1E080] =	vst v63  }
0xe6: {  	v2 =	vld [tilespmem:s0+$0x0];
	_ =	sdelay $0x4  }
0xe7: {  	v3 =	vsub.s32 v2, v0  }
0xe8: {  	vm0 =	vlt.u32 v3, $0xF428;
	_ =	sdelay $0x3  }
0xe9: {  	s9 =	simm.s32 $0x10;
	s8 =	simm.s32 $0x810;
	v2 =	vlaneseq.u32  }
0xea: {  	s0 =	simm.s32 $0x8000;
	s13 =	sand.u32 $0xB80, s8;
	s9 =	sand.u32 $0x70, s9;
	v5 =	vor.u32 s10, v2  }
0xeb: {  	s31 =	sor.u32 s9, s13;
	[tilespmem:v3+s0+$0x0] =	vst.idx.msk vm0, v5  }
0xec: {  	v4 =	vld [tilespmem:s31+$0x0];
	_ =	sdelay $0x1  }
0xed: {  	v3 =	vld.idx.msk [tilespmem:v3+s0+$0x0], vm0;
	_ =	sdelay $0x2  }
0xee: {  	v4 =	vsub.s32 v4, v0  }
0xef: {  	vm1 =	vlt.u32 v4, $0xF428  }
0xf0: {  	vm2 =	vmmov vm0;
	vm0 =	vne.s32 v3, v5  }
0xf1: {  	vm2 =	vmand vm2, vm0;
	vm0 =	vmmov vm1  }
0xf2: {  	v5 =	vmpcnt.ones.xlane vm2  }
0xf3: {  	s11 =	simm.s32 $0x820;
	s9 =	simm.s32 $0x30;
	s10 =	simm.s32 $0x20;
	v3 =	vimm.s32 $0x0  }
.LBB2_13:
0xf4: {  	p0 =	sne.s32 s9, $0x3F0;
	s7 =	sand.u32 $0xB80, s11;
	s10 =	sand.u32 $0x70, s10;
	v6 =	vor.u32 s8, v2;
	v3 =	vadd.s32 v3, v5  }
0xf5: {  	s8 =	smov.u32 s11;
	s7 =	sor.u32 s10, s7;
	[tilespmem:v4+s0+$0x0] =	vst.idx.msk vm1, v6;
	s10 =	smov.u32 s9  }
0xf6: {  	v5 =	vld [tilespmem:s7+$0x0]  }
0xf7: {  	v7 =	vld.idx.msk [tilespmem:v4+s0+$0x0], vm0;
	_ =	sdelay $0x3  }
0xf8: {  	v4 =	vsub.s32 v5, v0  }
.Ltmp6:
0xf9: {  	vm1 =	vlt.u32 v4, $0xF428;
	(pc) =	sbr.rel @p0 .LBB2_13-.Ltmp6, $4  }
0xfa: {  	vm2 =	vne.s32 v7, v6  }
0xfb: {  	vm2 =	vmand vm0, vm2;
	vm0 =	vmmov vm1  }
0xfc: {  	v5 =	vmpcnt.ones.xlane vm2  }
0xfd: {  	s9 =	sadd.s32 $0x10, s9;
	s11 =	sadd.s32 $0x800, s10  }
0xfe: {  	_ =	sdelay $0x3  }
0xff: {  	s7 =	sand.u32 $0xB80, s11;
	s9 =	sand.u32 $0x70, s10;
	v6 =	vor.u32 s8, v2  }
0x100: {  	s7 =	sor.u32 s9, s7;
	[tilespmem:v4+s0+$0x0] =	vst.idx.msk vm1, v6  }
0x101: {  	v7 =	vld [tilespmem:s7+$0x0];
	_ =	sdelay $0x4  }
0x102: {  	v7 =	vsub.s32 v7, v0  }
0x103: {  	vm10 =	vlt.u32 v7, $0xF428;
	_ =	sdelay $0x4  }
0x104: {  	v2 =	vor.u32 s11, v2  }
0x105: {  	v4 =	vld.idx.msk [tilespmem:v4+s0+$0x0], vm0;
	[tilespmem:v7+s0+$0x0] =	vst.idx.msk vm10, v2  }
0x106: {  	v7 =	vld.idx.msk [tilespmem:v7+s0+$0x0], vm10;
	_ =	sdelay $0x3  }
0x107: {  	vm11 =	vne.s32 v4, v6  }
0x108: {  	vm12 =	vmand vm0, vm11;
	vm2 =	vmmov vm10;
	vm13 =	vne.s32 v7, v2  }
0x109: {  	v2 =	vmpcnt.ones.xlane vm12;
	vm14 =	vmand vm2, vm13  }
0x10a: {  	v3 =	vadd.s32 v3, v5;
	v63 =	vmpcnt.ones.xlane vm14  }
0x10b: {  	v2 =	vadd.s32 v3, v2  }
0x10c: {  	v2 =	vadd.s32 v2, v63  }
0x10d: {  	vm15 =	vgt.s32 v2, $0x0;
	v2 =	vimm.f32 $0.0e+00  }
0x10e: {  	v2 =	vsel vm15, $0x3F800000, v2  }
0x10f: {  	(xrf0) =	vmax.scan.msk.f32 $0xffff, v2;
	_ =	sdelay $0x5  }
0x110: {  	v2, _, _ =	vpop (xrf0)  }
0x111: {  	(v2sf) =	vpush v2, $0xF;
	_ =	sdelay $0xe  }
0x112: {  	s31 =	spop (v2sf)  }
0x113: {  	p0 =	sgt.f32 s31, $0.0e+00  }
.Ltmp7:
0x114: {  	_ = 	snop;
	(pc) =	sbr.rel @!p0 .LBB2_18-.Ltmp7, $1  }
0x115: {  	_ =	sdelay $0x3  }
0x116: {  	s0 =	simm.s32 $0x0;
	s8 =	simm.s32 $0x800  }
0x117: {  	s7 =	sand.u32 $0xB80, s8;
	s0 =	sand.u32 $0x70, s0  }
0x118: {  	s0 =	sor.u32 s0, s7  }
0x119: {  	v3 =	vld [tilespmem:s0+$0x0];
	_ =	sdelay $0x4  }
0x11a: {  	v2 =	vlaneseq.u32;
	v3 =	vshll.u32 v3, $0x4  }
0x11b: {  	v3 =	vor.u32 v2, v3  }
0x11c: {  	v4 =	vxor.u32 $0x80000000, v3  }
0x11d: {  	(xrf1) =	vsort.ascd.msk.u32 $0xffff, v4, v3;
	_ =	sdelay $0x9  }
0x11e: {  	v3 =	vimm.s32 $0xFFEDCBA9;
	v4 =	vimm.s32 $0x87654321  }
0x11f: {  	v3 =	vunpack.c.l.s4.s8 v3;
	v4 =	vunpack.c.l.s4.s8 v4;
	_ =	sdelay $0x1  }
0x120: {  	v3 =	vunpack.c.0.s8.s32 v3;
	v4 =	vunpack.c.0.s8.s32 v4  }
0x121: {  	v5, _, _ =	vpop (xrf1)  }
0x122: {  	v3 =	vcombine.low v4, v3;
	v4 =	vshra.s32 v5, $0x4  }
0x123: {  	v6 =	vxor.u32 $0xF8000000, v4  }
0x124: {  	v7 =	vperm.xlane v6, v3;
	_ =	sdelay $0x1  }
0x125: {  	vm0 =	vcmask $0x3F3C;
	v4 =	vsub.s32 v6, v0;
	vm1 =	vne.s32 v6, v7  }
0x126: {  	vm2 =	vlt.u32 v4, $0xF428;
	vm1 =	vmor vm1, vm0  }
0x127: {  	vm1 =	vmand vm2, vm1;
	_ =	sdelay $0x2  }
0x128: {  	s9 =	simm.s32 $0x8000  }
0x129: {  	s10 =	simm.s32 $0x10;
	s11 =	simm.s32 $0x810;
	s0 =	simm.s32 $0x20;
	v5 =	vand.u32 $0xF, v5  }
.LBB2_16:
0x12a: {  	p0 =	sne.s32 s0, $0x3F0;
	s7 =	sand.u32 $0xB80, s11;
	s10 =	sand.u32 $0x70, s10;
	v5 =	vor.u32 s8, v5  }
0x12b: {  	s8 =	smov.u32 s11;
	s7 =	sor.u32 s10, s7;
	[tilespmem:v4+s9+$0x0] =	vst.idx.msk vm1, v5;
	s10 =	smov.u32 s0  }
0x12c: {  	v4 =	vld [tilespmem:s7+$0x0];
	_ =	sdelay $0x4  }
0x12d: {  	v4 =	vshll.u32 v4, $0x4  }
0x12e: {  	v4 =	vor.u32 v2, v4  }
0x12f: {  	v5 =	vxor.u32 $0x80000000, v4  }
0x130: {  	(xrf1) =	vsort.ascd.msk.u32 $0xffff, v5, v4;
	_ =	sdelay $0xd  }
0x131: {  	v5, _, _ =	vpop (xrf1)  }
0x132: {  	v4 =	vshra.s32 v5, $0x4  }
0x133: {  	v6 =	vxor.u32 $0xF8000000, v4  }
0x134: {  	v7 =	vperm.xlane v6, v3;
	_ =	sdelay $0x1  }
0x135: {  	v4 =	vsub.s32 v6, v0;
	vm1 =	vne.s32 v6, v7  }
0x136: {  	vm2 =	vlt.u32 v4, $0xF428;
	vm1 =	vmor vm1, vm0  }
.Ltmp8:
0x137: {  	vm1 =	vmand vm2, vm1;
	(pc) =	sbr.rel @p0 .LBB2_16-.Ltmp8, $2  }
0x138: {  	_ =	sdelay $0x2  }
0x139: {  	s0 =	sadd.s32 $0x10, s0;
	s11 =	sadd.s32 $0x800, s10;
	v5 =	vand.u32 $0xF, v5  }
0x13a: {  	_ =	sdelay $0x3  }
0x13b: {  	s0 =	sand.u32 $0xB80, s11;
	s7 =	sand.u32 $0x70, s10;
	v5 =	vor.u32 s8, v5  }
0x13c: {  	s0 =	sor.u32 s7, s0;
	[tilespmem:v4+s9+$0x0] =	vst.idx.msk vm1, v5  }
0x13d: {  	v4 =	vld [tilespmem:s0+$0x0];
	_ =	sdelay $0x4  }
0x13e: {  	v4 =	vshll.u32 v4, $0x4  }
0x13f: {  	v2 =	vor.u32 v2, v4  }
0x140: {  	v4 =	vxor.u32 $0x80000000, v2  }
0x141: {  	(xrf1) =	vsort.ascd.msk.u32 $0xffff, v4, v2;
	_ =	sdelay $0xd  }
0x142: {  	v2, _, _ =	vpop (xrf1)  }
0x143: {  	v62 =	vshra.s32 v2, $0x4  }
0x144: {  	v4 =	vxor.u32 $0xF8000000, v62  }
0x145: {  	v3 =	vperm.xlane v4, v3;
	_ =	sdelay $0x1  }
0x146: {  	v63 =	vsub.s32 v4, v0;
	vm15 =	vne.s32 v4, v3  }
0x147: {  	vm2 =	vlt.u32 v63, $0xF428;
	vm0 =	vmor vm15, vm0  }
0x148: {  	vm0 =	vmand vm2, vm0;
	_ =	sdelay $0x3  }
0x149: {  	v2 =	vand.u32 $0xF, v2  }
0x14a: {  	v2 =	vor.u32 s11, v2  }
0x14b: {  	[tilespmem:v63+s9+$0x0] =	vst.idx.msk vm0, v2  }
.LBB2_18:
0x14c: {  	s0 =	simm.s32 $0x5  }
0x14d: {  	_ =	swait.ge [sflag:s0], $0x2000  }
0x14e: {  	s9 =	simm.s32 $0x0;
	[sflag:s0] =	ssyncset.done $0x0  }
0x14f: {  	s7 =	simm.s32 $0x1BC80;
	s10 =	simm.s32 $0x7;
	[sflag:s0] =	ssyncadd.s32 $0xFFFFE000  }
0x150: {  	[hbm4b:s22+s9] =	stream.linear.scatter [tilespmem:s7], [sflag:$0x8], $0x2000, $0x200038;
	[tilespmem:$0x1E080] =	vst v63  }
0x151: {  	s13 =	simm.s32 $0xC00;
	_ =	swait.ge [sflag:s10], $0x2000  }
0x152: {  	s0 =	sand.u32 $0x70, s9;
	s22 =	sand.u32 $0xF80, s13;
	[sflag:s10] =	ssyncset.done $0x0  }
0x153: {  	s11 =	simm.s32 $0x19C80;
	s0 =	sor.u32 s0, s22;
	[sflag:s10] =	ssyncadd.s32 $0xFFFFE000  }
0x154: {  	[tilespmem:s11], [sflag:$0x4] =	stream.linear.gather [hbm4b:s1+s9], $0x2000, $0x200038;
	[tilespmem:$0x1E080] =	vst v63  }
0x155: {  	v2 =	vld [tilespmem:s0+$0x0];
	_ =	sdelay $0x4  }
0x156: {  	v3 =	vsub.s32 v2, v0  }
0x157: {  	vm0 =	vlt.u32 v3, $0xF428;
	_ =	sdelay $0x3  }
0x158: {  	s8 =	simm.s32 $0x10;
	s1 =	simm.s32 $0xC10;
	v2 =	vlaneseq.u32  }
0x159: {  	s8 =	sand.u32 $0x70, s8;
	s0 =	simm.s32 $0x8000;
	s9 =	sand.u32 $0xF80, s1;
	v5 =	vor.u32 s13, v2  }
0x15a: {  	s31 =	sor.u32 s8, s9;
	[tilespmem:v3+s0+$0x0] =	vst.idx.msk vm0, v5  }
0x15b: {  	v4 =	vld [tilespmem:s31+$0x0];
	_ =	sdelay $0x1  }
0x15c: {  	v3 =	vld.idx.msk [tilespmem:v3+s0+$0x0], vm0;
	_ =	sdelay $0x2  }
0x15d: {  	v4 =	vsub.s32 v4, v0  }
0x15e: {  	vm1 =	vlt.u32 v4, $0xF428  }
0x15f: {  	vm2 =	vmmov vm0;
	vm0 =	vne.s32 v3, v5  }
0x160: {  	vm2 =	vmand vm2, vm0;
	vm0 =	vmmov vm1  }
0x161: {  	v5 =	vmpcnt.ones.xlane vm2  }
0x162: {  	s10 =	simm.s32 $0xC20;
	s9 =	simm.s32 $0x20;
	s8 =	simm.s32 $0x30;
	v3 =	vimm.s32 $0x0  }
.LBB2_19:
0x163: {  	p0 =	sne.s32 s8, $0x3F0;
	s7 =	sand.u32 $0xF80, s10;
	s9 =	sand.u32 $0x70, s9;
	v6 =	vor.u32 s1, v2;
	v3 =	vadd.s32 v3, v5  }
0x164: {  	s1 =	smov.u32 s10;
	s7 =	sor.u32 s9, s7;
	[tilespmem:v4+s0+$0x0] =	vst.idx.msk vm1, v6;
	s9 =	smov.u32 s8  }
0x165: {  	v5 =	vld [tilespmem:s7+$0x0]  }
0x166: {  	v7 =	vld.idx.msk [tilespmem:v4+s0+$0x0], vm0;
	_ =	sdelay $0x3  }
0x167: {  	v4 =	vsub.s32 v5, v0  }
.Ltmp9:
0x168: {  	vm1 =	vlt.u32 v4, $0xF428;
	(pc) =	sbr.rel @p0 .LBB2_19-.Ltmp9, $4  }
0x169: {  	vm2 =	vne.s32 v7, v6  }
0x16a: {  	vm2 =	vmand vm0, vm2;
	vm0 =	vmmov vm1  }
0x16b: {  	v5 =	vmpcnt.ones.xlane vm2  }
0x16c: {  	s8 =	sadd.s32 $0x10, s8;
	s10 =	sadd.s32 $0xC00, s9  }
0x16d: {  	_ =	sdelay $0x3  }
0x16e: {  	s7 =	sand.u32 $0xF80, s10;
	s8 =	sand.u32 $0x70, s9;
	v6 =	vor.u32 s1, v2  }
0x16f: {  	s22 =	sor.u32 s8, s7;
	[tilespmem:v4+s0+$0x0] =	vst.idx.msk vm1, v6  }
0x170: {  	v7 =	vld [tilespmem:s22+$0x0];
	_ =	sdelay $0x4  }
0x171: {  	v7 =	vsub.s32 v7, v0  }
0x172: {  	vm10 =	vlt.u32 v7, $0xF428;
	_ =	sdelay $0x4  }
0x173: {  	v2 =	vor.u32 s10, v2  }
0x174: {  	v4 =	vld.idx.msk [tilespmem:v4+s0+$0x0], vm0;
	[tilespmem:v7+s0+$0x0] =	vst.idx.msk vm10, v2  }
0x175: {  	v7 =	vld.idx.msk [tilespmem:v7+s0+$0x0], vm10;
	_ =	sdelay $0x3  }
0x176: {  	vm11 =	vne.s32 v4, v6  }
0x177: {  	vm12 =	vmand vm0, vm11;
	vm2 =	vmmov vm10;
	vm13 =	vne.s32 v7, v2  }
0x178: {  	v2 =	vmpcnt.ones.xlane vm12;
	vm14 =	vmand vm2, vm13  }
0x179: {  	v3 =	vadd.s32 v3, v5;
	v63 =	vmpcnt.ones.xlane vm14  }
0x17a: {  	v2 =	vadd.s32 v3, v2  }
0x17b: {  	v2 =	vadd.s32 v2, v63  }
0x17c: {  	vm15 =	vgt.s32 v2, $0x0;
	v2 =	vimm.f32 $0.0e+00  }
0x17d: {  	v2 =	vsel vm15, $0x3F800000, v2  }
0x17e: {  	(xrf0) =	vmax.scan.msk.f32 $0xffff, v2;
	_ =	sdelay $0x5  }
0x17f: {  	v2, _, _ =	vpop (xrf0)  }
0x180: {  	(v2sf) =	vpush v2, $0xF;
	_ =	sdelay $0xe  }
0x181: {  	s31 =	spop (v2sf)  }
0x182: {  	p0 =	sgt.f32 s31, $0.0e+00  }
.Ltmp10:
0x183: {  	_ = 	snop;
	(pc) =	sbr.rel @!p0 .LBB2_24-.Ltmp10, $1  }
0x184: {  	_ =	sdelay $0x3  }
0x185: {  	s0 =	simm.s32 $0x0;
	s1 =	simm.s32 $0xC00  }
0x186: {  	s7 =	sand.u32 $0xF80, s1;
	s0 =	sand.u32 $0x70, s0  }
0x187: {  	s0 =	sor.u32 s0, s7  }
0x188: {  	v3 =	vld [tilespmem:s0+$0x0];
	_ =	sdelay $0x4  }
0x189: {  	v2 =	vlaneseq.u32;
	v3 =	vshll.u32 v3, $0x4  }
0x18a: {  	v3 =	vor.u32 v2, v3  }
0x18b: {  	v4 =	vxor.u32 $0x80000000, v3  }
0x18c: {  	(xrf1) =	vsort.ascd.msk.u32 $0xffff, v4, v3;
	_ =	sdelay $0x9  }
0x18d: {  	v3 =	vimm.s32 $0xFFEDCBA9;
	v4 =	vimm.s32 $0x87654321  }
0x18e: {  	v3 =	vunpack.c.l.s4.s8 v3;
	v4 =	vunpack.c.l.s4.s8 v4;
	_ =	sdelay $0x1  }
0x18f: {  	v3 =	vunpack.c.0.s8.s32 v3;
	v4 =	vunpack.c.0.s8.s32 v4  }
0x190: {  	v5, _, _ =	vpop (xrf1)  }
0x191: {  	v3 =	vcombine.low v4, v3;
	v4 =	vshra.s32 v5, $0x4  }
0x192: {  	v6 =	vxor.u32 $0xF8000000, v4  }
0x193: {  	v7 =	vperm.xlane v6, v3;
	_ =	sdelay $0x1  }
0x194: {  	vm0 =	vcmask $0x3F3C;
	v4 =	vsub.s32 v6, v0;
	vm1 =	vne.s32 v6, v7  }
0x195: {  	vm2 =	vlt.u32 v4, $0xF428;
	vm1 =	vmor vm1, vm0  }
0x196: {  	vm1 =	vmand vm2, vm1;
	_ =	sdelay $0x2  }
0x197: {  	s8 =	simm.s32 $0x8000  }
0x198: {  	s9 =	simm.s32 $0x10;
	s10 =	simm.s32 $0xC10;
	s0 =	simm.s32 $0x20;
	v5 =	vand.u32 $0xF, v5  }
.LBB2_22:
0x199: {  	p0 =	sne.s32 s0, $0x3F0;
	s7 =	sand.u32 $0xF80, s10;
	s9 =	sand.u32 $0x70, s9;
	v5 =	vor.u32 s1, v5  }
0x19a: {  	s1 =	smov.u32 s10;
	s7 =	sor.u32 s9, s7;
	[tilespmem:v4+s8+$0x0] =	vst.idx.msk vm1, v5;
	s9 =	smov.u32 s0  }
0x19b: {  	v4 =	vld [tilespmem:s7+$0x0];
	_ =	sdelay $0x4  }
0x19c: {  	v4 =	vshll.u32 v4, $0x4  }
0x19d: {  	v4 =	vor.u32 v2, v4  }
0x19e: {  	v5 =	vxor.u32 $0x80000000, v4  }
0x19f: {  	(xrf1) =	vsort.ascd.msk.u32 $0xffff, v5, v4;
	_ =	sdelay $0xd  }
0x1a0: {  	v5, _, _ =	vpop (xrf1)  }
0x1a1: {  	v4 =	vshra.s32 v5, $0x4  }
0x1a2: {  	v6 =	vxor.u32 $0xF8000000, v4  }
0x1a3: {  	v7 =	vperm.xlane v6, v3;
	_ =	sdelay $0x1  }
0x1a4: {  	v4 =	vsub.s32 v6, v0;
	vm1 =	vne.s32 v6, v7  }
0x1a5: {  	vm2 =	vlt.u32 v4, $0xF428;
	vm1 =	vmor vm1, vm0  }
.Ltmp11:
0x1a6: {  	vm1 =	vmand vm2, vm1;
	(pc) =	sbr.rel @p0 .LBB2_22-.Ltmp11, $2  }
0x1a7: {  	_ =	sdelay $0x2  }
0x1a8: {  	s0 =	sadd.s32 $0x10, s0;
	s10 =	sadd.s32 $0xC00, s9;
	v5 =	vand.u32 $0xF, v5  }
0x1a9: {  	_ =	sdelay $0x3  }
0x1aa: {  	s0 =	sand.u32 $0xF80, s10;
	s7 =	sand.u32 $0x70, s9;
	v5 =	vor.u32 s1, v5  }
0x1ab: {  	s0 =	sor.u32 s7, s0;
	[tilespmem:v4+s8+$0x0] =	vst.idx.msk vm1, v5  }
0x1ac: {  	v4 =	vld [tilespmem:s0+$0x0];
	_ =	sdelay $0x4  }
0x1ad: {  	v4 =	vshll.u32 v4, $0x4  }
0x1ae: {  	v2 =	vor.u32 v2, v4  }
0x1af: {  	v4 =	vxor.u32 $0x80000000, v2  }
0x1b0: {  	(xrf1) =	vsort.ascd.msk.u32 $0xffff, v4, v2;
	_ =	sdelay $0xd  }
0x1b1: {  	v2, _, _ =	vpop (xrf1)  }
0x1b2: {  	v62 =	vshra.s32 v2, $0x4  }
0x1b3: {  	v4 =	vxor.u32 $0xF8000000, v62  }
0x1b4: {  	v3 =	vperm.xlane v4, v3;
	_ =	sdelay $0x1  }
0x1b5: {  	v63 =	vsub.s32 v4, v0;
	vm15 =	vne.s32 v4, v3  }
0x1b6: {  	vm2 =	vlt.u32 v63, $0xF428;
	vm0 =	vmor vm15, vm0  }
0x1b7: {  	vm0 =	vmand vm2, vm0;
	_ =	sdelay $0x3  }
0x1b8: {  	v2 =	vand.u32 $0xF, v2  }
0x1b9: {  	v2 =	vor.u32 s10, v2  }
0x1ba: {  	[tilespmem:v63+s8+$0x0] =	vst.idx.msk vm0, v2  }
.LBB2_24:
0x1bb: {  	s0 =	simm.s32 $0x3  }
0x1bc: {  	_ =	swait.ge [sflag:s0], $0x2000  }
0x1bd: {  	s11 =	simm.s32 $0x0;
	[sflag:s0] =	ssyncset.done $0x0  }
0x1be: {  	s1 =	simm.s32 $0x17C80;
	s13 =	simm.s32 $0x8;
	[sflag:s0] =	ssyncadd.s32 $0xFFFFE000  }
0x1bf: {  	[hbm4b:s21+s11] =	stream.linear.scatter [tilespmem:s1], [sflag:$0x6], $0x2000, $0x200038;
	[tilespmem:$0x1E080] =	vst v63  }
0x1c0: {  	s7 =	simm.s32 $0x1000;
	_ =	swait.ge [sflag:s13], $0x2000  }
0x1c1: {  	s22 =	sand.u32 $0x1380, s7;
	s0 =	sand.u32 $0x70, s11;
	[sflag:s13] =	ssyncset.done $0x0  }
0x1c2: {  	s21 =	simm.s32 $0x1BC80;
	s0 =	sor.u32 s0, s22;
	[sflag:s13] =	ssyncadd.s32 $0xFFFFE000  }
0x1c3: {  	[tilespmem:s21], [sflag:$0x5] =	stream.linear.gather [hbm4b:s20+s11], $0x2000, $0x200038;
	[tilespmem:$0x1E080] =	vst v63  }
0x1c4: {  	v2 =	vld [tilespmem:s0+$0x0];
	_ =	sdelay $0x4  }
0x1c5: {  	v3 =	vsub.s32 v2, v0  }
0x1c6: {  	vm0 =	vlt.u32 v3, $0xF428;
	_ =	sdelay $0x3  }
0x1c7: {  	s8 =	simm.s32 $0x10;
	s1 =	simm.s32 $0x1010;
	v2 =	vlaneseq.u32  }
0x1c8: {  	s8 =	sand.u32 $0x70, s8;
	s9 =	sand.u32 $0x1380, s1;
	s0 =	simm.s32 $0x8000;
	v5 =	vor.u32 s7, v2  }
0x1c9: {  	s31 =	sor.u32 s8, s9;
	[tilespmem:v3+s0+$0x0] =	vst.idx.msk vm0, v5  }
0x1ca: {  	v4 =	vld [tilespmem:s31+$0x0];
	_ =	sdelay $0x1  }
0x1cb: {  	v3 =	vld.idx.msk [tilespmem:v3+s0+$0x0], vm0;
	_ =	sdelay $0x2  }
0x1cc: {  	v4 =	vsub.s32 v4, v0  }
0x1cd: {  	vm1 =	vlt.u32 v4, $0xF428  }
0x1ce: {  	vm2 =	vmmov vm0;
	vm0 =	vne.s32 v3, v5  }
0x1cf: {  	vm2 =	vmand vm2, vm0;
	vm0 =	vmmov vm1  }
0x1d0: {  	v5 =	vmpcnt.ones.xlane vm2  }
0x1d1: {  	s10 =	simm.s32 $0x1020;
	s9 =	simm.s32 $0x20;
	s8 =	simm.s32 $0x30;
	v3 =	vimm.s32 $0x0  }
.LBB2_25:
0x1d2: {  	p0 =	sne.s32 s8, $0x3F0;
	s7 =	sand.u32 $0x1380, s10;
	s9 =	sand.u32 $0x70, s9;
	v6 =	vor.u32 s1, v2;
	v3 =	vadd.s32 v3, v5  }
0x1d3: {  	s1 =	smov.u32 s10;
	s7 =	sor.u32 s9, s7;
	[tilespmem:v4+s0+$0x0] =	vst.idx.msk vm1, v6;
	s9 =	smov.u32 s8  }
0x1d4: {  	v5 =	vld [tilespmem:s7+$0x0]  }
0x1d5: {  	v7 =	vld.idx.msk [tilespmem:v4+s0+$0x0], vm0;
	_ =	sdelay $0x3  }
0x1d6: {  	v4 =	vsub.s32 v5, v0  }
.Ltmp12:
0x1d7: {  	vm1 =	vlt.u32 v4, $0xF428;
	(pc) =	sbr.rel @p0 .LBB2_25-.Ltmp12, $4  }
0x1d8: {  	vm2 =	vne.s32 v7, v6  }
0x1d9: {  	vm2 =	vmand vm0, vm2;
	vm0 =	vmmov vm1  }
0x1da: {  	v5 =	vmpcnt.ones.xlane vm2  }
0x1db: {  	s8 =	sadd.s32 $0x10, s8;
	s10 =	sadd.s32 $0x1000, s9  }
0x1dc: {  	_ =	sdelay $0x3  }
0x1dd: {  	s7 =	sand.u32 $0x1380, s10;
	s8 =	sand.u32 $0x70, s9;
	v6 =	vor.u32 s1, v2  }
0x1de: {  	s22 =	sor.u32 s8, s7;
	[tilespmem:v4+s0+$0x0] =	vst.idx.msk vm1, v6  }
0x1df: {  	v7 =	vld [tilespmem:s22+$0x0];
	_ =	sdelay $0x4  }
0x1e0: {  	v7 =	vsub.s32 v7, v0  }
0x1e1: {  	vm10 =	vlt.u32 v7, $0xF428;
	_ =	sdelay $0x4  }
0x1e2: {  	v2 =	vor.u32 s10, v2  }
0x1e3: {  	v4 =	vld.idx.msk [tilespmem:v4+s0+$0x0], vm0;
	[tilespmem:v7+s0+$0x0] =	vst.idx.msk vm10, v2  }
0x1e4: {  	v7 =	vld.idx.msk [tilespmem:v7+s0+$0x0], vm10;
	_ =	sdelay $0x3  }
0x1e5: {  	vm11 =	vne.s32 v4, v6  }
0x1e6: {  	vm12 =	vmand vm0, vm11;
	vm2 =	vmmov vm10;
	vm13 =	vne.s32 v7, v2  }
0x1e7: {  	v2 =	vmpcnt.ones.xlane vm12;
	vm14 =	vmand vm2, vm13  }
0x1e8: {  	v3 =	vadd.s32 v3, v5;
	v63 =	vmpcnt.ones.xlane vm14  }
0x1e9: {  	v2 =	vadd.s32 v3, v2  }
0x1ea: {  	v2 =	vadd.s32 v2, v63  }
0x1eb: {  	vm15 =	vgt.s32 v2, $0x0;
	v2 =	vimm.f32 $0.0e+00  }
0x1ec: {  	v2 =	vsel vm15, $0x3F800000, v2  }
0x1ed: {  	(xrf0) =	vmax.scan.msk.f32 $0xffff, v2;
	_ =	sdelay $0x5  }
0x1ee: {  	v2, _, _ =	vpop (xrf0)  }
0x1ef: {  	(v2sf) =	vpush v2, $0xF;
	_ =	sdelay $0xe  }
0x1f0: {  	s31 =	spop (v2sf)  }
0x1f1: {  	p0 =	sgt.f32 s31, $0.0e+00  }
.Ltmp13:
0x1f2: {  	_ = 	snop;
	(pc) =	sbr.rel @!p0 .LBB2_30-.Ltmp13, $1  }
0x1f3: {  	_ =	sdelay $0x3  }
0x1f4: {  	s0 =	simm.s32 $0x0;
	s1 =	simm.s32 $0x1000  }
0x1f5: {  	s7 =	sand.u32 $0x1380, s1;
	s0 =	sand.u32 $0x70, s0  }
0x1f6: {  	s0 =	sor.u32 s0, s7  }
0x1f7: {  	v3 =	vld [tilespmem:s0+$0x0];
	_ =	sdelay $0x4  }
0x1f8: {  	v2 =	vlaneseq.u32;
	v3 =	vshll.u32 v3, $0x4  }
0x1f9: {  	v3 =	vor.u32 v2, v3  }
0x1fa: {  	v4 =	vxor.u32 $0x80000000, v3  }
0x1fb: {  	(xrf1) =	vsort.ascd.msk.u32 $0xffff, v4, v3;
	_ =	sdelay $0x9  }
0x1fc: {  	v3 =	vimm.s32 $0xFFEDCBA9;
	v4 =	vimm.s32 $0x87654321  }
0x1fd: {  	v3 =	vunpack.c.l.s4.s8 v3;
	v4 =	vunpack.c.l.s4.s8 v4;
	_ =	sdelay $0x1  }
0x1fe: {  	v3 =	vunpack.c.0.s8.s32 v3;
	v4 =	vunpack.c.0.s8.s32 v4  }
0x1ff: {  	v5, _, _ =	vpop (xrf1)  }
0x200: {  	v3 =	vcombine.low v4, v3;
	v4 =	vshra.s32 v5, $0x4  }
0x201: {  	v6 =	vxor.u32 $0xF8000000, v4  }
0x202: {  	v7 =	vperm.xlane v6, v3;
	_ =	sdelay $0x1  }
0x203: {  	vm0 =	vcmask $0x3F3C;
	v4 =	vsub.s32 v6, v0;
	vm1 =	vne.s32 v6, v7  }
0x204: {  	vm2 =	vlt.u32 v4, $0xF428;
	vm1 =	vmor vm1, vm0  }
0x205: {  	vm1 =	vmand vm2, vm1;
	_ =	sdelay $0x2  }
0x206: {  	s8 =	simm.s32 $0x8000  }
0x207: {  	s9 =	simm.s32 $0x10;
	s10 =	simm.s32 $0x1010;
	s0 =	simm.s32 $0x20;
	v5 =	vand.u32 $0xF, v5  }
.LBB2_28:
0x208: {  	p0 =	sne.s32 s0, $0x3F0;
	s7 =	sand.u32 $0x1380, s10;
	s9 =	sand.u32 $0x70, s9;
	v5 =	vor.u32 s1, v5  }
0x209: {  	s1 =	smov.u32 s10;
	s7 =	sor.u32 s9, s7;
	[tilespmem:v4+s8+$0x0] =	vst.idx.msk vm1, v5;
	s9 =	smov.u32 s0  }
0x20a: {  	v4 =	vld [tilespmem:s7+$0x0];
	_ =	sdelay $0x4  }
0x20b: {  	v4 =	vshll.u32 v4, $0x4  }
0x20c: {  	v4 =	vor.u32 v2, v4  }
0x20d: {  	v5 =	vxor.u32 $0x80000000, v4  }
0x20e: {  	(xrf1) =	vsort.ascd.msk.u32 $0xffff, v5, v4;
	_ =	sdelay $0xd  }
0x20f: {  	v5, _, _ =	vpop (xrf1)  }
0x210: {  	v4 =	vshra.s32 v5, $0x4  }
0x211: {  	v6 =	vxor.u32 $0xF8000000, v4  }
0x212: {  	v7 =	vperm.xlane v6, v3;
	_ =	sdelay $0x1  }
0x213: {  	v4 =	vsub.s32 v6, v0;
	vm1 =	vne.s32 v6, v7  }
0x214: {  	vm2 =	vlt.u32 v4, $0xF428;
	vm1 =	vmor vm1, vm0  }
.Ltmp14:
0x215: {  	vm1 =	vmand vm2, vm1;
	(pc) =	sbr.rel @p0 .LBB2_28-.Ltmp14, $2  }
0x216: {  	_ =	sdelay $0x2  }
0x217: {  	s0 =	sadd.s32 $0x10, s0;
	s10 =	sadd.s32 $0x1000, s9;
	v5 =	vand.u32 $0xF, v5  }
0x218: {  	_ =	sdelay $0x3  }
0x219: {  	s0 =	sand.u32 $0x1380, s10;
	s7 =	sand.u32 $0x70, s9;
	v5 =	vor.u32 s1, v5  }
0x21a: {  	s0 =	sor.u32 s7, s0;
	[tilespmem:v4+s8+$0x0] =	vst.idx.msk vm1, v5  }
0x21b: {  	v4 =	vld [tilespmem:s0+$0x0];
	_ =	sdelay $0x4  }
0x21c: {  	v4 =	vshll.u32 v4, $0x4  }
0x21d: {  	v2 =	vor.u32 v2, v4  }
0x21e: {  	v4 =	vxor.u32 $0x80000000, v2  }
0x21f: {  	(xrf1) =	vsort.ascd.msk.u32 $0xffff, v4, v2;
	_ =	sdelay $0xd  }
0x220: {  	v2, _, _ =	vpop (xrf1)  }
0x221: {  	v62 =	vshra.s32 v2, $0x4  }
0x222: {  	v4 =	vxor.u32 $0xF8000000, v62  }
0x223: {  	v3 =	vperm.xlane v4, v3;
	_ =	sdelay $0x1  }
0x224: {  	v63 =	vsub.s32 v4, v0;
	vm15 =	vne.s32 v4, v3  }
0x225: {  	vm2 =	vlt.u32 v63, $0xF428;
	vm0 =	vmor vm15, vm0  }
0x226: {  	vm0 =	vmand vm2, vm0;
	_ =	sdelay $0x3  }
0x227: {  	v2 =	vand.u32 $0xF, v2  }
0x228: {  	v2 =	vor.u32 s10, v2  }
0x229: {  	[tilespmem:v63+s8+$0x0] =	vst.idx.msk vm0, v2  }
.LBB2_30:
0x22a: {  	s0 =	simm.s32 $0x4  }
0x22b: {  	_ =	swait.ge [sflag:s0], $0x2000  }
0x22c: {  	s13 =	simm.s32 $0x0;
	[sflag:s0] =	ssyncset.done $0x0  }
0x22d: {  	s1 =	simm.s32 $0x19C80;
	s20 =	simm.s32 $0x6;
	[sflag:s0] =	ssyncadd.s32 $0xFFFFE000  }
0x22e: {  	[hbm4b:s19+s13] =	stream.linear.scatter [tilespmem:s1], [sflag:$0x7], $0x2000, $0x200038;
	[tilespmem:$0x1E080] =	vst v63  }
0x22f: {  	s7 =	simm.s32 $0x1400;
	_ =	swait.ge [sflag:s20], $0x2000  }
0x230: {  	s22 =	sand.u32 $0x1780, s7;
	s0 =	sand.u32 $0x70, s13;
	[sflag:s20] =	ssyncset.done $0x0  }
0x231: {  	s21 =	simm.s32 $0x17C80;
	s0 =	sor.u32 s0, s22;
	[sflag:s20] =	ssyncadd.s32 $0xFFFFE000  }
0x232: {  	[tilespmem:s21], [sflag:$0x3] =	stream.linear.gather [hbm4b:s18+s13], $0x2000, $0x200038;
	[tilespmem:$0x1E080] =	vst v63  }
0x233: {  	v2 =	vld [tilespmem:s0+$0x0];
	_ =	sdelay $0x4  }
0x234: {  	v3 =	vsub.s32 v2, v0  }
0x235: {  	vm0 =	vlt.u32 v3, $0xF428;
	_ =	sdelay $0x3  }
0x236: {  	s8 =	simm.s32 $0x10;
	s1 =	simm.s32 $0x1410;
	v2 =	vlaneseq.u32  }
0x237: {  	s8 =	sand.u32 $0x70, s8;
	s9 =	sand.u32 $0x1780, s1;
	s0 =	simm.s32 $0x8000;
	v5 =	vor.u32 s7, v2  }
0x238: {  	s31 =	sor.u32 s8, s9;
	[tilespmem:v3+s0+$0x0] =	vst.idx.msk vm0, v5  }
0x239: {  	v4 =	vld [tilespmem:s31+$0x0];
	_ =	sdelay $0x1  }
0x23a: {  	v3 =	vld.idx.msk [tilespmem:v3+s0+$0x0], vm0;
	_ =	sdelay $0x2  }
0x23b: {  	v4 =	vsub.s32 v4, v0  }
0x23c: {  	vm1 =	vlt.u32 v4, $0xF428  }
0x23d: {  	vm2 =	vmmov vm0;
	vm0 =	vne.s32 v3, v5  }
0x23e: {  	vm2 =	vmand vm2, vm0;
	vm0 =	vmmov vm1  }
0x23f: {  	v5 =	vmpcnt.ones.xlane vm2  }
0x240: {  	s10 =	simm.s32 $0x1420;
	s9 =	simm.s32 $0x20;
	s8 =	simm.s32 $0x30;
	v3 =	vimm.s32 $0x0  }
.LBB2_31:
0x241: {  	p0 =	sne.s32 s8, $0x3F0;
	s7 =	sand.u32 $0x1780, s10;
	s9 =	sand.u32 $0x70, s9;
	v6 =	vor.u32 s1, v2;
	v3 =	vadd.s32 v3, v5  }
0x242: {  	s1 =	smov.u32 s10;
	s7 =	sor.u32 s9, s7;
	[tilespmem:v4+s0+$0x0] =	vst.idx.msk vm1, v6;
	s9 =	smov.u32 s8  }
0x243: {  	v5 =	vld [tilespmem:s7+$0x0]  }
0x244: {  	v7 =	vld.idx.msk [tilespmem:v4+s0+$0x0], vm0;
	_ =	sdelay $0x3  }
0x245: {  	v4 =	vsub.s32 v5, v0  }
.Ltmp15:
0x246: {  	vm1 =	vlt.u32 v4, $0xF428;
	(pc) =	sbr.rel @p0 .LBB2_31-.Ltmp15, $4  }
0x247: {  	vm2 =	vne.s32 v7, v6  }
0x248: {  	vm2 =	vmand vm0, vm2;
	vm0 =	vmmov vm1  }
0x249: {  	v5 =	vmpcnt.ones.xlane vm2  }
0x24a: {  	s8 =	sadd.s32 $0x10, s8;
	s10 =	sadd.s32 $0x1400, s9  }
0x24b: {  	_ =	sdelay $0x3  }
0x24c: {  	s7 =	sand.u32 $0x1780, s10;
	s8 =	sand.u32 $0x70, s9;
	v6 =	vor.u32 s1, v2  }
0x24d: {  	s22 =	sor.u32 s8, s7;
	[tilespmem:v4+s0+$0x0] =	vst.idx.msk vm1, v6  }
0x24e: {  	v7 =	vld [tilespmem:s22+$0x0];
	_ =	sdelay $0x4  }
0x24f: {  	v7 =	vsub.s32 v7, v0  }
0x250: {  	vm10 =	vlt.u32 v7, $0xF428;
	_ =	sdelay $0x4  }
0x251: {  	v2 =	vor.u32 s10, v2  }
0x252: {  	v4 =	vld.idx.msk [tilespmem:v4+s0+$0x0], vm0;
	[tilespmem:v7+s0+$0x0] =	vst.idx.msk vm10, v2  }
0x253: {  	v7 =	vld.idx.msk [tilespmem:v7+s0+$0x0], vm10;
	_ =	sdelay $0x3  }
0x254: {  	vm11 =	vne.s32 v4, v6  }
0x255: {  	vm12 =	vmand vm0, vm11;
	vm2 =	vmmov vm10;
	vm13 =	vne.s32 v7, v2  }
0x256: {  	v2 =	vmpcnt.ones.xlane vm12;
	vm14 =	vmand vm2, vm13  }
0x257: {  	v3 =	vadd.s32 v3, v5;
	v63 =	vmpcnt.ones.xlane vm14  }
0x258: {  	v2 =	vadd.s32 v3, v2  }
0x259: {  	v2 =	vadd.s32 v2, v63  }
0x25a: {  	vm15 =	vgt.s32 v2, $0x0;
	v2 =	vimm.f32 $0.0e+00  }
0x25b: {  	v2 =	vsel vm15, $0x3F800000, v2  }
0x25c: {  	(xrf0) =	vmax.scan.msk.f32 $0xffff, v2;
	_ =	sdelay $0x5  }
0x25d: {  	v2, _, _ =	vpop (xrf0)  }
0x25e: {  	(v2sf) =	vpush v2, $0xF;
	_ =	sdelay $0xe  }
0x25f: {  	s31 =	spop (v2sf)  }
0x260: {  	p0 =	sgt.f32 s31, $0.0e+00  }
.Ltmp16:
0x261: {  	_ = 	snop;
	(pc) =	sbr.rel @!p0 .LBB2_36-.Ltmp16, $1  }
0x262: {  	_ =	sdelay $0x3  }
0x263: {  	s0 =	simm.s32 $0x0;
	s1 =	simm.s32 $0x1400  }
0x264: {  	s7 =	sand.u32 $0x1780, s1;
	s0 =	sand.u32 $0x70, s0  }
0x265: {  	s0 =	sor.u32 s0, s7  }
0x266: {  	v3 =	vld [tilespmem:s0+$0x0];
	_ =	sdelay $0x4  }
0x267: {  	v2 =	vlaneseq.u32;
	v3 =	vshll.u32 v3, $0x4  }
0x268: {  	v3 =	vor.u32 v2, v3  }
0x269: {  	v4 =	vxor.u32 $0x80000000, v3  }
0x26a: {  	(xrf1) =	vsort.ascd.msk.u32 $0xffff, v4, v3;
	_ =	sdelay $0x9  }
0x26b: {  	v3 =	vimm.s32 $0xFFEDCBA9;
	v4 =	vimm.s32 $0x87654321  }
0x26c: {  	v3 =	vunpack.c.l.s4.s8 v3;
	v4 =	vunpack.c.l.s4.s8 v4;
	_ =	sdelay $0x1  }
0x26d: {  	v3 =	vunpack.c.0.s8.s32 v3;
	v4 =	vunpack.c.0.s8.s32 v4  }
0x26e: {  	v5, _, _ =	vpop (xrf1)  }
0x26f: {  	v3 =	vcombine.low v4, v3;
	v4 =	vshra.s32 v5, $0x4  }
0x270: {  	v6 =	vxor.u32 $0xF8000000, v4  }
0x271: {  	v7 =	vperm.xlane v6, v3;
	_ =	sdelay $0x1  }
0x272: {  	vm0 =	vcmask $0x3F3C;
	v4 =	vsub.s32 v6, v0;
	vm1 =	vne.s32 v6, v7  }
0x273: {  	vm2 =	vlt.u32 v4, $0xF428;
	vm1 =	vmor vm1, vm0  }
0x274: {  	vm1 =	vmand vm2, vm1;
	_ =	sdelay $0x2  }
0x275: {  	s8 =	simm.s32 $0x8000  }
0x276: {  	s9 =	simm.s32 $0x10;
	s10 =	simm.s32 $0x1410;
	s0 =	simm.s32 $0x20;
	v5 =	vand.u32 $0xF, v5  }
.LBB2_34:
0x277: {  	p0 =	sne.s32 s0, $0x3F0;
	s7 =	sand.u32 $0x1780, s10;
	s9 =	sand.u32 $0x70, s9;
	v5 =	vor.u32 s1, v5  }
0x278: {  	s1 =	smov.u32 s10;
	s7 =	sor.u32 s9, s7;
	[tilespmem:v4+s8+$0x0] =	vst.idx.msk vm1, v5;
	s9 =	smov.u32 s0  }
0x279: {  	v4 =	vld [tilespmem:s7+$0x0];
	_ =	sdelay $0x4  }
0x27a: {  	v4 =	vshll.u32 v4, $0x4  }
0x27b: {  	v4 =	vor.u32 v2, v4  }
0x27c: {  	v5 =	vxor.u32 $0x80000000, v4  }
0x27d: {  	(xrf1) =	vsort.ascd.msk.u32 $0xffff, v5, v4;
	_ =	sdelay $0xd  }
0x27e: {  	v5, _, _ =	vpop (xrf1)  }
0x27f: {  	v4 =	vshra.s32 v5, $0x4  }
0x280: {  	v6 =	vxor.u32 $0xF8000000, v4  }
0x281: {  	v7 =	vperm.xlane v6, v3;
	_ =	sdelay $0x1  }
0x282: {  	v4 =	vsub.s32 v6, v0;
	vm1 =	vne.s32 v6, v7  }
0x283: {  	vm2 =	vlt.u32 v4, $0xF428;
	vm1 =	vmor vm1, vm0  }
.Ltmp17:
0x284: {  	vm1 =	vmand vm2, vm1;
	(pc) =	sbr.rel @p0 .LBB2_34-.Ltmp17, $2  }
0x285: {  	_ =	sdelay $0x2  }
0x286: {  	s0 =	sadd.s32 $0x10, s0;
	s10 =	sadd.s32 $0x1400, s9;
	v5 =	vand.u32 $0xF, v5  }
0x287: {  	_ =	sdelay $0x3  }
0x288: {  	s0 =	sand.u32 $0x1780, s10;
	s7 =	sand.u32 $0x70, s9;
	v5 =	vor.u32 s1, v5  }
0x289: {  	s0 =	sor.u32 s7, s0;
	[tilespmem:v4+s8+$0x0] =	vst.idx.msk vm1, v5  }
0x28a: {  	v4 =	vld [tilespmem:s0+$0x0];
	_ =	sdelay $0x4  }
0x28b: {  	v4 =	vshll.u32 v4, $0x4  }
0x28c: {  	v2 =	vor.u32 v2, v4  }
0x28d: {  	v4 =	vxor.u32 $0x80000000, v2  }
0x28e: {  	(xrf1) =	vsort.ascd.msk.u32 $0xffff, v4, v2;
	_ =	sdelay $0xd  }
0x28f: {  	v2, _, _ =	vpop (xrf1)  }
0x290: {  	v62 =	vshra.s32 v2, $0x4  }
0x291: {  	v4 =	vxor.u32 $0xF8000000, v62  }
0x292: {  	v3 =	vperm.xlane v4, v3;
	_ =	sdelay $0x1  }
0x293: {  	v63 =	vsub.s32 v4, v0;
	vm15 =	vne.s32 v4, v3  }
0x294: {  	vm2 =	vlt.u32 v63, $0xF428;
	vm0 =	vmor vm15, vm0  }
0x295: {  	vm0 =	vmand vm2, vm0;
	_ =	sdelay $0x3  }
0x296: {  	v2 =	vand.u32 $0xF, v2  }
0x297: {  	v2 =	vor.u32 s10, v2  }
0x298: {  	[tilespmem:v63+s8+$0x0] =	vst.idx.msk vm0, v2  }
.LBB2_36:
0x299: {  	s0 =	simm.s32 $0x5  }
0x29a: {  	_ =	swait.ge [sflag:s0], $0x2000  }
0x29b: {  	s19 =	simm.s32 $0x0;
	[sflag:s0] =	ssyncset.done $0x0  }
0x29c: {  	s1 =	simm.s32 $0x1BC80;
	s20 =	simm.s32 $0x7;
	[sflag:s0] =	ssyncadd.s32 $0xFFFFE000  }
0x29d: {  	[hbm4b:s17+s19] =	stream.linear.scatter [tilespmem:s1], [sflag:$0x8], $0x2000, $0x200038;
	[tilespmem:$0x1E080] =	vst v63  }
0x29e: {  	s7 =	simm.s32 $0x1800;
	_ =	swait.ge [sflag:s20], $0x2000  }
0x29f: {  	s22 =	sand.u32 $0x1B80, s7;
	s0 =	sand.u32 $0x70, s19;
	[sflag:s20] =	ssyncset.done $0x0  }
0x2a0: {  	s21 =	simm.s32 $0x19C80;
	s0 =	sor.u32 s0, s22;
	[sflag:s20] =	ssyncadd.s32 $0xFFFFE000  }
0x2a1: {  	[tilespmem:s21], [sflag:$0x4] =	stream.linear.gather [hbm4b:s16+s19], $0x2000, $0x200038;
	[tilespmem:$0x1E080] =	vst v63  }
0x2a2: {  	v2 =	vld [tilespmem:s0+$0x0];
	_ =	sdelay $0x4  }
0x2a3: {  	v3 =	vsub.s32 v2, v0  }
0x2a4: {  	vm0 =	vlt.u32 v3, $0xF428;
	_ =	sdelay $0x3  }
0x2a5: {  	s8 =	simm.s32 $0x10;
	s1 =	simm.s32 $0x1810;
	v2 =	vlaneseq.u32  }
0x2a6: {  	s8 =	sand.u32 $0x70, s8;
	s9 =	sand.u32 $0x1B80, s1;
	s0 =	simm.s32 $0x8000;
	v5 =	vor.u32 s7, v2  }
0x2a7: {  	s31 =	sor.u32 s8, s9;
	[tilespmem:v3+s0+$0x0] =	vst.idx.msk vm0, v5  }
0x2a8: {  	v4 =	vld [tilespmem:s31+$0x0];
	_ =	sdelay $0x1  }
0x2a9: {  	v3 =	vld.idx.msk [tilespmem:v3+s0+$0x0], vm0;
	_ =	sdelay $0x2  }
0x2aa: {  	v4 =	vsub.s32 v4, v0  }
0x2ab: {  	vm1 =	vlt.u32 v4, $0xF428  }
0x2ac: {  	vm2 =	vmmov vm0;
	vm0 =	vne.s32 v3, v5  }
0x2ad: {  	vm2 =	vmand vm2, vm0;
	vm0 =	vmmov vm1  }
0x2ae: {  	v5 =	vmpcnt.ones.xlane vm2  }
0x2af: {  	s10 =	simm.s32 $0x1820;
	s9 =	simm.s32 $0x20;
	s8 =	simm.s32 $0x30;
	v3 =	vimm.s32 $0x0  }
.LBB2_37:
0x2b0: {  	p0 =	sne.s32 s8, $0x3F0;
	s7 =	sand.u32 $0x1B80, s10;
	s9 =	sand.u32 $0x70, s9;
	v6 =	vor.u32 s1, v2;
	v3 =	vadd.s32 v3, v5  }
0x2b1: {  	s1 =	smov.u32 s10;
	s7 =	sor.u32 s9, s7;
	[tilespmem:v4+s0+$0x0] =	vst.idx.msk vm1, v6;
	s9 =	smov.u32 s8  }
0x2b2: {  	v5 =	vld [tilespmem:s7+$0x0]  }
0x2b3: {  	v7 =	vld.idx.msk [tilespmem:v4+s0+$0x0], vm0;
	_ =	sdelay $0x3  }
0x2b4: {  	v4 =	vsub.s32 v5, v0  }
.Ltmp18:
0x2b5: {  	vm1 =	vlt.u32 v4, $0xF428;
	(pc) =	sbr.rel @p0 .LBB2_37-.Ltmp18, $4  }
0x2b6: {  	vm2 =	vne.s32 v7, v6  }
0x2b7: {  	vm2 =	vmand vm0, vm2;
	vm0 =	vmmov vm1  }
0x2b8: {  	v5 =	vmpcnt.ones.xlane vm2  }
0x2b9: {  	s8 =	sadd.s32 $0x10, s8;
	s10 =	sadd.s32 $0x1800, s9  }
0x2ba: {  	_ =	sdelay $0x3  }
0x2bb: {  	s7 =	sand.u32 $0x1B80, s10;
	s8 =	sand.u32 $0x70, s9;
	v6 =	vor.u32 s1, v2  }
0x2bc: {  	s22 =	sor.u32 s8, s7;
	[tilespmem:v4+s0+$0x0] =	vst.idx.msk vm1, v6  }
0x2bd: {  	v7 =	vld [tilespmem:s22+$0x0];
	_ =	sdelay $0x4  }
0x2be: {  	v7 =	vsub.s32 v7, v0  }
0x2bf: {  	vm10 =	vlt.u32 v7, $0xF428;
	_ =	sdelay $0x4  }
0x2c0: {  	v2 =	vor.u32 s10, v2  }
0x2c1: {  	v4 =	vld.idx.msk [tilespmem:v4+s0+$0x0], vm0;
	[tilespmem:v7+s0+$0x0] =	vst.idx.msk vm10, v2  }
0x2c2: {  	v7 =	vld.idx.msk [tilespmem:v7+s0+$0x0], vm10;
	_ =	sdelay $0x3  }
0x2c3: {  	vm11 =	vne.s32 v4, v6  }
0x2c4: {  	vm12 =	vmand vm0, vm11;
	vm2 =	vmmov vm10;
	vm13 =	vne.s32 v7, v2  }
0x2c5: {  	v2 =	vmpcnt.ones.xlane vm12;
	vm14 =	vmand vm2, vm13  }
0x2c6: {  	v3 =	vadd.s32 v3, v5;
	v63 =	vmpcnt.ones.xlane vm14  }
0x2c7: {  	v2 =	vadd.s32 v3, v2  }
0x2c8: {  	v2 =	vadd.s32 v2, v63  }
0x2c9: {  	vm15 =	vgt.s32 v2, $0x0;
	v2 =	vimm.f32 $0.0e+00  }
0x2ca: {  	v2 =	vsel vm15, $0x3F800000, v2  }
0x2cb: {  	(xrf0) =	vmax.scan.msk.f32 $0xffff, v2;
	_ =	sdelay $0x5  }
0x2cc: {  	v2, _, _ =	vpop (xrf0)  }
0x2cd: {  	(v2sf) =	vpush v2, $0xF;
	_ =	sdelay $0xe  }
0x2ce: {  	s31 =	spop (v2sf)  }
0x2cf: {  	p0 =	sgt.f32 s31, $0.0e+00  }
.Ltmp19:
0x2d0: {  	_ = 	snop;
	(pc) =	sbr.rel @!p0 .LBB2_42-.Ltmp19, $1  }
0x2d1: {  	_ =	sdelay $0x3  }
0x2d2: {  	s0 =	simm.s32 $0x0;
	s1 =	simm.s32 $0x1800  }
0x2d3: {  	s7 =	sand.u32 $0x1B80, s1;
	s0 =	sand.u32 $0x70, s0  }
0x2d4: {  	s0 =	sor.u32 s0, s7  }
0x2d5: {  	v3 =	vld [tilespmem:s0+$0x0];
	_ =	sdelay $0x4  }
0x2d6: {  	v2 =	vlaneseq.u32;
	v3 =	vshll.u32 v3, $0x4  }
0x2d7: {  	v3 =	vor.u32 v2, v3  }
0x2d8: {  	v4 =	vxor.u32 $0x80000000, v3  }
0x2d9: {  	(xrf1) =	vsort.ascd.msk.u32 $0xffff, v4, v3;
	_ =	sdelay $0x9  }
0x2da: {  	v3 =	vimm.s32 $0xFFEDCBA9;
	v4 =	vimm.s32 $0x87654321  }
0x2db: {  	v3 =	vunpack.c.l.s4.s8 v3;
	v4 =	vunpack.c.l.s4.s8 v4;
	_ =	sdelay $0x1  }
0x2dc: {  	v3 =	vunpack.c.0.s8.s32 v3;
	v4 =	vunpack.c.0.s8.s32 v4  }
0x2dd: {  	v5, _, _ =	vpop (xrf1)  }
0x2de: {  	v3 =	vcombine.low v4, v3;
	v4 =	vshra.s32 v5, $0x4  }
0x2df: {  	v6 =	vxor.u32 $0xF8000000, v4  }
0x2e0: {  	v7 =	vperm.xlane v6, v3;
	_ =	sdelay $0x1  }
0x2e1: {  	vm0 =	vcmask $0x3F3C;
	v4 =	vsub.s32 v6, v0;
	vm1 =	vne.s32 v6, v7  }
0x2e2: {  	vm2 =	vlt.u32 v4, $0xF428;
	vm1 =	vmor vm1, vm0  }
0x2e3: {  	vm1 =	vmand vm2, vm1;
	_ =	sdelay $0x2  }
0x2e4: {  	s8 =	simm.s32 $0x8000  }
0x2e5: {  	s9 =	simm.s32 $0x10;
	s10 =	simm.s32 $0x1810;
	s0 =	simm.s32 $0x20;
	v5 =	vand.u32 $0xF, v5  }
.LBB2_40:
0x2e6: {  	p0 =	sne.s32 s0, $0x3F0;
	s7 =	sand.u32 $0x1B80, s10;
	s9 =	sand.u32 $0x70, s9;
	v5 =	vor.u32 s1, v5  }
0x2e7: {  	s1 =	smov.u32 s10;
	s7 =	sor.u32 s9, s7;
	[tilespmem:v4+s8+$0x0] =	vst.idx.msk vm1, v5;
	s9 =	smov.u32 s0  }
0x2e8: {  	v4 =	vld [tilespmem:s7+$0x0];
	_ =	sdelay $0x4  }
0x2e9: {  	v4 =	vshll.u32 v4, $0x4  }
0x2ea: {  	v4 =	vor.u32 v2, v4  }
0x2eb: {  	v5 =	vxor.u32 $0x80000000, v4  }
0x2ec: {  	(xrf1) =	vsort.ascd.msk.u32 $0xffff, v5, v4;
	_ =	sdelay $0xd  }
0x2ed: {  	v5, _, _ =	vpop (xrf1)  }
0x2ee: {  	v4 =	vshra.s32 v5, $0x4  }
0x2ef: {  	v6 =	vxor.u32 $0xF8000000, v4  }
0x2f0: {  	v7 =	vperm.xlane v6, v3;
	_ =	sdelay $0x1  }
0x2f1: {  	v4 =	vsub.s32 v6, v0;
	vm1 =	vne.s32 v6, v7  }
0x2f2: {  	vm2 =	vlt.u32 v4, $0xF428;
	vm1 =	vmor vm1, vm0  }
.Ltmp20:
0x2f3: {  	vm1 =	vmand vm2, vm1;
	(pc) =	sbr.rel @p0 .LBB2_40-.Ltmp20, $2  }
0x2f4: {  	_ =	sdelay $0x2  }
0x2f5: {  	s0 =	sadd.s32 $0x10, s0;
	s10 =	sadd.s32 $0x1800, s9;
	v5 =	vand.u32 $0xF, v5  }
0x2f6: {  	_ =	sdelay $0x3  }
0x2f7: {  	s0 =	sand.u32 $0x1B80, s10;
	s7 =	sand.u32 $0x70, s9;
	v5 =	vor.u32 s1, v5  }
0x2f8: {  	s0 =	sor.u32 s7, s0;
	[tilespmem:v4+s8+$0x0] =	vst.idx.msk vm1, v5  }
0x2f9: {  	v4 =	vld [tilespmem:s0+$0x0];
	_ =	sdelay $0x4  }
0x2fa: {  	v4 =	vshll.u32 v4, $0x4  }
0x2fb: {  	v2 =	vor.u32 v2, v4  }
0x2fc: {  	v4 =	vxor.u32 $0x80000000, v2  }
0x2fd: {  	(xrf1) =	vsort.ascd.msk.u32 $0xffff, v4, v2;
	_ =	sdelay $0xd  }
0x2fe: {  	v2, _, _ =	vpop (xrf1)  }
0x2ff: {  	v62 =	vshra.s32 v2, $0x4  }
0x300: {  	v4 =	vxor.u32 $0xF8000000, v62  }
0x301: {  	v3 =	vperm.xlane v4, v3;
	_ =	sdelay $0x1  }
0x302: {  	v63 =	vsub.s32 v4, v0;
	vm15 =	vne.s32 v4, v3  }
0x303: {  	vm2 =	vlt.u32 v63, $0xF428;
	vm0 =	vmor vm15, vm0  }
0x304: {  	vm0 =	vmand vm2, vm0;
	_ =	sdelay $0x3  }
0x305: {  	v2 =	vand.u32 $0xF, v2  }
0x306: {  	v2 =	vor.u32 s10, v2  }
0x307: {  	[tilespmem:v63+s8+$0x0] =	vst.idx.msk vm0, v2  }
.LBB2_42:
0x308: {  	s0 =	simm.s32 $0x3  }
0x309: {  	_ =	swait.ge [sflag:s0], $0x2000  }
0x30a: {  	s18 =	simm.s32 $0x0;
	[sflag:s0] =	ssyncset.done $0x0  }
0x30b: {  	s1 =	simm.s32 $0x17C80;
	s19 =	simm.s32 $0x8;
	[sflag:s0] =	ssyncadd.s32 $0xFFFFE000  }
0x30c: {  	[hbm4b:s15+s18] =	stream.linear.scatter [tilespmem:s1], [sflag:$0x6], $0x2000, $0x200038;
	[tilespmem:$0x1E080] =	vst v63  }
0x30d: {  	s21 =	simm.s32 $0x1C00;
	_ =	swait.ge [sflag:s19], $0x2000  }
0x30e: {  	s22 =	sand.u32 $0x1F80, s21;
	s0 =	sand.u32 $0x70, s18;
	[sflag:s19] =	ssyncset.done $0x0  }
0x30f: {  	s20 =	simm.s32 $0x1BC80;
	s0 =	sor.u32 s0, s22;
	[sflag:s19] =	ssyncadd.s32 $0xFFFFE000  }
0x310: {  	[tilespmem:s20], [sflag:$0x5] =	stream.linear.gather [hbm4b:s6+s18], $0x2000, $0x200038;
	[tilespmem:$0x1E080] =	vst v63  }
0x311: {  	v2 =	vld [tilespmem:s0+$0x0];
	_ =	sdelay $0x4  }
0x312: {  	v3 =	vsub.s32 v2, v0  }
0x313: {  	vm0 =	vlt.u32 v3, $0xF428;
	_ =	sdelay $0x3  }
0x314: {  	s7 =	simm.s32 $0x10;
	s1 =	simm.s32 $0x1C10;
	v2 =	vlaneseq.u32  }
0x315: {  	s7 =	sand.u32 $0x70, s7;
	s8 =	sand.u32 $0x1F80, s1;
	s0 =	simm.s32 $0x8000;
	v5 =	vor.u32 s21, v2  }
0x316: {  	s31 =	sor.u32 s7, s8;
	[tilespmem:v3+s0+$0x0] =	vst.idx.msk vm0, v5  }
0x317: {  	v4 =	vld [tilespmem:s31+$0x0];
	_ =	sdelay $0x1  }
0x318: {  	v3 =	vld.idx.msk [tilespmem:v3+s0+$0x0], vm0;
	_ =	sdelay $0x2  }
0x319: {  	v4 =	vsub.s32 v4, v0  }
0x31a: {  	vm1 =	vlt.u32 v4, $0xF428  }
0x31b: {  	vm2 =	vmmov vm0;
	vm0 =	vne.s32 v3, v5  }
0x31c: {  	vm2 =	vmand vm2, vm0;
	vm0 =	vmmov vm1  }
0x31d: {  	v5 =	vmpcnt.ones.xlane vm2  }
0x31e: {  	s9 =	simm.s32 $0x1C20;
	s8 =	simm.s32 $0x20;
	s6 =	simm.s32 $0x30;
	v3 =	vimm.s32 $0x0  }
.LBB2_43:
0x31f: {  	p0 =	sne.s32 s6, $0x3F0;
	s7 =	sand.u32 $0x1F80, s9;
	s8 =	sand.u32 $0x70, s8;
	v6 =	vor.u32 s1, v2;
	v3 =	vadd.s32 v3, v5  }
0x320: {  	s1 =	smov.u32 s9;
	s7 =	sor.u32 s8, s7;
	[tilespmem:v4+s0+$0x0] =	vst.idx.msk vm1, v6;
	s8 =	smov.u32 s6  }
0x321: {  	v5 =	vld [tilespmem:s7+$0x0]  }
0x322: {  	v7 =	vld.idx.msk [tilespmem:v4+s0+$0x0], vm0;
	_ =	sdelay $0x3  }
0x323: {  	v4 =	vsub.s32 v5, v0  }
.Ltmp21:
0x324: {  	vm1 =	vlt.u32 v4, $0xF428;
	(pc) =	sbr.rel @p0 .LBB2_43-.Ltmp21, $4  }
0x325: {  	vm2 =	vne.s32 v7, v6  }
0x326: {  	vm2 =	vmand vm0, vm2;
	vm0 =	vmmov vm1  }
0x327: {  	v5 =	vmpcnt.ones.xlane vm2  }
0x328: {  	s6 =	sadd.s32 $0x10, s6;
	s9 =	sadd.s32 $0x1C00, s8  }
0x329: {  	_ =	sdelay $0x3  }
0x32a: {  	s6 =	sand.u32 $0x1F80, s9;
	s7 =	sand.u32 $0x70, s8;
	v6 =	vor.u32 s1, v2  }
0x32b: {  	s22 =	sor.u32 s7, s6;
	[tilespmem:v4+s0+$0x0] =	vst.idx.msk vm1, v6  }
0x32c: {  	v7 =	vld [tilespmem:s22+$0x0];
	_ =	sdelay $0x4  }
0x32d: {  	v7 =	vsub.s32 v7, v0  }
0x32e: {  	vm10 =	vlt.u32 v7, $0xF428;
	_ =	sdelay $0x4  }
0x32f: {  	v2 =	vor.u32 s9, v2  }
0x330: {  	v4 =	vld.idx.msk [tilespmem:v4+s0+$0x0], vm0;
	[tilespmem:v7+s0+$0x0] =	vst.idx.msk vm10, v2  }
0x331: {  	v7 =	vld.idx.msk [tilespmem:v7+s0+$0x0], vm10;
	_ =	sdelay $0x3  }
0x332: {  	vm11 =	vne.s32 v4, v6  }
0x333: {  	vm12 =	vmand vm0, vm11;
	vm2 =	vmmov vm10;
	vm13 =	vne.s32 v7, v2  }
0x334: {  	v2 =	vmpcnt.ones.xlane vm12;
	vm14 =	vmand vm2, vm13  }
0x335: {  	v3 =	vadd.s32 v3, v5;
	v63 =	vmpcnt.ones.xlane vm14  }
0x336: {  	v2 =	vadd.s32 v3, v2  }
0x337: {  	v2 =	vadd.s32 v2, v63  }
0x338: {  	vm15 =	vgt.s32 v2, $0x0;
	v2 =	vimm.f32 $0.0e+00  }
0x339: {  	v2 =	vsel vm15, $0x3F800000, v2  }
0x33a: {  	(xrf0) =	vmax.scan.msk.f32 $0xffff, v2;
	_ =	sdelay $0x5  }
0x33b: {  	v2, _, _ =	vpop (xrf0)  }
0x33c: {  	(v2sf) =	vpush v2, $0xF;
	_ =	sdelay $0xe  }
0x33d: {  	s31 =	spop (v2sf)  }
0x33e: {  	p0 =	sgt.f32 s31, $0.0e+00  }
.Ltmp22:
0x33f: {  	_ = 	snop;
	(pc) =	sbr.rel @!p0 .LBB2_48-.Ltmp22, $1  }
0x340: {  	_ =	sdelay $0x3  }
0x341: {  	s0 =	simm.s32 $0x0;
	s1 =	simm.s32 $0x1C00  }
0x342: {  	s6 =	sand.u32 $0x1F80, s1;
	s0 =	sand.u32 $0x70, s0  }
0x343: {  	s0 =	sor.u32 s0, s6  }
0x344: {  	v3 =	vld [tilespmem:s0+$0x0];
	_ =	sdelay $0x4  }
0x345: {  	v2 =	vlaneseq.u32;
	v3 =	vshll.u32 v3, $0x4  }
0x346: {  	v3 =	vor.u32 v2, v3  }
0x347: {  	v4 =	vxor.u32 $0x80000000, v3  }
0x348: {  	(xrf1) =	vsort.ascd.msk.u32 $0xffff, v4, v3;
	_ =	sdelay $0x9  }
0x349: {  	v3 =	vimm.s32 $0xFFEDCBA9;
	v4 =	vimm.s32 $0x87654321  }
0x34a: {  	v3 =	vunpack.c.l.s4.s8 v3;
	v4 =	vunpack.c.l.s4.s8 v4;
	_ =	sdelay $0x1  }
0x34b: {  	v3 =	vunpack.c.0.s8.s32 v3;
	v4 =	vunpack.c.0.s8.s32 v4  }
0x34c: {  	v5, _, _ =	vpop (xrf1)  }
0x34d: {  	v3 =	vcombine.low v4, v3;
	v4 =	vshra.s32 v5, $0x4  }
0x34e: {  	v6 =	vxor.u32 $0xF8000000, v4  }
0x34f: {  	v7 =	vperm.xlane v6, v3;
	_ =	sdelay $0x1  }
0x350: {  	vm0 =	vcmask $0x3F3C;
	v4 =	vsub.s32 v6, v0;
	vm1 =	vne.s32 v6, v7  }
0x351: {  	vm2 =	vlt.u32 v4, $0xF428;
	vm1 =	vmor vm1, vm0  }
0x352: {  	vm1 =	vmand vm2, vm1;
	_ =	sdelay $0x2  }
0x353: {  	s8 =	simm.s32 $0x10  }
0x354: {  	s9 =	simm.s32 $0x1C10;
	s6 =	simm.s32 $0x8000;
	s0 =	simm.s32 $0x20;
	v5 =	vand.u32 $0xF, v5  }
.LBB2_46:
0x355: {  	p0 =	sne.s32 s0, $0x3F0;
	s7 =	sand.u32 $0x1F80, s9;
	s8 =	sand.u32 $0x70, s8;
	v5 =	vor.u32 s1, v5  }
0x356: {  	s1 =	smov.u32 s9;
	s7 =	sor.u32 s8, s7;
	[tilespmem:v4+s6+$0x0] =	vst.idx.msk vm1, v5;
	s8 =	smov.u32 s0  }
0x357: {  	v4 =	vld [tilespmem:s7+$0x0];
	_ =	sdelay $0x4  }
0x358: {  	v4 =	vshll.u32 v4, $0x4  }
0x359: {  	v4 =	vor.u32 v2, v4  }
0x35a: {  	v5 =	vxor.u32 $0x80000000, v4  }
0x35b: {  	(xrf1) =	vsort.ascd.msk.u32 $0xffff, v5, v4;
	_ =	sdelay $0xd  }
0x35c: {  	v5, _, _ =	vpop (xrf1)  }
0x35d: {  	v4 =	vshra.s32 v5, $0x4  }
0x35e: {  	v6 =	vxor.u32 $0xF8000000, v4  }
0x35f: {  	v7 =	vperm.xlane v6, v3;
	_ =	sdelay $0x1  }
0x360: {  	v4 =	vsub.s32 v6, v0;
	vm1 =	vne.s32 v6, v7  }
0x361: {  	vm2 =	vlt.u32 v4, $0xF428;
	vm1 =	vmor vm1, vm0  }
.Ltmp23:
0x362: {  	vm1 =	vmand vm2, vm1;
	(pc) =	sbr.rel @p0 .LBB2_46-.Ltmp23, $2  }
0x363: {  	_ =	sdelay $0x2  }
0x364: {  	s0 =	sadd.s32 $0x10, s0;
	s9 =	sadd.s32 $0x1C00, s8;
	v5 =	vand.u32 $0xF, v5  }
0x365: {  	_ =	sdelay $0x3  }
0x366: {  	s0 =	sand.u32 $0x1F80, s9;
	s7 =	sand.u32 $0x70, s8;
	v5 =	vor.u32 s1, v5  }
0x367: {  	s0 =	sor.u32 s7, s0;
	[tilespmem:v4+s6+$0x0] =	vst.idx.msk vm1, v5  }
0x368: {  	v4 =	vld [tilespmem:s0+$0x0];
	_ =	sdelay $0x4  }
0x369: {  	v4 =	vshll.u32 v4, $0x4  }
0x36a: {  	v2 =	vor.u32 v2, v4  }
0x36b: {  	v4 =	vxor.u32 $0x80000000, v2  }
0x36c: {  	(xrf1) =	vsort.ascd.msk.u32 $0xffff, v4, v2;
	_ =	sdelay $0xd  }
0x36d: {  	v2, _, _ =	vpop (xrf1)  }
0x36e: {  	v62 =	vshra.s32 v2, $0x4  }
0x36f: {  	v4 =	vxor.u32 $0xF8000000, v62  }
0x370: {  	v3 =	vperm.xlane v4, v3;
	_ =	sdelay $0x1  }
0x371: {  	v63 =	vsub.s32 v4, v0;
	vm15 =	vne.s32 v4, v3  }
0x372: {  	vm2 =	vlt.u32 v63, $0xF428;
	vm0 =	vmor vm15, vm0  }
0x373: {  	vm0 =	vmand vm2, vm0;
	_ =	sdelay $0x3  }
0x374: {  	v2 =	vand.u32 $0xF, v2  }
0x375: {  	v2 =	vor.u32 s9, v2  }
0x376: {  	[tilespmem:v63+s6+$0x0] =	vst.idx.msk vm0, v2  }
.LBB2_48:
0x377: {  	s0 =	simm.s32 $0x4  }
0x378: {  	_ =	swait.ge [sflag:s0], $0x2000  }
0x379: {  	s20 =	simm.s32 $0x0;
	[sflag:s0] =	ssyncset.done $0x0  }
0x37a: {  	s1 =	simm.s32 $0x19C80;
	s21 =	simm.s32 $0x6;
	[sflag:s0] =	ssyncadd.s32 $0xFFFFE000  }
0x37b: {  	[hbm4b:s29+s20] =	stream.linear.scatter [tilespmem:s1], [sflag:$0x7], $0x2000, $0x200038;
	[tilespmem:$0x1E080] =	vst v63  }
0x37c: {  	s6 =	simm.s32 $0x2000;
	_ =	swait.ge [sflag:s21], $0x2000  }
0x37d: {  	s0 =	sand.u32 $0x70, s20;
	s29 =	sand.u32 $0x2380, s6;
	[sflag:s21] =	ssyncset.done $0x0  }
0x37e: {  	s22 =	simm.s32 $0x17C80;
	s0 =	sor.u32 s0, s29;
	[sflag:s21] =	ssyncadd.s32 $0xFFFFE000  }
0x37f: {  	[tilespmem:s22], [sflag:$0x3] =	stream.linear.gather [hbm4b:s23+s20], $0x2000, $0x200038;
	[tilespmem:$0x1E080] =	vst v63  }
0x380: {  	v2 =	vld [tilespmem:s0+$0x0];
	_ =	sdelay $0x4  }
0x381: {  	v3 =	vsub.s32 v2, v0  }
0x382: {  	vm0 =	vlt.u32 v3, $0xF428;
	_ =	sdelay $0x3  }
0x383: {  	s7 =	simm.s32 $0x10;
	s1 =	simm.s32 $0x2010;
	v2 =	vlaneseq.u32  }
0x384: {  	s7 =	sand.u32 $0x70, s7;
	s8 =	sand.u32 $0x2380, s1;
	s0 =	simm.s32 $0x8000;
	v5 =	vor.u32 s6, v2  }
0x385: {  	s31 =	sor.u32 s7, s8;
	[tilespmem:v3+s0+$0x0] =	vst.idx.msk vm0, v5  }
0x386: {  	v4 =	vld [tilespmem:s31+$0x0];
	_ =	sdelay $0x1  }
0x387: {  	v3 =	vld.idx.msk [tilespmem:v3+s0+$0x0], vm0;
	_ =	sdelay $0x2  }
0x388: {  	v4 =	vsub.s32 v4, v0  }
0x389: {  	vm1 =	vlt.u32 v4, $0xF428  }
0x38a: {  	vm2 =	vmmov vm0;
	vm0 =	vne.s32 v3, v5  }
0x38b: {  	vm2 =	vmand vm2, vm0;
	vm0 =	vmmov vm1  }
0x38c: {  	v5 =	vmpcnt.ones.xlane vm2  }
0x38d: {  	s9 =	simm.s32 $0x2020;
	s8 =	simm.s32 $0x20;
	s6 =	simm.s32 $0x30;
	v3 =	vimm.s32 $0x0  }
.LBB2_49:
0x38e: {  	p0 =	sne.s32 s6, $0x3F0;
	s7 =	sand.u32 $0x2380, s9;
	s8 =	sand.u32 $0x70, s8;
	v6 =	vor.u32 s1, v2;
	v3 =	vadd.s32 v3, v5  }
0x38f: {  	s1 =	smov.u32 s9;
	s7 =	sor.u32 s8, s7;
	[tilespmem:v4+s0+$0x0] =	vst.idx.msk vm1, v6;
	s8 =	smov.u32 s6  }
0x390: {  	v5 =	vld [tilespmem:s7+$0x0]  }
0x391: {  	v7 =	vld.idx.msk [tilespmem:v4+s0+$0x0], vm0;
	_ =	sdelay $0x3  }
0x392: {  	v4 =	vsub.s32 v5, v0  }
.Ltmp24:
0x393: {  	vm1 =	vlt.u32 v4, $0xF428;
	(pc) =	sbr.rel @p0 .LBB2_49-.Ltmp24, $4  }
0x394: {  	vm2 =	vne.s32 v7, v6  }
0x395: {  	vm2 =	vmand vm0, vm2;
	vm0 =	vmmov vm1  }
0x396: {  	v5 =	vmpcnt.ones.xlane vm2  }
0x397: {  	s6 =	sadd.s32 $0x10, s6;
	s9 =	sadd.s32 $0x2000, s8  }
0x398: {  	_ =	sdelay $0x3  }
0x399: {  	s6 =	sand.u32 $0x2380, s9;
	s7 =	sand.u32 $0x70, s8;
	v6 =	vor.u32 s1, v2  }
0x39a: {  	s29 =	sor.u32 s7, s6;
	[tilespmem:v4+s0+$0x0] =	vst.idx.msk vm1, v6  }
0x39b: {  	v7 =	vld [tilespmem:s29+$0x0];
	_ =	sdelay $0x4  }
0x39c: {  	v7 =	vsub.s32 v7, v0  }
0x39d: {  	vm10 =	vlt.u32 v7, $0xF428;
	_ =	sdelay $0x4  }
0x39e: {  	v2 =	vor.u32 s9, v2  }
0x39f: {  	v4 =	vld.idx.msk [tilespmem:v4+s0+$0x0], vm0;
	[tilespmem:v7+s0+$0x0] =	vst.idx.msk vm10, v2  }
0x3a0: {  	v7 =	vld.idx.msk [tilespmem:v7+s0+$0x0], vm10;
	_ =	sdelay $0x3  }
0x3a1: {  	vm11 =	vne.s32 v4, v6  }
0x3a2: {  	vm12 =	vmand vm0, vm11;
	vm2 =	vmmov vm10;
	vm13 =	vne.s32 v7, v2  }
0x3a3: {  	v2 =	vmpcnt.ones.xlane vm12;
	vm14 =	vmand vm2, vm13  }
0x3a4: {  	v3 =	vadd.s32 v3, v5;
	v63 =	vmpcnt.ones.xlane vm14  }
0x3a5: {  	v2 =	vadd.s32 v3, v2  }
0x3a6: {  	v2 =	vadd.s32 v2, v63  }
0x3a7: {  	vm15 =	vgt.s32 v2, $0x0;
	v2 =	vimm.f32 $0.0e+00  }
0x3a8: {  	v2 =	vsel vm15, $0x3F800000, v2  }
0x3a9: {  	(xrf0) =	vmax.scan.msk.f32 $0xffff, v2;
	_ =	sdelay $0x5  }
0x3aa: {  	v2, _, _ =	vpop (xrf0)  }
0x3ab: {  	(v2sf) =	vpush v2, $0xF;
	_ =	sdelay $0xe  }
0x3ac: {  	s31 =	spop (v2sf)  }
0x3ad: {  	p0 =	sgt.f32 s31, $0.0e+00  }
.Ltmp25:
0x3ae: {  	_ = 	snop;
	(pc) =	sbr.rel @!p0 .LBB2_54-.Ltmp25, $1  }
0x3af: {  	_ =	sdelay $0x3  }
0x3b0: {  	s1 =	simm.s32 $0x0;
	s0 =	simm.s32 $0x2000  }
0x3b1: {  	s6 =	sand.u32 $0x2380, s0;
	s1 =	sand.u32 $0x70, s1  }
0x3b2: {  	s1 =	sor.u32 s1, s6  }
0x3b3: {  	v3 =	vld [tilespmem:s1+$0x0];
	_ =	sdelay $0x4  }
0x3b4: {  	v2 =	vlaneseq.u32;
	v3 =	vshll.u32 v3, $0x4  }
0x3b5: {  	v3 =	vor.u32 v2, v3  }
0x3b6: {  	v4 =	vxor.u32 $0x80000000, v3  }
0x3b7: {  	(xrf1) =	vsort.ascd.msk.u32 $0xffff, v4, v3;
	_ =	sdelay $0x9  }
0x3b8: {  	v3 =	vimm.s32 $0xFFEDCBA9;
	v4 =	vimm.s32 $0x87654321  }
0x3b9: {  	v3 =	vunpack.c.l.s4.s8 v3;
	v4 =	vunpack.c.l.s4.s8 v4;
	_ =	sdelay $0x1  }
0x3ba: {  	v3 =	vunpack.c.0.s8.s32 v3;
	v4 =	vunpack.c.0.s8.s32 v4  }
0x3bb: {  	v5, _, _ =	vpop (xrf1)  }
0x3bc: {  	v3 =	vcombine.low v4, v3;
	v4 =	vshra.s32 v5, $0x4  }
0x3bd: {  	v6 =	vxor.u32 $0xF8000000, v4  }
0x3be: {  	v7 =	vperm.xlane v6, v3;
	_ =	sdelay $0x1  }
0x3bf: {  	vm0 =	vcmask $0x3F3C;
	v4 =	vsub.s32 v6, v0;
	vm1 =	vne.s32 v6, v7  }
0x3c0: {  	vm2 =	vlt.u32 v4, $0xF428;
	vm1 =	vmor vm1, vm0  }
0x3c1: {  	vm1 =	vmand vm2, vm1;
	_ =	sdelay $0x2  }
0x3c2: {  	s8 =	simm.s32 $0x10  }
0x3c3: {  	s9 =	simm.s32 $0x2010;
	s6 =	simm.s32 $0x20;
	s1 =	simm.s32 $0x8000;
	v5 =	vand.u32 $0xF, v5  }
.LBB2_52:
0x3c4: {  	p0 =	sne.s32 s6, $0x3F0;
	s7 =	sand.u32 $0x2380, s9;
	s8 =	sand.u32 $0x70, s8;
	v5 =	vor.u32 s0, v5  }
0x3c5: {  	s0 =	smov.u32 s9;
	s7 =	sor.u32 s8, s7;
	[tilespmem:v4+s1+$0x0] =	vst.idx.msk vm1, v5;
	s8 =	smov.u32 s6  }
0x3c6: {  	v4 =	vld [tilespmem:s7+$0x0];
	_ =	sdelay $0x4  }
0x3c7: {  	v4 =	vshll.u32 v4, $0x4  }
0x3c8: {  	v4 =	vor.u32 v2, v4  }
0x3c9: {  	v5 =	vxor.u32 $0x80000000, v4  }
0x3ca: {  	(xrf1) =	vsort.ascd.msk.u32 $0xffff, v5, v4;
	_ =	sdelay $0xd  }
0x3cb: {  	v5, _, _ =	vpop (xrf1)  }
0x3cc: {  	v4 =	vshra.s32 v5, $0x4  }
0x3cd: {  	v6 =	vxor.u32 $0xF8000000, v4  }
0x3ce: {  	v7 =	vperm.xlane v6, v3;
	_ =	sdelay $0x1  }
0x3cf: {  	v4 =	vsub.s32 v6, v0;
	vm1 =	vne.s32 v6, v7  }
0x3d0: {  	vm2 =	vlt.u32 v4, $0xF428;
	vm1 =	vmor vm1, vm0  }
.Ltmp26:
0x3d1: {  	vm1 =	vmand vm2, vm1;
	(pc) =	sbr.rel @p0 .LBB2_52-.Ltmp26, $2  }
0x3d2: {  	_ =	sdelay $0x2  }
0x3d3: {  	s6 =	sadd.s32 $0x10, s6;
	s9 =	sadd.s32 $0x2000, s8;
	v5 =	vand.u32 $0xF, v5  }
0x3d4: {  	_ =	sdelay $0x3  }
0x3d5: {  	s6 =	sand.u32 $0x2380, s9;
	s7 =	sand.u32 $0x70, s8;
	v5 =	vor.u32 s0, v5  }
0x3d6: {  	s31 =	sor.u32 s7, s6;
	[tilespmem:v4+s1+$0x0] =	vst.idx.msk vm1, v5  }
0x3d7: {  	v4 =	vld [tilespmem:s31+$0x0];
	_ =	sdelay $0x4  }
0x3d8: {  	v4 =	vshll.u32 v4, $0x4  }
0x3d9: {  	v2 =	vor.u32 v2, v4  }
0x3da: {  	v4 =	vxor.u32 $0x80000000, v2  }
0x3db: {  	(xrf1) =	vsort.ascd.msk.u32 $0xffff, v4, v2;
	_ =	sdelay $0xd  }
0x3dc: {  	v2, _, _ =	vpop (xrf1)  }
0x3dd: {  	v62 =	vshra.s32 v2, $0x4  }
0x3de: {  	v4 =	vxor.u32 $0xF8000000, v62  }
0x3df: {  	v3 =	vperm.xlane v4, v3;
	_ =	sdelay $0x1  }
0x3e0: {  	v63 =	vsub.s32 v4, v0;
	vm15 =	vne.s32 v4, v3  }
0x3e1: {  	vm2 =	vlt.u32 v63, $0xF428;
	vm0 =	vmor vm15, vm0  }
0x3e2: {  	vm0 =	vmand vm2, vm0;
	_ =	sdelay $0x3  }
0x3e3: {  	v2 =	vand.u32 $0xF, v2  }
0x3e4: {  	v2 =	vor.u32 s9, v2  }
0x3e5: {  	[tilespmem:v63+s1+$0x0] =	vst.idx.msk vm0, v2  }
.LBB2_54:
0x3e6: {  	s0 =	simm.s32 $0x5  }
0x3e7: {  	_ =	swait.ge [sflag:s0], $0x2000  }
0x3e8: {  	s22 =	simm.s32 $0x0;
	[sflag:s0] =	ssyncset.done $0x0  }
0x3e9: {  	s1 =	simm.s32 $0x1BC80;
	s23 =	simm.s32 $0x7;
	[sflag:s0] =	ssyncadd.s32 $0xFFFFE000  }
0x3ea: {  	[hbm4b:s30+s22] =	stream.linear.scatter [tilespmem:s1], [sflag:$0x8], $0x2000, $0x200038;
	[tilespmem:$0x1E080] =	vst v63  }
0x3eb: {  	s6 =	simm.s32 $0x2400;
	_ =	swait.ge [sflag:s23], $0x2000  }
0x3ec: {  	s0 =	sand.u32 $0x70, s22;
	s30 =	sand.u32 $0x2780, s6;
	[sflag:s23] =	ssyncset.done $0x0  }
0x3ed: {  	s29 =	simm.s32 $0x19C80;
	s0 =	sor.u32 s0, s30;
	[sflag:s23] =	ssyncadd.s32 $0xFFFFE000  }
0x3ee: {  	[tilespmem:s29], [sflag:$0x4] =	stream.linear.gather [hbm4b:s26+s22], $0x2000, $0x200038;
	[tilespmem:$0x1E080] =	vst v63  }
0x3ef: {  	v2 =	vld [tilespmem:s0+$0x0];
	_ =	sdelay $0x4  }
0x3f0: {  	v3 =	vsub.s32 v2, v0  }
0x3f1: {  	vm0 =	vlt.u32 v3, $0xF428;
	_ =	sdelay $0x3  }
0x3f2: {  	s7 =	simm.s32 $0x10;
	s1 =	simm.s32 $0x2410;
	v2 =	vlaneseq.u32  }
0x3f3: {  	s7 =	sand.u32 $0x70, s7;
	s8 =	sand.u32 $0x2780, s1;
	s0 =	simm.s32 $0x8000;
	v5 =	vor.u32 s6, v2  }
0x3f4: {  	s31 =	sor.u32 s7, s8;
	[tilespmem:v3+s0+$0x0] =	vst.idx.msk vm0, v5  }
0x3f5: {  	v4 =	vld [tilespmem:s31+$0x0];
	_ =	sdelay $0x1  }
0x3f6: {  	v3 =	vld.idx.msk [tilespmem:v3+s0+$0x0], vm0;
	_ =	sdelay $0x2  }
0x3f7: {  	v4 =	vsub.s32 v4, v0  }
0x3f8: {  	vm1 =	vlt.u32 v4, $0xF428  }
0x3f9: {  	vm2 =	vmmov vm0;
	vm0 =	vne.s32 v3, v5  }
0x3fa: {  	vm2 =	vmand vm2, vm0;
	vm0 =	vmmov vm1  }
0x3fb: {  	v5 =	vmpcnt.ones.xlane vm2  }
0x3fc: {  	s9 =	simm.s32 $0x2420;
	s8 =	simm.s32 $0x20;
	s6 =	simm.s32 $0x30;
	v3 =	vimm.s32 $0x0  }
.LBB2_55:
0x3fd: {  	p0 =	sne.s32 s6, $0x3F0;
	s7 =	sand.u32 $0x2780, s9;
	s8 =	sand.u32 $0x70, s8;
	v6 =	vor.u32 s1, v2;
	v3 =	vadd.s32 v3, v5  }
0x3fe: {  	s1 =	smov.u32 s9;
	s7 =	sor.u32 s8, s7;
	[tilespmem:v4+s0+$0x0] =	vst.idx.msk vm1, v6;
	s8 =	smov.u32 s6  }
0x3ff: {  	v5 =	vld [tilespmem:s7+$0x0]  }
0x400: {  	v7 =	vld.idx.msk [tilespmem:v4+s0+$0x0], vm0;
	_ =	sdelay $0x3  }
0x401: {  	v4 =	vsub.s32 v5, v0  }
.Ltmp27:
0x402: {  	vm1 =	vlt.u32 v4, $0xF428;
	(pc) =	sbr.rel @p0 .LBB2_55-.Ltmp27, $4  }
0x403: {  	vm2 =	vne.s32 v7, v6  }
0x404: {  	vm2 =	vmand vm0, vm2;
	vm0 =	vmmov vm1  }
0x405: {  	v5 =	vmpcnt.ones.xlane vm2  }
0x406: {  	s6 =	sadd.s32 $0x10, s6;
	s9 =	sadd.s32 $0x2400, s8  }
0x407: {  	_ =	sdelay $0x3  }
0x408: {  	s6 =	sand.u32 $0x2780, s9;
	s7 =	sand.u32 $0x70, s8;
	v6 =	vor.u32 s1, v2  }
0x409: {  	s30 =	sor.u32 s7, s6;
	[tilespmem:v4+s0+$0x0] =	vst.idx.msk vm1, v6  }
0x40a: {  	v7 =	vld [tilespmem:s30+$0x0];
	_ =	sdelay $0x4  }
0x40b: {  	v7 =	vsub.s32 v7, v0  }
0x40c: {  	vm10 =	vlt.u32 v7, $0xF428;
	_ =	sdelay $0x4  }
0x40d: {  	v2 =	vor.u32 s9, v2  }
0x40e: {  	v4 =	vld.idx.msk [tilespmem:v4+s0+$0x0], vm0;
	[tilespmem:v7+s0+$0x0] =	vst.idx.msk vm10, v2  }
0x40f: {  	v7 =	vld.idx.msk [tilespmem:v7+s0+$0x0], vm10;
	_ =	sdelay $0x3  }
0x410: {  	vm11 =	vne.s32 v4, v6  }
0x411: {  	vm12 =	vmand vm0, vm11;
	vm2 =	vmmov vm10;
	vm13 =	vne.s32 v7, v2  }
0x412: {  	v2 =	vmpcnt.ones.xlane vm12;
	vm14 =	vmand vm2, vm13  }
0x413: {  	v3 =	vadd.s32 v3, v5;
	v63 =	vmpcnt.ones.xlane vm14  }
0x414: {  	v2 =	vadd.s32 v3, v2  }
0x415: {  	v2 =	vadd.s32 v2, v63  }
0x416: {  	vm15 =	vgt.s32 v2, $0x0;
	v2 =	vimm.f32 $0.0e+00  }
0x417: {  	v2 =	vsel vm15, $0x3F800000, v2  }
0x418: {  	(xrf0) =	vmax.scan.msk.f32 $0xffff, v2;
	_ =	sdelay $0x5  }
0x419: {  	v2, _, _ =	vpop (xrf0)  }
0x41a: {  	(v2sf) =	vpush v2, $0xF;
	_ =	sdelay $0xe  }
0x41b: {  	s31 =	spop (v2sf)  }
0x41c: {  	p0 =	sgt.f32 s31, $0.0e+00  }
.Ltmp28:
0x41d: {  	_ = 	snop;
	(pc) =	sbr.rel @!p0 .LBB2_60-.Ltmp28, $1  }
0x41e: {  	_ =	sdelay $0x3  }
0x41f: {  	s1 =	simm.s32 $0x0;
	s0 =	simm.s32 $0x2400  }
0x420: {  	s6 =	sand.u32 $0x2780, s0;
	s1 =	sand.u32 $0x70, s1  }
0x421: {  	s1 =	sor.u32 s1, s6  }
0x422: {  	v3 =	vld [tilespmem:s1+$0x0];
	_ =	sdelay $0x4  }
0x423: {  	v2 =	vlaneseq.u32;
	v3 =	vshll.u32 v3, $0x4  }
0x424: {  	v3 =	vor.u32 v2, v3  }
0x425: {  	v4 =	vxor.u32 $0x80000000, v3  }
0x426: {  	(xrf1) =	vsort.ascd.msk.u32 $0xffff, v4, v3;
	_ =	sdelay $0x9  }
0x427: {  	v3 =	vimm.s32 $0xFFEDCBA9;
	v4 =	vimm.s32 $0x87654321  }
0x428: {  	v3 =	vunpack.c.l.s4.s8 v3;
	v4 =	vunpack.c.l.s4.s8 v4;
	_ =	sdelay $0x1  }
0x429: {  	v3 =	vunpack.c.0.s8.s32 v3;
	v4 =	vunpack.c.0.s8.s32 v4  }
0x42a: {  	v5, _, _ =	vpop (xrf1)  }
0x42b: {  	v3 =	vcombine.low v4, v3;
	v4 =	vshra.s32 v5, $0x4  }
0x42c: {  	v6 =	vxor.u32 $0xF8000000, v4  }
0x42d: {  	v7 =	vperm.xlane v6, v3;
	_ =	sdelay $0x1  }
0x42e: {  	vm0 =	vcmask $0x3F3C;
	v4 =	vsub.s32 v6, v0;
	vm1 =	vne.s32 v6, v7  }
0x42f: {  	vm2 =	vlt.u32 v4, $0xF428;
	vm1 =	vmor vm1, vm0  }
0x430: {  	vm1 =	vmand vm2, vm1;
	_ =	sdelay $0x2  }
0x431: {  	s8 =	simm.s32 $0x10  }
0x432: {  	s9 =	simm.s32 $0x2410;
	s6 =	simm.s32 $0x20;
	s1 =	simm.s32 $0x8000;
	v5 =	vand.u32 $0xF, v5  }
.LBB2_58:
0x433: {  	p0 =	sne.s32 s6, $0x3F0;
	s7 =	sand.u32 $0x2780, s9;
	s8 =	sand.u32 $0x70, s8;
	v5 =	vor.u32 s0, v5  }
0x434: {  	s0 =	smov.u32 s9;
	s7 =	sor.u32 s8, s7;
	[tilespmem:v4+s1+$0x0] =	vst.idx.msk vm1, v5;
	s8 =	smov.u32 s6  }
0x435: {  	v4 =	vld [tilespmem:s7+$0x0];
	_ =	sdelay $0x4  }
0x436: {  	v4 =	vshll.u32 v4, $0x4  }
0x437: {  	v4 =	vor.u32 v2, v4  }
0x438: {  	v5 =	vxor.u32 $0x80000000, v4  }
0x439: {  	(xrf1) =	vsort.ascd.msk.u32 $0xffff, v5, v4;
	_ =	sdelay $0xd  }
0x43a: {  	v5, _, _ =	vpop (xrf1)  }
0x43b: {  	v4 =	vshra.s32 v5, $0x4  }
0x43c: {  	v6 =	vxor.u32 $0xF8000000, v4  }
0x43d: {  	v7 =	vperm.xlane v6, v3;
	_ =	sdelay $0x1  }
0x43e: {  	v4 =	vsub.s32 v6, v0;
	vm1 =	vne.s32 v6, v7  }
0x43f: {  	vm2 =	vlt.u32 v4, $0xF428;
	vm1 =	vmor vm1, vm0  }
.Ltmp29:
0x440: {  	vm1 =	vmand vm2, vm1;
	(pc) =	sbr.rel @p0 .LBB2_58-.Ltmp29, $2  }
0x441: {  	_ =	sdelay $0x2  }
0x442: {  	s6 =	sadd.s32 $0x10, s6;
	s9 =	sadd.s32 $0x2400, s8;
	v5 =	vand.u32 $0xF, v5  }
0x443: {  	_ =	sdelay $0x3  }
0x444: {  	s6 =	sand.u32 $0x2780, s9;
	s7 =	sand.u32 $0x70, s8;
	v5 =	vor.u32 s0, v5  }
0x445: {  	s31 =	sor.u32 s7, s6;
	[tilespmem:v4+s1+$0x0] =	vst.idx.msk vm1, v5  }
0x446: {  	v4 =	vld [tilespmem:s31+$0x0];
	_ =	sdelay $0x4  }
0x447: {  	v4 =	vshll.u32 v4, $0x4  }
0x448: {  	v2 =	vor.u32 v2, v4  }
0x449: {  	v4 =	vxor.u32 $0x80000000, v2  }
0x44a: {  	(xrf1) =	vsort.ascd.msk.u32 $0xffff, v4, v2;
	_ =	sdelay $0xd  }
0x44b: {  	v2, _, _ =	vpop (xrf1)  }
0x44c: {  	v62 =	vshra.s32 v2, $0x4  }
0x44d: {  	v4 =	vxor.u32 $0xF8000000, v62  }
0x44e: {  	v3 =	vperm.xlane v4, v3;
	_ =	sdelay $0x1  }
0x44f: {  	v63 =	vsub.s32 v4, v0;
	vm15 =	vne.s32 v4, v3  }
0x450: {  	vm2 =	vlt.u32 v63, $0xF428;
	vm0 =	vmor vm15, vm0  }
0x451: {  	vm0 =	vmand vm2, vm0;
	_ =	sdelay $0x3  }
0x452: {  	v2 =	vand.u32 $0xF, v2  }
0x453: {  	v2 =	vor.u32 s9, v2  }
0x454: {  	[tilespmem:v63+s1+$0x0] =	vst.idx.msk vm0, v2  }
.LBB2_60:
0x455: {  	s0 =	simm.s32 $0x3  }
0x456: {  	_ =	swait.ge [sflag:s0], $0x2000  }
0x457: {  	s23 =	simm.s32 $0x0;
	[sflag:s0] =	ssyncset.done $0x0  }
0x458: {  	s1 =	simm.s32 $0x17C80;
	s26 =	simm.s32 $0x8;
	[sflag:s0] =	ssyncadd.s32 $0xFFFFE000  }
0x459: {  	[hbm4b:s24+s23] =	stream.linear.scatter [tilespmem:s1], [sflag:$0x6], $0x2000, $0x200038;
	[tilespmem:$0x1E080] =	vst v63  }
0x45a: {  	s6 =	simm.s32 $0x2800;
	_ =	swait.ge [sflag:s26], $0x2000  }
0x45b: {  	s30 =	sand.u32 $0x2B80, s6;
	s0 =	sand.u32 $0x70, s23;
	[sflag:s26] =	ssyncset.done $0x0  }
0x45c: {  	s29 =	simm.s32 $0x1BC80;
	s0 =	sor.u32 s0, s30;
	[sflag:s26] =	ssyncadd.s32 $0xFFFFE000  }
0x45d: {  	[tilespmem:s29], [sflag:$0x5] =	stream.linear.gather [hbm4b:s25+s23], $0x2000, $0x200038;
	[tilespmem:$0x1E080] =	vst v63  }
0x45e: {  	v2 =	vld [tilespmem:s0+$0x0];
	_ =	sdelay $0x4  }
0x45f: {  	v3 =	vsub.s32 v2, v0  }
0x460: {  	vm0 =	vlt.u32 v3, $0xF428;
	_ =	sdelay $0x3  }
0x461: {  	s7 =	simm.s32 $0x10;
	s1 =	simm.s32 $0x2810;
	v2 =	vlaneseq.u32  }
0x462: {  	s7 =	sand.u32 $0x70, s7;
	s8 =	sand.u32 $0x2B80, s1;
	s0 =	simm.s32 $0x8000;
	v5 =	vor.u32 s6, v2  }
0x463: {  	s31 =	sor.u32 s7, s8;
	[tilespmem:v3+s0+$0x0] =	vst.idx.msk vm0, v5  }
0x464: {  	v4 =	vld [tilespmem:s31+$0x0];
	_ =	sdelay $0x1  }
0x465: {  	v3 =	vld.idx.msk [tilespmem:v3+s0+$0x0], vm0;
	_ =	sdelay $0x2  }
0x466: {  	v4 =	vsub.s32 v4, v0  }
0x467: {  	vm1 =	vlt.u32 v4, $0xF428  }
0x468: {  	vm2 =	vmmov vm0;
	vm0 =	vne.s32 v3, v5  }
0x469: {  	vm2 =	vmand vm2, vm0;
	vm0 =	vmmov vm1  }
0x46a: {  	v5 =	vmpcnt.ones.xlane vm2  }
0x46b: {  	s9 =	simm.s32 $0x2820;
	s8 =	simm.s32 $0x20;
	s6 =	simm.s32 $0x30;
	v3 =	vimm.s32 $0x0  }
.LBB2_61:
0x46c: {  	p0 =	sne.s32 s6, $0x3F0;
	s7 =	sand.u32 $0x2B80, s9;
	s8 =	sand.u32 $0x70, s8;
	v6 =	vor.u32 s1, v2;
	v3 =	vadd.s32 v3, v5  }
0x46d: {  	s1 =	smov.u32 s9;
	s7 =	sor.u32 s8, s7;
	[tilespmem:v4+s0+$0x0] =	vst.idx.msk vm1, v6;
	s8 =	smov.u32 s6  }
0x46e: {  	v5 =	vld [tilespmem:s7+$0x0]  }
0x46f: {  	v7 =	vld.idx.msk [tilespmem:v4+s0+$0x0], vm0;
	_ =	sdelay $0x3  }
0x470: {  	v4 =	vsub.s32 v5, v0  }
.Ltmp30:
0x471: {  	vm1 =	vlt.u32 v4, $0xF428;
	(pc) =	sbr.rel @p0 .LBB2_61-.Ltmp30, $4  }
0x472: {  	vm2 =	vne.s32 v7, v6  }
0x473: {  	vm2 =	vmand vm0, vm2;
	vm0 =	vmmov vm1  }
0x474: {  	v5 =	vmpcnt.ones.xlane vm2  }
0x475: {  	s6 =	sadd.s32 $0x10, s6;
	s9 =	sadd.s32 $0x2800, s8  }
0x476: {  	_ =	sdelay $0x3  }
0x477: {  	s6 =	sand.u32 $0x2B80, s9;
	s7 =	sand.u32 $0x70, s8;
	v6 =	vor.u32 s1, v2  }
0x478: {  	s30 =	sor.u32 s7, s6;
	[tilespmem:v4+s0+$0x0] =	vst.idx.msk vm1, v6  }
0x479: {  	v7 =	vld [tilespmem:s30+$0x0];
	_ =	sdelay $0x4  }
0x47a: {  	v7 =	vsub.s32 v7, v0  }
0x47b: {  	vm10 =	vlt.u32 v7, $0xF428;
	_ =	sdelay $0x4  }
0x47c: {  	v2 =	vor.u32 s9, v2  }
0x47d: {  	v4 =	vld.idx.msk [tilespmem:v4+s0+$0x0], vm0;
	[tilespmem:v7+s0+$0x0] =	vst.idx.msk vm10, v2  }
0x47e: {  	v7 =	vld.idx.msk [tilespmem:v7+s0+$0x0], vm10;
	_ =	sdelay $0x3  }
0x47f: {  	vm11 =	vne.s32 v4, v6  }
0x480: {  	vm12 =	vmand vm0, vm11;
	vm2 =	vmmov vm10;
	vm13 =	vne.s32 v7, v2  }
0x481: {  	v2 =	vmpcnt.ones.xlane vm12;
	vm14 =	vmand vm2, vm13  }
0x482: {  	v3 =	vadd.s32 v3, v5;
	v63 =	vmpcnt.ones.xlane vm14  }
0x483: {  	v2 =	vadd.s32 v3, v2  }
0x484: {  	v2 =	vadd.s32 v2, v63  }
0x485: {  	vm15 =	vgt.s32 v2, $0x0;
	v2 =	vimm.f32 $0.0e+00  }
0x486: {  	v2 =	vsel vm15, $0x3F800000, v2  }
0x487: {  	(xrf0) =	vmax.scan.msk.f32 $0xffff, v2;
	_ =	sdelay $0x5  }
0x488: {  	v2, _, _ =	vpop (xrf0)  }
0x489: {  	(v2sf) =	vpush v2, $0xF;
	_ =	sdelay $0xe  }
0x48a: {  	s31 =	spop (v2sf)  }
0x48b: {  	p0 =	sgt.f32 s31, $0.0e+00  }
.Ltmp31:
0x48c: {  	_ = 	snop;
	(pc) =	sbr.rel @!p0 .LBB2_66-.Ltmp31, $1  }
0x48d: {  	_ =	sdelay $0x3  }
0x48e: {  	s1 =	simm.s32 $0x0;
	s0 =	simm.s32 $0x2800  }
0x48f: {  	s6 =	sand.u32 $0x2B80, s0;
	s1 =	sand.u32 $0x70, s1  }
0x490: {  	s1 =	sor.u32 s1, s6  }
0x491: {  	v3 =	vld [tilespmem:s1+$0x0];
	_ =	sdelay $0x4  }
0x492: {  	v2 =	vlaneseq.u32;
	v3 =	vshll.u32 v3, $0x4  }
0x493: {  	v3 =	vor.u32 v2, v3  }
0x494: {  	v4 =	vxor.u32 $0x80000000, v3  }
0x495: {  	(xrf1) =	vsort.ascd.msk.u32 $0xffff, v4, v3;
	_ =	sdelay $0x9  }
0x496: {  	v3 =	vimm.s32 $0xFFEDCBA9;
	v4 =	vimm.s32 $0x87654321  }
0x497: {  	v3 =	vunpack.c.l.s4.s8 v3;
	v4 =	vunpack.c.l.s4.s8 v4;
	_ =	sdelay $0x1  }
0x498: {  	v3 =	vunpack.c.0.s8.s32 v3;
	v4 =	vunpack.c.0.s8.s32 v4  }
0x499: {  	v5, _, _ =	vpop (xrf1)  }
0x49a: {  	v3 =	vcombine.low v4, v3;
	v4 =	vshra.s32 v5, $0x4  }
0x49b: {  	v6 =	vxor.u32 $0xF8000000, v4  }
0x49c: {  	v7 =	vperm.xlane v6, v3;
	_ =	sdelay $0x1  }
0x49d: {  	vm0 =	vcmask $0x3F3C;
	v4 =	vsub.s32 v6, v0;
	vm1 =	vne.s32 v6, v7  }
0x49e: {  	vm2 =	vlt.u32 v4, $0xF428;
	vm1 =	vmor vm1, vm0  }
0x49f: {  	vm1 =	vmand vm2, vm1;
	_ =	sdelay $0x2  }
0x4a0: {  	s8 =	simm.s32 $0x10  }
0x4a1: {  	s9 =	simm.s32 $0x2810;
	s6 =	simm.s32 $0x20;
	s1 =	simm.s32 $0x8000;
	v5 =	vand.u32 $0xF, v5  }
.LBB2_64:
0x4a2: {  	p0 =	sne.s32 s6, $0x3F0;
	s7 =	sand.u32 $0x2B80, s9;
	s8 =	sand.u32 $0x70, s8;
	v5 =	vor.u32 s0, v5  }
0x4a3: {  	s0 =	smov.u32 s9;
	s7 =	sor.u32 s8, s7;
	[tilespmem:v4+s1+$0x0] =	vst.idx.msk vm1, v5;
	s8 =	smov.u32 s6  }
0x4a4: {  	v4 =	vld [tilespmem:s7+$0x0];
	_ =	sdelay $0x4  }
0x4a5: {  	v4 =	vshll.u32 v4, $0x4  }
0x4a6: {  	v4 =	vor.u32 v2, v4  }
0x4a7: {  	v5 =	vxor.u32 $0x80000000, v4  }
0x4a8: {  	(xrf1) =	vsort.ascd.msk.u32 $0xffff, v5, v4;
	_ =	sdelay $0xd  }
0x4a9: {  	v5, _, _ =	vpop (xrf1)  }
0x4aa: {  	v4 =	vshra.s32 v5, $0x4  }
0x4ab: {  	v6 =	vxor.u32 $0xF8000000, v4  }
0x4ac: {  	v7 =	vperm.xlane v6, v3;
	_ =	sdelay $0x1  }
0x4ad: {  	v4 =	vsub.s32 v6, v0;
	vm1 =	vne.s32 v6, v7  }
0x4ae: {  	vm2 =	vlt.u32 v4, $0xF428;
	vm1 =	vmor vm1, vm0  }
.Ltmp32:
0x4af: {  	vm1 =	vmand vm2, vm1;
	(pc) =	sbr.rel @p0 .LBB2_64-.Ltmp32, $2  }
0x4b0: {  	_ =	sdelay $0x2  }
0x4b1: {  	s6 =	sadd.s32 $0x10, s6;
	s9 =	sadd.s32 $0x2800, s8;
	v5 =	vand.u32 $0xF, v5  }
0x4b2: {  	_ =	sdelay $0x3  }
0x4b3: {  	s6 =	sand.u32 $0x2B80, s9;
	s7 =	sand.u32 $0x70, s8;
	v5 =	vor.u32 s0, v5  }
0x4b4: {  	s31 =	sor.u32 s7, s6;
	[tilespmem:v4+s1+$0x0] =	vst.idx.msk vm1, v5  }
0x4b5: {  	v4 =	vld [tilespmem:s31+$0x0];
	_ =	sdelay $0x4  }
0x4b6: {  	v4 =	vshll.u32 v4, $0x4  }
0x4b7: {  	v2 =	vor.u32 v2, v4  }
0x4b8: {  	v4 =	vxor.u32 $0x80000000, v2  }
0x4b9: {  	(xrf1) =	vsort.ascd.msk.u32 $0xffff, v4, v2;
	_ =	sdelay $0xd  }
0x4ba: {  	v2, _, _ =	vpop (xrf1)  }
0x4bb: {  	v62 =	vshra.s32 v2, $0x4  }
0x4bc: {  	v4 =	vxor.u32 $0xF8000000, v62  }
0x4bd: {  	v3 =	vperm.xlane v4, v3;
	_ =	sdelay $0x1  }
0x4be: {  	v63 =	vsub.s32 v4, v0;
	vm15 =	vne.s32 v4, v3  }
0x4bf: {  	vm2 =	vlt.u32 v63, $0xF428;
	vm0 =	vmor vm15, vm0  }
0x4c0: {  	vm0 =	vmand vm2, vm0;
	_ =	sdelay $0x3  }
0x4c1: {  	v2 =	vand.u32 $0xF, v2  }
0x4c2: {  	v2 =	vor.u32 s9, v2  }
0x4c3: {  	[tilespmem:v63+s1+$0x0] =	vst.idx.msk vm0, v2  }
.LBB2_66:
0x4c4: {  	s0 =	simm.s32 $0x4  }
0x4c5: {  	_ =	swait.ge [sflag:s0], $0x2000  }
0x4c6: {  	s24 =	simm.s32 $0x0;
	s1 =	simm.s32 $0x19C80;
	[sflag:s0] =	ssyncset.done $0x0  }
0x4c7: {  	s25 =	simm.s32 $0x6;
	s6 =	rddreg [dreg:$0x16];
	[sflag:s0] =	ssyncadd.s32 $0xFFFFE000  }
0x4c8: {  	[hbm4b:s6+s24] =	stream.linear.scatter [tilespmem:s1], [sflag:$0x7], $0x2000, $0x200038;
	[tilespmem:$0x1E080] =	vst v63  }
0x4c9: {  	s29 =	simm.s32 $0x2C00;
	_ =	swait.ge [sflag:s25], $0x2000  }
0x4ca: {  	s30 =	sand.u32 $0x2F80, s29;
	s0 =	sand.u32 $0x70, s24;
	[sflag:s25] =	ssyncset.done $0x0  }
0x4cb: {  	s26 =	simm.s32 $0x17C80;
	s0 =	sor.u32 s0, s30;
	[sflag:s25] =	ssyncadd.s32 $0xFFFFE000  }
0x4cc: {  	[tilespmem:s26], [sflag:$0x3] =	stream.linear.gather [hbm4b:s12+s24], $0x2000, $0x200038;
	[tilespmem:$0x1E080] =	vst v63  }
0x4cd: {  	v2 =	vld [tilespmem:s0+$0x0];
	_ =	sdelay $0x4  }
0x4ce: {  	v3 =	vsub.s32 v2, v0  }
0x4cf: {  	vm0 =	vlt.u32 v3, $0xF428;
	_ =	sdelay $0x3  }
0x4d0: {  	s7 =	simm.s32 $0x10;
	s1 =	simm.s32 $0x2C10;
	v2 =	vlaneseq.u32  }
0x4d1: {  	s7 =	sand.u32 $0x70, s7;
	s8 =	sand.u32 $0x2F80, s1;
	s0 =	simm.s32 $0x8000;
	v5 =	vor.u32 s29, v2  }
0x4d2: {  	s31 =	sor.u32 s7, s8;
	[tilespmem:v3+s0+$0x0] =	vst.idx.msk vm0, v5  }
0x4d3: {  	v4 =	vld [tilespmem:s31+$0x0];
	_ =	sdelay $0x1  }
0x4d4: {  	v3 =	vld.idx.msk [tilespmem:v3+s0+$0x0], vm0;
	_ =	sdelay $0x2  }
0x4d5: {  	v4 =	vsub.s32 v4, v0  }
0x4d6: {  	vm1 =	vlt.u32 v4, $0xF428  }
0x4d7: {  	vm2 =	vmmov vm0;
	vm0 =	vne.s32 v3, v5  }
0x4d8: {  	vm2 =	vmand vm2, vm0;
	vm0 =	vmmov vm1  }
0x4d9: {  	v5 =	vmpcnt.ones.xlane vm2  }
0x4da: {  	s9 =	simm.s32 $0x2C20;
	s6 =	simm.s32 $0x30;
	s8 =	simm.s32 $0x20;
	v3 =	vimm.s32 $0x0  }
.LBB2_67:
0x4db: {  	p0 =	sne.s32 s6, $0x3F0;
	s7 =	sand.u32 $0x2F80, s9;
	s8 =	sand.u32 $0x70, s8;
	v6 =	vor.u32 s1, v2;
	v3 =	vadd.s32 v3, v5  }
0x4dc: {  	s1 =	smov.u32 s9;
	s7 =	sor.u32 s8, s7;
	[tilespmem:v4+s0+$0x0] =	vst.idx.msk vm1, v6;
	s8 =	smov.u32 s6  }
0x4dd: {  	v5 =	vld [tilespmem:s7+$0x0]  }
0x4de: {  	v7 =	vld.idx.msk [tilespmem:v4+s0+$0x0], vm0;
	_ =	sdelay $0x3  }
0x4df: {  	v4 =	vsub.s32 v5, v0  }
.Ltmp33:
0x4e0: {  	vm1 =	vlt.u32 v4, $0xF428;
	(pc) =	sbr.rel @p0 .LBB2_67-.Ltmp33, $4  }
0x4e1: {  	vm2 =	vne.s32 v7, v6  }
0x4e2: {  	vm2 =	vmand vm0, vm2;
	vm0 =	vmmov vm1  }
0x4e3: {  	v5 =	vmpcnt.ones.xlane vm2  }
0x4e4: {  	s6 =	sadd.s32 $0x10, s6;
	s9 =	sadd.s32 $0x2C00, s8  }
0x4e5: {  	_ =	sdelay $0x3  }
0x4e6: {  	s6 =	sand.u32 $0x2F80, s9;
	s7 =	sand.u32 $0x70, s8;
	v6 =	vor.u32 s1, v2  }
0x4e7: {  	s30 =	sor.u32 s7, s6;
	[tilespmem:v4+s0+$0x0] =	vst.idx.msk vm1, v6  }
0x4e8: {  	v7 =	vld [tilespmem:s30+$0x0];
	_ =	sdelay $0x4  }
0x4e9: {  	v7 =	vsub.s32 v7, v0  }
0x4ea: {  	vm10 =	vlt.u32 v7, $0xF428;
	_ =	sdelay $0x4  }
0x4eb: {  	v2 =	vor.u32 s9, v2  }
0x4ec: {  	v4 =	vld.idx.msk [tilespmem:v4+s0+$0x0], vm0;
	[tilespmem:v7+s0+$0x0] =	vst.idx.msk vm10, v2  }
0x4ed: {  	v7 =	vld.idx.msk [tilespmem:v7+s0+$0x0], vm10;
	_ =	sdelay $0x3  }
0x4ee: {  	vm11 =	vne.s32 v4, v6  }
0x4ef: {  	vm12 =	vmand vm0, vm11;
	vm2 =	vmmov vm10;
	vm13 =	vne.s32 v7, v2  }
0x4f0: {  	v2 =	vmpcnt.ones.xlane vm12;
	vm14 =	vmand vm2, vm13  }
0x4f1: {  	v3 =	vadd.s32 v3, v5;
	v63 =	vmpcnt.ones.xlane vm14  }
0x4f2: {  	v2 =	vadd.s32 v3, v2  }
0x4f3: {  	v2 =	vadd.s32 v2, v63  }
0x4f4: {  	vm15 =	vgt.s32 v2, $0x0;
	v2 =	vimm.f32 $0.0e+00  }
0x4f5: {  	v2 =	vsel vm15, $0x3F800000, v2  }
0x4f6: {  	(xrf0) =	vmax.scan.msk.f32 $0xffff, v2;
	_ =	sdelay $0x5  }
0x4f7: {  	v2, _, _ =	vpop (xrf0)  }
0x4f8: {  	(v2sf) =	vpush v2, $0xF;
	_ =	sdelay $0xe  }
0x4f9: {  	s31 =	spop (v2sf)  }
0x4fa: {  	p0 =	sgt.f32 s31, $0.0e+00  }
.Ltmp34:
0x4fb: {  	_ = 	snop;
	(pc) =	sbr.rel @!p0 .LBB2_72-.Ltmp34, $1  }
0x4fc: {  	_ =	sdelay $0x3  }
0x4fd: {  	s1 =	simm.s32 $0x0;
	s0 =	simm.s32 $0x2C00  }
0x4fe: {  	s6 =	sand.u32 $0x2F80, s0;
	s1 =	sand.u32 $0x70, s1  }
0x4ff: {  	s1 =	sor.u32 s1, s6  }
0x500: {  	v3 =	vld [tilespmem:s1+$0x0];
	_ =	sdelay $0x4  }
0x501: {  	v2 =	vlaneseq.u32;
	v3 =	vshll.u32 v3, $0x4  }
0x502: {  	v3 =	vor.u32 v2, v3  }
0x503: {  	v4 =	vxor.u32 $0x80000000, v3  }
0x504: {  	(xrf1) =	vsort.ascd.msk.u32 $0xffff, v4, v3;
	_ =	sdelay $0x9  }
0x505: {  	v3 =	vimm.s32 $0xFFEDCBA9;
	v4 =	vimm.s32 $0x87654321  }
0x506: {  	v3 =	vunpack.c.l.s4.s8 v3;
	v4 =	vunpack.c.l.s4.s8 v4;
	_ =	sdelay $0x1  }
0x507: {  	v3 =	vunpack.c.0.s8.s32 v3;
	v4 =	vunpack.c.0.s8.s32 v4  }
0x508: {  	v5, _, _ =	vpop (xrf1)  }
0x509: {  	v3 =	vcombine.low v4, v3;
	v4 =	vshra.s32 v5, $0x4  }
0x50a: {  	v6 =	vxor.u32 $0xF8000000, v4  }
0x50b: {  	v7 =	vperm.xlane v6, v3;
	_ =	sdelay $0x1  }
0x50c: {  	vm0 =	vcmask $0x3F3C;
	v4 =	vsub.s32 v6, v0;
	vm1 =	vne.s32 v6, v7  }
0x50d: {  	vm2 =	vlt.u32 v4, $0xF428;
	vm1 =	vmor vm1, vm0  }
0x50e: {  	vm1 =	vmand vm2, vm1;
	_ =	sdelay $0x2  }
0x50f: {  	s8 =	simm.s32 $0x10  }
0x510: {  	s9 =	simm.s32 $0x2C10;
	s6 =	simm.s32 $0x20;
	s1 =	simm.s32 $0x8000;
	v5 =	vand.u32 $0xF, v5  }
.LBB2_70:
0x511: {  	p0 =	sne.s32 s6, $0x3F0;
	s7 =	sand.u32 $0x2F80, s9;
	s8 =	sand.u32 $0x70, s8;
	v5 =	vor.u32 s0, v5  }
0x512: {  	s0 =	smov.u32 s9;
	s7 =	sor.u32 s8, s7;
	[tilespmem:v4+s1+$0x0] =	vst.idx.msk vm1, v5;
	s8 =	smov.u32 s6  }
0x513: {  	v4 =	vld [tilespmem:s7+$0x0];
	_ =	sdelay $0x4  }
0x514: {  	v4 =	vshll.u32 v4, $0x4  }
0x515: {  	v4 =	vor.u32 v2, v4  }
0x516: {  	v5 =	vxor.u32 $0x80000000, v4  }
0x517: {  	(xrf1) =	vsort.ascd.msk.u32 $0xffff, v5, v4;
	_ =	sdelay $0xd  }
0x518: {  	v5, _, _ =	vpop (xrf1)  }
0x519: {  	v4 =	vshra.s32 v5, $0x4  }
0x51a: {  	v6 =	vxor.u32 $0xF8000000, v4  }
0x51b: {  	v7 =	vperm.xlane v6, v3;
	_ =	sdelay $0x1  }
0x51c: {  	v4 =	vsub.s32 v6, v0;
	vm1 =	vne.s32 v6, v7  }
0x51d: {  	vm2 =	vlt.u32 v4, $0xF428;
	vm1 =	vmor vm1, vm0  }
.Ltmp35:
0x51e: {  	vm1 =	vmand vm2, vm1;
	(pc) =	sbr.rel @p0 .LBB2_70-.Ltmp35, $2  }
0x51f: {  	_ =	sdelay $0x2  }
0x520: {  	s6 =	sadd.s32 $0x10, s6;
	s9 =	sadd.s32 $0x2C00, s8;
	v5 =	vand.u32 $0xF, v5  }
0x521: {  	_ =	sdelay $0x3  }
0x522: {  	s6 =	sand.u32 $0x2F80, s9;
	s7 =	sand.u32 $0x70, s8;
	v5 =	vor.u32 s0, v5  }
0x523: {  	s31 =	sor.u32 s7, s6;
	[tilespmem:v4+s1+$0x0] =	vst.idx.msk vm1, v5  }
0x524: {  	v4 =	vld [tilespmem:s31+$0x0];
	_ =	sdelay $0x4  }
0x525: {  	v4 =	vshll.u32 v4, $0x4  }
0x526: {  	v2 =	vor.u32 v2, v4  }
0x527: {  	v4 =	vxor.u32 $0x80000000, v2  }
0x528: {  	(xrf1) =	vsort.ascd.msk.u32 $0xffff, v4, v2;
	_ =	sdelay $0xd  }
0x529: {  	v2, _, _ =	vpop (xrf1)  }
0x52a: {  	v62 =	vshra.s32 v2, $0x4  }
0x52b: {  	v4 =	vxor.u32 $0xF8000000, v62  }
0x52c: {  	v3 =	vperm.xlane v4, v3;
	_ =	sdelay $0x1  }
0x52d: {  	v63 =	vsub.s32 v4, v0;
	vm15 =	vne.s32 v4, v3  }
0x52e: {  	vm2 =	vlt.u32 v63, $0xF428;
	vm0 =	vmor vm15, vm0  }
0x52f: {  	vm0 =	vmand vm2, vm0;
	_ =	sdelay $0x3  }
0x530: {  	v2 =	vand.u32 $0xF, v2  }
0x531: {  	v2 =	vor.u32 s9, v2  }
0x532: {  	[tilespmem:v63+s1+$0x0] =	vst.idx.msk vm0, v2  }
.LBB2_72:
0x533: {  	s0 =	simm.s32 $0x5  }
0x534: {  	_ =	swait.ge [sflag:s0], $0x2000  }
0x535: {  	s23 =	simm.s32 $0x0;
	s1 =	simm.s32 $0x1BC80;
	[sflag:s0] =	ssyncset.done $0x0  }
0x536: {  	s24 =	simm.s32 $0x7;
	s6 =	rddreg [dreg:$0x15];
	[sflag:s0] =	ssyncadd.s32 $0xFFFFE000  }
0x537: {  	[hbm4b:s6+s23] =	stream.linear.scatter [tilespmem:s1], [sflag:$0x8], $0x2000, $0x200038;
	[tilespmem:$0x1E080] =	vst v63  }
0x538: {  	s25 =	simm.s32 $0x19C80;
	s29 =	simm.s32 $0x3000;
	_ =	swait.ge [sflag:s24], $0x2000  }
0x539: {  	s30 =	sand.u32 $0x3380, s29;
	s0 =	sand.u32 $0x70, s23;
	[sflag:s24] =	ssyncset.done $0x0  }
0x53a: {  	s0 =	sor.u32 s0, s30;
	s26 =	rddreg [dreg:$0x14];
	[sflag:s24] =	ssyncadd.s32 $0xFFFFE000  }
0x53b: {  	[tilespmem:s25], [sflag:$0x4] =	stream.linear.gather [hbm4b:s26+s23], $0x2000, $0x200038;
	[tilespmem:$0x1E080] =	vst v63  }
0x53c: {  	v2 =	vld [tilespmem:s0+$0x0];
	_ =	sdelay $0x4  }
0x53d: {  	v3 =	vsub.s32 v2, v0  }
0x53e: {  	vm0 =	vlt.u32 v3, $0xF428;
	_ =	sdelay $0x3  }
0x53f: {  	s7 =	simm.s32 $0x10;
	s1 =	simm.s32 $0x3010;
	v2 =	vlaneseq.u32  }
0x540: {  	s7 =	sand.u32 $0x70, s7;
	s8 =	sand.u32 $0x3380, s1;
	s0 =	simm.s32 $0x8000;
	v5 =	vor.u32 s29, v2  }
0x541: {  	s31 =	sor.u32 s7, s8;
	[tilespmem:v3+s0+$0x0] =	vst.idx.msk vm0, v5  }
0x542: {  	v4 =	vld [tilespmem:s31+$0x0];
	_ =	sdelay $0x1  }
0x543: {  	v3 =	vld.idx.msk [tilespmem:v3+s0+$0x0], vm0;
	_ =	sdelay $0x2  }
0x544: {  	v4 =	vsub.s32 v4, v0  }
0x545: {  	vm1 =	vlt.u32 v4, $0xF428  }
0x546: {  	vm2 =	vmmov vm0;
	vm0 =	vne.s32 v3, v5  }
0x547: {  	vm2 =	vmand vm2, vm0;
	vm0 =	vmmov vm1  }
0x548: {  	v5 =	vmpcnt.ones.xlane vm2  }
0x549: {  	s9 =	simm.s32 $0x3020;
	s6 =	simm.s32 $0x30;
	s8 =	simm.s32 $0x20;
	v3 =	vimm.s32 $0x0  }
.LBB2_73:
0x54a: {  	p0 =	sne.s32 s6, $0x3F0;
	s7 =	sand.u32 $0x3380, s9;
	s8 =	sand.u32 $0x70, s8;
	v6 =	vor.u32 s1, v2;
	v3 =	vadd.s32 v3, v5  }
0x54b: {  	s1 =	smov.u32 s9;
	s7 =	sor.u32 s8, s7;
	[tilespmem:v4+s0+$0x0] =	vst.idx.msk vm1, v6;
	s8 =	smov.u32 s6  }
0x54c: {  	v5 =	vld [tilespmem:s7+$0x0]  }
0x54d: {  	v7 =	vld.idx.msk [tilespmem:v4+s0+$0x0], vm0;
	_ =	sdelay $0x3  }
0x54e: {  	v4 =	vsub.s32 v5, v0  }
.Ltmp36:
0x54f: {  	vm1 =	vlt.u32 v4, $0xF428;
	(pc) =	sbr.rel @p0 .LBB2_73-.Ltmp36, $4  }
0x550: {  	vm2 =	vne.s32 v7, v6  }
0x551: {  	vm2 =	vmand vm0, vm2;
	vm0 =	vmmov vm1  }
0x552: {  	v5 =	vmpcnt.ones.xlane vm2  }
0x553: {  	s6 =	sadd.s32 $0x10, s6;
	s9 =	sadd.s32 $0x3000, s8  }
0x554: {  	_ =	sdelay $0x3  }
0x555: {  	s6 =	sand.u32 $0x3380, s9;
	s7 =	sand.u32 $0x70, s8;
	v6 =	vor.u32 s1, v2  }
0x556: {  	s30 =	sor.u32 s7, s6;
	[tilespmem:v4+s0+$0x0] =	vst.idx.msk vm1, v6  }
0x557: {  	v7 =	vld [tilespmem:s30+$0x0];
	_ =	sdelay $0x4  }
0x558: {  	v7 =	vsub.s32 v7, v0  }
0x559: {  	vm10 =	vlt.u32 v7, $0xF428;
	_ =	sdelay $0x4  }
0x55a: {  	v2 =	vor.u32 s9, v2  }
0x55b: {  	v4 =	vld.idx.msk [tilespmem:v4+s0+$0x0], vm0;
	[tilespmem:v7+s0+$0x0] =	vst.idx.msk vm10, v2  }
0x55c: {  	v7 =	vld.idx.msk [tilespmem:v7+s0+$0x0], vm10;
	_ =	sdelay $0x3  }
0x55d: {  	vm11 =	vne.s32 v4, v6  }
0x55e: {  	vm12 =	vmand vm0, vm11;
	vm2 =	vmmov vm10;
	vm13 =	vne.s32 v7, v2  }
0x55f: {  	v2 =	vmpcnt.ones.xlane vm12;
	vm14 =	vmand vm2, vm13  }
0x560: {  	v3 =	vadd.s32 v3, v5;
	v63 =	vmpcnt.ones.xlane vm14  }
0x561: {  	v2 =	vadd.s32 v3, v2  }
0x562: {  	v2 =	vadd.s32 v2, v63  }
0x563: {  	vm15 =	vgt.s32 v2, $0x0;
	v2 =	vimm.f32 $0.0e+00  }
0x564: {  	v2 =	vsel vm15, $0x3F800000, v2  }
0x565: {  	(xrf0) =	vmax.scan.msk.f32 $0xffff, v2;
	_ =	sdelay $0x5  }
0x566: {  	v2, _, _ =	vpop (xrf0)  }
0x567: {  	(v2sf) =	vpush v2, $0xF;
	_ =	sdelay $0xe  }
0x568: {  	s31 =	spop (v2sf)  }
0x569: {  	p0 =	sgt.f32 s31, $0.0e+00  }
.Ltmp37:
0x56a: {  	_ = 	snop;
	(pc) =	sbr.rel @!p0 .LBB2_78-.Ltmp37, $1  }
0x56b: {  	_ =	sdelay $0x3  }
0x56c: {  	s1 =	simm.s32 $0x0;
	s0 =	simm.s32 $0x3000  }
0x56d: {  	s6 =	sand.u32 $0x3380, s0;
	s1 =	sand.u32 $0x70, s1  }
0x56e: {  	s1 =	sor.u32 s1, s6  }
0x56f: {  	v3 =	vld [tilespmem:s1+$0x0];
	_ =	sdelay $0x4  }
0x570: {  	v2 =	vlaneseq.u32;
	v3 =	vshll.u32 v3, $0x4  }
0x571: {  	v3 =	vor.u32 v2, v3  }
0x572: {  	v4 =	vxor.u32 $0x80000000, v3  }
0x573: {  	(xrf1) =	vsort.ascd.msk.u32 $0xffff, v4, v3;
	_ =	sdelay $0x9  }
0x574: {  	v3 =	vimm.s32 $0xFFEDCBA9;
	v4 =	vimm.s32 $0x87654321  }
0x575: {  	v3 =	vunpack.c.l.s4.s8 v3;
	v4 =	vunpack.c.l.s4.s8 v4;
	_ =	sdelay $0x1  }
0x576: {  	v3 =	vunpack.c.0.s8.s32 v3;
	v4 =	vunpack.c.0.s8.s32 v4  }
0x577: {  	v5, _, _ =	vpop (xrf1)  }
0x578: {  	v3 =	vcombine.low v4, v3;
	v4 =	vshra.s32 v5, $0x4  }
0x579: {  	v6 =	vxor.u32 $0xF8000000, v4  }
0x57a: {  	v7 =	vperm.xlane v6, v3;
	_ =	sdelay $0x1  }
0x57b: {  	vm0 =	vcmask $0x3F3C;
	v4 =	vsub.s32 v6, v0;
	vm1 =	vne.s32 v6, v7  }
0x57c: {  	vm2 =	vlt.u32 v4, $0xF428;
	vm1 =	vmor vm1, vm0  }
0x57d: {  	vm1 =	vmand vm2, vm1;
	_ =	sdelay $0x2  }
0x57e: {  	s8 =	simm.s32 $0x10  }
0x57f: {  	s9 =	simm.s32 $0x3010;
	s6 =	simm.s32 $0x20;
	s1 =	simm.s32 $0x8000;
	v5 =	vand.u32 $0xF, v5  }
.LBB2_76:
0x580: {  	p0 =	sne.s32 s6, $0x3F0;
	s7 =	sand.u32 $0x3380, s9;
	s8 =	sand.u32 $0x70, s8;
	v5 =	vor.u32 s0, v5  }
0x581: {  	s0 =	smov.u32 s9;
	s7 =	sor.u32 s8, s7;
	[tilespmem:v4+s1+$0x0] =	vst.idx.msk vm1, v5;
	s8 =	smov.u32 s6  }
0x582: {  	v4 =	vld [tilespmem:s7+$0x0];
	_ =	sdelay $0x4  }
0x583: {  	v4 =	vshll.u32 v4, $0x4  }
0x584: {  	v4 =	vor.u32 v2, v4  }
0x585: {  	v5 =	vxor.u32 $0x80000000, v4  }
0x586: {  	(xrf1) =	vsort.ascd.msk.u32 $0xffff, v5, v4;
	_ =	sdelay $0xd  }
0x587: {  	v5, _, _ =	vpop (xrf1)  }
0x588: {  	v4 =	vshra.s32 v5, $0x4  }
0x589: {  	v6 =	vxor.u32 $0xF8000000, v4  }
0x58a: {  	v7 =	vperm.xlane v6, v3;
	_ =	sdelay $0x1  }
0x58b: {  	v4 =	vsub.s32 v6, v0;
	vm1 =	vne.s32 v6, v7  }
0x58c: {  	vm2 =	vlt.u32 v4, $0xF428;
	vm1 =	vmor vm1, vm0  }
.Ltmp38:
0x58d: {  	vm1 =	vmand vm2, vm1;
	(pc) =	sbr.rel @p0 .LBB2_76-.Ltmp38, $2  }
0x58e: {  	_ =	sdelay $0x2  }
0x58f: {  	s6 =	sadd.s32 $0x10, s6;
	s9 =	sadd.s32 $0x3000, s8;
	v5 =	vand.u32 $0xF, v5  }
0x590: {  	_ =	sdelay $0x3  }
0x591: {  	s6 =	sand.u32 $0x3380, s9;
	s7 =	sand.u32 $0x70, s8;
	v5 =	vor.u32 s0, v5  }
0x592: {  	s31 =	sor.u32 s7, s6;
	[tilespmem:v4+s1+$0x0] =	vst.idx.msk vm1, v5  }
0x593: {  	v4 =	vld [tilespmem:s31+$0x0];
	_ =	sdelay $0x4  }
0x594: {  	v4 =	vshll.u32 v4, $0x4  }
0x595: {  	v2 =	vor.u32 v2, v4  }
0x596: {  	v4 =	vxor.u32 $0x80000000, v2  }
0x597: {  	(xrf1) =	vsort.ascd.msk.u32 $0xffff, v4, v2;
	_ =	sdelay $0xd  }
0x598: {  	v2, _, _ =	vpop (xrf1)  }
0x599: {  	v62 =	vshra.s32 v2, $0x4  }
0x59a: {  	v4 =	vxor.u32 $0xF8000000, v62  }
0x59b: {  	v3 =	vperm.xlane v4, v3;
	_ =	sdelay $0x1  }
0x59c: {  	v63 =	vsub.s32 v4, v0;
	vm15 =	vne.s32 v4, v3  }
0x59d: {  	vm2 =	vlt.u32 v63, $0xF428;
	vm0 =	vmor vm15, vm0  }
0x59e: {  	vm0 =	vmand vm2, vm0;
	_ =	sdelay $0x3  }
0x59f: {  	v2 =	vand.u32 $0xF, v2  }
0x5a0: {  	v2 =	vor.u32 s9, v2  }
0x5a1: {  	[tilespmem:v63+s1+$0x0] =	vst.idx.msk vm0, v2  }
.LBB2_78:
0x5a2: {  	s0 =	simm.s32 $0x3  }
0x5a3: {  	_ =	swait.ge [sflag:s0], $0x2000  }
0x5a4: {  	s23 =	simm.s32 $0x0;
	s1 =	simm.s32 $0x17C80;
	[sflag:s0] =	ssyncset.done $0x0  }
0x5a5: {  	s24 =	simm.s32 $0x8;
	s6 =	rddreg [dreg:$0x13];
	[sflag:s0] =	ssyncadd.s32 $0xFFFFE000  }
0x5a6: {  	[hbm4b:s6+s23] =	stream.linear.scatter [tilespmem:s1], [sflag:$0x6], $0x2000, $0x200038;
	[tilespmem:$0x1E080] =	vst v63  }
0x5a7: {  	s25 =	simm.s32 $0x1BC80;
	s29 =	simm.s32 $0x3400;
	_ =	swait.ge [sflag:s24], $0x2000  }
0x5a8: {  	s30 =	sand.u32 $0x3780, s29;
	s0 =	sand.u32 $0x70, s23;
	[sflag:s24] =	ssyncset.done $0x0  }
0x5a9: {  	s0 =	sor.u32 s0, s30;
	s26 =	rddreg [dreg:$0x12];
	[sflag:s24] =	ssyncadd.s32 $0xFFFFE000  }
0x5aa: {  	[tilespmem:s25], [sflag:$0x5] =	stream.linear.gather [hbm4b:s26+s23], $0x2000, $0x200038;
	[tilespmem:$0x1E080] =	vst v63  }
0x5ab: {  	v2 =	vld [tilespmem:s0+$0x0];
	_ =	sdelay $0x4  }
0x5ac: {  	v3 =	vsub.s32 v2, v0  }
0x5ad: {  	vm0 =	vlt.u32 v3, $0xF428;
	_ =	sdelay $0x3  }
0x5ae: {  	s7 =	simm.s32 $0x10;
	s1 =	simm.s32 $0x3410;
	v2 =	vlaneseq.u32  }
0x5af: {  	s7 =	sand.u32 $0x70, s7;
	s8 =	sand.u32 $0x3780, s1;
	s0 =	simm.s32 $0x8000;
	v5 =	vor.u32 s29, v2  }
0x5b0: {  	s31 =	sor.u32 s7, s8;
	[tilespmem:v3+s0+$0x0] =	vst.idx.msk vm0, v5  }
0x5b1: {  	v4 =	vld [tilespmem:s31+$0x0];
	_ =	sdelay $0x1  }
0x5b2: {  	v3 =	vld.idx.msk [tilespmem:v3+s0+$0x0], vm0;
	_ =	sdelay $0x2  }
0x5b3: {  	v4 =	vsub.s32 v4, v0  }
0x5b4: {  	vm1 =	vlt.u32 v4, $0xF428  }
0x5b5: {  	vm2 =	vmmov vm0;
	vm0 =	vne.s32 v3, v5  }
0x5b6: {  	vm2 =	vmand vm2, vm0;
	vm0 =	vmmov vm1  }
0x5b7: {  	v5 =	vmpcnt.ones.xlane vm2  }
0x5b8: {  	s9 =	simm.s32 $0x3420;
	s6 =	simm.s32 $0x30;
	s8 =	simm.s32 $0x20;
	v3 =	vimm.s32 $0x0  }
.LBB2_79:
0x5b9: {  	p0 =	sne.s32 s6, $0x3F0;
	s7 =	sand.u32 $0x3780, s9;
	s8 =	sand.u32 $0x70, s8;
	v6 =	vor.u32 s1, v2;
	v3 =	vadd.s32 v3, v5  }
0x5ba: {  	s1 =	smov.u32 s9;
	s7 =	sor.u32 s8, s7;
	[tilespmem:v4+s0+$0x0] =	vst.idx.msk vm1, v6;
	s8 =	smov.u32 s6  }
0x5bb: {  	v5 =	vld [tilespmem:s7+$0x0]  }
0x5bc: {  	v7 =	vld.idx.msk [tilespmem:v4+s0+$0x0], vm0;
	_ =	sdelay $0x3  }
0x5bd: {  	v4 =	vsub.s32 v5, v0  }
.Ltmp39:
0x5be: {  	vm1 =	vlt.u32 v4, $0xF428;
	(pc) =	sbr.rel @p0 .LBB2_79-.Ltmp39, $4  }
0x5bf: {  	vm2 =	vne.s32 v7, v6  }
0x5c0: {  	vm2 =	vmand vm0, vm2;
	vm0 =	vmmov vm1  }
0x5c1: {  	v5 =	vmpcnt.ones.xlane vm2  }
0x5c2: {  	s6 =	sadd.s32 $0x10, s6;
	s9 =	sadd.s32 $0x3400, s8  }
0x5c3: {  	_ =	sdelay $0x3  }
0x5c4: {  	s6 =	sand.u32 $0x3780, s9;
	s7 =	sand.u32 $0x70, s8;
	v6 =	vor.u32 s1, v2  }
0x5c5: {  	s30 =	sor.u32 s7, s6;
	[tilespmem:v4+s0+$0x0] =	vst.idx.msk vm1, v6  }
0x5c6: {  	v7 =	vld [tilespmem:s30+$0x0];
	_ =	sdelay $0x4  }
0x5c7: {  	v7 =	vsub.s32 v7, v0  }
0x5c8: {  	vm10 =	vlt.u32 v7, $0xF428;
	_ =	sdelay $0x4  }
0x5c9: {  	v2 =	vor.u32 s9, v2  }
0x5ca: {  	v4 =	vld.idx.msk [tilespmem:v4+s0+$0x0], vm0;
	[tilespmem:v7+s0+$0x0] =	vst.idx.msk vm10, v2  }
0x5cb: {  	v7 =	vld.idx.msk [tilespmem:v7+s0+$0x0], vm10;
	_ =	sdelay $0x3  }
0x5cc: {  	vm11 =	vne.s32 v4, v6  }
0x5cd: {  	vm12 =	vmand vm0, vm11;
	vm2 =	vmmov vm10;
	vm13 =	vne.s32 v7, v2  }
0x5ce: {  	v2 =	vmpcnt.ones.xlane vm12;
	vm14 =	vmand vm2, vm13  }
0x5cf: {  	v3 =	vadd.s32 v3, v5;
	v63 =	vmpcnt.ones.xlane vm14  }
0x5d0: {  	v2 =	vadd.s32 v3, v2  }
0x5d1: {  	v2 =	vadd.s32 v2, v63  }
0x5d2: {  	vm15 =	vgt.s32 v2, $0x0;
	v2 =	vimm.f32 $0.0e+00  }
0x5d3: {  	v2 =	vsel vm15, $0x3F800000, v2  }
0x5d4: {  	(xrf0) =	vmax.scan.msk.f32 $0xffff, v2;
	_ =	sdelay $0x5  }
0x5d5: {  	v2, _, _ =	vpop (xrf0)  }
0x5d6: {  	(v2sf) =	vpush v2, $0xF;
	_ =	sdelay $0xe  }
0x5d7: {  	s31 =	spop (v2sf)  }
0x5d8: {  	p0 =	sgt.f32 s31, $0.0e+00  }
.Ltmp40:
0x5d9: {  	_ = 	snop;
	(pc) =	sbr.rel @!p0 .LBB2_84-.Ltmp40, $1  }
0x5da: {  	_ =	sdelay $0x3  }
0x5db: {  	s1 =	simm.s32 $0x0;
	s0 =	simm.s32 $0x3400  }
0x5dc: {  	s6 =	sand.u32 $0x3780, s0;
	s1 =	sand.u32 $0x70, s1  }
0x5dd: {  	s1 =	sor.u32 s1, s6  }
0x5de: {  	v3 =	vld [tilespmem:s1+$0x0];
	_ =	sdelay $0x4  }
0x5df: {  	v2 =	vlaneseq.u32;
	v3 =	vshll.u32 v3, $0x4  }
0x5e0: {  	v3 =	vor.u32 v2, v3  }
0x5e1: {  	v4 =	vxor.u32 $0x80000000, v3  }
0x5e2: {  	(xrf1) =	vsort.ascd.msk.u32 $0xffff, v4, v3;
	_ =	sdelay $0x9  }
0x5e3: {  	v3 =	vimm.s32 $0xFFEDCBA9;
	v4 =	vimm.s32 $0x87654321  }
0x5e4: {  	v3 =	vunpack.c.l.s4.s8 v3;
	v4 =	vunpack.c.l.s4.s8 v4;
	_ =	sdelay $0x1  }
0x5e5: {  	v3 =	vunpack.c.0.s8.s32 v3;
	v4 =	vunpack.c.0.s8.s32 v4  }
0x5e6: {  	v5, _, _ =	vpop (xrf1)  }
0x5e7: {  	v3 =	vcombine.low v4, v3;
	v4 =	vshra.s32 v5, $0x4  }
0x5e8: {  	v6 =	vxor.u32 $0xF8000000, v4  }
0x5e9: {  	v7 =	vperm.xlane v6, v3;
	_ =	sdelay $0x1  }
0x5ea: {  	vm0 =	vcmask $0x3F3C;
	v4 =	vsub.s32 v6, v0;
	vm1 =	vne.s32 v6, v7  }
0x5eb: {  	vm2 =	vlt.u32 v4, $0xF428;
	vm1 =	vmor vm1, vm0  }
0x5ec: {  	vm1 =	vmand vm2, vm1;
	_ =	sdelay $0x2  }
0x5ed: {  	s8 =	simm.s32 $0x10  }
0x5ee: {  	s9 =	simm.s32 $0x3410;
	s6 =	simm.s32 $0x20;
	s1 =	simm.s32 $0x8000;
	v5 =	vand.u32 $0xF, v5  }
.LBB2_82:
0x5ef: {  	p0 =	sne.s32 s6, $0x3F0;
	s7 =	sand.u32 $0x3780, s9;
	s8 =	sand.u32 $0x70, s8;
	v5 =	vor.u32 s0, v5  }
0x5f0: {  	s0 =	smov.u32 s9;
	s7 =	sor.u32 s8, s7;
	[tilespmem:v4+s1+$0x0] =	vst.idx.msk vm1, v5;
	s8 =	smov.u32 s6  }
0x5f1: {  	v4 =	vld [tilespmem:s7+$0x0];
	_ =	sdelay $0x4  }
0x5f2: {  	v4 =	vshll.u32 v4, $0x4  }
0x5f3: {  	v4 =	vor.u32 v2, v4  }
0x5f4: {  	v5 =	vxor.u32 $0x80000000, v4  }
0x5f5: {  	(xrf1) =	vsort.ascd.msk.u32 $0xffff, v5, v4;
	_ =	sdelay $0xd  }
0x5f6: {  	v5, _, _ =	vpop (xrf1)  }
0x5f7: {  	v4 =	vshra.s32 v5, $0x4  }
0x5f8: {  	v6 =	vxor.u32 $0xF8000000, v4  }
0x5f9: {  	v7 =	vperm.xlane v6, v3;
	_ =	sdelay $0x1  }
0x5fa: {  	v4 =	vsub.s32 v6, v0;
	vm1 =	vne.s32 v6, v7  }
0x5fb: {  	vm2 =	vlt.u32 v4, $0xF428;
	vm1 =	vmor vm1, vm0  }
.Ltmp41:
0x5fc: {  	vm1 =	vmand vm2, vm1;
	(pc) =	sbr.rel @p0 .LBB2_82-.Ltmp41, $2  }
0x5fd: {  	_ =	sdelay $0x2  }
0x5fe: {  	s6 =	sadd.s32 $0x10, s6;
	s9 =	sadd.s32 $0x3400, s8;
	v5 =	vand.u32 $0xF, v5  }
0x5ff: {  	_ =	sdelay $0x3  }
0x600: {  	s6 =	sand.u32 $0x3780, s9;
	s7 =	sand.u32 $0x70, s8;
	v5 =	vor.u32 s0, v5  }
0x601: {  	s31 =	sor.u32 s7, s6;
	[tilespmem:v4+s1+$0x0] =	vst.idx.msk vm1, v5  }
0x602: {  	v4 =	vld [tilespmem:s31+$0x0];
	_ =	sdelay $0x4  }
0x603: {  	v4 =	vshll.u32 v4, $0x4  }
0x604: {  	v2 =	vor.u32 v2, v4  }
0x605: {  	v4 =	vxor.u32 $0x80000000, v2  }
0x606: {  	(xrf1) =	vsort.ascd.msk.u32 $0xffff, v4, v2;
	_ =	sdelay $0xd  }
0x607: {  	v2, _, _ =	vpop (xrf1)  }
0x608: {  	v62 =	vshra.s32 v2, $0x4  }
0x609: {  	v4 =	vxor.u32 $0xF8000000, v62  }
0x60a: {  	v3 =	vperm.xlane v4, v3;
	_ =	sdelay $0x1  }
0x60b: {  	v63 =	vsub.s32 v4, v0;
	vm15 =	vne.s32 v4, v3  }
0x60c: {  	vm2 =	vlt.u32 v63, $0xF428;
	vm0 =	vmor vm15, vm0  }
0x60d: {  	vm0 =	vmand vm2, vm0;
	_ =	sdelay $0x3  }
0x60e: {  	v2 =	vand.u32 $0xF, v2  }
0x60f: {  	v2 =	vor.u32 s9, v2  }
0x610: {  	[tilespmem:v63+s1+$0x0] =	vst.idx.msk vm0, v2  }
.LBB2_84:
0x611: {  	s0 =	simm.s32 $0x4  }
0x612: {  	_ =	swait.ge [sflag:s0], $0x2000  }
0x613: {  	s23 =	simm.s32 $0x0;
	s1 =	simm.s32 $0x19C80;
	[sflag:s0] =	ssyncset.done $0x0  }
0x614: {  	s24 =	simm.s32 $0x6;
	s6 =	rddreg [dreg:$0x11];
	[sflag:s0] =	ssyncadd.s32 $0xFFFFE000  }
0x615: {  	[hbm4b:s6+s23] =	stream.linear.scatter [tilespmem:s1], [sflag:$0x7], $0x2000, $0x200038;
	[tilespmem:$0x1E080] =	vst v63  }
0x616: {  	s25 =	simm.s32 $0x17C80;
	s29 =	simm.s32 $0x3800;
	_ =	swait.ge [sflag:s24], $0x2000  }
0x617: {  	s30 =	sand.u32 $0x3B80, s29;
	s0 =	sand.u32 $0x70, s23;
	[sflag:s24] =	ssyncset.done $0x0  }
0x618: {  	s0 =	sor.u32 s0, s30;
	s26 =	rddreg [dreg:$0x10];
	[sflag:s24] =	ssyncadd.s32 $0xFFFFE000  }
0x619: {  	[tilespmem:s25], [sflag:$0x3] =	stream.linear.gather [hbm4b:s26+s23], $0x2000, $0x200038;
	[tilespmem:$0x1E080] =	vst v63  }
0x61a: {  	v2 =	vld [tilespmem:s0+$0x0];
	_ =	sdelay $0x4  }
0x61b: {  	v3 =	vsub.s32 v2, v0  }
0x61c: {  	vm0 =	vlt.u32 v3, $0xF428;
	_ =	sdelay $0x3  }
0x61d: {  	s7 =	simm.s32 $0x10;
	s1 =	simm.s32 $0x3810;
	v2 =	vlaneseq.u32  }
0x61e: {  	s7 =	sand.u32 $0x70, s7;
	s8 =	sand.u32 $0x3B80, s1;
	s0 =	simm.s32 $0x8000;
	v5 =	vor.u32 s29, v2  }
0x61f: {  	s31 =	sor.u32 s7, s8;
	[tilespmem:v3+s0+$0x0] =	vst.idx.msk vm0, v5  }
0x620: {  	v4 =	vld [tilespmem:s31+$0x0];
	_ =	sdelay $0x1  }
0x621: {  	v3 =	vld.idx.msk [tilespmem:v3+s0+$0x0], vm0;
	_ =	sdelay $0x2  }
0x622: {  	v4 =	vsub.s32 v4, v0  }
0x623: {  	vm1 =	vlt.u32 v4, $0xF428  }
0x624: {  	vm2 =	vmmov vm0;
	vm0 =	vne.s32 v3, v5  }
0x625: {  	vm2 =	vmand vm2, vm0;
	vm0 =	vmmov vm1  }
0x626: {  	v5 =	vmpcnt.ones.xlane vm2  }
0x627: {  	s9 =	simm.s32 $0x3820;
	s6 =	simm.s32 $0x30;
	s8 =	simm.s32 $0x20;
	v3 =	vimm.s32 $0x0  }
.LBB2_85:
0x628: {  	p0 =	sne.s32 s6, $0x3F0;
	s7 =	sand.u32 $0x3B80, s9;
	s8 =	sand.u32 $0x70, s8;
	v6 =	vor.u32 s1, v2;
	v3 =	vadd.s32 v3, v5  }
0x629: {  	s1 =	smov.u32 s9;
	s7 =	sor.u32 s8, s7;
	[tilespmem:v4+s0+$0x0] =	vst.idx.msk vm1, v6;
	s8 =	smov.u32 s6  }
0x62a: {  	v5 =	vld [tilespmem:s7+$0x0]  }
0x62b: {  	v7 =	vld.idx.msk [tilespmem:v4+s0+$0x0], vm0;
	_ =	sdelay $0x3  }
0x62c: {  	v4 =	vsub.s32 v5, v0  }
.Ltmp42:
0x62d: {  	vm1 =	vlt.u32 v4, $0xF428;
	(pc) =	sbr.rel @p0 .LBB2_85-.Ltmp42, $4  }
0x62e: {  	vm2 =	vne.s32 v7, v6  }
0x62f: {  	vm2 =	vmand vm0, vm2;
	vm0 =	vmmov vm1  }
0x630: {  	v5 =	vmpcnt.ones.xlane vm2  }
0x631: {  	s6 =	sadd.s32 $0x10, s6;
	s9 =	sadd.s32 $0x3800, s8  }
0x632: {  	_ =	sdelay $0x3  }
0x633: {  	s6 =	sand.u32 $0x3B80, s9;
	s7 =	sand.u32 $0x70, s8;
	v6 =	vor.u32 s1, v2  }
0x634: {  	s30 =	sor.u32 s7, s6;
	[tilespmem:v4+s0+$0x0] =	vst.idx.msk vm1, v6  }
0x635: {  	v7 =	vld [tilespmem:s30+$0x0];
	_ =	sdelay $0x4  }
0x636: {  	v7 =	vsub.s32 v7, v0  }
0x637: {  	vm10 =	vlt.u32 v7, $0xF428;
	_ =	sdelay $0x4  }
0x638: {  	v2 =	vor.u32 s9, v2  }
0x639: {  	v4 =	vld.idx.msk [tilespmem:v4+s0+$0x0], vm0;
	[tilespmem:v7+s0+$0x0] =	vst.idx.msk vm10, v2  }
0x63a: {  	v7 =	vld.idx.msk [tilespmem:v7+s0+$0x0], vm10;
	_ =	sdelay $0x3  }
0x63b: {  	vm11 =	vne.s32 v4, v6  }
0x63c: {  	vm12 =	vmand vm0, vm11;
	vm2 =	vmmov vm10;
	vm13 =	vne.s32 v7, v2  }
0x63d: {  	v2 =	vmpcnt.ones.xlane vm12;
	vm14 =	vmand vm2, vm13  }
0x63e: {  	v3 =	vadd.s32 v3, v5;
	v63 =	vmpcnt.ones.xlane vm14  }
0x63f: {  	v2 =	vadd.s32 v3, v2  }
0x640: {  	v2 =	vadd.s32 v2, v63  }
0x641: {  	vm15 =	vgt.s32 v2, $0x0;
	v2 =	vimm.f32 $0.0e+00  }
0x642: {  	v2 =	vsel vm15, $0x3F800000, v2  }
0x643: {  	(xrf0) =	vmax.scan.msk.f32 $0xffff, v2;
	_ =	sdelay $0x5  }
0x644: {  	v2, _, _ =	vpop (xrf0)  }
0x645: {  	(v2sf) =	vpush v2, $0xF;
	_ =	sdelay $0xe  }
0x646: {  	s31 =	spop (v2sf)  }
0x647: {  	p0 =	sgt.f32 s31, $0.0e+00  }
.Ltmp43:
0x648: {  	_ = 	snop;
	(pc) =	sbr.rel @!p0 .LBB2_90-.Ltmp43, $1  }
0x649: {  	_ =	sdelay $0x3  }
0x64a: {  	s1 =	simm.s32 $0x0;
	s0 =	simm.s32 $0x3800  }
0x64b: {  	s6 =	sand.u32 $0x3B80, s0;
	s1 =	sand.u32 $0x70, s1  }
0x64c: {  	s1 =	sor.u32 s1, s6  }
0x64d: {  	v3 =	vld [tilespmem:s1+$0x0];
	_ =	sdelay $0x4  }
0x64e: {  	v2 =	vlaneseq.u32;
	v3 =	vshll.u32 v3, $0x4  }
0x64f: {  	v3 =	vor.u32 v2, v3  }
0x650: {  	v4 =	vxor.u32 $0x80000000, v3  }
0x651: {  	(xrf1) =	vsort.ascd.msk.u32 $0xffff, v4, v3;
	_ =	sdelay $0x9  }
0x652: {  	v3 =	vimm.s32 $0xFFEDCBA9;
	v4 =	vimm.s32 $0x87654321  }
0x653: {  	v3 =	vunpack.c.l.s4.s8 v3;
	v4 =	vunpack.c.l.s4.s8 v4;
	_ =	sdelay $0x1  }
0x654: {  	v3 =	vunpack.c.0.s8.s32 v3;
	v4 =	vunpack.c.0.s8.s32 v4  }
0x655: {  	v5, _, _ =	vpop (xrf1)  }
0x656: {  	v3 =	vcombine.low v4, v3;
	v4 =	vshra.s32 v5, $0x4  }
0x657: {  	v6 =	vxor.u32 $0xF8000000, v4  }
0x658: {  	v7 =	vperm.xlane v6, v3;
	_ =	sdelay $0x1  }
0x659: {  	vm0 =	vcmask $0x3F3C;
	v4 =	vsub.s32 v6, v0;
	vm1 =	vne.s32 v6, v7  }
0x65a: {  	vm2 =	vlt.u32 v4, $0xF428;
	vm1 =	vmor vm1, vm0  }
0x65b: {  	vm1 =	vmand vm2, vm1;
	_ =	sdelay $0x2  }
0x65c: {  	s8 =	simm.s32 $0x10  }
0x65d: {  	s9 =	simm.s32 $0x3810;
	s6 =	simm.s32 $0x20;
	s1 =	simm.s32 $0x8000;
	v5 =	vand.u32 $0xF, v5  }
.LBB2_88:
0x65e: {  	p0 =	sne.s32 s6, $0x3F0;
	s7 =	sand.u32 $0x3B80, s9;
	s8 =	sand.u32 $0x70, s8;
	v5 =	vor.u32 s0, v5  }
0x65f: {  	s0 =	smov.u32 s9;
	s7 =	sor.u32 s8, s7;
	[tilespmem:v4+s1+$0x0] =	vst.idx.msk vm1, v5;
	s8 =	smov.u32 s6  }
0x660: {  	v4 =	vld [tilespmem:s7+$0x0];
	_ =	sdelay $0x4  }
0x661: {  	v4 =	vshll.u32 v4, $0x4  }
0x662: {  	v4 =	vor.u32 v2, v4  }
0x663: {  	v5 =	vxor.u32 $0x80000000, v4  }
0x664: {  	(xrf1) =	vsort.ascd.msk.u32 $0xffff, v5, v4;
	_ =	sdelay $0xd  }
0x665: {  	v5, _, _ =	vpop (xrf1)  }
0x666: {  	v4 =	vshra.s32 v5, $0x4  }
0x667: {  	v6 =	vxor.u32 $0xF8000000, v4  }
0x668: {  	v7 =	vperm.xlane v6, v3;
	_ =	sdelay $0x1  }
0x669: {  	v4 =	vsub.s32 v6, v0;
	vm1 =	vne.s32 v6, v7  }
0x66a: {  	vm2 =	vlt.u32 v4, $0xF428;
	vm1 =	vmor vm1, vm0  }
.Ltmp44:
0x66b: {  	vm1 =	vmand vm2, vm1;
	(pc) =	sbr.rel @p0 .LBB2_88-.Ltmp44, $2  }
0x66c: {  	_ =	sdelay $0x2  }
0x66d: {  	s6 =	sadd.s32 $0x10, s6;
	s9 =	sadd.s32 $0x3800, s8;
	v5 =	vand.u32 $0xF, v5  }
0x66e: {  	_ =	sdelay $0x3  }
0x66f: {  	s6 =	sand.u32 $0x3B80, s9;
	s7 =	sand.u32 $0x70, s8;
	v5 =	vor.u32 s0, v5  }
0x670: {  	s31 =	sor.u32 s7, s6;
	[tilespmem:v4+s1+$0x0] =	vst.idx.msk vm1, v5  }
0x671: {  	v4 =	vld [tilespmem:s31+$0x0];
	_ =	sdelay $0x4  }
0x672: {  	v4 =	vshll.u32 v4, $0x4  }
0x673: {  	v2 =	vor.u32 v2, v4  }
0x674: {  	v4 =	vxor.u32 $0x80000000, v2  }
0x675: {  	(xrf1) =	vsort.ascd.msk.u32 $0xffff, v4, v2;
	_ =	sdelay $0xd  }
0x676: {  	v2, _, _ =	vpop (xrf1)  }
0x677: {  	v62 =	vshra.s32 v2, $0x4  }
0x678: {  	v4 =	vxor.u32 $0xF8000000, v62  }
0x679: {  	v3 =	vperm.xlane v4, v3;
	_ =	sdelay $0x1  }
0x67a: {  	v63 =	vsub.s32 v4, v0;
	vm15 =	vne.s32 v4, v3  }
0x67b: {  	vm2 =	vlt.u32 v63, $0xF428;
	vm0 =	vmor vm15, vm0  }
0x67c: {  	vm0 =	vmand vm2, vm0;
	_ =	sdelay $0x3  }
0x67d: {  	v2 =	vand.u32 $0xF, v2  }
0x67e: {  	v2 =	vor.u32 s9, v2  }
0x67f: {  	[tilespmem:v63+s1+$0x0] =	vst.idx.msk vm0, v2  }
.LBB2_90:
0x680: {  	s0 =	simm.s32 $0x5  }
0x681: {  	s26 =	simm.s32 $0x0;
	s29 =	simm.s32 $0x3C00;
	_ =	swait.ge [sflag:s0], $0x2000  }
0x682: {  	s1 =	simm.s32 $0x1BC80;
	s30 =	sand.u32 $0x3F80, s29;
	[sflag:s0] =	ssyncset.done $0x0  }
0x683: {  	s6 =	rddreg [dreg:$0xf];
	[sflag:s0] =	ssyncadd.s32 $0xFFFFE000;
	s0 =	sand.u32 $0x70, s26  }
0x684: {  	[hbm4b:s6+s26] =	stream.linear.scatter [tilespmem:s1], [sflag:$0x8], $0x2000, $0x200038;
	[tilespmem:$0x1E080] =	vst v63  }
0x685: {  	s0 =	sor.u32 s0, s30  }
0x686: {  	v2 =	vld [tilespmem:s0+$0x0];
	_ =	sdelay $0x4  }
0x687: {  	v3 =	vsub.s32 v2, v0  }
0x688: {  	vm0 =	vlt.u32 v3, $0xF428;
	_ =	sdelay $0x3  }
0x689: {  	s7 =	simm.s32 $0x10;
	s1 =	simm.s32 $0x3C10;
	v2 =	vlaneseq.u32  }
0x68a: {  	s7 =	sand.u32 $0x70, s7;
	s0 =	simm.s32 $0x8000;
	s8 =	sand.u32 $0x3F80, s1;
	v5 =	vor.u32 s29, v2  }
0x68b: {  	s31 =	sor.u32 s7, s8;
	[tilespmem:v3+s0+$0x0] =	vst.idx.msk vm0, v5  }
0x68c: {  	v4 =	vld [tilespmem:s31+$0x0];
	_ =	sdelay $0x1  }
0x68d: {  	v3 =	vld.idx.msk [tilespmem:v3+s0+$0x0], vm0;
	_ =	sdelay $0x2  }
0x68e: {  	v4 =	vsub.s32 v4, v0  }
0x68f: {  	vm1 =	vlt.u32 v4, $0xF428  }
0x690: {  	vm2 =	vmmov vm0;
	vm0 =	vne.s32 v3, v5  }
0x691: {  	vm2 =	vmand vm2, vm0;
	vm0 =	vmmov vm1  }
0x692: {  	v5 =	vmpcnt.ones.xlane vm2  }
0x693: {  	s9 =	simm.s32 $0x3C20;
	s6 =	simm.s32 $0x30;
	s8 =	simm.s32 $0x20;
	v3 =	vimm.s32 $0x0  }
.LBB2_91:
0x694: {  	p0 =	sne.s32 s6, $0x3F0;
	s7 =	sand.u32 $0x3F80, s9;
	s8 =	sand.u32 $0x70, s8;
	v6 =	vor.u32 s1, v2;
	v3 =	vadd.s32 v3, v5  }
0x695: {  	s1 =	smov.u32 s9;
	s7 =	sor.u32 s8, s7;
	[tilespmem:v4+s0+$0x0] =	vst.idx.msk vm1, v6;
	s8 =	smov.u32 s6  }
0x696: {  	v5 =	vld [tilespmem:s7+$0x0]  }
0x697: {  	v7 =	vld.idx.msk [tilespmem:v4+s0+$0x0], vm0;
	_ =	sdelay $0x3  }
0x698: {  	v4 =	vsub.s32 v5, v0  }
.Ltmp45:
0x699: {  	vm1 =	vlt.u32 v4, $0xF428;
	(pc) =	sbr.rel @p0 .LBB2_91-.Ltmp45, $4  }
0x69a: {  	vm2 =	vne.s32 v7, v6  }
0x69b: {  	vm2 =	vmand vm0, vm2;
	vm0 =	vmmov vm1  }
0x69c: {  	v5 =	vmpcnt.ones.xlane vm2  }
0x69d: {  	s6 =	sadd.s32 $0x10, s6;
	s9 =	sadd.s32 $0x3C00, s8  }
0x69e: {  	_ =	sdelay $0x3  }
0x69f: {  	s6 =	sand.u32 $0x3F80, s9;
	s7 =	sand.u32 $0x70, s8;
	v6 =	vor.u32 s1, v2  }
0x6a0: {  	s30 =	sor.u32 s7, s6;
	[tilespmem:v4+s0+$0x0] =	vst.idx.msk vm1, v6  }
0x6a1: {  	v7 =	vld [tilespmem:s30+$0x0];
	_ =	sdelay $0x4  }
0x6a2: {  	v7 =	vsub.s32 v7, v0  }
0x6a3: {  	vm10 =	vlt.u32 v7, $0xF428;
	_ =	sdelay $0x4  }
0x6a4: {  	v2 =	vor.u32 s9, v2  }
0x6a5: {  	v4 =	vld.idx.msk [tilespmem:v4+s0+$0x0], vm0;
	[tilespmem:v7+s0+$0x0] =	vst.idx.msk vm10, v2  }
0x6a6: {  	v7 =	vld.idx.msk [tilespmem:v7+s0+$0x0], vm10;
	_ =	sdelay $0x3  }
0x6a7: {  	vm11 =	vne.s32 v4, v6  }
0x6a8: {  	vm12 =	vmand vm0, vm11;
	vm2 =	vmmov vm10;
	vm13 =	vne.s32 v7, v2  }
0x6a9: {  	v2 =	vmpcnt.ones.xlane vm12;
	vm14 =	vmand vm2, vm13  }
0x6aa: {  	v3 =	vadd.s32 v3, v5;
	v63 =	vmpcnt.ones.xlane vm14  }
0x6ab: {  	v2 =	vadd.s32 v3, v2  }
0x6ac: {  	v2 =	vadd.s32 v2, v63  }
0x6ad: {  	vm15 =	vgt.s32 v2, $0x0;
	v2 =	vimm.f32 $0.0e+00  }
0x6ae: {  	v2 =	vsel vm15, $0x3F800000, v2  }
0x6af: {  	(xrf0) =	vmax.scan.msk.f32 $0xffff, v2;
	_ =	sdelay $0x5  }
0x6b0: {  	v2, _, _ =	vpop (xrf0)  }
0x6b1: {  	(v2sf) =	vpush v2, $0xF;
	_ =	sdelay $0xe  }
0x6b2: {  	s31 =	spop (v2sf)  }
0x6b3: {  	p0 =	sgt.f32 s31, $0.0e+00  }
.Ltmp46:
0x6b4: {  	_ = 	snop;
	(pc) =	sbr.rel @!p0 .LBB2_96-.Ltmp46, $1  }
0x6b5: {  	_ =	sdelay $0x3  }
0x6b6: {  	s1 =	simm.s32 $0x0;
	s0 =	simm.s32 $0x3C00  }
0x6b7: {  	s6 =	sand.u32 $0x3F80, s0;
	s1 =	sand.u32 $0x70, s1  }
0x6b8: {  	s1 =	sor.u32 s1, s6  }
0x6b9: {  	v3 =	vld [tilespmem:s1+$0x0];
	_ =	sdelay $0x4  }
0x6ba: {  	v2 =	vlaneseq.u32;
	v3 =	vshll.u32 v3, $0x4  }
0x6bb: {  	v3 =	vor.u32 v2, v3  }
0x6bc: {  	v4 =	vxor.u32 $0x80000000, v3  }
0x6bd: {  	(xrf1) =	vsort.ascd.msk.u32 $0xffff, v4, v3;
	_ =	sdelay $0x9  }
0x6be: {  	v3 =	vimm.s32 $0xFFEDCBA9;
	v4 =	vimm.s32 $0x87654321  }
0x6bf: {  	v3 =	vunpack.c.l.s4.s8 v3;
	v4 =	vunpack.c.l.s4.s8 v4;
	_ =	sdelay $0x1  }
0x6c0: {  	v3 =	vunpack.c.0.s8.s32 v3;
	v4 =	vunpack.c.0.s8.s32 v4  }
0x6c1: {  	v5, _, _ =	vpop (xrf1)  }
0x6c2: {  	v3 =	vcombine.low v4, v3;
	v4 =	vshra.s32 v5, $0x4  }
0x6c3: {  	v6 =	vxor.u32 $0xF8000000, v4  }
0x6c4: {  	v7 =	vperm.xlane v6, v3;
	_ =	sdelay $0x1  }
0x6c5: {  	vm0 =	vcmask $0x3F3C;
	v4 =	vsub.s32 v6, v0;
	vm1 =	vne.s32 v6, v7  }
0x6c6: {  	vm2 =	vlt.u32 v4, $0xF428;
	vm1 =	vmor vm1, vm0  }
0x6c7: {  	vm1 =	vmand vm2, vm1;
	_ =	sdelay $0x2  }
0x6c8: {  	s8 =	simm.s32 $0x10  }
0x6c9: {  	s9 =	simm.s32 $0x3C10;
	s6 =	simm.s32 $0x20;
	s1 =	simm.s32 $0x8000;
	v5 =	vand.u32 $0xF, v5  }
.LBB2_94:
0x6ca: {  	p0 =	sne.s32 s6, $0x3F0;
	s7 =	sand.u32 $0x3F80, s9;
	s8 =	sand.u32 $0x70, s8;
	v5 =	vor.u32 s0, v5  }
0x6cb: {  	s0 =	smov.u32 s9;
	s7 =	sor.u32 s8, s7;
	[tilespmem:v4+s1+$0x0] =	vst.idx.msk vm1, v5;
	s8 =	smov.u32 s6  }
0x6cc: {  	v4 =	vld [tilespmem:s7+$0x0];
	_ =	sdelay $0x4  }
0x6cd: {  	v4 =	vshll.u32 v4, $0x4  }
0x6ce: {  	v4 =	vor.u32 v2, v4  }
0x6cf: {  	v5 =	vxor.u32 $0x80000000, v4  }
0x6d0: {  	(xrf1) =	vsort.ascd.msk.u32 $0xffff, v5, v4;
	_ =	sdelay $0xd  }
0x6d1: {  	v5, _, _ =	vpop (xrf1)  }
0x6d2: {  	v4 =	vshra.s32 v5, $0x4  }
0x6d3: {  	v6 =	vxor.u32 $0xF8000000, v4  }
0x6d4: {  	v7 =	vperm.xlane v6, v3;
	_ =	sdelay $0x1  }
0x6d5: {  	v4 =	vsub.s32 v6, v0;
	vm1 =	vne.s32 v6, v7  }
0x6d6: {  	vm2 =	vlt.u32 v4, $0xF428;
	vm1 =	vmor vm1, vm0  }
.Ltmp47:
0x6d7: {  	vm1 =	vmand vm2, vm1;
	(pc) =	sbr.rel @p0 .LBB2_94-.Ltmp47, $2  }
0x6d8: {  	_ =	sdelay $0x2  }
0x6d9: {  	s6 =	sadd.s32 $0x10, s6;
	s9 =	sadd.s32 $0x3C00, s8;
	v5 =	vand.u32 $0xF, v5  }
0x6da: {  	_ =	sdelay $0x3  }
0x6db: {  	s6 =	sand.u32 $0x3F80, s9;
	s7 =	sand.u32 $0x70, s8;
	v5 =	vor.u32 s0, v5  }
0x6dc: {  	s31 =	sor.u32 s7, s6;
	[tilespmem:v4+s1+$0x0] =	vst.idx.msk vm1, v5  }
0x6dd: {  	v4 =	vld [tilespmem:s31+$0x0];
	_ =	sdelay $0x4  }
0x6de: {  	v4 =	vshll.u32 v4, $0x4  }
0x6df: {  	v2 =	vor.u32 v2, v4  }
0x6e0: {  	v4 =	vxor.u32 $0x80000000, v2  }
0x6e1: {  	(xrf1) =	vsort.ascd.msk.u32 $0xffff, v4, v2;
	_ =	sdelay $0xd  }
0x6e2: {  	v2, _, _ =	vpop (xrf1)  }
0x6e3: {  	v63 =	vshra.s32 v2, $0x4  }
0x6e4: {  	v4 =	vxor.u32 $0xF8000000, v63  }
0x6e5: {  	v3 =	vperm.xlane v4, v3;
	_ =	sdelay $0x1  }
0x6e6: {  	v0 =	vsub.s32 v4, v0;
	vm15 =	vne.s32 v4, v3  }
0x6e7: {  	vm2 =	vlt.u32 v0, $0xF428;
	vm0 =	vmor vm15, vm0  }
0x6e8: {  	vm0 =	vmand vm2, vm0;
	_ =	sdelay $0x3  }
0x6e9: {  	v2 =	vand.u32 $0xF, v2  }
0x6ea: {  	v2 =	vor.u32 s9, v2  }
0x6eb: {  	[tilespmem:v0+s1+$0x0] =	vst.idx.msk vm0, v2  }
.LBB2_96:
0x6ec: {  	s0 =	simm.s32 $0x3  }
0x6ed: {  	_ =	swait.ge [sflag:s0], $0x2000  }
0x6ee: {  	s31 =	simm.s32 $0x0;
	[sflag:s0] =	ssyncset.done $0x0  }
0x6ef: {  	s1 =	simm.s32 $0x17C80;
	s7 =	simm.s32 $0x7;
	[sflag:s0] =	ssyncadd.s32 $0xFFFFE000  }
0x6f0: {  	[hbm4b:s14+s31] =	stream.linear.scatter [tilespmem:s1], [sflag:$0x6], $0x2000, $0x200038;
	[tilespmem:$0x1E080] =	vst v63  }
0x6f1: {  	_ =	swait.ge [sflag:s7], $0x2000  }
0x6f2: {  	[sflag:s7] =	ssyncset.done $0x0  }
0x6f3: {  	s8 =	simm.s32 $0x8;
	[sflag:s7] =	ssyncadd.s32 $0xFFFFE000  }
0x6f4: {  	_ =	swait.ge [sflag:s8], $0x2000  }
0x6f5: {  	[sflag:s8] =	ssyncset.done $0x0  }
0x6f6: {  	s9 =	simm.s32 $0x6;
	[sflag:s8] =	ssyncadd.s32 $0xFFFFE000  }
0x6f7: {  	_ =	swait.ge [sflag:s9], $0x2000  }
0x6f8: {  	[sflag:s9] =	ssyncset.done $0x0  }
0x6f9: {  	[sflag:s9] =	ssyncadd.s32 $0xFFFFE000  }
0x6fa: {  	_ =	strace $0x90000048  }
0x6fb: {  	_ =	strace $0x80000049  }
0x6fc: {  	s7 =	rddreg [dreg:$0x5]  }
0x6fd: {  	s6 =	simm.s32 $0x8000;
	s11 =	simm.s32 $0x9;
	s10 =	sadd.s32 s28, s7  }
0x6fe: {  	[hbm4b:s10+s31] =	stream.linear.scatter [tilespmem:s6], [sflag:$0x9], $0xF428, $0x200038;
	[tilespmem:$0x1E080] =	vst v63  }
0x6ff: {  	_ =	swait.ge [sflag:s11], $0xF428  }
0x700: {  	[sflag:s11] =	ssyncset.done $0x0  }
0x701: {  	[sflag:s11] =	ssyncadd.s32 $0xFFFF0BD8  }
0x702: {  	[bflag:$0x0] =	sbarrier.arrive $0xFFFF  }
0x703: {  	_ =	strace $0x90000049  }
0x704: {  	s12 =	simm.s32 $0x80;
	s13 =	simm.s32 $0x17480;
	_ =	strace $0x8000004A  }
0x705: {  	[tilespmem:s13], [sflag:$0x1] =	stream.indirect.gather [hbm4b:s7+s12], $0x1, s5, s12, $0x2000b8;
	[tilespmem:$0x1E080] =	vst v63  }
0x706: {  	s14 =	simm.s32 $0x17500;
	s15 =	rddreg [dreg:$0x8]  }
0x707: {  	[tilespmem:s14], [sflag:$0x1] =	stream.indirect.gather [hbm4b:s7+s12], $0x1, s15, s12, $0x2000b8;
	[tilespmem:$0x1E080] =	vst v63  }
0x708: {  	s16 =	simm.s32 $0x17580;
	s17 =	rddreg [dreg:$0x9]  }
0x709: {  	[tilespmem:s16], [sflag:$0x1] =	stream.indirect.gather [hbm4b:s7+s12], $0x1, s17, s12, $0x2000b8;
	[tilespmem:$0x1E080] =	vst v63  }
0x70a: {  	s18 =	simm.s32 $0x17600;
	s19 =	rddreg [dreg:$0xa]  }
0x70b: {  	[tilespmem:s18], [sflag:$0x1] =	stream.indirect.gather [hbm4b:s7+s12], $0x1, s19, s12, $0x2000b8;
	[tilespmem:$0x1E080] =	vst v63  }
0x70c: {  	s20 =	simm.s32 $0x17680;
	s21 =	rddreg [dreg:$0xb]  }
0x70d: {  	[tilespmem:s20], [sflag:$0x1] =	stream.indirect.gather [hbm4b:s7+s12], $0x1, s21, s12, $0x2000b8;
	[tilespmem:$0x1E080] =	vst v63  }
0x70e: {  	s22 =	simm.s32 $0x17700;
	s23 =	rddreg [dreg:$0xc]  }
0x70f: {  	[tilespmem:s22], [sflag:$0x1] =	stream.indirect.gather [hbm4b:s7+s12], $0x1, s23, s12, $0x2000b8;
	[tilespmem:$0x1E080] =	vst v63  }
0x710: {  	s24 =	simm.s32 $0x17780;
	s25 =	rddreg [dreg:$0xd]  }
0x711: {  	[tilespmem:s24], [sflag:$0x1] =	stream.indirect.gather [hbm4b:s7+s12], $0x1, s25, s12, $0x2000b8;
	[tilespmem:$0x1E080] =	vst v63  }
0x712: {  	s26 =	simm.s32 $0x17800;
	s29 =	simm.s32 $0x1;
	s28 =	rddreg [dreg:$0xe]  }
0x713: {  	[tilespmem:s26], [sflag:$0x1] =	stream.indirect.gather [hbm4b:s7+s12], $0x1, s28, s12, $0x2000b8;
	[tilespmem:$0x1E080] =	vst v63  }
0x714: {  	_ =	swait.ge [sflag:s29], $0x80  }
0x715: {  	[sflag:s29] =	ssyncset.done $0x0  }
0x716: {  	[sflag:s29] =	ssyncadd.s32 $0xFFFFFF80  }
0x717: {  	_ =	swait.ge [sflag:s29], $0x80  }
0x718: {  	[sflag:s29] =	ssyncset.done $0x0  }
0x719: {  	[sflag:s29] =	ssyncadd.s32 $0xFFFFFF80  }
0x71a: {  	_ =	swait.ge [sflag:s29], $0x80  }
0x71b: {  	[sflag:s29] =	ssyncset.done $0x0  }
0x71c: {  	[sflag:s29] =	ssyncadd.s32 $0xFFFFFF80  }
0x71d: {  	_ =	swait.ge [sflag:s29], $0x80  }
0x71e: {  	[sflag:s29] =	ssyncset.done $0x0  }
0x71f: {  	[sflag:s29] =	ssyncadd.s32 $0xFFFFFF80  }
0x720: {  	_ =	swait.ge [sflag:s29], $0x80  }
0x721: {  	[sflag:s29] =	ssyncset.done $0x0  }
0x722: {  	[sflag:s29] =	ssyncadd.s32 $0xFFFFFF80  }
0x723: {  	_ =	swait.ge [sflag:s29], $0x80  }
0x724: {  	[sflag:s29] =	ssyncset.done $0x0  }
0x725: {  	[sflag:s29] =	ssyncadd.s32 $0xFFFFFF80  }
0x726: {  	_ =	swait.ge [sflag:s29], $0x80  }
0x727: {  	[sflag:s29] =	ssyncset.done $0x0  }
0x728: {  	[sflag:s29] =	ssyncadd.s32 $0xFFFFFF80  }
0x729: {  	_ =	swait.ge [sflag:s29], $0x80  }
0x72a: {  	[sflag:s29] =	ssyncset.done $0x0  }
0x72b: {  	s30 =	simm.s32 $0x2;
	[sflag:s29] =	ssyncadd.s32 $0xFFFFFF80  }
0x72c: {  	_ =	swait.ge [sflag:s30], $0x4000  }
0x72d: {  	[sflag:s30] =	ssyncset.done $0x0  }
0x72e: {  	[sflag:s30] =	ssyncadd.s32 $0xFFFFC000  }
0x72f: {  	_ =	strace $0x9000004A  }
0x730: {  	_ =	strace $0x8000004B;
	[tilespmem:$0x1DE80] =	vst v1  }
0x731: {  	[tilespmem:$0x1DE90] =	vst v1  }
0x732: {  	[tilespmem:$0x1DEA0] =	vst v1  }
0x733: {  	[tilespmem:$0x1DEB0] =	vst v1  }
0x734: {  	[tilespmem:$0x1DF00] =	vst v1  }
0x735: {  	[tilespmem:$0x1DF10] =	vst v1;
	v2 =	vld [tilespmem:$0x17480]  }
0x736: {  	[tilespmem:$0x1DF20] =	vst v1  }
0x737: {  	[tilespmem:$0x1DF30] =	vst v1  }
0x738: {  	[tilespmem:$0x1DF80] =	vst v1  }
0x739: {  	v0 =	vimm.s32 $0x0;
	[tilespmem:$0x1DF90] =	vst v1  }
0x73a: {  	[tilespmem:$0x1DFA0] =	vst v1;
	v2 =	vperm.xlane v2, v0  }
0x73b: {  	[tilespmem:$0x1DFB0] =	vst v1  }
0x73c: {  	[tilespmem:$0x1DC80] =	vst v2  }
0x73d: {  	[tilespmem:$0x1DC90] =	vst v2  }
0x73e: {  	[tilespmem:$0x1DCA0] =	vst v2  }
0x73f: {  	[tilespmem:$0x1DCB0] =	vst v2  }
0x740: {  	[tilespmem:$0x1DD00] =	vst v2  }
0x741: {  	[tilespmem:$0x1DD10] =	vst v2  }
0x742: {  	[tilespmem:$0x1DD20] =	vst v2  }
0x743: {  	[tilespmem:$0x1DD30] =	vst v2  }
0x744: {  	[tilespmem:$0x1DD80] =	vst v2  }
0x745: {  	[tilespmem:$0x1DD90] =	vst v2  }
0x746: {  	[tilespmem:$0x1DDA0] =	vst v2  }
0x747: {  	s31 =	simm.s32 $0x0;
	[tilespmem:$0x1DDB0] =	vst v2  }
0x748: {  	v2 =	vld [tilespmem:s31+$0x17480];
	_ =	sdelay $0x2  }
0x749: {  	v1 =	vlaneseq.u32  }
0x74a: {  	v4 =	vor.u32 s5, v1  }
0x74b: {  	vm1 =	vne.s32 v2, v4  }
0x74c: {  	v3 =	vsel vm1, $0x1, v0  }
0x74d: {  	(xrf0) =	vadd.scan.msk.s32 $0xffff, v3;
	_ =	sdelay $0x5  }
0x74e: {  	v3, _, _ =	vpop (xrf0)  }
0x74f: {  	v3 =	vadd.s32 v3, v0  }
0x750: {  	v3 =	vadd.s32 $0xFFFFFFFF, v3  }
0x751: {  	s6 =	simm.s32 $0x4000;
	vm0 =	vlt.s32 v3, $0xC0;
	v5 =	vshll.u32 v3, $0x1  }
0x752: {  	v6 =	vld.idx.msk [tilespmem:v2+s6+$0x0], $0xffff;
	v3 =	vand.u32 $0x3F, v3;
	vm0 =	vmand vm1, vm0;
	v5 =	vand.u32 $0xFFFFFF80, v5  }
0x753: {  	v5 =	vor.u32 v3, v5;
	_ =	sdelay $0x1  }
0x754: {  	v3 =	vmpcnt.ones.xlane vm1;
	_ =	sdelay $0x1  }
0x755: {  	s0 =	simm.s32 $0x1DC80;
	s1 =	simm.s32 $0x1DE80;
	[tilespmem:s31+$0x17880] =	vst v6;
	v3 =	vadd.s32 v0, v3  }
0x756: {  	s8 =	simm.s32 $0x40;
	s9 =	simm.s32 $0x80;
	s7 =	smov.u32 s5;
	[tilespmem:v5+s0+$0x0] =	vst.idx.msk vm0, v2;
	v2 =	vmov v3  }
.LBB2_97:
0x757: {  	s10 =	sshra.s32 s8, $0x2  }
0x758: {  	[tilespmem:v5+s1+$0x0] =	vst.idx.msk vm0, v4;
	s7 =	sadd.s32 $0x10, s7;
	s8 =	smov.u32 s9;
	s11 =	sadd.s32 $0x40, s9  }
0x759: {  	p0 =	sne.s32 s9, $0xFC0;
	v6 =	vld [tilespmem:s10+$0x17480];
	_ =	sdelay $0x3  }
0x75a: {  	v4 =	vor.u32 s7, v1  }
0x75b: {  	vm0 =	vne.s32 v6, v4  }
0x75c: {  	v5 =	vsel vm0, $0x1, v0;
	v7 =	vmpcnt.ones.xlane vm0  }
0x75d: {  	(xrf0) =	vadd.scan.msk.s32 $0xffff, v5  }
0x75e: {  	v3 =	vadd.s32 v3, v7;
	_ =	sdelay $0x4  }
0x75f: {  	v5, _, _ =	vpop (xrf0)  }
0x760: {  	v5 =	vadd.s32 v5, v2;
	v2 =	vmov v3  }
0x761: {  	v5 =	vadd.s32 $0xFFFFFFFF, v5  }
0x762: {  	v7 =	vld.idx.msk [tilespmem:v6+s6+$0x0], $0xffff;
	vm1 =	vlt.s32 v5, $0xC0;
	v8 =	vshll.u32 v5, $0x1  }
0x763: {  	v5 =	vand.u32 $0x3F, v5;
	vm0 =	vmand vm0, vm1;
	v8 =	vand.u32 $0xFFFFFF80, v8  }
0x764: {  	v5 =	vor.u32 v5, v8  }
.Ltmp48:
0x765: {  	(pc) =	sbr.rel @p0 .LBB2_97-.Ltmp48, $3  }
0x766: {  	_ =	sdelay $0x1  }
0x767: {  	[tilespmem:s10+$0x17880] =	vst v7  }
0x768: {  	s9 =	smov.u32 s11;
	[tilespmem:v5+s0+$0x0] =	vst.idx.msk vm0, v6  }
0x769: {  	_ =	sdelay $0x4  }
0x76a: {  	s8 =	sshra.s32 s8, $0x2;
	[tilespmem:v5+s1+$0x0] =	vst.idx.msk vm0, v4  }
0x76b: {  	v4 =	vld [tilespmem:s8+$0x17480];
	_ =	sdelay $0x2  }
0x76c: {  	s7 =	sadd.s32 $0x10, s7  }
0x76d: {  	v1 =	vor.u32 s7, v1  }
0x76e: {  	vm15 =	vne.s32 v4, v1  }
0x76f: {  	v58 =	vmpcnt.ones.xlane vm15;
	_ =	sdelay $0x1  }
0x770: {  	v0 =	vsel vm15, $0x1, v0;
	v3 =	vadd.s32 v3, v58  }
0x771: {  	(xrf0) =	vadd.scan.msk.s32 $0xffff, v0;
	v59 =	vxor.u32 $0x80000000, v3  }
0x772: {  	(xrf0) =	vmax.scan.msk.u32 $0xffff, v59;
	_ =	sdelay $0x4  }
0x773: {  	v60, _, _ =	vpop (xrf0)  }
0x774: {  	v61, _, _ =	vpop (xrf0)  }
0x775: {  	(v2sf) =	vpush v61, $0xF;
	_ =	sdelay $0xe  }
0x776: {  	s29 =	spop (v2sf)  }
0x777: {  	s7 =	sxor.u32 $0x80000000, s29  }
0x778: {  	p0 =	slt.s32 s7, $0xC0;
	s9 =	smov.u32 s7  }
0x779: {  	s9 =	simm.s32 @!p0 $0xC0  }
0x77a: {  	s9 =	sadd.s32 $0x3F, s9  }
0x77b: {  	s30 =	sand.u32 $0x3F, s9  }
0x77c: {  	v0 =	vadd.s32 v60, v2;
	p1 =	slt.s32 s7, $0xFFFFFFC2;
	s31 =	sshra.s32 s9, $0x1F;
	p6 =	sne.s32 s30, $0x0  }
0x77d: {  	v63 =	vld.idx.msk [tilespmem:v4+s6+$0x0], $0xffff;
	v0 =	vadd.s32 $0xFFFFFFFF, v0;
	s6 =	sshrl.u32 s31, $0x1A;
	p0 =	por !p1, !p6  }
0x77e: {  	vm1 =	vlt.s32 v0, $0xC0;
	v62 =	vshll.u32 v0, $0x1;
	s6 =	sadd.s32 s6, s9;
	s9 =	simm.s32 $0x1;
	p0 =	por !p0, !p0  }
0x77f: {  	v0 =	vand.u32 $0x3F, v0;
	vm0 =	vmand vm15, vm1;
	v2 =	vand.u32 $0xFFFFFF80, v62;
	s6 =	sshra.s32 s6, $0x6;
	s9 =	simm.s32 @!p0 $0x0  }
0x780: {  	v0 =	vor.u32 v0, v2;
	s10 =	ssub.s32 s6, s9  }
0x781: {  	p0 =	slt.s32 s10, $0x1  }
.Ltmp49:
0x782: {  	_ = 	snop;
	(pc) =	sbr.rel @p0 .LBB2_102-.Ltmp49, $4  }
0x783: {  	_ = 	snop  }
0x784: {  	[tilespmem:s8+$0x17880] =	vst v63  }
0x785: {  	[tilespmem:v0+s0+$0x0] =	vst.idx.msk vm0, v4  }
0x786: {  	[tilespmem:v0+s1+$0x0] =	vst.idx.msk vm0, v1  }
0x787: {  	s0 =	simm.s32 $0x1DC80  }
0x788: {  	s1 =	simm.s32 $0x40;
	s8 =	simm.s32 $0x17C80;
	s6 =	simm.s32 $0x9  }
0x789: {  	[tilespmem:s8], [sflag:$0x9] =	stream.indirect.gather [hbm4b:s2+s1], $0x80, s0, s1, $0x2000b8;
	[tilespmem:$0x1E080] =	vst v63  }
0x78a: {  	p0 =	sne.s32 s10, $0x1;
	_ =	swait.ge [sflag:s6], $0x2000  }
.Ltmp50:
0x78b: {  	[sflag:s6] =	ssyncset.done $0x0;
	(pc) =	sbr.rel @!p0 .LBB2_101-.Ltmp50, $4  }
0x78c: {  	s9 =	simm.s32 $0x1DE80;
	[sflag:s6] =	ssyncadd.s32 $0xFFFFE000  }
0x78d: {  	[hbm4b:s3+s1] =	stream.indirect.scatter [tilespmem:s8], [sflag:$0x9], $0x80, s9, s1, $0x2000b8;
	[tilespmem:$0x1E080] =	vst v63  }
0x78e: {  	_ =	swait.ge [sflag:s6], $0x2000  }
0x78f: {  	s10 =	sadd.s32 $0xFFFFFFFF, s10;
	[sflag:s6] =	ssyncset.done $0x0  }
.LBB2_100:
0x790: {  	[sflag:s6] =	ssyncadd.s32 $0xFFFFE000;
	s0 =	sadd.s32 $0x80, s0;
	s9 =	sadd.s32 $0x80, s9  }
0x791: {  	[tilespmem:s8], [sflag:$0x9] =	stream.indirect.gather [hbm4b:s2+s1], $0x80, s0, s1, $0x2000b8;
	[tilespmem:$0x1E080] =	vst v63  }
0x792: {  	p0 =	sne.s32 s10, $0x1;
	s10 =	sadd.s32 $0xFFFFFFFF, s10;
	_ =	swait.ge [sflag:s6], $0x2000  }
.Ltmp51:
0x793: {  	[sflag:s6] =	ssyncset.done $0x0;
	(pc) =	sbr.rel @p0 .LBB2_100-.Ltmp51, $4  }
0x794: {  	[sflag:s6] =	ssyncadd.s32 $0xFFFFE000  }
0x795: {  	[hbm4b:s3+s1] =	stream.indirect.scatter [tilespmem:s8], [sflag:$0x9], $0x80, s9, s1, $0x2000b8;
	[tilespmem:$0x1E080] =	vst v63  }
0x796: {  	_ =	swait.ge [sflag:s6], $0x2000  }
0x797: {  	[sflag:s6] =	ssyncset.done $0x0  }
.LBB2_101:
0x798: {  	[sflag:s6] =	ssyncadd.s32 $0xFFFFE000  }
.LBB2_102:
0x799: {  	p0 =	slt.s32 s7, $0xC1  }
.Ltmp52:
0x79a: {  	_ = 	snop;
	(pc) =	sbr.rel @p0 .LBB2_106-.Ltmp52, $1  }
0x79b: {  	_ =	sdelay $0x3  }
0x79c: {  	s0 =	simm.s32 $0x17480  }
0x79d: {  	v2 =	vld [tilespmem:s0+$0x0];
	_ =	sdelay $0x2  }
0x79e: {  	v0 =	vlaneseq.u32;
	s1 =	sadd.s32 $0x0, s5  }
0x79f: {  	v3 =	vor.u32 s1, v0  }
0x7a0: {  	v1 =	vimm.f32 $1.000000000e+00;
	vm0 =	veq.s32 v2, v3  }
0x7a1: {  	v2 =	vsel vm0, $0x0, v1  }
0x7a2: {  	(xrf0) =	vmax.scan.msk.f32 $0xffff, v2;
	_ =	sdelay $0x5  }
0x7a3: {  	v2, _, _ =	vpop (xrf0)  }
0x7a4: {  	(v2sf) =	vpush v2, $0xF;
	_ =	sdelay $0xe  }
0x7a5: {  	s31 =	spop (v2sf)  }
0x7a6: {  	p1 =	sgt.f32 s31, $0.0e+00;
	_ =	sdelay $0x1  }
0x7a7: {  	s1 =	simm.s32 @p1 $0x10;
	s6 =	simm.s32 @p1 $0x19C80;
	s7 =	simm.s32 @p1 $0xA  }
0x7a8: {  	[tilespmem:s6], [sflag:$0xA] =	stream.indirect.gather @p1 [hbm4b:s2+s1], $0x80, s0, s1, $0x2000b8;
	[tilespmem:$0x1E080] =	vst v63  }
0x7a9: {  	_ =	swait.ge @p1 [sflag:s7], $0x800  }
0x7aa: {  	s0 =	sadd.s32 s4, s3;
	[sflag:s7] =	ssyncset.done @p1 $0x0  }
0x7ab: {  	s1 =	simm.s32 @p1 $0x0;
	s4 =	simm.s32 @p1 $0x9;
	[sflag:s7] =	ssyncadd.s32 @p1 $0xFFFFF800  }
0x7ac: {  	[hbm4b:s0+s1] =	stream.linear.scatter @p1 [tilespmem:s6], [sflag:$0x9], $0x800, $0x200038;
	[tilespmem:$0x1E080] =	vst v63  }
0x7ad: {  	_ =	swait.ge @p1 [sflag:s4], $0x800  }
0x7ae: {  	s3 =	simm.s32 $0x17490;
	s1 =	simm.s32 $0x10;
	[sflag:s4] =	ssyncset.done @p1 $0x0  }
.LBB2_104:
0x7af: {  	[sflag:s4] =	ssyncadd.s32 @p1 $0xFFFFF800  }
0x7b0: {  	s0 =	sadd.s32 $0x100, s0;
	s4 =	smov.u32 s1;
	s1 =	sadd.s32 $0x10, s1  }
0x7b1: {  	v2 =	vld [tilespmem:s3+$0x0];
	p0 =	sne.s32 s1, $0x400;
	_ =	sdelay $0x2  }
0x7b2: {  	s4 =	sadd.s32 s4, s5  }
0x7b3: {  	v3 =	vor.u32 s4, v0  }
0x7b4: {  	vm0 =	veq.s32 v2, v3  }
0x7b5: {  	v2 =	vsel vm0, $0x0, v1  }
0x7b6: {  	(xrf0) =	vmax.scan.msk.f32 $0xffff, v2;
	_ =	sdelay $0x5  }
0x7b7: {  	v2, _, _ =	vpop (xrf0)  }
0x7b8: {  	(v2sf) =	vpush v2, $0xF;
	_ =	sdelay $0xe  }
0x7b9: {  	s4 =	spop (v2sf)  }
0x7ba: {  	p1 =	sgt.f32 s4, $0.0e+00;
	_ =	sdelay $0x1  }
0x7bb: {  	s4 =	simm.s32 @p1 $0x10;
	s6 =	simm.s32 @p1 $0x19C80;
	s7 =	simm.s32 @p1 $0xA  }
0x7bc: {  	[tilespmem:s6], [sflag:$0xA] =	stream.indirect.gather @p1 [hbm4b:s2+s4], $0x80, s3, s4, $0x2000b8;
	[tilespmem:$0x1E080] =	vst v63  }
0x7bd: {  	_ =	swait.ge @p1 [sflag:s7], $0x800  }
.Ltmp53:
0x7be: {  	[sflag:s7] =	ssyncset.done @p1 $0x0;
	(pc) =	sbr.rel @p0 .LBB2_104-.Ltmp53, $4  }
0x7bf: {  	s4 =	simm.s32 @p1 $0x9;
	[sflag:s7] =	ssyncadd.s32 @p1 $0xFFFFF800;
	s7 =	simm.s32 @p1 $0x0  }
0x7c0: {  	[hbm4b:s0+s7] =	stream.linear.scatter @p1 [tilespmem:s6], [sflag:$0x9], $0x800, $0x200038;
	[tilespmem:$0x1E080] =	vst v63  }
0x7c1: {  	_ =	swait.ge @p1 [sflag:s4], $0x800  }
0x7c2: {  	s3 =	sadd.s32 $0x10, s3;
	[sflag:s4] =	ssyncset.done @p1 $0x0  }
0x7c3: {  	[sflag:s4] =	ssyncadd.s32 @p1 $0xFFFFF800  }
.LBB2_106:
0x7c4: {  	s0 =	simm.s32 $0x0  }
0x7c5: {  	s1 =	simm.s32 $0x17880;
	s2 =	rddreg [dreg:$0x7];
	s30 =	simm.s32 $0x9  }
0x7c6: {  	[hbm4b:s2+s0] =	stream.linear.scatter [tilespmem:s1], [sflag:$0x9], $0x400, $0x200038;
	[tilespmem:$0x1E080] =	vst v63  }
0x7c7: {  	_ =	swait.ge [sflag:s30], $0x400  }
0x7c8: {  	[sflag:s30] =	ssyncset.done $0x0  }
0x7c9: {  	[sflag:s30] =	ssyncadd.s32 $0xFFFFFC00  }
0x7ca: {  	_ =	strace $0x9000004B  }
0x7cb: {  	_ =	sfence.sel $0x180000  }
0x7cc: {  	[bflag:$0x0] =	sbarrier.arrive $0xFFFF  }
0x7cd: {  	_ =	strace $0x90000047  }
0x7ce: {  	s31 =	stileid.u32;
	[bflag:$0x2] =	sbarrier.arrive $0xFFFF  }
0x7cf: {  	p0 =	sne.s32 s31, $0x0;
	s0 =	rddreg [dreg:$0x6]  }
0x7d0: {  	s0 =	sadd.s32 @!p0 $0x100000, s0  }
0x7d1: {  	[sflag:s0] =	ssyncadd.tile.s32 @!p0 $0x1;
	_ =	shalt  }
.Lfunc_end2:
_tile_overlayer_lowered:
.L_overlay_start_2:
0x7d2: {  	(tag) =	ssettag $0x2  }
0x7d3: {  	s0 =	rddreg [dreg:$0x0];
	s2 =	stileid.u32  }
0x7d4: {  	s1 =	rddreg [dreg:$0x1];
	p0 =	sne.s32 s2, $0x0  }
0x7d5: {  	s3 =	rddreg [dreg:$0x2];
	[bflag:$0x3] =	sbarrier.arrive $0xFFFF;
	s2 =	simm.s32 @!p0 $0x1C09  }
0x7d6: {  	[timem:s3], [sflag:s2] =	dma.local @!p0 [hbm:s0], s1  }
0x7d7: {  	s0 =	simm.s32 @!p0 $0x9  }
0x7d8: {  	_ =	swait.ge @!p0 [sflag:s0], s1  }
0x7d9: {  	s1 =	ssub.s32 @!p0 $0x0, s1;
	[sflag:s0] =	ssyncset.done @!p0 $0x0  }
0x7da: {  	[sflag:s0] =	ssyncadd.s32 @!p0 s1  }
0x7db: {  	[bflag:$0x3] =	sbarrier.arrive $0xFFFF  }
0x7dc: {  	_ =	shalt  }

</sc_bundles>
